<compile_context>
chip_gen: v7x
topology: tpu7x:2x2x1
jax: 0.10.2.dev20260603
libtpu: 0.0.44.dev20260713+nightly
codegen_flags: <defaults>
</compile_context>

<pallas_src>
import functools

import jax
import jax.numpy as jnp
from jax import lax
from jax.experimental import pallas as pl
from jax.experimental.pallas import tpu as pltpu
from jax.experimental.pallas import tpu_sc as plsc

N = 100000
D = 128
H = 256
O = 10
G = 256
GA = G + 8
DUMP = G

NC = 2
NS = 16
NW = NC * NS
RPW = 3200
CH = 128
NCHUNK = RPW // CH
L = 16
DG = D // L

_mesh = plsc.VectorSubcoreMesh(
    core_axis_name="c", subcore_axis_name="s", num_cores=NC, num_subcores=NS)


@functools.partial(
    pl.kernel,
    out_type=[
        jax.ShapeDtypeStruct((NW, GA, D), jnp.float32),
        jax.ShapeDtypeStruct((NW, GA, L), jnp.float32),
    ],
    mesh=_mesh,
    scratch_types=[
        pltpu.VMEM((CH * D,), jnp.float32),
        pltpu.VMEM((CH * D,), jnp.float32),
        pltpu.VMEM((RPW,), jnp.int32),
        pltpu.VMEM((GA, D), jnp.float32),
        pltpu.VMEM((GA, L), jnp.float32),
        pltpu.SemaphoreType.DMA,
        pltpu.SemaphoreType.DMA,
    ],
    compiler_params=pltpu.CompilerParams(
        use_tc_tiling_on_sc=False, needs_layout_passes=False),
)
def _seg_sc(x_hbm, batch_hbm, zsum_hbm, zcnt_hbm,
            sums_out, cnt_out, buf_a, buf_b, idx_v, acc_v, cnt_v,
            sem_a, sem_b):
  cid = lax.axis_index("c")
  sid = lax.axis_index("s")
  wid = sid * NC + cid
  base = wid * RPW

  def start_fetch(c, buf, sem):
    off = jnp.minimum(base + c * CH, N - CH)
    pltpu.async_copy(x_hbm.at[pl.ds(off * D, CH * D)], buf, sem)

  def wait_fetch(buf, sem):
    pltpu.make_async_copy(x_hbm.at[pl.ds(0, CH * D)], buf, sem).wait()

  start_fetch(0, buf_a, sem_a)
  start_fetch(1, buf_b, sem_b)
  pltpu.sync_copy(batch_hbm.at[wid], idx_v)
  pltpu.sync_copy(zsum_hbm, acc_v)
  pltpu.sync_copy(zcnt_hbm, cnt_v)

  lane = lax.broadcasted_iota(jnp.int32, (L,), 0)
  ones16 = jnp.ones((L,), jnp.float32)

  def accumulate(c, buf):
    def rows(g, carry):
      r0 = g * L
      idv = idx_v[pl.ds(c * CH + r0, L)]
      for u in range(L):
        s = idv[u]
        srow = jnp.broadcast_to(s, (L,))
        rbase = (r0 + u) * D
        for j in range(DG):
          v = buf[pl.ds(rbase + j * L, L)]
          plsc.addupdate_scatter(acc_v, [srow, lane + (j * L)], v)
        plsc.addupdate_scatter(cnt_v, [srow, lane], ones16)
      return carry

    lax.fori_loop(0, CH // L, rows, 0)

  def body(k, carry):
    c = 2 * k
    wait_fetch(buf_a, sem_a)
    accumulate(c, buf_a)

    @pl.when(c + 2 < NCHUNK)
    def _():
      start_fetch(c + 2, buf_a, sem_a)

    wait_fetch(buf_b, sem_b)
    accumulate(c + 1, buf_b)

    @pl.when(c + 3 < NCHUNK)
    def _():
      start_fetch(c + 3, buf_b, sem_b)

    return carry

  lax.fori_loop(0, NCHUNK // 2, body, 0)

  wait_fetch(buf_a, sem_a)
  accumulate(NCHUNK - 1, buf_a)

  pltpu.sync_copy(acc_v, sums_out.at[wid])
  pltpu.sync_copy(cnt_v, cnt_out.at[wid])


def _mlp_kernel(sums_ref, cnt_ref, w1_ref, b1_ref, w2_ref, b2_ref,
                w3_ref, b3_ref, out_ref):
  sums = jnp.sum(sums_ref[...], axis=0)[:G]
  cnt = jnp.sum(cnt_ref[...], axis=0)[:G, 0:1]
  pooled = sums / jnp.maximum(cnt, 1.0)
  h = jnp.maximum(
      jnp.dot(pooled, w1_ref[...], preferred_element_type=jnp.float32)
      + b1_ref[...], 0.0)
  h = jnp.maximum(
      jnp.dot(h, w2_ref[...], preferred_element_type=jnp.float32)
      + b2_ref[...], 0.0)
  out_ref[...] = (
      jnp.dot(h, w3_ref[...], preferred_element_type=jnp.float32)
      + b3_ref[...])


def _build_ids(batch):
  ids = jnp.full((NW * RPW,), DUMP, dtype=jnp.int32)
  b = batch.astype(jnp.int32)
  full_rows = (N // CH) * CH
  ids = ids.at[:full_rows].set(b[:full_rows])
  own = N - full_rows
  ids = ids.at[full_rows + CH - own:full_rows + CH].set(b[N - own:])
  return ids.reshape(NW, RPW)


@jax.jit
def kernel(x, batch, W1, b1, W2, b2, W3, b3):
  ids = _build_ids(batch)
  xf = x.reshape(N * D)
  zsum = jnp.zeros((GA, D), jnp.float32)
  zcnt = jnp.zeros((GA, L), jnp.float32)
  sums2, cnt2 = _seg_sc(xf, ids, zsum, zcnt)
  out = pl.pallas_call(
      _mlp_kernel,
      out_shape=jax.ShapeDtypeStruct((G, O), jnp.float32),
  )(sums2, cnt2, W1, b1.reshape(1, H), W2, b2.reshape(1, H), W3,
    b3.reshape(1, O))
  return out

# --- scband reference (transcript-rebuilt; emitter-appended) ---
"""Pipeline reference for scband-graph-classifier-3058016715243 (READ-ONLY COPY).

The authoritative reference and input builder live on the scoring server;
editing this copy changes nothing except your own understanding.
"""

import jax, jax.numpy as jnp
import numpy as np

N = 100000
D = 128
H = 256
O = 10
G = 256  # number of graphs (segments)


def setup_inputs(seed: int = 0) -> dict:
    key = jax.random.key(seed)
    k1, k2, k3, k4, k5, k6, k7, k8 = jax.random.split(key, 8)
    x = jax.random.normal(k1, (N, D), dtype=jnp.float32)
    batch = jnp.sort(jax.random.randint(k2, (N,), 0, G))
    W1 = jax.random.normal(k3, (D, H), dtype=jnp.float32) * 0.02
    b1 = jnp.zeros((H,), dtype=jnp.float32)
    W2 = jax.random.normal(k4, (H, H), dtype=jnp.float32) * 0.02
    b2 = jnp.zeros((H,), dtype=jnp.float32)
    W3 = jax.random.normal(k5, (H, O), dtype=jnp.float32) * 0.02
    b3 = jnp.zeros((O,), dtype=jnp.float32)
    return {"x": x, "batch": batch, "W1": W1, "b1": b1, "W2": W2, "b2": b2, "W3": W3, "b3": b3}


def reference(x, batch, W1, b1, W2, b2, W3, b3):
    # global_mean_pool: segment mean over nodes grouped by graph id
    sums = jax.ops.segment_sum(x, batch, num_segments=G)
    counts = jax.ops.segment_sum(jnp.ones((x.shape[0],), dtype=jnp.float32), batch, num_segments=G)
    pooled = sums / jnp.clip(counts, 1.0)[:, None]
    # MLP (dropout is identity in eval mode)
    h = jax.nn.relu(pooled @ W1 + b1)
    h = jax.nn.relu(h @ W2 + b2)
    out = h @ W3 + b3
    return out

if __name__ == "__main__":
    import jax
    _d = setup_inputs()
    print(jax.jit(kernel)(*tuple(_d.values())))

</pallas_src>

<mosaic_0001>
#map = affine_map<(d0, d1) -> (0)>
#map1 = affine_map<(d0, d1) -> (0, 0)>
#map2 = affine_map<(d0, d1) -> (0, 0, 0)>
module attributes {stable_mosaic.version = 14 : i64} {
  func.func @_seg_sc(%arg0: i32, %arg1: i32, %arg2: memref<12800000xf32, #tpu.memory_space<hbm>>, %arg3: memref<32x3200xi32, #tpu.memory_space<hbm>>, %arg4: memref<264x128xf32, #tpu.memory_space<hbm>>, %arg5: memref<264x16xf32, #tpu.memory_space<hbm>>, %arg6: memref<32x264x128xf32, #tpu.memory_space<hbm>>, %arg7: memref<32x264x16xf32, #tpu.memory_space<hbm>>, %arg8: memref<16384xf32, #tpu.memory_space<vmem>>, %arg9: memref<16384xf32, #tpu.memory_space<vmem>>, %arg10: memref<3200xi32, #tpu.memory_space<vmem>>, %arg11: memref<264x128xf32, #tpu.memory_space<vmem>>, %arg12: memref<264x16xf32, #tpu.memory_space<vmem>>, %arg13: memref<!tpu.dma_semaphore, #tpu.memory_space<semaphore_mem>>, %arg14: memref<!tpu.dma_semaphore, #tpu.memory_space<semaphore_mem>>) attributes {dimension_semantics = [#tpu.dimension_semantics<core_parallel>, #tpu.dimension_semantics<subcore_parallel>], iteration_bounds = array<i64: 2, 16>, scalar_prefetch = 0 : i64, scratch_operands = 7 : i64, tpu.core_type = #tpu.core_type<sc_vector_subcore>, window_params = [{transform_indices = #map}, {transform_indices = #map1}, {transform_indices = #map1}, {transform_indices = #map1}, {transform_indices = #map2}, {transform_indices = #map2}]} {
    %mul3A = arith.constant 2 : i32
    %mul3A_0 = arith.muli %arg1, %mul3A : i32
    %add3A = arith.addi %mul3A_0, %arg0 : i32
    %mul3A_1 = arith.constant 3200 : i32
    %mul3A_2 = arith.muli %add3A, %mul3A_1 : i32
    %add3A_3 = arith.constant 0 : i32
    %add3A_4 = arith.addi %mul3A_2, %add3A_3 : i32
    %min3A = arith.constant 99872 : i32
    %min3A_5 = arith.minsi %add3A_4, %min3A : i32
    %mul3A_6 = arith.constant 128 : i32
    %mul3A_7 = arith.muli %min3A_5, %mul3A_6 : i32
    %dma_start3A = tpu.memref_slice %arg2[%mul3A_7] : memref<12800000xf32, #tpu.memory_space<hbm>> -> memref<16384xf32, #tpu.memory_space<hbm>>
    %dma_start3A_8 = tpu.memref_slice %arg2[%mul3A_7] : memref<12800000xf32, #tpu.memory_space<hbm>> -> memref<16384xf32, #tpu.memory_space<hbm>>
    tpu.enqueue_dma source(%dma_start3A_8 : memref<16384xf32, #tpu.memory_space<hbm>>) target(%arg8 : memref<16384xf32, #tpu.memory_space<vmem>>) target_semaphore(%arg13 : memref<!tpu.dma_semaphore, #tpu.memory_space<semaphore_mem>>)
    %add3A_9 = arith.constant 128 : i32
    %add3A_10 = arith.addi %mul3A_2, %add3A_9 : i32
    %min3A_11 = arith.constant 99872 : i32
    %min3A_12 = arith.minsi %add3A_10, %min3A_11 : i32
    %mul3A_13 = arith.constant 128 : i32
    %mul3A_14 = arith.muli %min3A_12, %mul3A_13 : i32
    %dma_start3A_15 = tpu.memref_slice %arg2[%mul3A_14] : memref<12800000xf32, #tpu.memory_space<hbm>> -> memref<16384xf32, #tpu.memory_space<hbm>>
    %dma_start3A_16 = tpu.memref_slice %arg2[%mul3A_14] : memref<12800000xf32, #tpu.memory_space<hbm>> -> memref<16384xf32, #tpu.memory_space<hbm>>
    tpu.enqueue_dma source(%dma_start3A_16 : memref<16384xf32, #tpu.memory_space<hbm>>) target(%arg9 : memref<16384xf32, #tpu.memory_space<vmem>>) target_semaphore(%arg14 : memref<!tpu.dma_semaphore, #tpu.memory_space<semaphore_mem>>)
    "tpu.region"() ({
      %run_scoped3A = tpu.sem_alloc : memref<!tpu.dma_semaphore, #tpu.memory_space<semaphore_mem>>
      %dma_start3A_32 = arith.constant 0 : i32
      %dma_start3A_33 = tpu.memref_slice %arg3[%add3A, %dma_start3A_32] : memref<32x3200xi32, #tpu.memory_space<hbm>> -> memref<1x3200xi32, #tpu.memory_space<hbm>>
      %dma_start3A_34 = tpu.memref_squeeze %dma_start3A_33 : memref<1x3200xi32, #tpu.memory_space<hbm>> -> memref<3200xi32, #tpu.memory_space<hbm>>
      %dma_start3A_35 = arith.constant 0 : i32
      %dma_start3A_36 = tpu.memref_slice %arg3[%add3A, %dma_start3A_35] : memref<32x3200xi32, #tpu.memory_space<hbm>> -> memref<1x3200xi32, #tpu.memory_space<hbm>>
      %dma_start3A_37 = tpu.memref_squeeze %dma_start3A_36 : memref<1x3200xi32, #tpu.memory_space<hbm>> -> memref<3200xi32, #tpu.memory_space<hbm>>
      tpu.enqueue_dma source(%dma_start3A_37 : memref<3200xi32, #tpu.memory_space<hbm>>) target(%arg10 : memref<3200xi32, #tpu.memory_space<vmem>>) target_semaphore(%run_scoped3A : memref<!tpu.dma_semaphore, #tpu.memory_space<semaphore_mem>>)
      %dma_wait3A_38 = arith.constant 0 : i32
      %dma_wait3A_39 = tpu.memref_slice %arg3[%add3A, %dma_wait3A_38] : memref<32x3200xi32, #tpu.memory_space<hbm>> -> memref<1x3200xi32, #tpu.memory_space<hbm>>
      %dma_wait3A_40 = tpu.memref_squeeze %dma_wait3A_39 : memref<1x3200xi32, #tpu.memory_space<hbm>> -> memref<3200xi32, #tpu.memory_space<hbm>>
      %dma_wait3A_41 = arith.constant 0 : i32
      %dma_wait3A_42 = tpu.memref_slice %arg3[%add3A, %dma_wait3A_41] : memref<32x3200xi32, #tpu.memory_space<hbm>> -> memref<1x3200xi32, #tpu.memory_space<hbm>>
      %dma_wait3A_43 = tpu.memref_squeeze %dma_wait3A_42 : memref<1x3200xi32, #tpu.memory_space<hbm>> -> memref<3200xi32, #tpu.memory_space<hbm>>
      tpu.wait_dma2 semaphore(%run_scoped3A : memref<!tpu.dma_semaphore, #tpu.memory_space<semaphore_mem>>) src(%dma_wait3A_43 : memref<3200xi32, #tpu.memory_space<hbm>>) dst(%arg10 : memref<3200xi32, #tpu.memory_space<vmem>>)
      tpu.yield
    }) : () -> ()
    "tpu.region"() ({
      %run_scoped3A = tpu.sem_alloc : memref<!tpu.dma_semaphore, #tpu.memory_space<semaphore_mem>>
      tpu.enqueue_dma source(%arg4 : memref<264x128xf32, #tpu.memory_space<hbm>>) target(%arg11 : memref<264x128xf32, #tpu.memory_space<vmem>>) target_semaphore(%run_scoped3A : memref<!tpu.dma_semaphore, #tpu.memory_space<semaphore_mem>>)
      tpu.wait_dma2 semaphore(%run_scoped3A : memref<!tpu.dma_semaphore, #tpu.memory_space<semaphore_mem>>) src(%arg4 : memref<264x128xf32, #tpu.memory_space<hbm>>) dst(%arg11 : memref<264x128xf32, #tpu.memory_space<vmem>>)
      tpu.yield
    }) : () -> ()
    "tpu.region"() ({
      %run_scoped3A = tpu.sem_alloc : memref<!tpu.dma_semaphore, #tpu.memory_space<semaphore_mem>>
      tpu.enqueue_dma source(%arg5 : memref<264x16xf32, #tpu.memory_space<hbm>>) target(%arg12 : memref<264x16xf32, #tpu.memory_space<vmem>>) target_semaphore(%run_scoped3A : memref<!tpu.dma_semaphore, #tpu.memory_space<semaphore_mem>>)
      tpu.wait_dma2 semaphore(%run_scoped3A : memref<!tpu.dma_semaphore, #tpu.memory_space<semaphore_mem>>) src(%arg5 : memref<264x16xf32, #tpu.memory_space<hbm>>) dst(%arg12 : memref<264x16xf32, #tpu.memory_space<vmem>>)
      tpu.yield
    }) : () -> ()
    %iota3A = tpu.iota {dimensions = array<i32: 0>} : vector<16xi32>
    %broadcast_in_dim3A = arith.constant 1.000000e+00 : f32
    %broadcast_in_dim3A_17 = vector.broadcast %broadcast_in_dim3A : f32 to vector<16xf32>
    %scan3A = arith.constant 0 : i32
    %scan3A_18 = arith.constant 0 : i32
    %scan3A_19 = arith.constant 12 : i32
    %scan3A_20 = arith.addi %scan3A_18, %scan3A_19 : i32
    %scan3A_21 = arith.constant 1 : i32
    scf.for %scan3A_32 = %scan3A_18 to %scan3A_20 step %scan3A_21  : i32 {
      %mul3A_33 = arith.constant 2 : i32
      %mul3A_34 = arith.muli %mul3A_33, %scan3A_32 : i32
      %dma_wait3A_35 = arith.constant 0 : i32
      %dma_wait3A_36 = tpu.memref_slice %arg2[%dma_wait3A_35] : memref<12800000xf32, #tpu.memory_space<hbm>> -> memref<16384xf32, #tpu.memory_space<hbm>>
      %dma_wait3A_37 = arith.constant 0 : i32
      %dma_wait3A_38 = tpu.memref_slice %arg2[%dma_wait3A_37] : memref<12800000xf32, #tpu.memory_space<hbm>> -> memref<16384xf32, #tpu.memory_space<hbm>>
      tpu.wait_dma2 semaphore(%arg13 : memref<!tpu.dma_semaphore, #tpu.memory_space<semaphore_mem>>) src(%dma_wait3A_38 : memref<16384xf32, #tpu.memory_space<hbm>>) dst(%arg8 : memref<16384xf32, #tpu.memory_space<vmem>>)
      %scan3A_39 = arith.constant 0 : i32
      %scan3A_40 = arith.constant 0 : i32
      %scan3A_41 = arith.constant 8 : i32
      %scan3A_42 = arith.addi %scan3A_40, %scan3A_41 : i32
      %scan3A_43 = arith.constant 1 : i32
      scf.for %scan3A_68 = %scan3A_40 to %scan3A_42 step %scan3A_43  : i32 {
        %mul3A_69 = arith.constant 16 : i32
        %mul3A_70 = arith.muli %scan3A_68, %mul3A_69 : i32
        %mul3A_71 = arith.constant 128 : i32
        %mul3A_72 = arith.muli %mul3A_34, %mul3A_71 : i32
        %add3A_73 = arith.addi %mul3A_72, %mul3A_70 : i32
        %get3A = arith.index_cast %add3A_73 : i32 to index
        %get3A_74 = tpu.vector_load %arg10[%get3A] {strides = array<i32>} : memref<3200xi32, #tpu.memory_space<vmem>>, vector<16xi32>,
        %slice3A = vector.extract_strided_slice %get3A_74 {offsets = [0], sizes = [1], strides = [1]} : vector<16xi32> to vector<1xi32>
        %squeeze3A = vector.extract %slice3A[0] : i32 from vector<1xi32>
        %broadcast_in_dim3A_75 = vector.broadcast %squeeze3A : i32 to vector<16xi32>
        %add3A_76 = arith.constant 0 : i32
        %add3A_77 = arith.addi %mul3A_70, %add3A_76 : i32
        %mul3A_78 = arith.constant 128 : i32
        %mul3A_79 = arith.muli %add3A_77, %mul3A_78 : i32
        %add3A_80 = arith.constant 0 : i32
        %add3A_81 = arith.addi %mul3A_79, %add3A_80 : i32
        %get3A_82 = arith.index_cast %add3A_81 : i32 to index
        %get3A_83 = tpu.vector_load %arg8[%get3A_82] {strides = array<i32>} : memref<16384xf32, #tpu.memory_space<vmem>>, vector<16xf32>,
        %add3A_84 = arith.constant 0 : i32
        %add3A_85 = vector.broadcast %add3A_84 : i32 to vector<16xi32>
        %add3A_86 = arith.addi %iota3A, %add3A_85 : vector<16xi32>
        tpu.vector_store_idx %arg11[%broadcast_in_dim3A_75, %add3A_86], %get3A_83 {add = true} : memref<264x128xf32, #tpu.memory_space<vmem>>[vector<16xi32>, vector<16xi32>], vector<16xf32>,
        %add3A_87 = arith.constant 16 : i32
        %add3A_88 = arith.addi %mul3A_79, %add3A_87 : i32
        %get3A_89 = arith.index_cast %add3A_88 : i32 to index
        %get3A_90 = tpu.vector_load %arg8[%get3A_89] {strides = array<i32>} : memref<16384xf32, #tpu.memory_space<vmem>>, vector<16xf32>,
        %add3A_91 = arith.constant 16 : i32
        %add3A_92 = vector.broadcast %add3A_91 : i32 to vector<16xi32>
        %add3A_93 = arith.addi %iota3A, %add3A_92 : vector<16xi32>
        tpu.vector_store_idx %arg11[%broadcast_in_dim3A_75, %add3A_93], %get3A_90 {add = true} : memref<264x128xf32, #tpu.memory_space<vmem>>[vector<16xi32>, vector<16xi32>], vector<16xf32>,
        %add3A_94 = arith.constant 32 : i32
        %add3A_95 = arith.addi %mul3A_79, %add3A_94 : i32
        %get3A_96 = arith.index_cast %add3A_95 : i32 to index
        %get3A_97 = tpu.vector_load %arg8[%get3A_96] {strides = array<i32>} : memref<16384xf32, #tpu.memory_space<vmem>>, vector<16xf32>,
        %add3A_98 = arith.constant 32 : i32
        %add3A_99 = vector.broadcast %add3A_98 : i32 to vector<16xi32>
        %add3A_100 = arith.addi %iota3A, %add3A_99 : vector<16xi32>
        tpu.vector_store_idx %arg11[%broadcast_in_dim3A_75, %add3A_100], %get3A_97 {add = true} : memref<264x128xf32, #tpu.memory_space<vmem>>[vector<16xi32>, vector<16xi32>], vector<16xf32>,
        %add3A_101 = arith.constant 48 : i32
        %add3A_102 = arith.addi %mul3A_79, %add3A_101 : i32
        %get3A_103 = arith.index_cast %add3A_102 : i32 to index
        %get3A_104 = tpu.vector_load %arg8[%get3A_103] {strides = array<i32>} : memref<16384xf32, #tpu.memory_space<vmem>>, vector<16xf32>,
        %add3A_105 = arith.constant 48 : i32
        %add3A_106 = vector.broadcast %add3A_105 : i32 to vector<16xi32>
        %add3A_107 = arith.addi %iota3A, %add3A_106 : vector<16xi32>
        tpu.vector_store_idx %arg11[%broadcast_in_dim3A_75, %add3A_107], %get3A_104 {add = true} : memref<264x128xf32, #tpu.memory_space<vmem>>[vector<16xi32>, vector<16xi32>], vector<16xf32>,
        %add3A_108 = arith.constant 64 : i32
        %add3A_109 = arith.addi %mul3A_79, %add3A_108 : i32
        %get3A_110 = arith.index_cast %add3A_109 : i32 to index
        %get3A_111 = tpu.vector_load %arg8[%get3A_110] {strides = array<i32>} : memref<16384xf32, #tpu.memory_space<vmem>>, vector<16xf32>,
        %add3A_112 = arith.constant 64 : i32
        %add3A_113 = vector.broadcast %add3A_112 : i32 to vector<16xi32>
        %add3A_114 = arith.addi %iota3A, %add3A_113 : vector<16xi32>
        tpu.vector_store_idx %arg11[%broadcast_in_dim3A_75, %add3A_114], %get3A_111 {add = true} : memref<264x128xf32, #tpu.memory_space<vmem>>[vector<16xi32>, vector<16xi32>], vector<16xf32>,
        %add3A_115 = arith.constant 80 : i32
        %add3A_116 = arith.addi %mul3A_79, %add3A_115 : i32
        %get3A_117 = arith.index_cast %add3A_116 : i32 to index
        %get3A_118 = tpu.vector_load %arg8[%get3A_117] {strides = array<i32>} : memref<16384xf32, #tpu.memory_space<vmem>>, vector<16xf32>,
        %add3A_119 = arith.constant 80 : i32
        %add3A_120 = vector.broadcast %add3A_119 : i32 to vector<16xi32>
        %add3A_121 = arith.addi %iota3A, %add3A_120 : vector<16xi32>
        tpu.vector_store_idx %arg11[%broadcast_in_dim3A_75, %add3A_121], %get3A_118 {add = true} : memref<264x128xf32, #tpu.memory_space<vmem>>[vector<16xi32>, vector<16xi32>], vector<16xf32>,
        %add3A_122 = arith.constant 96 : i32
        %add3A_123 = arith.addi %mul3A_79, %add3A_122 : i32
        %get3A_124 = arith.index_cast %add3A_123 : i32 to index
        %get3A_125 = tpu.vector_load %arg8[%get3A_124] {strides = array<i32>} : memref<16384xf32, #tpu.memory_space<vmem>>, vector<16xf32>,
        %add3A_126 = arith.constant 96 : i32
        %add3A_127 = vector.broadcast %add3A_126 : i32 to vector<16xi32>
        %add3A_128 = arith.addi %iota3A, %add3A_127 : vector<16xi32>
        tpu.vector_store_idx %arg11[%broadcast_in_dim3A_75, %add3A_128], %get3A_125 {add = true} : memref<264x128xf32, #tpu.memory_space<vmem>>[vector<16xi32>, vector<16xi32>], vector<16xf32>,
        %add3A_129 = arith.constant 112 : i32
        %add3A_130 = arith.addi %mul3A_79, %add3A_129 : i32
        %get3A_131 = arith.index_cast %add3A_130 : i32 to index
        %get3A_132 = tpu.vector_load %arg8[%get3A_131] {strides = array<i32>} : memref<16384xf32, #tpu.memory_space<vmem>>, vector<16xf32>,
        %add3A_133 = arith.constant 112 : i32
        %add3A_134 = vector.broadcast %add3A_133 : i32 to vector<16xi32>
        %add3A_135 = arith.addi %iota3A, %add3A_134 : vector<16xi32>
        tpu.vector_store_idx %arg11[%broadcast_in_dim3A_75, %add3A_135], %get3A_132 {add = true} : memref<264x128xf32, #tpu.memory_space<vmem>>[vector<16xi32>, vector<16xi32>], vector<16xf32>,
        tpu.vector_store_idx %arg12[%broadcast_in_dim3A_75, %iota3A], %broadcast_in_dim3A_17 {add = true} : memref<264x16xf32, #tpu.memory_space<vmem>>[vector<16xi32>, vector<16xi32>], vector<16xf32>,
        %slice3A_136 = vector.extract_strided_slice %get3A_74 {offsets = [1], sizes = [1], strides = [1]} : vector<16xi32> to vector<1xi32>
        %squeeze3A_137 = vector.extract %slice3A_136[0] : i32 from vector<1xi32>
        %broadcast_in_dim3A_138 = vector.broadcast %squeeze3A_137 : i32 to vector<16xi32>
        %add3A_139 = arith.constant 1 : i32
        %add3A_140 = arith.addi %mul3A_70, %add3A_139 : i32
        %mul3A_141 = arith.constant 128 : i32
        %mul3A_142 = arith.muli %add3A_140, %mul3A_141 : i32
        %add3A_143 = arith.constant 0 : i32
        %add3A_144 = arith.addi %mul3A_142, %add3A_143 : i32
        %get3A_145 = arith.index_cast %add3A_144 : i32 to index
        %get3A_146 = tpu.vector_load %arg8[%get3A_145] {strides = array<i32>} : memref<16384xf32, #tpu.memory_space<vmem>>, vector<16xf32>,
        %add3A_147 = arith.constant 0 : i32
        %add3A_148 = vector.broadcast %add3A_147 : i32 to vector<16xi32>
        %add3A_149 = arith.addi %iota3A, %add3A_148 : vector<16xi32>
        tpu.vector_store_idx %arg11[%broadcast_in_dim3A_138, %add3A_149], %get3A_146 {add = true} : memref<264x128xf32, #tpu.memory_space<vmem>>[vector<16xi32>, vector<16xi32>], vector<16xf32>,
        %add3A_150 = arith.constant 16 : i32
        %add3A_151 = arith.addi %mul3A_142, %add3A_150 : i32
        %get3A_152 = arith.index_cast %add3A_151 : i32 to index
        %get3A_153 = tpu.vector_load %arg8[%get3A_152] {strides = array<i32>} : memref<16384xf32, #tpu.memory_space<vmem>>, vector<16xf32>,
        %add3A_154 = arith.constant 16 : i32
        %add3A_155 = vector.broadcast %add3A_154 : i32 to vector<16xi32>
        %add3A_156 = arith.addi %iota3A, %add3A_155 : vector<16xi32>
        tpu.vector_store_idx %arg11[%broadcast_in_dim3A_138, %add3A_156], %get3A_153 {add = true} : memref<264x128xf32, #tpu.memory_space<vmem>>[vector<16xi32>, vector<16xi32>], vector<16xf32>,
        %add3A_157 = arith.constant 32 : i32
        %add3A_158 = arith.addi %mul3A_142, %add3A_157 : i32
        %get3A_159 = arith.index_cast %add3A_158 : i32 to index
        %get3A_160 = tpu.vector_load %arg8[%get3A_159] {strides = array<i32>} : memref<16384xf32, #tpu.memory_space<vmem>>, vector<16xf32>,
        %add3A_161 = arith.constant 32 : i32
        %add3A_162 = vector.broadcast %add3A_161 : i32 to vector<16xi32>
        %add3A_163 = arith.addi %iota3A, %add3A_162 : vector<16xi32>
        tpu.vector_store_idx %arg11[%broadcast_in_dim3A_138, %add3A_163], %get3A_160 {add = true} : memref<264x128xf32, #tpu.memory_space<vmem>>[vector<16xi32>, vector<16xi32>], vector<16xf32>,
        %add3A_164 = arith.constant 48 : i32
        %add3A_165 = arith.addi %mul3A_142, %add3A_164 : i32
        %get3A_166 = arith.index_cast %add3A_165 : i32 to index
        %get3A_167 = tpu.vector_load %arg8[%get3A_166] {strides = array<i32>} : memref<16384xf32, #tpu.memory_space<vmem>>, vector<16xf32>,
        %add3A_168 = arith.constant 48 : i32
        %add3A_169 = vector.broadcast %add3A_168 : i32 to vector<16xi32>
        %add3A_170 = arith.addi %iota3A, %add3A_169 : vector<16xi32>
        tpu.vector_store_idx %arg11[%broadcast_in_dim3A_138, %add3A_170], %get3A_167 {add = true} : memref<264x128xf32, #tpu.memory_space<vmem>>[vector<16xi32>, vector<16xi32>], vector<16xf32>,
        %add3A_171 = arith.constant 64 : i32
        %add3A_172 = arith.addi %mul3A_142, %add3A_171 : i32
        %get3A_173 = arith.index_cast %add3A_172 : i32 to index
        %get3A_174 = tpu.vector_load %arg8[%get3A_173] {strides = array<i32>} : memref<16384xf32, #tpu.memory_space<vmem>>, vector<16xf32>,
        %add3A_175 = arith.constant 64 : i32
        %add3A_176 = vector.broadcast %add3A_175 : i32 to vector<16xi32>
        %add3A_177 = arith.addi %iota3A, %add3A_176 : vector<16xi32>
        tpu.vector_store_idx %arg11[%broadcast_in_dim3A_138, %add3A_177], %get3A_174 {add = true} : memref<264x128xf32, #tpu.memory_space<vmem>>[vector<16xi32>, vector<16xi32>], vector<16xf32>,
        %add3A_178 = arith.constant 80 : i32
        %add3A_179 = arith.addi %mul3A_142, %add3A_178 : i32
        %get3A_180 = arith.index_cast %add3A_179 : i32 to index
        %get3A_181 = tpu.vector_load %arg8[%get3A_180] {strides = array<i32>} : memref<16384xf32, #tpu.memory_space<vmem>>, vector<16xf32>,
        %add3A_182 = arith.constant 80 : i32
        %add3A_183 = vector.broadcast %add3A_182 : i32 to vector<16xi32>
        %add3A_184 = arith.addi %iota3A, %add3A_183 : vector<16xi32>
        tpu.vector_store_idx %arg11[%broadcast_in_dim3A_138, %add3A_184], %get3A_181 {add = true} : memref<264x128xf32, #tpu.memory_space<vmem>>[vector<16xi32>, vector<16xi32>], vector<16xf32>,
        %add3A_185 = arith.constant 96 : i32
        %add3A_186 = arith.addi %mul3A_142, %add3A_185 : i32
        %get3A_187 = arith.index_cast %add3A_186 : i32 to index
        %get3A_188 = tpu.vector_load %arg8[%get3A_187] {strides = array<i32>} : memref<16384xf32, #tpu.memory_space<vmem>>, vector<16xf32>,
        %add3A_189 = arith.constant 96 : i32
        %add3A_190 = vector.broadcast %add3A_189 : i32 to vector<16xi32>
        %add3A_191 = arith.addi %iota3A, %add3A_190 : vector<16xi32>
        tpu.vector_store_idx %arg11[%broadcast_in_dim3A_138, %add3A_191], %get3A_188 {add = true} : memref<264x128xf32, #tpu.memory_space<vmem>>[vector<16xi32>, vector<16xi32>], vector<16xf32>,
        %add3A_192 = arith.constant 112 : i32
        %add3A_193 = arith.addi %mul3A_142, %add3A_192 : i32
        %get3A_194 = arith.index_cast %add3A_193 : i32 to index
        %get3A_195 = tpu.vector_load %arg8[%get3A_194] {strides = array<i32>} : memref<16384xf32, #tpu.memory_space<vmem>>, vector<16xf32>,
        %add3A_196 = arith.constant 112 : i32
        %add3A_197 = vector.broadcast %add3A_196 : i32 to vector<16xi32>
        %add3A_198 = arith.addi %iota3A, %add3A_197 : vector<16xi32>
        tpu.vector_store_idx %arg11[%broadcast_in_dim3A_138, %add3A_198], %get3A_195 {add = true} : memref<264x128xf32, #tpu.memory_space<vmem>>[vector<16xi32>, vector<16xi32>], vector<16xf32>,
        tpu.vector_store_idx %arg12[%broadcast_in_dim3A_138, %iota3A], %broadcast_in_dim3A_17 {add = true} : memref<264x16xf32, #tpu.memory_space<vmem>>[vector<16xi32>, vector<16xi32>], vector<16xf32>,
        %slice3A_199 = vector.extract_strided_slice %get3A_74 {offsets = [2], sizes = [1], strides = [1]} : vector<16xi32> to vector<1xi32>
        %squeeze3A_200 = vector.extract %slice3A_199[0] : i32 from vector<1xi32>
        %broadcast_in_dim3A_201 = vector.broadcast %squeeze3A_200 : i32 to vector<16xi32>
        %add3A_202 = arith.constant 2 : i32
        %add3A_203 = arith.addi %mul3A_70, %add3A_202 : i32
        %mul3A_204 = arith.constant 128 : i32
        %mul3A_205 = arith.muli %add3A_203, %mul3A_204 : i32
        %add3A_206 = arith.constant 0 : i32
        %add3A_207 = arith.addi %mul3A_205, %add3A_206 : i32
        %get3A_208 = arith.index_cast %add3A_207 : i32 to index
        %get3A_209 = tpu.vector_load %arg8[%get3A_208] {strides = array<i32>} : memref<16384xf32, #tpu.memory_space<vmem>>, vector<16xf32>,
        %add3A_210 = arith.constant 0 : i32
        %add3A_211 = vector.broadcast %add3A_210 : i32 to vector<16xi32>
        %add3A_212 = arith.addi %iota3A, %add3A_211 : vector<16xi32>
        tpu.vector_store_idx %arg11[%broadcast_in_dim3A_201, %add3A_212], %get3A_209 {add = true} : memref<264x128xf32, #tpu.memory_space<vmem>>[vector<16xi32>, vector<16xi32>], vector<16xf32>,
        %add3A_213 = arith.constant 16 : i32
        %add3A_214 = arith.addi %mul3A_205, %add3A_213 : i32
        %get3A_215 = arith.index_cast %add3A_214 : i32 to index
        %get3A_216 = tpu.vector_load %arg8[%get3A_215] {strides = array<i32>} : memref<16384xf32, #tpu.memory_space<vmem>>, vector<16xf32>,
        %add3A_217 = arith.constant 16 : i32
        %add3A_218 = vector.broadcast %add3A_217 : i32 to vector<16xi32>
        %add3A_219 = arith.addi %iota3A, %add3A_218 : vector<16xi32>
        tpu.vector_store_idx %arg11[%broadcast_in_dim3A_201, %add3A_219], %get3A_216 {add = true} : memref<264x128xf32, #tpu.memory_space<vmem>>[vector<16xi32>, vector<16xi32>], vector<16xf32>,
        %add3A_220 = arith.constant 32 : i32
        %add3A_221 = arith.addi %mul3A_205, %add3A_220 : i32
        %get3A_222 = arith.index_cast %add3A_221 : i32 to index
        %get3A_223 = tpu.vector_load %arg8[%get3A_222] {strides = array<i32>} : memref<16384xf32, #tpu.memory_space<vmem>>, vector<16xf32>,
        %add3A_224 = arith.constant 32 : i32
        %add3A_225 = vector.broadcast %add3A_224 : i32 to vector<16xi32>
        %add3A_226 = arith.addi %iota3A, %add3A_225 : vector<16xi32>
        tpu.vector_store_idx %arg11[%broadcast_in_dim3A_201, %add3A_226], %get3A_223 {add = true} : memref<264x128xf32, #tpu.memory_space<vmem>>[vector<16xi32>, vector<16xi32>], vector<16xf32>,
        %add3A_227 = arith.constant 48 : i32
        %add3A_228 = arith.addi %mul3A_205, %add3A_227 : i32
        %get3A_229 = arith.index_cast %add3A_228 : i32 to index
        %get3A_230 = tpu.vector_load %arg8[%get3A_229] {strides = array<i32>} : memref<16384xf32, #tpu.memory_space<vmem>>, vector<16xf32>,
        %add3A_231 = arith.constant 48 : i32
        %add3A_232 = vector.broadcast %add3A_231 : i32 to vector<16xi32>
        %add3A_233 = arith.addi %iota3A, %add3A_232 : vector<16xi32>
        tpu.vector_store_idx %arg11[%broadcast_in_dim3A_201, %add3A_233], %get3A_230 {add = true} : memref<264x128xf32, #tpu.memory_space<vmem>>[vector<16xi32>, vector<16xi32>], vector<16xf32>,
        %add3A_234 = arith.constant 64 : i32
        %add3A_235 = arith.addi %mul3A_205, %add3A_234 : i32
        %get3A_236 = arith.index_cast %add3A_235 : i32 to index
        %get3A_237 = tpu.vector_load %arg8[%get3A_236] {strides = array<i32>} : memref<16384xf32, #tpu.memory_space<vmem>>, vector<16xf32>,
        %add3A_238 = arith.constant 64 : i32
        %add3A_239 = vector.broadcast %add3A_238 : i32 to vector<16xi32>
        %add3A_240 = arith.addi %iota3A, %add3A_239 : vector<16xi32>
        tpu.vector_store_idx %arg11[%broadcast_in_dim3A_201, %add3A_240], %get3A_237 {add = true} : memref<264x128xf32, #tpu.memory_space<vmem>>[vector<16xi32>, vector<16xi32>], vector<16xf32>,
        %add3A_241 = arith.constant 80 : i32
        %add3A_242 = arith.addi %mul3A_205, %add3A_241 : i32
        %get3A_243 = arith.index_cast %add3A_242 : i32 to index
        %get3A_244 = tpu.vector_load %arg8[%get3A_243] {strides = array<i32>} : memref<16384xf32, #tpu.memory_space<vmem>>, vector<16xf32>,
        %add3A_245 = arith.constant 80 : i32
        %add3A_246 = vector.broadcast %add3A_245 : i32 to vector<16xi32>
        %add3A_247 = arith.addi %iota3A, %add3A_246 : vector<16xi32>
        tpu.vector_store_idx %arg11[%broadcast_in_dim3A_201, %add3A_247], %get3A_244 {add = true} : memref<264x128xf32, #tpu.memory_space<vmem>>[vector<16xi32>, vector<16xi32>], vector<16xf32>,
        %add3A_248 = arith.constant 96 : i32
        %add3A_249 = arith.addi %mul3A_205, %add3A_248 : i32
        %get3A_250 = arith.index_cast %add3A_249 : i32 to index
        %get3A_251 = tpu.vector_load %arg8[%get3A_250] {strides = array<i32>} : memref<16384xf32, #tpu.memory_space<vmem>>, vector<16xf32>,
        %add3A_252 = arith.constant 96 : i32
        %add3A_253 = vector.broadcast %add3A_252 : i32 to vector<16xi32>
        %add3A_254 = arith.addi %iota3A, %add3A_253 : vector<16xi32>
        tpu.vector_store_idx %arg11[%broadcast_in_dim3A_201, %add3A_254], %get3A_251 {add = true} : memref<264x128xf32, #tpu.memory_space<vmem>>[vector<16xi32>, vector<16xi32>], vector<16xf32>,
        %add3A_255 = arith.constant 112 : i32
        %add3A_256 = arith.addi %mul3A_205, %add3A_255 : i32
        %get3A_257 = arith.index_cast %add3A_256 : i32 to index
        %get3A_258 = tpu.vector_load %arg8[%get3A_257] {strides = array<i32>} : memref<16384xf32, #tpu.memory_space<vmem>>, vector<16xf32>,
        %add3A_259 = arith.constant 112 : i32
        %add3A_260 = vector.broadcast %add3A_259 : i32 to vector<16xi32>
        %add3A_261 = arith.addi %iota3A, %add3A_260 : vector<16xi32>
        tpu.vector_store_idx %arg11[%broadcast_in_dim3A_201, %add3A_261], %get3A_258 {add = true} : memref<264x128xf32, #tpu.memory_space<vmem>>[vector<16xi32>, vector<16xi32>], vector<16xf32>,
        tpu.vector_store_idx %arg12[%broadcast_in_dim3A_201, %iota3A], %broadcast_in_dim3A_17 {add = true} : memref<264x16xf32, #tpu.memory_space<vmem>>[vector<16xi32>, vector<16xi32>], vector<16xf32>,
        %slice3A_262 = vector.extract_strided_slice %get3A_74 {offsets = [3], sizes = [1], strides = [1]} : vector<16xi32> to vector<1xi32>
        %squeeze3A_263 = vector.extract %slice3A_262[0] : i32 from vector<1xi32>
        %broadcast_in_dim3A_264 = vector.broadcast %squeeze3A_263 : i32 to vector<16xi32>
        %add3A_265 = arith.constant 3 : i32
        %add3A_266 = arith.addi %mul3A_70, %add3A_265 : i32
        %mul3A_267 = arith.constant 128 : i32
        %mul3A_268 = arith.muli %add3A_266, %mul3A_267 : i32
        %add3A_269 = arith.constant 0 : i32
        %add3A_270 = arith.addi %mul3A_268, %add3A_269 : i32
        %get3A_271 = arith.index_cast %add3A_270 : i32 to index
        %get3A_272 = tpu.vector_load %arg8[%get3A_271] {strides = array<i32>} : memref<16384xf32, #tpu.memory_space<vmem>>, vector<16xf32>,
        %add3A_273 = arith.constant 0 : i32
        %add3A_274 = vector.broadcast %add3A_273 : i32 to vector<16xi32>
        %add3A_275 = arith.addi %iota3A, %add3A_274 : vector<16xi32>
        tpu.vector_store_idx %arg11[%broadcast_in_dim3A_264, %add3A_275], %get3A_272 {add = true} : memref<264x128xf32, #tpu.memory_space<vmem>>[vector<16xi32>, vector<16xi32>], vector<16xf32>,
        %add3A_276 = arith.constant 16 : i32
        %add3A_277 = arith.addi %mul3A_268, %add3A_276 : i32
        %get3A_278 = arith.index_cast %add3A_277 : i32 to index
        %get3A_279 = tpu.vector_load %arg8[%get3A_278] {strides = array<i32>} : memref<16384xf32, #tpu.memory_space<vmem>>, vector<16xf32>,
        %add3A_280 = arith.constant 16 : i32
        %add3A_281 = vector.broadcast %add3A_280 : i32 to vector<16xi32>
        %add3A_282 = arith.addi %iota3A, %add3A_281 : vector<16xi32>
        tpu.vector_store_idx %arg11[%broadcast_in_dim3A_264, %add3A_282], %get3A_279 {add = true} : memref<264x128xf32, #tpu.memory_space<vmem>>[vector<16xi32>, vector<16xi32>], vector<16xf32>,
        %add3A_283 = arith.constant 32 : i32
        %add3A_284 = arith.addi %mul3A_268, %add3A_283 : i32
        %get3A_285 = arith.index_cast %add3A_284 : i32 to index
        %get3A_286 = tpu.vector_load %arg8[%get3A_285] {strides = array<i32>} : memref<16384xf32, #tpu.memory_space<vmem>>, vector<16xf32>,
        %add3A_287 = arith.constant 32 : i32
        %add3A_288 = vector.broadcast %add3A_287 : i32 to vector<16xi32>
        %add3A_289 = arith.addi %iota3A, %add3A_288 : vector<16xi32>
        tpu.vector_store_idx %arg11[%broadcast_in_dim3A_264, %add3A_289], %get3A_286 {add = true} : memref<264x128xf32, #tpu.memory_space<vmem>>[vector<16xi32>, vector<16xi32>], vector<16xf32>,
        %add3A_290 = arith.constant 48 : i32
        %add3A_291 = arith.addi %mul3A_268, %add3A_290 : i32
        %get3A_292 = arith.index_cast %add3A_291 : i32 to index
        %get3A_293 = tpu.vector_load %arg8[%get3A_292] {strides = array<i32>} : memref<16384xf32, #tpu.memory_space<vmem>>, vector<16xf32>,
        %add3A_294 = arith.constant 48 : i32
        %add3A_295 = vector.broadcast %add3A_294 : i32 to vector<16xi32>
        %add3A_296 = arith.addi %iota3A, %add3A_295 : vector<16xi32>
        tpu.vector_store_idx %arg11[%broadcast_in_dim3A_264, %add3A_296], %get3A_293 {add = true} : memref<264x128xf32, #tpu.memory_space<vmem>>[vector<16xi32>, vector<16xi32>], vector<16xf32>,
        %add3A_297 = arith.constant 64 : i32
        %add3A_298 = arith.addi %mul3A_268, %add3A_297 : i32
        %get3A_299 = arith.index_cast %add3A_298 : i32 to index
        %get3A_300 = tpu.vector_load %arg8[%get3A_299] {strides = array<i32>} : memref<16384xf32, #tpu.memory_space<vmem>>, vector<16xf32>,
        %add3A_301 = arith.constant 64 : i32
        %add3A_302 = vector.broadcast %add3A_301 : i32 to vector<16xi32>
        %add3A_303 = arith.addi %iota3A, %add3A_302 : vector<16xi32>
        tpu.vector_store_idx %arg11[%broadcast_in_dim3A_264, %add3A_303], %get3A_300 {add = true} : memref<264x128xf32, #tpu.memory_space<vmem>>[vector<16xi32>, vector<16xi32>], vector<16xf32>,
        %add3A_304 = arith.constant 80 : i32
        %add3A_305 = arith.addi %mul3A_268, %add3A_304 : i32
        %get3A_306 = arith.index_cast %add3A_305 : i32 to index
        %get3A_307 = tpu.vector_load %arg8[%get3A_306] {strides = array<i32>} : memref<16384xf32, #tpu.memory_space<vmem>>, vector<16xf32>,
        %add3A_308 = arith.constant 80 : i32
        %add3A_309 = vector.broadcast %add3A_308 : i32 to vector<16xi32>
        %add3A_310 = arith.addi %iota3A, %add3A_309 : vector<16xi32>
        tpu.vector_store_idx %arg11[%broadcast_in_dim3A_264, %add3A_310], %get3A_307 {add = true} : memref<264x128xf32, #tpu.memory_space<vmem>>[vector<16xi32>, vector<16xi32>], vector<16xf32>,
        %add3A_311 = arith.constant 96 : i32
        %add3A_312 = arith.addi %mul3A_268, %add3A_311 : i32
        %get3A_313 = arith.index_cast %add3A_312 : i32 to index
        %get3A_314 = tpu.vector_load %arg8[%get3A_313] {strides = array<i32>} : memref<16384xf32, #tpu.memory_space<vmem>>, vector<16xf32>,
        %add3A_315 = arith.constant 96 : i32
        %add3A_316 = vector.broadcast %add3A_315 : i32 to vector<16xi32>
        %add3A_317 = arith.addi %iota3A, %add3A_316 : vector<16xi32>
        tpu.vector_store_idx %arg11[%broadcast_in_dim3A_264, %add3A_317], %get3A_314 {add = true} : memref<264x128xf32, #tpu.memory_space<vmem>>[vector<16xi32>, vector<16xi32>], vector<16xf32>,
        %add3A_318 = arith.constant 112 : i32
        %add3A_319 = arith.addi %mul3A_268, %add3A_318 : i32
        %get3A_320 = arith.index_cast %add3A_319 : i32 to index
        %get3A_321 = tpu.vector_load %arg8[%get3A_320] {strides = array<i32>} : memref<16384xf32, #tpu.memory_space<vmem>>, vector<16xf32>,
        %add3A_322 = arith.constant 112 : i32
        %add3A_323 = vector.broadcast %add3A_322 : i32 to vector<16xi32>
        %add3A_324 = arith.addi %iota3A, %add3A_323 : vector<16xi32>
        tpu.vector_store_idx %arg11[%broadcast_in_dim3A_264, %add3A_324], %get3A_321 {add = true} : memref<264x128xf32, #tpu.memory_space<vmem>>[vector<16xi32>, vector<16xi32>], vector<16xf32>,
        tpu.vector_store_idx %arg12[%broadcast_in_dim3A_264, %iota3A], %broadcast_in_dim3A_17 {add = true} : memref<264x16xf32, #tpu.memory_space<vmem>>[vector<16xi32>, vector<16xi32>], vector<16xf32>,
        %slice3A_325 = vector.extract_strided_slice %get3A_74 {offsets = [4], sizes = [1], strides = [1]} : vector<16xi32> to vector<1xi32>
        %squeeze3A_326 = vector.extract %slice3A_325[0] : i32 from vector<1xi32>
        %broadcast_in_dim3A_327 = vector.broadcast %squeeze3A_326 : i32 to vector<16xi32>
        %add3A_328 = arith.constant 4 : i32
        %add3A_329 = arith.addi %mul3A_70, %add3A_328 : i32
        %mul3A_330 = arith.constant 128 : i32
        %mul3A_331 = arith.muli %add3A_329, %mul3A_330 : i32
        %add3A_332 = arith.constant 0 : i32
        %add3A_333 = arith.addi %mul3A_331, %add3A_332 : i32
        %get3A_334 = arith.index_cast %add3A_333 : i32 to index
        %get3A_335 = tpu.vector_load %arg8[%get3A_334] {strides = array<i32>} : memref<16384xf32, #tpu.memory_space<vmem>>, vector<16xf32>,
        %add3A_336 = arith.constant 0 : i32
        %add3A_337 = vector.broadcast %add3A_336 : i32 to vector<16xi32>
        %add3A_338 = arith.addi %iota3A, %add3A_337 : vector<16xi32>
        tpu.vector_store_idx %arg11[%broadcast_in_dim3A_327, %add3A_338], %get3A_335 {add = true} : memref<264x128xf32, #tpu.memory_space<vmem>>[vector<16xi32>, vector<16xi32>], vector<16xf32>,
        %add3A_339 = arith.constant 16 : i32
        %add3A_340 = arith.addi %mul3A_331, %add3A_339 : i32
        %get3A_341 = arith.index_cast %add3A_340 : i32 to index
        %get3A_342 = tpu.vector_load %arg8[%get3A_341] {strides = array<i32>} : memref<16384xf32, #tpu.memory_space<vmem>>, vector<16xf32>,
        %add3A_343 = arith.constant 16 : i32
        %add3A_344 = vector.broadcast %add3A_343 : i32 to vector<16xi32>
        %add3A_345 = arith.addi %iota3A, %add3A_344 : vector<16xi32>
        tpu.vector_store_idx %arg11[%broadcast_in_dim3A_327, %add3A_345], %get3A_342 {add = true} : memref<264x128xf32, #tpu.memory_space<vmem>>[vector<16xi32>, vector<16xi32>], vector<16xf32>,
        %add3A_346 = arith.constant 32 : i32
        %add3A_347 = arith.addi %mul3A_331, %add3A_346 : i32
        %get3A_348 = arith.index_cast %add3A_347 : i32 to index
        %get3A_349 = tpu.vector_load %arg8[%get3A_348] {strides = array<i32>} : memref<16384xf32, #tpu.memory_space<vmem>>, vector<16xf32>,
        %add3A_350 = arith.constant 32 : i32
        %add3A_351 = vector.broadcast %add3A_350 : i32 to vector<16xi32>
        %add3A_352 = arith.addi %iota3A, %add3A_351 : vector<16xi32>
        tpu.vector_store_idx %arg11[%broadcast_in_dim3A_327, %add3A_352], %get3A_349 {add = true} : memref<264x128xf32, #tpu.memory_space<vmem>>[vector<16xi32>, vector<16xi32>], vector<16xf32>,
        %add3A_353 = arith.constant 48 : i32
        %add3A_354 = arith.addi %mul3A_331, %add3A_353 : i32
        %get3A_355 = arith.index_cast %add3A_354 : i32 to index
        %get3A_356 = tpu.vector_load %arg8[%get3A_355] {strides = array<i32>} : memref<16384xf32, #tpu.memory_space<vmem>>, vector<16xf32>,
        %add3A_357 = arith.constant 48 : i32
        %add3A_358 = vector.broadcast %add3A_357 : i32 to vector<16xi32>
        %add3A_359 = arith.addi %iota3A, %add3A_358 : vector<16xi32>
        tpu.vector_store_idx %arg11[%broadcast_in_dim3A_327, %add3A_359], %get3A_356 {add = true} : memref<264x128xf32, #tpu.memory_space<vmem>>[vector<16xi32>, vector<16xi32>], vector<16xf32>,
        %add3A_360 = arith.constant 64 : i32
        %add3A_361 = arith.addi %mul3A_331, %add3A_360 : i32
        %get3A_362 = arith.index_cast %add3A_361 : i32 to index
        %get3A_363 = tpu.vector_load %arg8[%get3A_362] {strides = array<i32>} : memref<16384xf32, #tpu.memory_space<vmem>>, vector<16xf32>,
        %add3A_364 = arith.constant 64 : i32
        %add3A_365 = vector.broadcast %add3A_364 : i32 to vector<16xi32>
        %add3A_366 = arith.addi %iota3A, %add3A_365 : vector<16xi32>
        tpu.vector_store_idx %arg11[%broadcast_in_dim3A_327, %add3A_366], %get3A_363 {add = true} : memref<264x128xf32, #tpu.memory_space<vmem>>[vector<16xi32>, vector<16xi32>], vector<16xf32>,
        %add3A_367 = arith.constant 80 : i32
        %add3A_368 = arith.addi %mul3A_331, %add3A_367 : i32
        %get3A_369 = arith.index_cast %add3A_368 : i32 to index
        %get3A_370 = tpu.vector_load %arg8[%get3A_369] {strides = array<i32>} : memref<16384xf32, #tpu.memory_space<vmem>>, vector<16xf32>,
        %add3A_371 = arith.constant 80 : i32
        %add3A_372 = vector.broadcast %add3A_371 : i32 to vector<16xi32>
        %add3A_373 = arith.addi %iota3A, %add3A_372 : vector<16xi32>
        tpu.vector_store_idx %arg11[%broadcast_in_dim3A_327, %add3A_373], %get3A_370 {add = true} : memref<264x128xf32, #tpu.memory_space<vmem>>[vector<16xi32>, vector<16xi32>], vector<16xf32>,
        %add3A_374 = arith.constant 96 : i32
        %add3A_375 = arith.addi %mul3A_331, %add3A_374 : i32
        %get3A_376 = arith.index_cast %add3A_375 : i32 to index
        %get3A_377 = tpu.vector_load %arg8[%get3A_376] {strides = array<i32>} : memref<16384xf32, #tpu.memory_space<vmem>>, vector<16xf32>,
        %add3A_378 = arith.constant 96 : i32
        %add3A_379 = vector.broadcast %add3A_378 : i32 to vector<16xi32>
        %add3A_380 = arith.addi %iota3A, %add3A_379 : vector<16xi32>
        tpu.vector_store_idx %arg11[%broadcast_in_dim3A_327, %add3A_380], %get3A_377 {add = true} : memref<264x128xf32, #tpu.memory_space<vmem>>[vector<16xi32>, vector<16xi32>], vector<16xf32>,
        %add3A_381 = arith.constant 112 : i32
        %add3A_382 = arith.addi %mul3A_331, %add3A_381 : i32
        %get3A_383 = arith.index_cast %add3A_382 : i32 to index
        %get3A_384 = tpu.vector_load %arg8[%get3A_383] {strides = array<i32>} : memref<16384xf32, #tpu.memory_space<vmem>>, vector<16xf32>,
        %add3A_385 = arith.constant 112 : i32
        %add3A_386 = vector.broadcast %add3A_385 : i32 to vector<16xi32>
        %add3A_387 = arith.addi %iota3A, %add3A_386 : vector<16xi32>
        tpu.vector_store_idx %arg11[%broadcast_in_dim3A_327, %add3A_387], %get3A_384 {add = true} : memref<264x128xf32, #tpu.memory_space<vmem>>[vector<16xi32>, vector<16xi32>], vector<16xf32>,
        tpu.vector_store_idx %arg12[%broadcast_in_dim3A_327, %iota3A], %broadcast_in_dim3A_17 {add = true} : memref<264x16xf32, #tpu.memory_space<vmem>>[vector<16xi32>, vector<16xi32>], vector<16xf32>,
        %slice3A_388 = vector.extract_strided_slice %get3A_74 {offsets = [5], sizes = [1], strides = [1]} : vector<16xi32> to vector<1xi32>
        %squeeze3A_389 = vector.extract %slice3A_388[0] : i32 from vector<1xi32>
        %broadcast_in_dim3A_390 = vector.broadcast %squeeze3A_389 : i32 to vector<16xi32>
        %add3A_391 = arith.constant 5 : i32
        %add3A_392 = arith.addi %mul3A_70, %add3A_391 : i32
        %mul3A_393 = arith.constant 128 : i32
        %mul3A_394 = arith.muli %add3A_392, %mul3A_393 : i32
        %add3A_395 = arith.constant 0 : i32
        %add3A_396 = arith.addi %mul3A_394, %add3A_395 : i32
        %get3A_397 = arith.index_cast %add3A_396 : i32 to index
        %get3A_398 = tpu.vector_load %arg8[%get3A_397] {strides = array<i32>} : memref<16384xf32, #tpu.memory_space<vmem>>, vector<16xf32>,
        %add3A_399 = arith.constant 0 : i32
        %add3A_400 = vector.broadcast %add3A_399 : i32 to vector<16xi32>
        %add3A_401 = arith.addi %iota3A, %add3A_400 : vector<16xi32>
        tpu.vector_store_idx %arg11[%broadcast_in_dim3A_390, %add3A_401], %get3A_398 {add = true} : memref<264x128xf32, #tpu.memory_space<vmem>>[vector<16xi32>, vector<16xi32>], vector<16xf32>,
        %add3A_402 = arith.constant 16 : i32
        %add3A_403 = arith.addi %mul3A_394, %add3A_402 : i32
        %get3A_404 = arith.index_cast %add3A_403 : i32 to index
        %get3A_405 = tpu.vector_load %arg8[%get3A_404] {strides = array<i32>} : memref<16384xf32, #tpu.memory_space<vmem>>, vector<16xf32>,
        %add3A_406 = arith.constant 16 : i32
        %add3A_407 = vector.broadcast %add3A_406 : i32 to vector<16xi32>
        %add3A_408 = arith.addi %iota3A, %add3A_407 : vector<16xi32>
        tpu.vector_store_idx %arg11[%broadcast_in_dim3A_390, %add3A_408], %get3A_405 {add = true} : memref<264x128xf32, #tpu.memory_space<vmem>>[vector<16xi32>, vector<16xi32>], vector<16xf32>,
        %add3A_409 = arith.constant 32 : i32
        %add3A_410 = arith.addi %mul3A_394, %add3A_409 : i32
        %get3A_411 = arith.index_cast %add3A_410 : i32 to index
        %get3A_412 = tpu.vector_load %arg8[%get3A_411] {strides = array<i32>} : memref<16384xf32, #tpu.memory_space<vmem>>, vector<16xf32>,
        %add3A_413 = arith.constant 32 : i32
        %add3A_414 = vector.broadcast %add3A_413 : i32 to vector<16xi32>
        %add3A_415 = arith.addi %iota3A, %add3A_414 : vector<16xi32>
        tpu.vector_store_idx %arg11[%broadcast_in_dim3A_390, %add3A_415], %get3A_412 {add = true} : memref<264x128xf32, #tpu.memory_space<vmem>>[vector<16xi32>, vector<16xi32>], vector<16xf32>,
        %add3A_416 = arith.constant 48 : i32
        %add3A_417 = arith.addi %mul3A_394, %add3A_416 : i32
        %get3A_418 = arith.index_cast %add3A_417 : i32 to index
        %get3A_419 = tpu.vector_load %arg8[%get3A_418] {strides = array<i32>} : memref<16384xf32, #tpu.memory_space<vmem>>, vector<16xf32>,
        %add3A_420 = arith.constant 48 : i32
        %add3A_421 = vector.broadcast %add3A_420 : i32 to vector<16xi32>
        %add3A_422 = arith.addi %iota3A, %add3A_421 : vector<16xi32>
        tpu.vector_store_idx %arg11[%broadcast_in_dim3A_390, %add3A_422], %get3A_419 {add = true} : memref<264x128xf32, #tpu.memory_space<vmem>>[vector<16xi32>, vector<16xi32>], vector<16xf32>,
        %add3A_423 = arith.constant 64 : i32
        %add3A_424 = arith.addi %mul3A_394, %add3A_423 : i32
        %get3A_425 = arith.index_cast %add3A_424 : i32 to index
        %get3A_426 = tpu.vector_load %arg8[%get3A_425] {strides = array<i32>} : memref<16384xf32, #tpu.memory_space<vmem>>, vector<16xf32>,
        %add3A_427 = arith.constant 64 : i32
        %add3A_428 = vector.broadcast %add3A_427 : i32 to vector<16xi32>
        %add3A_429 = arith.addi %iota3A, %add3A_428 : vector<16xi32>
        tpu.vector_store_idx %arg11[%broadcast_in_dim3A_390, %add3A_429], %get3A_426 {add = true} : memref<264x128xf32, #tpu.memory_space<vmem>>[vector<16xi32>, vector<16xi32>], vector<16xf32>,
        %add3A_430 = arith.constant 80 : i32
        %add3A_431 = arith.addi %mul3A_394, %add3A_430 : i32
        %get3A_432 = arith.index_cast %add3A_431 : i32 to index
        %get3A_433 = tpu.vector_load %arg8[%get3A_432] {strides = array<i32>} : memref<16384xf32, #tpu.memory_space<vmem>>, vector<16xf32>,
        %add3A_434 = arith.constant 80 : i32
        %add3A_435 = vector.broadcast %add3A_434 : i32 to vector<16xi32>
        %add3A_436 = arith.addi %iota3A, %add3A_435 : vector<16xi32>
        tpu.vector_store_idx %arg11[%broadcast_in_dim3A_390, %add3A_436], %get3A_433 {add = true} : memref<264x128xf32, #tpu.memory_space<vmem>>[vector<16xi32>, vector<16xi32>], vector<16xf32>,
        %add3A_437 = arith.constant 96 : i32
        %add3A_438 = arith.addi %mul3A_394, %add3A_437 : i32
        %get3A_439 = arith.index_cast %add3A_438 : i32 to index
        %get3A_440 = tpu.vector_load %arg8[%get3A_439] {strides = array<i32>} : memref<16384xf32, #tpu.memory_space<vmem>>, vector<16xf32>,
        %add3A_441 = arith.constant 96 : i32
        %add3A_442 = vector.broadcast %add3A_441 : i32 to vector<16xi32>
        %add3A_443 = arith.addi %iota3A, %add3A_442 : vector<16xi32>
        tpu.vector_store_idx %arg11[%broadcast_in_dim3A_390, %add3A_443], %get3A_440 {add = true} : memref<264x128xf32, #tpu.memory_space<vmem>>[vector<16xi32>, vector<16xi32>], vector<16xf32>,
        %add3A_444 = arith.constant 112 : i32
        %add3A_445 = arith.addi %mul3A_394, %add3A_444 : i32
        %get3A_446 = arith.index_cast %add3A_445 : i32 to index
        %get3A_447 = tpu.vector_load %arg8[%get3A_446] {strides = array<i32>} : memref<16384xf32, #tpu.memory_space<vmem>>, vector<16xf32>,
        %add3A_448 = arith.constant 112 : i32
        %add3A_449 = vector.broadcast %add3A_448 : i32 to vector<16xi32>
        %add3A_450 = arith.addi %iota3A, %add3A_449 : vector<16xi32>
        tpu.vector_store_idx %arg11[%broadcast_in_dim3A_390, %add3A_450], %get3A_447 {add = true} : memref<264x128xf32, #tpu.memory_space<vmem>>[vector<16xi32>, vector<16xi32>], vector<16xf32>,
        tpu.vector_store_idx %arg12[%broadcast_in_dim3A_390, %iota3A], %broadcast_in_dim3A_17 {add = true} : memref<264x16xf32, #tpu.memory_space<vmem>>[vector<16xi32>, vector<16xi32>], vector<16xf32>,
        %slice3A_451 = vector.extract_strided_slice %get3A_74 {offsets = [6], sizes = [1], strides = [1]} : vector<16xi32> to vector<1xi32>
        %squeeze3A_452 = vector.extract %slice3A_451[0] : i32 from vector<1xi32>
        %broadcast_in_dim3A_453 = vector.broadcast %squeeze3A_452 : i32 to vector<16xi32>
        %add3A_454 = arith.constant 6 : i32
        %add3A_455 = arith.addi %mul3A_70, %add3A_454 : i32
        %mul3A_456 = arith.constant 128 : i32
        %mul3A_457 = arith.muli %add3A_455, %mul3A_456 : i32
        %add3A_458 = arith.constant 0 : i32
        %add3A_459 = arith.addi %mul3A_457, %add3A_458 : i32
        %get3A_460 = arith.index_cast %add3A_459 : i32 to index
        %get3A_461 = tpu.vector_load %arg8[%get3A_460] {strides = array<i32>} : memref<16384xf32, #tpu.memory_space<vmem>>, vector<16xf32>,
        %add3A_462 = arith.constant 0 : i32
        %add3A_463 = vector.broadcast %add3A_462 : i32 to vector<16xi32>
        %add3A_464 = arith.addi %iota3A, %add3A_463 : vector<16xi32>
        tpu.vector_store_idx %arg11[%broadcast_in_dim3A_453, %add3A_464], %get3A_461 {add = true} : memref<264x128xf32, #tpu.memory_space<vmem>>[vector<16xi32>, vector<16xi32>], vector<16xf32>,
        %add3A_465 = arith.constant 16 : i32
        %add3A_466 = arith.addi %mul3A_457, %add3A_465 : i32
        %get3A_467 = arith.index_cast %add3A_466 : i32 to index
        %get3A_468 = tpu.vector_load %arg8[%get3A_467] {strides = array<i32>} : memref<16384xf32, #tpu.memory_space<vmem>>, vector<16xf32>,
        %add3A_469 = arith.constant 16 : i32
        %add3A_470 = vector.broadcast %add3A_469 : i32 to vector<16xi32>
        %add3A_471 = arith.addi %iota3A, %add3A_470 : vector<16xi32>
        tpu.vector_store_idx %arg11[%broadcast_in_dim3A_453, %add3A_471], %get3A_468 {add = true} : memref<264x128xf32, #tpu.memory_space<vmem>>[vector<16xi32>, vector<16xi32>], vector<16xf32>,
        %add3A_472 = arith.constant 32 : i32
        %add3A_473 = arith.addi %mul3A_457, %add3A_472 : i32
        %get3A_474 = arith.index_cast %add3A_473 : i32 to index
        %get3A_475 = tpu.vector_load %arg8[%get3A_474] {strides = array<i32>} : memref<16384xf32, #tpu.memory_space<vmem>>, vector<16xf32>,
        %add3A_476 = arith.constant 32 : i32
        %add3A_477 = vector.broadcast %add3A_476 : i32 to vector<16xi32>
        %add3A_478 = arith.addi %iota3A, %add3A_477 : vector<16xi32>
        tpu.vector_store_idx %arg11[%broadcast_in_dim3A_453, %add3A_478], %get3A_475 {add = true} : memref<264x128xf32, #tpu.memory_space<vmem>>[vector<16xi32>, vector<16xi32>], vector<16xf32>,
        %add3A_479 = arith.constant 48 : i32
        %add3A_480 = arith.addi %mul3A_457, %add3A_479 : i32
        %get3A_481 = arith.index_cast %add3A_480 : i32 to index
        %get3A_482 = tpu.vector_load %arg8[%get3A_481] {strides = array<i32>} : memref<16384xf32, #tpu.memory_space<vmem>>, vector<16xf32>,
        %add3A_483 = arith.constant 48 : i32
        %add3A_484 = vector.broadcast %add3A_483 : i32 to vector<16xi32>
        %add3A_485 = arith.addi %iota3A, %add3A_484 : vector<16xi32>
        tpu.vector_store_idx %arg11[%broadcast_in_dim3A_453, %add3A_485], %get3A_482 {add = true} : memref<264x128xf32, #tpu.memory_space<vmem>>[vector<16xi32>, vector<16xi32>], vector<16xf32>,
        %add3A_486 = arith.constant 64 : i32
        %add3A_487 = arith.addi %mul3A_457, %add3A_486 : i32
        %get3A_488 = arith.index_cast %add3A_487 : i32 to index
        %get3A_489 = tpu.vector_load %arg8[%get3A_488] {strides = array<i32>} : memref<16384xf32, #tpu.memory_space<vmem>>, vector<16xf32>,
        %add3A_490 = arith.constant 64 : i32
        %add3A_491 = vector.broadcast %add3A_490 : i32 to vector<16xi32>
        %add3A_492 = arith.addi %iota3A, %add3A_491 : vector<16xi32>
        tpu.vector_store_idx %arg11[%broadcast_in_dim3A_453, %add3A_492], %get3A_489 {add = true} : memref<264x128xf32, #tpu.memory_space<vmem>>[vector<16xi32>, vector<16xi32>], vector<16xf32>,
        %add3A_493 = arith.constant 80 : i32
        %add3A_494 = arith.addi %mul3A_457, %add3A_493 : i32
        %get3A_495 = arith.index_cast %add3A_494 : i32 to index
        %get3A_496 = tpu.vector_load %arg8[%get3A_495] {strides = array<i32>} : memref<16384xf32, #tpu.memory_space<vmem>>, vector<16xf32>,
        %add3A_497 = arith.constant 80 : i32
        %add3A_498 = vector.broadcast %add3A_497 : i32 to vector<16xi32>
        %add3A_499 = arith.addi %iota3A, %add3A_498 : vector<16xi32>
        tpu.vector_store_idx %arg11[%broadcast_in_dim3A_453, %add3A_499], %get3A_496 {add = true} : memref<264x128xf32, #tpu.memory_space<vmem>>[vector<16xi32>, vector<16xi32>], vector<16xf32>,
        %add3A_500 = arith.constant 96 : i32
        %add3A_501 = arith.addi %mul3A_457, %add3A_500 : i32
        %get3A_502 = arith.index_cast %add3A_501 : i32 to index
        %get3A_503 = tpu.vector_load %arg8[%get3A_502] {strides = array<i32>} : memref<16384xf32, #tpu.memory_space<vmem>>, vector<16xf32>,
        %add3A_504 = arith.constant 96 : i32
        %add3A_505 = vector.broadcast %add3A_504 : i32 to vector<16xi32>
        %add3A_506 = arith.addi %iota3A, %add3A_505 : vector<16xi32>
        tpu.vector_store_idx %arg11[%broadcast_in_dim3A_453, %add3A_506], %get3A_503 {add = true} : memref<264x128xf32, #tpu.memory_space<vmem>>[vector<16xi32>, vector<16xi32>], vector<16xf32>,
        %add3A_507 = arith.constant 112 : i32
        %add3A_508 = arith.addi %mul3A_457, %add3A_507 : i32
        %get3A_509 = arith.index_cast %add3A_508 : i32 to index
        %get3A_510 = tpu.vector_load %arg8[%get3A_509] {strides = array<i32>} : memref<16384xf32, #tpu.memory_space<vmem>>, vector<16xf32>,
        %add3A_511 = arith.constant 112 : i32
        %add3A_512 = vector.broadcast %add3A_511 : i32 to vector<16xi32>
        %add3A_513 = arith.addi %iota3A, %add3A_512 : vector<16xi32>
        tpu.vector_store_idx %arg11[%broadcast_in_dim3A_453, %add3A_513], %get3A_510 {add = true} : memref<264x128xf32, #tpu.memory_space<vmem>>[vector<16xi32>, vector<16xi32>], vector<16xf32>,
        tpu.vector_store_idx %arg12[%broadcast_in_dim3A_453, %iota3A], %broadcast_in_dim3A_17 {add = true} : memref<264x16xf32, #tpu.memory_space<vmem>>[vector<16xi32>, vector<16xi32>], vector<16xf32>,
        %slice3A_514 = vector.extract_strided_slice %get3A_74 {offsets = [7], sizes = [1], strides = [1]} : vector<16xi32> to vector<1xi32>
        %squeeze3A_515 = vector.extract %slice3A_514[0] : i32 from vector<1xi32>
        %broadcast_in_dim3A_516 = vector.broadcast %squeeze3A_515 : i32 to vector<16xi32>
        %add3A_517 = arith.constant 7 : i32
        %add3A_518 = arith.addi %mul3A_70, %add3A_517 : i32
        %mul3A_519 = arith.constant 128 : i32
        %mul3A_520 = arith.muli %add3A_518, %mul3A_519 : i32
        %add3A_521 = arith.constant 0 : i32
        %add3A_522 = arith.addi %mul3A_520, %add3A_521 : i32
        %get3A_523 = arith.index_cast %add3A_522 : i32 to index
        %get3A_524 = tpu.vector_load %arg8[%get3A_523] {strides = array<i32>} : memref<16384xf32, #tpu.memory_space<vmem>>, vector<16xf32>,
        %add3A_525 = arith.constant 0 : i32
        %add3A_526 = vector.broadcast %add3A_525 : i32 to vector<16xi32>
        %add3A_527 = arith.addi %iota3A, %add3A_526 : vector<16xi32>
        tpu.vector_store_idx %arg11[%broadcast_in_dim3A_516, %add3A_527], %get3A_524 {add = true} : memref<264x128xf32, #tpu.memory_space<vmem>>[vector<16xi32>, vector<16xi32>], vector<16xf32>,
        %add3A_528 = arith.constant 16 : i32
        %add3A_529 = arith.addi %mul3A_520, %add3A_528 : i32
        %get3A_530 = arith.index_cast %add3A_529 : i32 to index
        %get3A_531 = tpu.vector_load %arg8[%get3A_530] {strides = array<i32>} : memref<16384xf32, #tpu.memory_space<vmem>>, vector<16xf32>,
        %add3A_532 = arith.constant 16 : i32
        %add3A_533 = vector.broadcast %add3A_532 : i32 to vector<16xi32>
        %add3A_534 = arith.addi %iota3A, %add3A_533 : vector<16xi32>
        tpu.vector_store_idx %arg11[%broadcast_in_dim3A_516, %add3A_534], %get3A_531 {add = true} : memref<264x128xf32, #tpu.memory_space<vmem>>[vector<16xi32>, vector<16xi32>], vector<16xf32>,
        %add3A_535 = arith.constant 32 : i32
        %add3A_536 = arith.addi %mul3A_520, %add3A_535 : i32
        %get3A_537 = arith.index_cast %add3A_536 : i32 to index
        %get3A_538 = tpu.vector_load %arg8[%get3A_537] {strides = array<i32>} : memref<16384xf32, #tpu.memory_space<vmem>>, vector<16xf32>,
        %add3A_539 = arith.constant 32 : i32
        %add3A_540 = vector.broadcast %add3A_539 : i32 to vector<16xi32>
        %add3A_541 = arith.addi %iota3A, %add3A_540 : vector<16xi32>
        tpu.vector_store_idx %arg11[%broadcast_in_dim3A_516, %add3A_541], %get3A_538 {add = true} : memref<264x128xf32, #tpu.memory_space<vmem>>[vector<16xi32>, vector<16xi32>], vector<16xf32>,
        %add3A_542 = arith.constant 48 : i32
        %add3A_543 = arith.addi %mul3A_520, %add3A_542 : i32
        %get3A_544 = arith.index_cast %add3A_543 : i32 to index
        %get3A_545 = tpu.vector_load %arg8[%get3A_544] {strides = array<i32>} : memref<16384xf32, #tpu.memory_space<vmem>>, vector<16xf32>,
        %add3A_546 = arith.constant 48 : i32
        %add3A_547 = vector.broadcast %add3A_546 : i32 to vector<16xi32>
        %add3A_548 = arith.addi %iota3A, %add3A_547 : vector<16xi32>
        tpu.vector_store_idx %arg11[%broadcast_in_dim3A_516, %add3A_548], %get3A_545 {add = true} : memref<264x128xf32, #tpu.memory_space<vmem>>[vector<16xi32>, vector<16xi32>], vector<16xf32>,
        %add3A_549 = arith.constant 64 : i32
        %add3A_550 = arith.addi %mul3A_520, %add3A_549 : i32
        %get3A_551 = arith.index_cast %add3A_550 : i32 to index
        %get3A_552 = tpu.vector_load %arg8[%get3A_551] {strides = array<i32>} : memref<16384xf32, #tpu.memory_space<vmem>>, vector<16xf32>,
        %add3A_553 = arith.constant 64 : i32
        %add3A_554 = vector.broadcast %add3A_553 : i32 to vector<16xi32>
        %add3A_555 = arith.addi %iota3A, %add3A_554 : vector<16xi32>
        tpu.vector_store_idx %arg11[%broadcast_in_dim3A_516, %add3A_555], %get3A_552 {add = true} : memref<264x128xf32, #tpu.memory_space<vmem>>[vector<16xi32>, vector<16xi32>], vector<16xf32>,
        %add3A_556 = arith.constant 80 : i32
        %add3A_557 = arith.addi %mul3A_520, %add3A_556 : i32
        %get3A_558 = arith.index_cast %add3A_557 : i32 to index
        %get3A_559 = tpu.vector_load %arg8[%get3A_558] {strides = array<i32>} : memref<16384xf32, #tpu.memory_space<vmem>>, vector<16xf32>,
        %add3A_560 = arith.constant 80 : i32
        %add3A_561 = vector.broadcast %add3A_560 : i32 to vector<16xi32>
        %add3A_562 = arith.addi %iota3A, %add3A_561 : vector<16xi32>
        tpu.vector_store_idx %arg11[%broadcast_in_dim3A_516, %add3A_562], %get3A_559 {add = true} : memref<264x128xf32, #tpu.memory_space<vmem>>[vector<16xi32>, vector<16xi32>], vector<16xf32>,
        %add3A_563 = arith.constant 96 : i32
        %add3A_564 = arith.addi %mul3A_520, %add3A_563 : i32
        %get3A_565 = arith.index_cast %add3A_564 : i32 to index
        %get3A_566 = tpu.vector_load %arg8[%get3A_565] {strides = array<i32>} : memref<16384xf32, #tpu.memory_space<vmem>>, vector<16xf32>,
        %add3A_567 = arith.constant 96 : i32
        %add3A_568 = vector.broadcast %add3A_567 : i32 to vector<16xi32>
        %add3A_569 = arith.addi %iota3A, %add3A_568 : vector<16xi32>
        tpu.vector_store_idx %arg11[%broadcast_in_dim3A_516, %add3A_569], %get3A_566 {add = true} : memref<264x128xf32, #tpu.memory_space<vmem>>[vector<16xi32>, vector<16xi32>], vector<16xf32>,
        %add3A_570 = arith.constant 112 : i32
        %add3A_571 = arith.addi %mul3A_520, %add3A_570 : i32
        %get3A_572 = arith.index_cast %add3A_571 : i32 to index
        %get3A_573 = tpu.vector_load %arg8[%get3A_572] {strides = array<i32>} : memref<16384xf32, #tpu.memory_space<vmem>>, vector<16xf32>,
        %add3A_574 = arith.constant 112 : i32
        %add3A_575 = vector.broadcast %add3A_574 : i32 to vector<16xi32>
        %add3A_576 = arith.addi %iota3A, %add3A_575 : vector<16xi32>
        tpu.vector_store_idx %arg11[%broadcast_in_dim3A_516, %add3A_576], %get3A_573 {add = true} : memref<264x128xf32, #tpu.memory_space<vmem>>[vector<16xi32>, vector<16xi32>], vector<16xf32>,
        tpu.vector_store_idx %arg12[%broadcast_in_dim3A_516, %iota3A], %broadcast_in_dim3A_17 {add = true} : memref<264x16xf32, #tpu.memory_space<vmem>>[vector<16xi32>, vector<16xi32>], vector<16xf32>,
        %slice3A_577 = vector.extract_strided_slice %get3A_74 {offsets = [8], sizes = [1], strides = [1]} : vector<16xi32> to vector<1xi32>
        %squeeze3A_578 = vector.extract %slice3A_577[0] : i32 from vector<1xi32>
        %broadcast_in_dim3A_579 = vector.broadcast %squeeze3A_578 : i32 to vector<16xi32>
        %add3A_580 = arith.constant 8 : i32
        %add3A_581 = arith.addi %mul3A_70, %add3A_580 : i32
        %mul3A_582 = arith.constant 128 : i32
        %mul3A_583 = arith.muli %add3A_581, %mul3A_582 : i32
        %add3A_584 = arith.constant 0 : i32
        %add3A_585 = arith.addi %mul3A_583, %add3A_584 : i32
        %get3A_586 = arith.index_cast %add3A_585 : i32 to index
        %get3A_587 = tpu.vector_load %arg8[%get3A_586] {strides = array<i32>} : memref<16384xf32, #tpu.memory_space<vmem>>, vector<16xf32>,
        %add3A_588 = arith.constant 0 : i32
        %add3A_589 = vector.broadcast %add3A_588 : i32 to vector<16xi32>
        %add3A_590 = arith.addi %iota3A, %add3A_589 : vector<16xi32>
        tpu.vector_store_idx %arg11[%broadcast_in_dim3A_579, %add3A_590], %get3A_587 {add = true} : memref<264x128xf32, #tpu.memory_space<vmem>>[vector<16xi32>, vector<16xi32>], vector<16xf32>,
        %add3A_591 = arith.constant 16 : i32
        %add3A_592 = arith.addi %mul3A_583, %add3A_591 : i32
        %get3A_593 = arith.index_cast %add3A_592 : i32 to index
        %get3A_594 = tpu.vector_load %arg8[%get3A_593] {strides = array<i32>} : memref<16384xf32, #tpu.memory_space<vmem>>, vector<16xf32>,
        %add3A_595 = arith.constant 16 : i32
        %add3A_596 = vector.broadcast %add3A_595 : i32 to vector<16xi32>
        %add3A_597 = arith.addi %iota3A, %add3A_596 : vector<16xi32>
        tpu.vector_store_idx %arg11[%broadcast_in_dim3A_579, %add3A_597], %get3A_594 {add = true} : memref<264x128xf32, #tpu.memory_space<vmem>>[vector<16xi32>, vector<16xi32>], vector<16xf32>,
        %add3A_598 = arith.constant 32 : i32
        %add3A_599 = arith.addi %mul3A_583, %add3A_598 : i32
        %get3A_600 = arith.index_cast %add3A_599 : i32 to index
        %get3A_601 = tpu.vector_load %arg8[%get3A_600] {strides = array<i32>} : memref<16384xf32, #tpu.memory_space<vmem>>, vector<16xf32>,
        %add3A_602 = arith.constant 32 : i32
        %add3A_603 = vector.broadcast %add3A_602 : i32 to vector<16xi32>
        %add3A_604 = arith.addi %iota3A, %add3A_603 : vector<16xi32>
        tpu.vector_store_idx %arg11[%broadcast_in_dim3A_579, %add3A_604], %get3A_601 {add = true} : memref<264x128xf32, #tpu.memory_space<vmem>>[vector<16xi32>, vector<16xi32>], vector<16xf32>,
        %add3A_605 = arith.constant 48 : i32
        %add3A_606 = arith.addi %mul3A_583, %add3A_605 : i32
        %get3A_607 = arith.index_cast %add3A_606 : i32 to index
        %get3A_608 = tpu.vector_load %arg8[%get3A_607] {strides = array<i32>} : memref<16384xf32, #tpu.memory_space<vmem>>, vector<16xf32>,
        %add3A_609 = arith.constant 48 : i32
        %add3A_610 = vector.broadcast %add3A_609 : i32 to vector<16xi32>
        %add3A_611 = arith.addi %iota3A, %add3A_610 : vector<16xi32>
        tpu.vector_store_idx %arg11[%broadcast_in_dim3A_579, %add3A_611], %get3A_608 {add = true} : memref<264x128xf32, #tpu.memory_space<vmem>>[vector<16xi32>, vector<16xi32>], vector<16xf32>,
        %add3A_612 = arith.constant 64 : i32
        %add3A_613 = arith.addi %mul3A_583, %add3A_612 : i32
        %get3A_614 = arith.index_cast %add3A_613 : i32 to index
        %get3A_615 = tpu.vector_load %arg8[%get3A_614] {strides = array<i32>} : memref<16384xf32, #tpu.memory_space<vmem>>, vector<16xf32>,
        %add3A_616 = arith.constant 64 : i32
        %add3A_617 = vector.broadcast %add3A_616 : i32 to vector<16xi32>
        %add3A_618 = arith.addi %iota3A, %add3A_617 : vector<16xi32>
        tpu.vector_store_idx %arg11[%broadcast_in_dim3A_579, %add3A_618], %get3A_615 {add = true} : memref<264x128xf32, #tpu.memory_space<vmem>>[vector<16xi32>, vector<16xi32>], vector<16xf32>,
        %add3A_619 = arith.constant 80 : i32
        %add3A_620 = arith.addi %mul3A_583, %add3A_619 : i32
        %get3A_621 = arith.index_cast %add3A_620 : i32 to index
        %get3A_622 = tpu.vector_load %arg8[%get3A_621] {strides = array<i32>} : memref<16384xf32, #tpu.memory_space<vmem>>, vector<16xf32>,
        %add3A_623 = arith.constant 80 : i32
        %add3A_624 = vector.broadcast %add3A_623 : i32 to vector<16xi32>
        %add3A_625 = arith.addi %iota3A, %add3A_624 : vector<16xi32>
        tpu.vector_store_idx %arg11[%broadcast_in_dim3A_579, %add3A_625], %get3A_622 {add = true} : memref<264x128xf32, #tpu.memory_space<vmem>>[vector<16xi32>, vector<16xi32>], vector<16xf32>,
        %add3A_626 = arith.constant 96 : i32
        %add3A_627 = arith.addi %mul3A_583, %add3A_626 : i32
        %get3A_628 = arith.index_cast %add3A_627 : i32 to index
        %get3A_629 = tpu.vector_load %arg8[%get3A_628] {strides = array<i32>} : memref<16384xf32, #tpu.memory_space<vmem>>, vector<16xf32>,
        %add3A_630 = arith.constant 96 : i32
        %add3A_631 = vector.broadcast %add3A_630 : i32 to vector<16xi32>
        %add3A_632 = arith.addi %iota3A, %add3A_631 : vector<16xi32>
        tpu.vector_store_idx %arg11[%broadcast_in_dim3A_579, %add3A_632], %get3A_629 {add = true} : memref<264x128xf32, #tpu.memory_space<vmem>>[vector<16xi32>, vector<16xi32>], vector<16xf32>,
        %add3A_633 = arith.constant 112 : i32
        %add3A_634 = arith.addi %mul3A_583, %add3A_633 : i32
        %get3A_635 = arith.index_cast %add3A_634 : i32 to index
        %get3A_636 = tpu.vector_load %arg8[%get3A_635] {strides = array<i32>} : memref<16384xf32, #tpu.memory_space<vmem>>, vector<16xf32>,
        %add3A_637 = arith.constant 112 : i32
        %add3A_638 = vector.broadcast %add3A_637 : i32 to vector<16xi32>
        %add3A_639 = arith.addi %iota3A, %add3A_638 : vector<16xi32>
        tpu.vector_store_idx %arg11[%broadcast_in_dim3A_579, %add3A_639], %get3A_636 {add = true} : memref<264x128xf32, #tpu.memory_space<vmem>>[vector<16xi32>, vector<16xi32>], vector<16xf32>,
        tpu.vector_store_idx %arg12[%broadcast_in_dim3A_579, %iota3A], %broadcast_in_dim3A_17 {add = true} : memref<264x16xf32, #tpu.memory_space<vmem>>[vector<16xi32>, vector<16xi32>], vector<16xf32>,
        %slice3A_640 = vector.extract_strided_slice %get3A_74 {offsets = [9], sizes = [1], strides = [1]} : vector<16xi32> to vector<1xi32>
        %squeeze3A_641 = vector.extract %slice3A_640[0] : i32 from vector<1xi32>
        %broadcast_in_dim3A_642 = vector.broadcast %squeeze3A_641 : i32 to vector<16xi32>
        %add3A_643 = arith.constant 9 : i32
        %add3A_644 = arith.addi %mul3A_70, %add3A_643 : i32
        %mul3A_645 = arith.constant 128 : i32
        %mul3A_646 = arith.muli %add3A_644, %mul3A_645 : i32
        %add3A_647 = arith.constant 0 : i32
        %add3A_648 = arith.addi %mul3A_646, %add3A_647 : i32
        %get3A_649 = arith.index_cast %add3A_648 : i32 to index
        %get3A_650 = tpu.vector_load %arg8[%get3A_649] {strides = array<i32>} : memref<16384xf32, #tpu.memory_space<vmem>>, vector<16xf32>,
        %add3A_651 = arith.constant 0 : i32
        %add3A_652 = vector.broadcast %add3A_651 : i32 to vector<16xi32>
        %add3A_653 = arith.addi %iota3A, %add3A_652 : vector<16xi32>
        tpu.vector_store_idx %arg11[%broadcast_in_dim3A_642, %add3A_653], %get3A_650 {add = true} : memref<264x128xf32, #tpu.memory_space<vmem>>[vector<16xi32>, vector<16xi32>], vector<16xf32>,
        %add3A_654 = arith.constant 16 : i32
        %add3A_655 = arith.addi %mul3A_646, %add3A_654 : i32
        %get3A_656 = arith.index_cast %add3A_655 : i32 to index
        %get3A_657 = tpu.vector_load %arg8[%get3A_656] {strides = array<i32>} : memref<16384xf32, #tpu.memory_space<vmem>>, vector<16xf32>,
        %add3A_658 = arith.constant 16 : i32
        %add3A_659 = vector.broadcast %add3A_658 : i32 to vector<16xi32>
        %add3A_660 = arith.addi %iota3A, %add3A_659 : vector<16xi32>
        tpu.vector_store_idx %arg11[%broadcast_in_dim3A_642, %add3A_660], %get3A_657 {add = true} : memref<264x128xf32, #tpu.memory_space<vmem>>[vector<16xi32>, vector<16xi32>], vector<16xf32>,
        %add3A_661 = arith.constant 32 : i32
        %add3A_662 = arith.addi %mul3A_646, %add3A_661 : i32
        %get3A_663 = arith.index_cast %add3A_662 : i32 to index
        %get3A_664 = tpu.vector_load %arg8[%get3A_663] {strides = array<i32>} : memref<16384xf32, #tpu.memory_space<vmem>>, vector<16xf32>,
        %add3A_665 = arith.constant 32 : i32
        %add3A_666 = vector.broadcast %add3A_665 : i32 to vector<16xi32>
        %add3A_667 = arith.addi %iota3A, %add3A_666 : vector<16xi32>
        tpu.vector_store_idx %arg11[%broadcast_in_dim3A_642, %add3A_667], %get3A_664 {add = true} : memref<264x128xf32, #tpu.memory_space<vmem>>[vector<16xi32>, vector<16xi32>], vector<16xf32>,
        %add3A_668 = arith.constant 48 : i32
        %add3A_669 = arith.addi %mul3A_646, %add3A_668 : i32
        %get3A_670 = arith.index_cast %add3A_669 : i32 to index
        %get3A_671 = tpu.vector_load %arg8[%get3A_670] {strides = array<i32>} : memref<16384xf32, #tpu.memory_space<vmem>>, vector<16xf32>,
        %add3A_672 = arith.constant 48 : i32
        %add3A_673 = vector.broadcast %add3A_672 : i32 to vector<16xi32>
        %add3A_674 = arith.addi %iota3A, %add3A_673 : vector<16xi32>
        tpu.vector_store_idx %arg11[%broadcast_in_dim3A_642, %add3A_674], %get3A_671 {add = true} : memref<264x128xf32, #tpu.memory_space<vmem>>[vector<16xi32>, vector<16xi32>], vector<16xf32>,
        %add3A_675 = arith.constant 64 : i32
        %add3A_676 = arith.addi %mul3A_646, %add3A_675 : i32
        %get3A_677 = arith.index_cast %add3A_676 : i32 to index
        %get3A_678 = tpu.vector_load %arg8[%get3A_677] {strides = array<i32>} : memref<16384xf32, #tpu.memory_space<vmem>>, vector<16xf32>,
        %add3A_679 = arith.constant 64 : i32
        %add3A_680 = vector.broadcast %add3A_679 : i32 to vector<16xi32>
        %add3A_681 = arith.addi %iota3A, %add3A_680 : vector<16xi32>
        tpu.vector_store_idx %arg11[%broadcast_in_dim3A_642, %add3A_681], %get3A_678 {add = true} : memref<264x128xf32, #tpu.memory_space<vmem>>[vector<16xi32>, vector<16xi32>], vector<16xf32>,
        %add3A_682 = arith.constant 80 : i32
        %add3A_683 = arith.addi %mul3A_646, %add3A_682 : i32
        %get3A_684 = arith.index_cast %add3A_683 : i32 to index
        %get3A_685 = tpu.vector_load %arg8[%get3A_684] {strides = array<i32>} : memref<16384xf32, #tpu.memory_space<vmem>>, vector<16xf32>,
        %add3A_686 = arith.constant 80 : i32
        %add3A_687 = vector.broadcast %add3A_686 : i32 to vector<16xi32>
        %add3A_688 = arith.addi %iota3A, %add3A_687 : vector<16xi32>
        tpu.vector_store_idx %arg11[%broadcast_in_dim3A_642, %add3A_688], %get3A_685 {add = true} : memref<264x128xf32, #tpu.memory_space<vmem>>[vector<16xi32>, vector<16xi32>], vector<16xf32>,
        %add3A_689 = arith.constant 96 : i32
        %add3A_690 = arith.addi %mul3A_646, %add3A_689 : i32
        %get3A_691 = arith.index_cast %add3A_690 : i32 to index
        %get3A_692 = tpu.vector_load %arg8[%get3A_691] {strides = array<i32>} : memref<16384xf32, #tpu.memory_space<vmem>>, vector<16xf32>,
        %add3A_693 = arith.constant 96 : i32
        %add3A_694 = vector.broadcast %add3A_693 : i32 to vector<16xi32>
        %add3A_695 = arith.addi %iota3A, %add3A_694 : vector<16xi32>
        tpu.vector_store_idx %arg11[%broadcast_in_dim3A_642, %add3A_695], %get3A_692 {add = true} : memref<264x128xf32, #tpu.memory_space<vmem>>[vector<16xi32>, vector<16xi32>], vector<16xf32>,
        %add3A_696 = arith.constant 112 : i32
        %add3A_697 = arith.addi %mul3A_646, %add3A_696 : i32
        %get3A_698 = arith.index_cast %add3A_697 : i32 to index
        %get3A_699 = tpu.vector_load %arg8[%get3A_698] {strides = array<i32>} : memref<16384xf32, #tpu.memory_space<vmem>>, vector<16xf32>,
        %add3A_700 = arith.constant 112 : i32
        %add3A_701 = vector.broadcast %add3A_700 : i32 to vector<16xi32>
        %add3A_702 = arith.addi %iota3A, %add3A_701 : vector<16xi32>
        tpu.vector_store_idx %arg11[%broadcast_in_dim3A_642, %add3A_702], %get3A_699 {add = true} : memref<264x128xf32, #tpu.memory_space<vmem>>[vector<16xi32>, vector<16xi32>], vector<16xf32>,
        tpu.vector_store_idx %arg12[%broadcast_in_dim3A_642, %iota3A], %broadcast_in_dim3A_17 {add = true} : memref<264x16xf32, #tpu.memory_space<vmem>>[vector<16xi32>, vector<16xi32>], vector<16xf32>,
        %slice3A_703 = vector.extract_strided_slice %get3A_74 {offsets = [10], sizes = [1], strides = [1]} : vector<16xi32> to vector<1xi32>
        %squeeze3A_704 = vector.extract %slice3A_703[0] : i32 from vector<1xi32>
        %broadcast_in_dim3A_705 = vector.broadcast %squeeze3A_704 : i32 to vector<16xi32>
        %add3A_706 = arith.constant 10 : i32
        %add3A_707 = arith.addi %mul3A_70, %add3A_706 : i32
        %mul3A_708 = arith.constant 128 : i32
        %mul3A_709 = arith.muli %add3A_707, %mul3A_708 : i32
        %add3A_710 = arith.constant 0 : i32
        %add3A_711 = arith.addi %mul3A_709, %add3A_710 : i32
        %get3A_712 = arith.index_cast %add3A_711 : i32 to index
        %get3A_713 = tpu.vector_load %arg8[%get3A_712] {strides = array<i32>} : memref<16384xf32, #tpu.memory_space<vmem>>, vector<16xf32>,
        %add3A_714 = arith.constant 0 : i32
        %add3A_715 = vector.broadcast %add3A_714 : i32 to vector<16xi32>
        %add3A_716 = arith.addi %iota3A, %add3A_715 : vector<16xi32>
        tpu.vector_store_idx %arg11[%broadcast_in_dim3A_705, %add3A_716], %get3A_713 {add = true} : memref<264x128xf32, #tpu.memory_space<vmem>>[vector<16xi32>, vector<16xi32>], vector<16xf32>,
        %add3A_717 = arith.constant 16 : i32
        %add3A_718 = arith.addi %mul3A_709, %add3A_717 : i32
        %get3A_719 = arith.index_cast %add3A_718 : i32 to index
        %get3A_720 = tpu.vector_load %arg8[%get3A_719] {strides = array<i32>} : memref<16384xf32, #tpu.memory_space<vmem>>, vector<16xf32>,
        %add3A_721 = arith.constant 16 : i32
        %add3A_722 = vector.broadcast %add3A_721 : i32 to vector<16xi32>
        %add3A_723 = arith.addi %iota3A, %add3A_722 : vector<16xi32>
        tpu.vector_store_idx %arg11[%broadcast_in_dim3A_705, %add3A_723], %get3A_720 {add = true} : memref<264x128xf32, #tpu.memory_space<vmem>>[vector<16xi32>, vector<16xi32>], vector<16xf32>,
        %add3A_724 = arith.constant 32 : i32
        %add3A_725 = arith.addi %mul3A_709, %add3A_724 : i32
        %get3A_726 = arith.index_cast %add3A_725 : i32 to index
        %get3A_727 = tpu.vector_load %arg8[%get3A_726] {strides = array<i32>} : memref<16384xf32, #tpu.memory_space<vmem>>, vector<16xf32>,
        %add3A_728 = arith.constant 32 : i32
        %add3A_729 = vector.broadcast %add3A_728 : i32 to vector<16xi32>
        %add3A_730 = arith.addi %iota3A, %add3A_729 : vector<16xi32>
        tpu.vector_store_idx %arg11[%broadcast_in_dim3A_705, %add3A_730], %get3A_727 {add = true} : memref<264x128xf32, #tpu.memory_space<vmem>>[vector<16xi32>, vector<16xi32>], vector<16xf32>,
        %add3A_731 = arith.constant 48 : i32
        %add3A_732 = arith.addi %mul3A_709, %add3A_731 : i32
        %get3A_733 = arith.index_cast %add3A_732 : i32 to index
        %get3A_734 = tpu.vector_load %arg8[%get3A_733] {strides = array<i32>} : memref<16384xf32, #tpu.memory_space<vmem>>, vector<16xf32>,
        %add3A_735 = arith.constant 48 : i32
        %add3A_736 = vector.broadcast %add3A_735 : i32 to vector<16xi32>
        %add3A_737 = arith.addi %iota3A, %add3A_736 : vector<16xi32>
        tpu.vector_store_idx %arg11[%broadcast_in_dim3A_705, %add3A_737], %get3A_734 {add = true} : memref<264x128xf32, #tpu.memory_space<vmem>>[vector<16xi32>, vector<16xi32>], vector<16xf32>,
        %add3A_738 = arith.constant 64 : i32
        %add3A_739 = arith.addi %mul3A_709, %add3A_738 : i32
        %get3A_740 = arith.index_cast %add3A_739 : i32 to index
        %get3A_741 = tpu.vector_load %arg8[%get3A_740] {strides = array<i32>} : memref<16384xf32, #tpu.memory_space<vmem>>, vector<16xf32>,
        %add3A_742 = arith.constant 64 : i32
        %add3A_743 = vector.broadcast %add3A_742 : i32 to vector<16xi32>
        %add3A_744 = arith.addi %iota3A, %add3A_743 : vector<16xi32>
        tpu.vector_store_idx %arg11[%broadcast_in_dim3A_705, %add3A_744], %get3A_741 {add = true} : memref<264x128xf32, #tpu.memory_space<vmem>>[vector<16xi32>, vector<16xi32>], vector<16xf32>,
        %add3A_745 = arith.constant 80 : i32
        %add3A_746 = arith.addi %mul3A_709, %add3A_745 : i32
        %get3A_747 = arith.index_cast %add3A_746 : i32 to index
        %get3A_748 = tpu.vector_load %arg8[%get3A_747] {strides = array<i32>} : memref<16384xf32, #tpu.memory_space<vmem>>, vector<16xf32>,
        %add3A_749 = arith.constant 80 : i32
        %add3A_750 = vector.broadcast %add3A_749 : i32 to vector<16xi32>
        %add3A_751 = arith.addi %iota3A, %add3A_750 : vector<16xi32>
        tpu.vector_store_idx %arg11[%broadcast_in_dim3A_705, %add3A_751], %get3A_748 {add = true} : memref<264x128xf32, #tpu.memory_space<vmem>>[vector<16xi32>, vector<16xi32>], vector<16xf32>,
        %add3A_752 = arith.constant 96 : i32
        %add3A_753 = arith.addi %mul3A_709, %add3A_752 : i32
        %get3A_754 = arith.index_cast %add3A_753 : i32 to index
        %get3A_755 = tpu.vector_load %arg8[%get3A_754] {strides = array<i32>} : memref<16384xf32, #tpu.memory_space<vmem>>, vector<16xf32>,
        %add3A_756 = arith.constant 96 : i32
        %add3A_757 = vector.broadcast %add3A_756 : i32 to vector<16xi32>
        %add3A_758 = arith.addi %iota3A, %add3A_757 : vector<16xi32>
        tpu.vector_store_idx %arg11[%broadcast_in_dim3A_705, %add3A_758], %get3A_755 {add = true} : memref<264x128xf32, #tpu.memory_space<vmem>>[vector<16xi32>, vector<16xi32>], vector<16xf32>,
        %add3A_759 = arith.constant 112 : i32
        %add3A_760 = arith.addi %mul3A_709, %add3A_759 : i32
        %get3A_761 = arith.index_cast %add3A_760 : i32 to index
        %get3A_762 = tpu.vector_load %arg8[%get3A_761] {strides = array<i32>} : memref<16384xf32, #tpu.memory_space<vmem>>, vector<16xf32>,
        %add3A_763 = arith.constant 112 : i32
        %add3A_764 = vector.broadcast %add3A_763 : i32 to vector<16xi32>
        %add3A_765 = arith.addi %iota3A, %add3A_764 : vector<16xi32>
        tpu.vector_store_idx %arg11[%broadcast_in_dim3A_705, %add3A_765], %get3A_762 {add = true} : memref<264x128xf32, #tpu.memory_space<vmem>>[vector<16xi32>, vector<16xi32>], vector<16xf32>,
        tpu.vector_store_idx %arg12[%broadcast_in_dim3A_705, %iota3A], %broadcast_in_dim3A_17 {add = true} : memref<264x16xf32, #tpu.memory_space<vmem>>[vector<16xi32>, vector<16xi32>], vector<16xf32>,
        %slice3A_766 = vector.extract_strided_slice %get3A_74 {offsets = [11], sizes = [1], strides = [1]} : vector<16xi32> to vector<1xi32>
        %squeeze3A_767 = vector.extract %slice3A_766[0] : i32 from vector<1xi32>
        %broadcast_in_dim3A_768 = vector.broadcast %squeeze3A_767 : i32 to vector<16xi32>
        %add3A_769 = arith.constant 11 : i32
        %add3A_770 = arith.addi %mul3A_70, %add3A_769 : i32
        %mul3A_771 = arith.constant 128 : i32
        %mul3A_772 = arith.muli %add3A_770, %mul3A_771 : i32
        %add3A_773 = arith.constant 0 : i32
        %add3A_774 = arith.addi %mul3A_772, %add3A_773 : i32
        %get3A_775 = arith.index_cast %add3A_774 : i32 to index
        %get3A_776 = tpu.vector_load %arg8[%get3A_775] {strides = array<i32>} : memref<16384xf32, #tpu.memory_space<vmem>>, vector<16xf32>,
        %add3A_777 = arith.constant 0 : i32
        %add3A_778 = vector.broadcast %add3A_777 : i32 to vector<16xi32>
        %add3A_779 = arith.addi %iota3A, %add3A_778 : vector<16xi32>
        tpu.vector_store_idx %arg11[%broadcast_in_dim3A_768, %add3A_779], %get3A_776 {add = true} : memref<264x128xf32, #tpu.memory_space<vmem>>[vector<16xi32>, vector<16xi32>], vector<16xf32>,
        %add3A_780 = arith.constant 16 : i32
        %add3A_781 = arith.addi %mul3A_772, %add3A_780 : i32
        %get3A_782 = arith.index_cast %add3A_781 : i32 to index
        %get3A_783 = tpu.vector_load %arg8[%get3A_782] {strides = array<i32>} : memref<16384xf32, #tpu.memory_space<vmem>>, vector<16xf32>,
        %add3A_784 = arith.constant 16 : i32
        %add3A_785 = vector.broadcast %add3A_784 : i32 to vector<16xi32>
        %add3A_786 = arith.addi %iota3A, %add3A_785 : vector<16xi32>
        tpu.vector_store_idx %arg11[%broadcast_in_dim3A_768, %add3A_786], %get3A_783 {add = true} : memref<264x128xf32, #tpu.memory_space<vmem>>[vector<16xi32>, vector<16xi32>], vector<16xf32>,
        %add3A_787 = arith.constant 32 : i32
        %add3A_788 = arith.addi %mul3A_772, %add3A_787 : i32
        %get3A_789 = arith.index_cast %add3A_788 : i32 to index
        %get3A_790 = tpu.vector_load %arg8[%get3A_789] {strides = array<i32>} : memref<16384xf32, #tpu.memory_space<vmem>>, vector<16xf32>,
        %add3A_791 = arith.constant 32 : i32
        %add3A_792 = vector.broadcast %add3A_791 : i32 to vector<16xi32>
        %add3A_793 = arith.addi %iota3A, %add3A_792 : vector<16xi32>
        tpu.vector_store_idx %arg11[%broadcast_in_dim3A_768, %add3A_793], %get3A_790 {add = true} : memref<264x128xf32, #tpu.memory_space<vmem>>[vector<16xi32>, vector<16xi32>], vector<16xf32>,
        %add3A_794 = arith.constant 48 : i32
        %add3A_795 = arith.addi %mul3A_772, %add3A_794 : i32
        %get3A_796 = arith.index_cast %add3A_795 : i32 to index
        %get3A_797 = tpu.vector_load %arg8[%get3A_796] {strides = array<i32>} : memref<16384xf32, #tpu.memory_space<vmem>>, vector<16xf32>,
        %add3A_798 = arith.constant 48 : i32
        %add3A_799 = vector.broadcast %add3A_798 : i32 to vector<16xi32>
        %add3A_800 = arith.addi %iota3A, %add3A_799 : vector<16xi32>
        tpu.vector_store_idx %arg11[%broadcast_in_dim3A_768, %add3A_800], %get3A_797 {add = true} : memref<264x128xf32, #tpu.memory_space<vmem>>[vector<16xi32>, vector<16xi32>], vector<16xf32>,
        %add3A_801 = arith.constant 64 : i32
        %add3A_802 = arith.addi %mul3A_772, %add3A_801 : i32
        %get3A_803 = arith.index_cast %add3A_802 : i32 to index
        %get3A_804 = tpu.vector_load %arg8[%get3A_803] {strides = array<i32>} : memref<16384xf32, #tpu.memory_space<vmem>>, vector<16xf32>,
        %add3A_805 = arith.constant 64 : i32
        %add3A_806 = vector.broadcast %add3A_805 : i32 to vector<16xi32>
        %add3A_807 = arith.addi %iota3A, %add3A_806 : vector<16xi32>
        tpu.vector_store_idx %arg11[%broadcast_in_dim3A_768, %add3A_807], %get3A_804 {add = true} : memref<264x128xf32, #tpu.memory_space<vmem>>[vector<16xi32>, vector<16xi32>], vector<16xf32>,
        %add3A_808 = arith.constant 80 : i32
        %add3A_809 = arith.addi %mul3A_772, %add3A_808 : i32
        %get3A_810 = arith.index_cast %add3A_809 : i32 to index
        %get3A_811 = tpu.vector_load %arg8[%get3A_810] {strides = array<i32>} : memref<16384xf32, #tpu.memory_space<vmem>>, vector<16xf32>,
        %add3A_812 = arith.constant 80 : i32
        %add3A_813 = vector.broadcast %add3A_812 : i32 to vector<16xi32>
        %add3A_814 = arith.addi %iota3A, %add3A_813 : vector<16xi32>
        tpu.vector_store_idx %arg11[%broadcast_in_dim3A_768, %add3A_814], %get3A_811 {add = true} : memref<264x128xf32, #tpu.memory_space<vmem>>[vector<16xi32>, vector<16xi32>], vector<16xf32>,
        %add3A_815 = arith.constant 96 : i32
        %add3A_816 = arith.addi %mul3A_772, %add3A_815 : i32
        %get3A_817 = arith.index_cast %add3A_816 : i32 to index
        %get3A_818 = tpu.vector_load %arg8[%get3A_817] {strides = array<i32>} : memref<16384xf32, #tpu.memory_space<vmem>>, vector<16xf32>,
        %add3A_819 = arith.constant 96 : i32
        %add3A_820 = vector.broadcast %add3A_819 : i32 to vector<16xi32>
        %add3A_821 = arith.addi %iota3A, %add3A_820 : vector<16xi32>
        tpu.vector_store_idx %arg11[%broadcast_in_dim3A_768, %add3A_821], %get3A_818 {add = true} : memref<264x128xf32, #tpu.memory_space<vmem>>[vector<16xi32>, vector<16xi32>], vector<16xf32>,
        %add3A_822 = arith.constant 112 : i32
        %add3A_823 = arith.addi %mul3A_772, %add3A_822 : i32
        %get3A_824 = arith.index_cast %add3A_823 : i32 to index
        %get3A_825 = tpu.vector_load %arg8[%get3A_824] {strides = array<i32>} : memref<16384xf32, #tpu.memory_space<vmem>>, vector<16xf32>,
        %add3A_826 = arith.constant 112 : i32
        %add3A_827 = vector.broadcast %add3A_826 : i32 to vector<16xi32>
        %add3A_828 = arith.addi %iota3A, %add3A_827 : vector<16xi32>
        tpu.vector_store_idx %arg11[%broadcast_in_dim3A_768, %add3A_828], %get3A_825 {add = true} : memref<264x128xf32, #tpu.memory_space<vmem>>[vector<16xi32>, vector<16xi32>], vector<16xf32>,
        tpu.vector_store_idx %arg12[%broadcast_in_dim3A_768, %iota3A], %broadcast_in_dim3A_17 {add = true} : memref<264x16xf32, #tpu.memory_space<vmem>>[vector<16xi32>, vector<16xi32>], vector<16xf32>,
        %slice3A_829 = vector.extract_strided_slice %get3A_74 {offsets = [12], sizes = [1], strides = [1]} : vector<16xi32> to vector<1xi32>
        %squeeze3A_830 = vector.extract %slice3A_829[0] : i32 from vector<1xi32>
        %broadcast_in_dim3A_831 = vector.broadcast %squeeze3A_830 : i32 to vector<16xi32>
        %add3A_832 = arith.constant 12 : i32
        %add3A_833 = arith.addi %mul3A_70, %add3A_832 : i32
        %mul3A_834 = arith.constant 128 : i32
        %mul3A_835 = arith.muli %add3A_833, %mul3A_834 : i32
        %add3A_836 = arith.constant 0 : i32
        %add3A_837 = arith.addi %mul3A_835, %add3A_836 : i32
        %get3A_838 = arith.index_cast %add3A_837 : i32 to index
        %get3A_839 = tpu.vector_load %arg8[%get3A_838] {strides = array<i32>} : memref<16384xf32, #tpu.memory_space<vmem>>, vector<16xf32>,
        %add3A_840 = arith.constant 0 : i32
        %add3A_841 = vector.broadcast %add3A_840 : i32 to vector<16xi32>
        %add3A_842 = arith.addi %iota3A, %add3A_841 : vector<16xi32>
        tpu.vector_store_idx %arg11[%broadcast_in_dim3A_831, %add3A_842], %get3A_839 {add = true} : memref<264x128xf32, #tpu.memory_space<vmem>>[vector<16xi32>, vector<16xi32>], vector<16xf32>,
        %add3A_843 = arith.constant 16 : i32
        %add3A_844 = arith.addi %mul3A_835, %add3A_843 : i32
        %get3A_845 = arith.index_cast %add3A_844 : i32 to index
        %get3A_846 = tpu.vector_load %arg8[%get3A_845] {strides = array<i32>} : memref<16384xf32, #tpu.memory_space<vmem>>, vector<16xf32>,
        %add3A_847 = arith.constant 16 : i32
        %add3A_848 = vector.broadcast %add3A_847 : i32 to vector<16xi32>
        %add3A_849 = arith.addi %iota3A, %add3A_848 : vector<16xi32>
        tpu.vector_store_idx %arg11[%broadcast_in_dim3A_831, %add3A_849], %get3A_846 {add = true} : memref<264x128xf32, #tpu.memory_space<vmem>>[vector<16xi32>, vector<16xi32>], vector<16xf32>,
        %add3A_850 = arith.constant 32 : i32
        %add3A_851 = arith.addi %mul3A_835, %add3A_850 : i32
        %get3A_852 = arith.index_cast %add3A_851 : i32 to index
        %get3A_853 = tpu.vector_load %arg8[%get3A_852] {strides = array<i32>} : memref<16384xf32, #tpu.memory_space<vmem>>, vector<16xf32>,
        %add3A_854 = arith.constant 32 : i32
        %add3A_855 = vector.broadcast %add3A_854 : i32 to vector<16xi32>
        %add3A_856 = arith.addi %iota3A, %add3A_855 : vector<16xi32>
        tpu.vector_store_idx %arg11[%broadcast_in_dim3A_831, %add3A_856], %get3A_853 {add = true} : memref<264x128xf32, #tpu.memory_space<vmem>>[vector<16xi32>, vector<16xi32>], vector<16xf32>,
        %add3A_857 = arith.constant 48 : i32
        %add3A_858 = arith.addi %mul3A_835, %add3A_857 : i32
        %get3A_859 = arith.index_cast %add3A_858 : i32 to index
        %get3A_860 = tpu.vector_load %arg8[%get3A_859] {strides = array<i32>} : memref<16384xf32, #tpu.memory_space<vmem>>, vector<16xf32>,
        %add3A_861 = arith.constant 48 : i32
        %add3A_862 = vector.broadcast %add3A_861 : i32 to vector<16xi32>
        %add3A_863 = arith.addi %iota3A, %add3A_862 : vector<16xi32>
        tpu.vector_store_idx %arg11[%broadcast_in_dim3A_831, %add3A_863], %get3A_860 {add = true} : memref<264x128xf32, #tpu.memory_space<vmem>>[vector<16xi32>, vector<16xi32>], vector<16xf32>,
        %add3A_864 = arith.constant 64 : i32
        %add3A_865 = arith.addi %mul3A_835, %add3A_864 : i32
        %get3A_866 = arith.index_cast %add3A_865 : i32 to index
        %get3A_867 = tpu.vector_load %arg8[%get3A_866] {strides = array<i32>} : memref<16384xf32, #tpu.memory_space<vmem>>, vector<16xf32>,
        %add3A_868 = arith.constant 64 : i32
        %add3A_869 = vector.broadcast %add3A_868 : i32 to vector<16xi32>
        %add3A_870 = arith.addi %iota3A, %add3A_869 : vector<16xi32>
        tpu.vector_store_idx %arg11[%broadcast_in_dim3A_831, %add3A_870], %get3A_867 {add = true} : memref<264x128xf32, #tpu.memory_space<vmem>>[vector<16xi32>, vector<16xi32>], vector<16xf32>,
        %add3A_871 = arith.constant 80 : i32
        %add3A_872 = arith.addi %mul3A_835, %add3A_871 : i32
        %get3A_873 = arith.index_cast %add3A_872 : i32 to index
        %get3A_874 = tpu.vector_load %arg8[%get3A_873] {strides = array<i32>} : memref<16384xf32, #tpu.memory_space<vmem>>, vector<16xf32>,
        %add3A_875 = arith.constant 80 : i32
        %add3A_876 = vector.broadcast %add3A_875 : i32 to vector<16xi32>
        %add3A_877 = arith.addi %iota3A, %add3A_876 : vector<16xi32>
        tpu.vector_store_idx %arg11[%broadcast_in_dim3A_831, %add3A_877], %get3A_874 {add = true} : memref<264x128xf32, #tpu.memory_space<vmem>>[vector<16xi32>, vector<16xi32>], vector<16xf32>,
        %add3A_878 = arith.constant 96 : i32
        %add3A_879 = arith.addi %mul3A_835, %add3A_878 : i32
        %get3A_880 = arith.index_cast %add3A_879 : i32 to index
        %get3A_881 = tpu.vector_load %arg8[%get3A_880] {strides = array<i32>} : memref<16384xf32, #tpu.memory_space<vmem>>, vector<16xf32>,
        %add3A_882 = arith.constant 96 : i32
        %add3A_883 = vector.broadcast %add3A_882 : i32 to vector<16xi32>
        %add3A_884 = arith.addi %iota3A, %add3A_883 : vector<16xi32>
        tpu.vector_store_idx %arg11[%broadcast_in_dim3A_831, %add3A_884], %get3A_881 {add = true} : memref<264x128xf32, #tpu.memory_space<vmem>>[vector<16xi32>, vector<16xi32>], vector<16xf32>,
        %add3A_885 = arith.constant 112 : i32
        %add3A_886 = arith.addi %mul3A_835, %add3A_885 : i32
        %get3A_887 = arith.index_cast %add3A_886 : i32 to index
        %get3A_888 = tpu.vector_load %arg8[%get3A_887] {strides = array<i32>} : memref<16384xf32, #tpu.memory_space<vmem>>, vector<16xf32>,
        %add3A_889 = arith.constant 112 : i32
        %add3A_890 = vector.broadcast %add3A_889 : i32 to vector<16xi32>
        %add3A_891 = arith.addi %iota3A, %add3A_890 : vector<16xi32>
        tpu.vector_store_idx %arg11[%broadcast_in_dim3A_831, %add3A_891], %get3A_888 {add = true} : memref<264x128xf32, #tpu.memory_space<vmem>>[vector<16xi32>, vector<16xi32>], vector<16xf32>,
        tpu.vector_store_idx %arg12[%broadcast_in_dim3A_831, %iota3A], %broadcast_in_dim3A_17 {add = true} : memref<264x16xf32, #tpu.memory_space<vmem>>[vector<16xi32>, vector<16xi32>], vector<16xf32>,
        %slice3A_892 = vector.extract_strided_slice %get3A_74 {offsets = [13], sizes = [1], strides = [1]} : vector<16xi32> to vector<1xi32>
        %squeeze3A_893 = vector.extract %slice3A_892[0] : i32 from vector<1xi32>
        %broadcast_in_dim3A_894 = vector.broadcast %squeeze3A_893 : i32 to vector<16xi32>
        %add3A_895 = arith.constant 13 : i32
        %add3A_896 = arith.addi %mul3A_70, %add3A_895 : i32
        %mul3A_897 = arith.constant 128 : i32
        %mul3A_898 = arith.muli %add3A_896, %mul3A_897 : i32
        %add3A_899 = arith.constant 0 : i32
        %add3A_900 = arith.addi %mul3A_898, %add3A_899 : i32
        %get3A_901 = arith.index_cast %add3A_900 : i32 to index
        %get3A_902 = tpu.vector_load %arg8[%get3A_901] {strides = array<i32>} : memref<16384xf32, #tpu.memory_space<vmem>>, vector<16xf32>,
        %add3A_903 = arith.constant 0 : i32
        %add3A_904 = vector.broadcast %add3A_903 : i32 to vector<16xi32>
        %add3A_905 = arith.addi %iota3A, %add3A_904 : vector<16xi32>
        tpu.vector_store_idx %arg11[%broadcast_in_dim3A_894, %add3A_905], %get3A_902 {add = true} : memref<264x128xf32, #tpu.memory_space<vmem>>[vector<16xi32>, vector<16xi32>], vector<16xf32>,
        %add3A_906 = arith.constant 16 : i32
        %add3A_907 = arith.addi %mul3A_898, %add3A_906 : i32
        %get3A_908 = arith.index_cast %add3A_907 : i32 to index
        %get3A_909 = tpu.vector_load %arg8[%get3A_908] {strides = array<i32>} : memref<16384xf32, #tpu.memory_space<vmem>>, vector<16xf32>,
        %add3A_910 = arith.constant 16 : i32
        %add3A_911 = vector.broadcast %add3A_910 : i32 to vector<16xi32>
        %add3A_912 = arith.addi %iota3A, %add3A_911 : vector<16xi32>
        tpu.vector_store_idx %arg11[%broadcast_in_dim3A_894, %add3A_912], %get3A_909 {add = true} : memref<264x128xf32, #tpu.memory_space<vmem>>[vector<16xi32>, vector<16xi32>], vector<16xf32>,
        %add3A_913 = arith.constant 32 : i32
        %add3A_914 = arith.addi %mul3A_898, %add3A_913 : i32
        %get3A_915 = arith.index_cast %add3A_914 : i32 to index
        %get3A_916 = tpu.vector_load %arg8[%get3A_915] {strides = array<i32>} : memref<16384xf32, #tpu.memory_space<vmem>>, vector<16xf32>,
        %add3A_917 = arith.constant 32 : i32
        %add3A_918 = vector.broadcast %add3A_917 : i32 to vector<16xi32>
        %add3A_919 = arith.addi %iota3A, %add3A_918 : vector<16xi32>
        tpu.vector_store_idx %arg11[%broadcast_in_dim3A_894, %add3A_919], %get3A_916 {add = true} : memref<264x128xf32, #tpu.memory_space<vmem>>[vector<16xi32>, vector<16xi32>], vector<16xf32>,
        %add3A_920 = arith.constant 48 : i32
        %add3A_921 = arith.addi %mul3A_898, %add3A_920 : i32
        %get3A_922 = arith.index_cast %add3A_921 : i32 to index
        %get3A_923 = tpu.vector_load %arg8[%get3A_922] {strides = array<i32>} : memref<16384xf32, #tpu.memory_space<vmem>>, vector<16xf32>,
        %add3A_924 = arith.constant 48 : i32
        %add3A_925 = vector.broadcast %add3A_924 : i32 to vector<16xi32>
        %add3A_926 = arith.addi %iota3A, %add3A_925 : vector<16xi32>
        tpu.vector_store_idx %arg11[%broadcast_in_dim3A_894, %add3A_926], %get3A_923 {add = true} : memref<264x128xf32, #tpu.memory_space<vmem>>[vector<16xi32>, vector<16xi32>], vector<16xf32>,
        %add3A_927 = arith.constant 64 : i32
        %add3A_928 = arith.addi %mul3A_898, %add3A_927 : i32
        %get3A_929 = arith.index_cast %add3A_928 : i32 to index
        %get3A_930 = tpu.vector_load %arg8[%get3A_929] {strides = array<i32>} : memref<16384xf32, #tpu.memory_space<vmem>>, vector<16xf32>,
        %add3A_931 = arith.constant 64 : i32
        %add3A_932 = vector.broadcast %add3A_931 : i32 to vector<16xi32>
        %add3A_933 = arith.addi %iota3A, %add3A_932 : vector<16xi32>
        tpu.vector_store_idx %arg11[%broadcast_in_dim3A_894, %add3A_933], %get3A_930 {add = true} : memref<264x128xf32, #tpu.memory_space<vmem>>[vector<16xi32>, vector<16xi32>], vector<16xf32>,
        %add3A_934 = arith.constant 80 : i32
        %add3A_935 = arith.addi %mul3A_898, %add3A_934 : i32
        %get3A_936 = arith.index_cast %add3A_935 : i32 to index
        %get3A_937 = tpu.vector_load %arg8[%get3A_936] {strides = array<i32>} : memref<16384xf32, #tpu.memory_space<vmem>>, vector<16xf32>,
        %add3A_938 = arith.constant 80 : i32
        %add3A_939 = vector.broadcast %add3A_938 : i32 to vector<16xi32>
        %add3A_940 = arith.addi %iota3A, %add3A_939 : vector<16xi32>
        tpu.vector_store_idx %arg11[%broadcast_in_dim3A_894, %add3A_940], %get3A_937 {add = true} : memref<264x128xf32, #tpu.memory_space<vmem>>[vector<16xi32>, vector<16xi32>], vector<16xf32>,
        %add3A_941 = arith.constant 96 : i32
        %add3A_942 = arith.addi %mul3A_898, %add3A_941 : i32
        %get3A_943 = arith.index_cast %add3A_942 : i32 to index
        %get3A_944 = tpu.vector_load %arg8[%get3A_943] {strides = array<i32>} : memref<16384xf32, #tpu.memory_space<vmem>>, vector<16xf32>,
        %add3A_945 = arith.constant 96 : i32
        %add3A_946 = vector.broadcast %add3A_945 : i32 to vector<16xi32>
        %add3A_947 = arith.addi %iota3A, %add3A_946 : vector<16xi32>
        tpu.vector_store_idx %arg11[%broadcast_in_dim3A_894, %add3A_947], %get3A_944 {add = true} : memref<264x128xf32, #tpu.memory_space<vmem>>[vector<16xi32>, vector<16xi32>], vector<16xf32>,
        %add3A_948 = arith.constant 112 : i32
        %add3A_949 = arith.addi %mul3A_898, %add3A_948 : i32
        %get3A_950 = arith.index_cast %add3A_949 : i32 to index
        %get3A_951 = tpu.vector_load %arg8[%get3A_950] {strides = array<i32>} : memref<16384xf32, #tpu.memory_space<vmem>>, vector<16xf32>,
        %add3A_952 = arith.constant 112 : i32
        %add3A_953 = vector.broadcast %add3A_952 : i32 to vector<16xi32>
        %add3A_954 = arith.addi %iota3A, %add3A_953 : vector<16xi32>
        tpu.vector_store_idx %arg11[%broadcast_in_dim3A_894, %add3A_954], %get3A_951 {add = true} : memref<264x128xf32, #tpu.memory_space<vmem>>[vector<16xi32>, vector<16xi32>], vector<16xf32>,
        tpu.vector_store_idx %arg12[%broadcast_in_dim3A_894, %iota3A], %broadcast_in_dim3A_17 {add = true} : memref<264x16xf32, #tpu.memory_space<vmem>>[vector<16xi32>, vector<16xi32>], vector<16xf32>,
        %slice3A_955 = vector.extract_strided_slice %get3A_74 {offsets = [14], sizes = [1], strides = [1]} : vector<16xi32> to vector<1xi32>
        %squeeze3A_956 = vector.extract %slice3A_955[0] : i32 from vector<1xi32>
        %broadcast_in_dim3A_957 = vector.broadcast %squeeze3A_956 : i32 to vector<16xi32>
        %add3A_958 = arith.constant 14 : i32
        %add3A_959 = arith.addi %mul3A_70, %add3A_958 : i32
        %mul3A_960 = arith.constant 128 : i32
        %mul3A_961 = arith.muli %add3A_959, %mul3A_960 : i32
        %add3A_962 = arith.constant 0 : i32
        %add3A_963 = arith.addi %mul3A_961, %add3A_962 : i32
        %get3A_964 = arith.index_cast %add3A_963 : i32 to index
        %get3A_965 = tpu.vector_load %arg8[%get3A_964] {strides = array<i32>} : memref<16384xf32, #tpu.memory_space<vmem>>, vector<16xf32>,
        %add3A_966 = arith.constant 0 : i32
        %add3A_967 = vector.broadcast %add3A_966 : i32 to vector<16xi32>
        %add3A_968 = arith.addi %iota3A, %add3A_967 : vector<16xi32>
        tpu.vector_store_idx %arg11[%broadcast_in_dim3A_957, %add3A_968], %get3A_965 {add = true} : memref<264x128xf32, #tpu.memory_space<vmem>>[vector<16xi32>, vector<16xi32>], vector<16xf32>,
        %add3A_969 = arith.constant 16 : i32
        %add3A_970 = arith.addi %mul3A_961, %add3A_969 : i32
        %get3A_971 = arith.index_cast %add3A_970 : i32 to index
        %get3A_972 = tpu.vector_load %arg8[%get3A_971] {strides = array<i32>} : memref<16384xf32, #tpu.memory_space<vmem>>, vector<16xf32>,
        %add3A_973 = arith.constant 16 : i32
        %add3A_974 = vector.broadcast %add3A_973 : i32 to vector<16xi32>
        %add3A_975 = arith.addi %iota3A, %add3A_974 : vector<16xi32>
        tpu.vector_store_idx %arg11[%broadcast_in_dim3A_957, %add3A_975], %get3A_972 {add = true} : memref<264x128xf32, #tpu.memory_space<vmem>>[vector<16xi32>, vector<16xi32>], vector<16xf32>,
        %add3A_976 = arith.constant 32 : i32
        %add3A_977 = arith.addi %mul3A_961, %add3A_976 : i32
        %get3A_978 = arith.index_cast %add3A_977 : i32 to index
        %get3A_979 = tpu.vector_load %arg8[%get3A_978] {strides = array<i32>} : memref<16384xf32, #tpu.memory_space<vmem>>, vector<16xf32>,
        %add3A_980 = arith.constant 32 : i32
        %add3A_981 = vector.broadcast %add3A_980 : i32 to vector<16xi32>
        %add3A_982 = arith.addi %iota3A, %add3A_981 : vector<16xi32>
        tpu.vector_store_idx %arg11[%broadcast_in_dim3A_957, %add3A_982], %get3A_979 {add = true} : memref<264x128xf32, #tpu.memory_space<vmem>>[vector<16xi32>, vector<16xi32>], vector<16xf32>,
        %add3A_983 = arith.constant 48 : i32
        %add3A_984 = arith.addi %mul3A_961, %add3A_983 : i32
        %get3A_985 = arith.index_cast %add3A_984 : i32 to index
        %get3A_986 = tpu.vector_load %arg8[%get3A_985] {strides = array<i32>} : memref<16384xf32, #tpu.memory_space<vmem>>, vector<16xf32>,
        %add3A_987 = arith.constant 48 : i32
        %add3A_988 = vector.broadcast %add3A_987 : i32 to vector<16xi32>
        %add3A_989 = arith.addi %iota3A, %add3A_988 : vector<16xi32>
        tpu.vector_store_idx %arg11[%broadcast_in_dim3A_957, %add3A_989], %get3A_986 {add = true} : memref<264x128xf32, #tpu.memory_space<vmem>>[vector<16xi32>, vector<16xi32>], vector<16xf32>,
        %add3A_990 = arith.constant 64 : i32
        %add3A_991 = arith.addi %mul3A_961, %add3A_990 : i32
        %get3A_992 = arith.index_cast %add3A_991 : i32 to index
        %get3A_993 = tpu.vector_load %arg8[%get3A_992] {strides = array<i32>} : memref<16384xf32, #tpu.memory_space<vmem>>, vector<16xf32>,
        %add3A_994 = arith.constant 64 : i32
        %add3A_995 = vector.broadcast %add3A_994 : i32 to vector<16xi32>
        %add3A_996 = arith.addi %iota3A, %add3A_995 : vector<16xi32>
        tpu.vector_store_idx %arg11[%broadcast_in_dim3A_957, %add3A_996], %get3A_993 {add = true} : memref<264x128xf32, #tpu.memory_space<vmem>>[vector<16xi32>, vector<16xi32>], vector<16xf32>,
        %add3A_997 = arith.constant 80 : i32
        %add3A_998 = arith.addi %mul3A_961, %add3A_997 : i32
        %get3A_999 = arith.index_cast %add3A_998 : i32 to index
        %get3A_1000 = tpu.vector_load %arg8[%get3A_999] {strides = array<i32>} : memref<16384xf32, #tpu.memory_space<vmem>>, vector<16xf32>,
        %add3A_1001 = arith.constant 80 : i32
        %add3A_1002 = vector.broadcast %add3A_1001 : i32 to vector<16xi32>
        %add3A_1003 = arith.addi %iota3A, %add3A_1002 : vector<16xi32>
        tpu.vector_store_idx %arg11[%broadcast_in_dim3A_957, %add3A_1003], %get3A_1000 {add = true} : memref<264x128xf32, #tpu.memory_space<vmem>>[vector<16xi32>, vector<16xi32>], vector<16xf32>,
        %add3A_1004 = arith.constant 96 : i32
        %add3A_1005 = arith.addi %mul3A_961, %add3A_1004 : i32
        %get3A_1006 = arith.index_cast %add3A_1005 : i32 to index
        %get3A_1007 = tpu.vector_load %arg8[%get3A_1006] {strides = array<i32>} : memref<16384xf32, #tpu.memory_space<vmem>>, vector<16xf32>,
        %add3A_1008 = arith.constant 96 : i32
        %add3A_1009 = vector.broadcast %add3A_1008 : i32 to vector<16xi32>
        %add3A_1010 = arith.addi %iota3A, %add3A_1009 : vector<16xi32>
        tpu.vector_store_idx %arg11[%broadcast_in_dim3A_957, %add3A_1010], %get3A_1007 {add = true} : memref<264x128xf32, #tpu.memory_space<vmem>>[vector<16xi32>, vector<16xi32>], vector<16xf32>,
        %add3A_1011 = arith.constant 112 : i32
        %add3A_1012 = arith.addi %mul3A_961, %add3A_1011 : i32
        %get3A_1013 = arith.index_cast %add3A_1012 : i32 to index
        %get3A_1014 = tpu.vector_load %arg8[%get3A_1013] {strides = array<i32>} : memref<16384xf32, #tpu.memory_space<vmem>>, vector<16xf32>,
        %add3A_1015 = arith.constant 112 : i32
        %add3A_1016 = vector.broadcast %add3A_1015 : i32 to vector<16xi32>
        %add3A_1017 = arith.addi %iota3A, %add3A_1016 : vector<16xi32>
        tpu.vector_store_idx %arg11[%broadcast_in_dim3A_957, %add3A_1017], %get3A_1014 {add = true} : memref<264x128xf32, #tpu.memory_space<vmem>>[vector<16xi32>, vector<16xi32>], vector<16xf32>,
        tpu.vector_store_idx %arg12[%broadcast_in_dim3A_957, %iota3A], %broadcast_in_dim3A_17 {add = true} : memref<264x16xf32, #tpu.memory_space<vmem>>[vector<16xi32>, vector<16xi32>], vector<16xf32>,
        %slice3A_1018 = vector.extract_strided_slice %get3A_74 {offsets = [15], sizes = [1], strides = [1]} : vector<16xi32> to vector<1xi32>
        %squeeze3A_1019 = vector.extract %slice3A_1018[0] : i32 from vector<1xi32>
        %broadcast_in_dim3A_1020 = vector.broadcast %squeeze3A_1019 : i32 to vector<16xi32>
        %add3A_1021 = arith.constant 15 : i32
        %add3A_1022 = arith.addi %mul3A_70, %add3A_1021 : i32
        %mul3A_1023 = arith.constant 128 : i32
        %mul3A_1024 = arith.muli %add3A_1022, %mul3A_1023 : i32
        %add3A_1025 = arith.constant 0 : i32
        %add3A_1026 = arith.addi %mul3A_1024, %add3A_1025 : i32
        %get3A_1027 = arith.index_cast %add3A_1026 : i32 to index
        %get3A_1028 = tpu.vector_load %arg8[%get3A_1027] {strides = array<i32>} : memref<16384xf32, #tpu.memory_space<vmem>>, vector<16xf32>,
        %add3A_1029 = arith.constant 0 : i32
        %add3A_1030 = vector.broadcast %add3A_1029 : i32 to vector<16xi32>
        %add3A_1031 = arith.addi %iota3A, %add3A_1030 : vector<16xi32>
        tpu.vector_store_idx %arg11[%broadcast_in_dim3A_1020, %add3A_1031], %get3A_1028 {add = true} : memref<264x128xf32, #tpu.memory_space<vmem>>[vector<16xi32>, vector<16xi32>], vector<16xf32>,
        %add3A_1032 = arith.constant 16 : i32
        %add3A_1033 = arith.addi %mul3A_1024, %add3A_1032 : i32
        %get3A_1034 = arith.index_cast %add3A_1033 : i32 to index
        %get3A_1035 = tpu.vector_load %arg8[%get3A_1034] {strides = array<i32>} : memref<16384xf32, #tpu.memory_space<vmem>>, vector<16xf32>,
        %add3A_1036 = arith.constant 16 : i32
        %add3A_1037 = vector.broadcast %add3A_1036 : i32 to vector<16xi32>
        %add3A_1038 = arith.addi %iota3A, %add3A_1037 : vector<16xi32>
        tpu.vector_store_idx %arg11[%broadcast_in_dim3A_1020, %add3A_1038], %get3A_1035 {add = true} : memref<264x128xf32, #tpu.memory_space<vmem>>[vector<16xi32>, vector<16xi32>], vector<16xf32>,
        %add3A_1039 = arith.constant 32 : i32
        %add3A_1040 = arith.addi %mul3A_1024, %add3A_1039 : i32
        %get3A_1041 = arith.index_cast %add3A_1040 : i32 to index
        %get3A_1042 = tpu.vector_load %arg8[%get3A_1041] {strides = array<i32>} : memref<16384xf32, #tpu.memory_space<vmem>>, vector<16xf32>,
        %add3A_1043 = arith.constant 32 : i32
        %add3A_1044 = vector.broadcast %add3A_1043 : i32 to vector<16xi32>
        %add3A_1045 = arith.addi %iota3A, %add3A_1044 : vector<16xi32>
        tpu.vector_store_idx %arg11[%broadcast_in_dim3A_1020, %add3A_1045], %get3A_1042 {add = true} : memref<264x128xf32, #tpu.memory_space<vmem>>[vector<16xi32>, vector<16xi32>], vector<16xf32>,
        %add3A_1046 = arith.constant 48 : i32
        %add3A_1047 = arith.addi %mul3A_1024, %add3A_1046 : i32
        %get3A_1048 = arith.index_cast %add3A_1047 : i32 to index
        %get3A_1049 = tpu.vector_load %arg8[%get3A_1048] {strides = array<i32>} : memref<16384xf32, #tpu.memory_space<vmem>>, vector<16xf32>,
        %add3A_1050 = arith.constant 48 : i32
        %add3A_1051 = vector.broadcast %add3A_1050 : i32 to vector<16xi32>
        %add3A_1052 = arith.addi %iota3A, %add3A_1051 : vector<16xi32>
        tpu.vector_store_idx %arg11[%broadcast_in_dim3A_1020, %add3A_1052], %get3A_1049 {add = true} : memref<264x128xf32, #tpu.memory_space<vmem>>[vector<16xi32>, vector<16xi32>], vector<16xf32>,
        %add3A_1053 = arith.constant 64 : i32
        %add3A_1054 = arith.addi %mul3A_1024, %add3A_1053 : i32
        %get3A_1055 = arith.index_cast %add3A_1054 : i32 to index
        %get3A_1056 = tpu.vector_load %arg8[%get3A_1055] {strides = array<i32>} : memref<16384xf32, #tpu.memory_space<vmem>>, vector<16xf32>,
        %add3A_1057 = arith.constant 64 : i32
        %add3A_1058 = vector.broadcast %add3A_1057 : i32 to vector<16xi32>
        %add3A_1059 = arith.addi %iota3A, %add3A_1058 : vector<16xi32>
        tpu.vector_store_idx %arg11[%broadcast_in_dim3A_1020, %add3A_1059], %get3A_1056 {add = true} : memref<264x128xf32, #tpu.memory_space<vmem>>[vector<16xi32>, vector<16xi32>], vector<16xf32>,
        %add3A_1060 = arith.constant 80 : i32
        %add3A_1061 = arith.addi %mul3A_1024, %add3A_1060 : i32
        %get3A_1062 = arith.index_cast %add3A_1061 : i32 to index
        %get3A_1063 = tpu.vector_load %arg8[%get3A_1062] {strides = array<i32>} : memref<16384xf32, #tpu.memory_space<vmem>>, vector<16xf32>,
        %add3A_1064 = arith.constant 80 : i32
        %add3A_1065 = vector.broadcast %add3A_1064 : i32 to vector<16xi32>
        %add3A_1066 = arith.addi %iota3A, %add3A_1065 : vector<16xi32>
        tpu.vector_store_idx %arg11[%broadcast_in_dim3A_1020, %add3A_1066], %get3A_1063 {add = true} : memref<264x128xf32, #tpu.memory_space<vmem>>[vector<16xi32>, vector<16xi32>], vector<16xf32>,
        %add3A_1067 = arith.constant 96 : i32
        %add3A_1068 = arith.addi %mul3A_1024, %add3A_1067 : i32
        %get3A_1069 = arith.index_cast %add3A_1068 : i32 to index
        %get3A_1070 = tpu.vector_load %arg8[%get3A_1069] {strides = array<i32>} : memref<16384xf32, #tpu.memory_space<vmem>>, vector<16xf32>,
        %add3A_1071 = arith.constant 96 : i32
        %add3A_1072 = vector.broadcast %add3A_1071 : i32 to vector<16xi32>
        %add3A_1073 = arith.addi %iota3A, %add3A_1072 : vector<16xi32>
        tpu.vector_store_idx %arg11[%broadcast_in_dim3A_1020, %add3A_1073], %get3A_1070 {add = true} : memref<264x128xf32, #tpu.memory_space<vmem>>[vector<16xi32>, vector<16xi32>], vector<16xf32>,
        %add3A_1074 = arith.constant 112 : i32
        %add3A_1075 = arith.addi %mul3A_1024, %add3A_1074 : i32
        %get3A_1076 = arith.index_cast %add3A_1075 : i32 to index
        %get3A_1077 = tpu.vector_load %arg8[%get3A_1076] {strides = array<i32>} : memref<16384xf32, #tpu.memory_space<vmem>>, vector<16xf32>,
        %add3A_1078 = arith.constant 112 : i32
        %add3A_1079 = vector.broadcast %add3A_1078 : i32 to vector<16xi32>
        %add3A_1080 = arith.addi %iota3A, %add3A_1079 : vector<16xi32>
        tpu.vector_store_idx %arg11[%broadcast_in_dim3A_1020, %add3A_1080], %get3A_1077 {add = true} : memref<264x128xf32, #tpu.memory_space<vmem>>[vector<16xi32>, vector<16xi32>], vector<16xf32>,
        tpu.vector_store_idx %arg12[%broadcast_in_dim3A_1020, %iota3A], %broadcast_in_dim3A_17 {add = true} : memref<264x16xf32, #tpu.memory_space<vmem>>[vector<16xi32>, vector<16xi32>], vector<16xf32>,
      }
      %scan3A_44 = arith.constant 8 : i32
      %add3A_45 = arith.constant 2 : i32
      %add3A_46 = arith.addi %mul3A_34, %add3A_45 : i32
      %lt3A = arith.constant 25 : i32
      %lt3A_47 = arith.cmpi slt, %add3A_46, %lt3A : i32
      %convert_element_type3A = arith.extui %lt3A_47 : i1 to i32
      %cond3A = arith.constant 0 : i32
      %cond3A_48 = arith.cmpi ne, %convert_element_type3A, %cond3A : i32
      scf.if %cond3A_48 {
        %add3A_68 = arith.constant 2 : i32
        %add3A_69 = arith.addi %mul3A_34, %add3A_68 : i32
        %mul3A_70 = arith.constant 128 : i32
        %mul3A_71 = arith.muli %add3A_69, %mul3A_70 : i32
        %add3A_72 = arith.addi %mul3A_2, %mul3A_71 : i32
        %min3A_73 = arith.constant 99872 : i32
        %min3A_74 = arith.minsi %add3A_72, %min3A_73 : i32
        %mul3A_75 = arith.constant 128 : i32
        %mul3A_76 = arith.muli %min3A_74, %mul3A_75 : i32
        %dma_start3A_77 = tpu.memref_slice %arg2[%mul3A_76] : memref<12800000xf32, #tpu.memory_space<hbm>> -> memref<16384xf32, #tpu.memory_space<hbm>>
        %dma_start3A_78 = tpu.memref_slice %arg2[%mul3A_76] : memref<12800000xf32, #tpu.memory_space<hbm>> -> memref<16384xf32, #tpu.memory_space<hbm>>
        tpu.enqueue_dma source(%dma_start3A_78 : memref<16384xf32, #tpu.memory_space<hbm>>) target(%arg8 : memref<16384xf32, #tpu.memory_space<vmem>>) target_semaphore(%arg13 : memref<!tpu.dma_semaphore, #tpu.memory_space<semaphore_mem>>)
      } else {
      }
      %dma_wait3A_49 = arith.constant 0 : i32
      %dma_wait3A_50 = tpu.memref_slice %arg2[%dma_wait3A_49] : memref<12800000xf32, #tpu.memory_space<hbm>> -> memref<16384xf32, #tpu.memory_space<hbm>>
      %dma_wait3A_51 = arith.constant 0 : i32
      %dma_wait3A_52 = tpu.memref_slice %arg2[%dma_wait3A_51] : memref<12800000xf32, #tpu.memory_space<hbm>> -> memref<16384xf32, #tpu.memory_space<hbm>>
      tpu.wait_dma2 semaphore(%arg14 : memref<!tpu.dma_semaphore, #tpu.memory_space<semaphore_mem>>) src(%dma_wait3A_52 : memref<16384xf32, #tpu.memory_space<hbm>>) dst(%arg9 : memref<16384xf32, #tpu.memory_space<vmem>>)
      %add3A_53 = arith.constant 1 : i32
      %add3A_54 = arith.addi %mul3A_34, %add3A_53 : i32
      %scan3A_55 = arith.constant 0 : i32
      %scan3A_56 = arith.constant 0 : i32
      %scan3A_57 = arith.constant 8 : i32
      %scan3A_58 = arith.addi %scan3A_56, %scan3A_57 : i32
      %scan3A_59 = arith.constant 1 : i32
      scf.for %scan3A_68 = %scan3A_56 to %scan3A_58 step %scan3A_59  : i32 {
        %mul3A_69 = arith.constant 16 : i32
        %mul3A_70 = arith.muli %scan3A_68, %mul3A_69 : i32
        %mul3A_71 = arith.constant 128 : i32
        %mul3A_72 = arith.muli %add3A_54, %mul3A_71 : i32
        %add3A_73 = arith.addi %mul3A_72, %mul3A_70 : i32
        %get3A = arith.index_cast %add3A_73 : i32 to index
        %get3A_74 = tpu.vector_load %arg10[%get3A] {strides = array<i32>} : memref<3200xi32, #tpu.memory_space<vmem>>, vector<16xi32>,
        %slice3A = vector.extract_strided_slice %get3A_74 {offsets = [0], sizes = [1], strides = [1]} : vector<16xi32> to vector<1xi32>
        %squeeze3A = vector.extract %slice3A[0] : i32 from vector<1xi32>
        %broadcast_in_dim3A_75 = vector.broadcast %squeeze3A : i32 to vector<16xi32>
        %add3A_76 = arith.constant 0 : i32
        %add3A_77 = arith.addi %mul3A_70, %add3A_76 : i32
        %mul3A_78 = arith.constant 128 : i32
        %mul3A_79 = arith.muli %add3A_77, %mul3A_78 : i32
        %add3A_80 = arith.constant 0 : i32
        %add3A_81 = arith.addi %mul3A_79, %add3A_80 : i32
        %get3A_82 = arith.index_cast %add3A_81 : i32 to index
        %get3A_83 = tpu.vector_load %arg9[%get3A_82] {strides = array<i32>} : memref<16384xf32, #tpu.memory_space<vmem>>, vector<16xf32>,
        %add3A_84 = arith.constant 0 : i32
        %add3A_85 = vector.broadcast %add3A_84 : i32 to vector<16xi32>
        %add3A_86 = arith.addi %iota3A, %add3A_85 : vector<16xi32>
        tpu.vector_store_idx %arg11[%broadcast_in_dim3A_75, %add3A_86], %get3A_83 {add = true} : memref<264x128xf32, #tpu.memory_space<vmem>>[vector<16xi32>, vector<16xi32>], vector<16xf32>,
        %add3A_87 = arith.constant 16 : i32
        %add3A_88 = arith.addi %mul3A_79, %add3A_87 : i32
        %get3A_89 = arith.index_cast %add3A_88 : i32 to index
        %get3A_90 = tpu.vector_load %arg9[%get3A_89] {strides = array<i32>} : memref<16384xf32, #tpu.memory_space<vmem>>, vector<16xf32>,
        %add3A_91 = arith.constant 16 : i32
        %add3A_92 = vector.broadcast %add3A_91 : i32 to vector<16xi32>
        %add3A_93 = arith.addi %iota3A, %add3A_92 : vector<16xi32>
        tpu.vector_store_idx %arg11[%broadcast_in_dim3A_75, %add3A_93], %get3A_90 {add = true} : memref<264x128xf32, #tpu.memory_space<vmem>>[vector<16xi32>, vector<16xi32>], vector<16xf32>,
        %add3A_94 = arith.constant 32 : i32
        %add3A_95 = arith.addi %mul3A_79, %add3A_94 : i32
        %get3A_96 = arith.index_cast %add3A_95 : i32 to index
        %get3A_97 = tpu.vector_load %arg9[%get3A_96] {strides = array<i32>} : memref<16384xf32, #tpu.memory_space<vmem>>, vector<16xf32>,
        %add3A_98 = arith.constant 32 : i32
        %add3A_99 = vector.broadcast %add3A_98 : i32 to vector<16xi32>
        %add3A_100 = arith.addi %iota3A, %add3A_99 : vector<16xi32>
        tpu.vector_store_idx %arg11[%broadcast_in_dim3A_75, %add3A_100], %get3A_97 {add = true} : memref<264x128xf32, #tpu.memory_space<vmem>>[vector<16xi32>, vector<16xi32>], vector<16xf32>,
        %add3A_101 = arith.constant 48 : i32
        %add3A_102 = arith.addi %mul3A_79, %add3A_101 : i32
        %get3A_103 = arith.index_cast %add3A_102 : i32 to index
        %get3A_104 = tpu.vector_load %arg9[%get3A_103] {strides = array<i32>} : memref<16384xf32, #tpu.memory_space<vmem>>, vector<16xf32>,
        %add3A_105 = arith.constant 48 : i32
        %add3A_106 = vector.broadcast %add3A_105 : i32 to vector<16xi32>
        %add3A_107 = arith.addi %iota3A, %add3A_106 : vector<16xi32>
        tpu.vector_store_idx %arg11[%broadcast_in_dim3A_75, %add3A_107], %get3A_104 {add = true} : memref<264x128xf32, #tpu.memory_space<vmem>>[vector<16xi32>, vector<16xi32>], vector<16xf32>,
        %add3A_108 = arith.constant 64 : i32
        %add3A_109 = arith.addi %mul3A_79, %add3A_108 : i32
        %get3A_110 = arith.index_cast %add3A_109 : i32 to index
        %get3A_111 = tpu.vector_load %arg9[%get3A_110] {strides = array<i32>} : memref<16384xf32, #tpu.memory_space<vmem>>, vector<16xf32>,
        %add3A_112 = arith.constant 64 : i32
        %add3A_113 = vector.broadcast %add3A_112 : i32 to vector<16xi32>
        %add3A_114 = arith.addi %iota3A, %add3A_113 : vector<16xi32>
        tpu.vector_store_idx %arg11[%broadcast_in_dim3A_75, %add3A_114], %get3A_111 {add = true} : memref<264x128xf32, #tpu.memory_space<vmem>>[vector<16xi32>, vector<16xi32>], vector<16xf32>,
        %add3A_115 = arith.constant 80 : i32
        %add3A_116 = arith.addi %mul3A_79, %add3A_115 : i32
        %get3A_117 = arith.index_cast %add3A_116 : i32 to index
        %get3A_118 = tpu.vector_load %arg9[%get3A_117] {strides = array<i32>} : memref<16384xf32, #tpu.memory_space<vmem>>, vector<16xf32>,
        %add3A_119 = arith.constant 80 : i32
        %add3A_120 = vector.broadcast %add3A_119 : i32 to vector<16xi32>
        %add3A_121 = arith.addi %iota3A, %add3A_120 : vector<16xi32>
        tpu.vector_store_idx %arg11[%broadcast_in_dim3A_75, %add3A_121], %get3A_118 {add = true} : memref<264x128xf32, #tpu.memory_space<vmem>>[vector<16xi32>, vector<16xi32>], vector<16xf32>,
        %add3A_122 = arith.constant 96 : i32
        %add3A_123 = arith.addi %mul3A_79, %add3A_122 : i32
        %get3A_124 = arith.index_cast %add3A_123 : i32 to index
        %get3A_125 = tpu.vector_load %arg9[%get3A_124] {strides = array<i32>} : memref<16384xf32, #tpu.memory_space<vmem>>, vector<16xf32>,
        %add3A_126 = arith.constant 96 : i32
        %add3A_127 = vector.broadcast %add3A_126 : i32 to vector<16xi32>
        %add3A_128 = arith.addi %iota3A, %add3A_127 : vector<16xi32>
        tpu.vector_store_idx %arg11[%broadcast_in_dim3A_75, %add3A_128], %get3A_125 {add = true} : memref<264x128xf32, #tpu.memory_space<vmem>>[vector<16xi32>, vector<16xi32>], vector<16xf32>,
        %add3A_129 = arith.constant 112 : i32
        %add3A_130 = arith.addi %mul3A_79, %add3A_129 : i32
        %get3A_131 = arith.index_cast %add3A_130 : i32 to index
        %get3A_132 = tpu.vector_load %arg9[%get3A_131] {strides = array<i32>} : memref<16384xf32, #tpu.memory_space<vmem>>, vector<16xf32>,
        %add3A_133 = arith.constant 112 : i32
        %add3A_134 = vector.broadcast %add3A_133 : i32 to vector<16xi32>
        %add3A_135 = arith.addi %iota3A, %add3A_134 : vector<16xi32>
        tpu.vector_store_idx %arg11[%broadcast_in_dim3A_75, %add3A_135], %get3A_132 {add = true} : memref<264x128xf32, #tpu.memory_space<vmem>>[vector<16xi32>, vector<16xi32>], vector<16xf32>,
        tpu.vector_store_idx %arg12[%broadcast_in_dim3A_75, %iota3A], %broadcast_in_dim3A_17 {add = true} : memref<264x16xf32, #tpu.memory_space<vmem>>[vector<16xi32>, vector<16xi32>], vector<16xf32>,
        %slice3A_136 = vector.extract_strided_slice %get3A_74 {offsets = [1], sizes = [1], strides = [1]} : vector<16xi32> to vector<1xi32>
        %squeeze3A_137 = vector.extract %slice3A_136[0] : i32 from vector<1xi32>
        %broadcast_in_dim3A_138 = vector.broadcast %squeeze3A_137 : i32 to vector<16xi32>
        %add3A_139 = arith.constant 1 : i32
        %add3A_140 = arith.addi %mul3A_70, %add3A_139 : i32
        %mul3A_141 = arith.constant 128 : i32
        %mul3A_142 = arith.muli %add3A_140, %mul3A_141 : i32
        %add3A_143 = arith.constant 0 : i32
        %add3A_144 = arith.addi %mul3A_142, %add3A_143 : i32
        %get3A_145 = arith.index_cast %add3A_144 : i32 to index
        %get3A_146 = tpu.vector_load %arg9[%get3A_145] {strides = array<i32>} : memref<16384xf32, #tpu.memory_space<vmem>>, vector<16xf32>,
        %add3A_147 = arith.constant 0 : i32
        %add3A_148 = vector.broadcast %add3A_147 : i32 to vector<16xi32>
        %add3A_149 = arith.addi %iota3A, %add3A_148 : vector<16xi32>
        tpu.vector_store_idx %arg11[%broadcast_in_dim3A_138, %add3A_149], %get3A_146 {add = true} : memref<264x128xf32, #tpu.memory_space<vmem>>[vector<16xi32>, vector<16xi32>], vector<16xf32>,
        %add3A_150 = arith.constant 16 : i32
        %add3A_151 = arith.addi %mul3A_142, %add3A_150 : i32
        %get3A_152 = arith.index_cast %add3A_151 : i32 to index
        %get3A_153 = tpu.vector_load %arg9[%get3A_152] {strides = array<i32>} : memref<16384xf32, #tpu.memory_space<vmem>>, vector<16xf32>,
        %add3A_154 = arith.constant 16 : i32
        %add3A_155 = vector.broadcast %add3A_154 : i32 to vector<16xi32>
        %add3A_156 = arith.addi %iota3A, %add3A_155 : vector<16xi32>
        tpu.vector_store_idx %arg11[%broadcast_in_dim3A_138, %add3A_156], %get3A_153 {add = true} : memref<264x128xf32, #tpu.memory_space<vmem>>[vector<16xi32>, vector<16xi32>], vector<16xf32>,
        %add3A_157 = arith.constant 32 : i32
        %add3A_158 = arith.addi %mul3A_142, %add3A_157 : i32
        %get3A_159 = arith.index_cast %add3A_158 : i32 to index
        %get3A_160 = tpu.vector_load %arg9[%get3A_159] {strides = array<i32>} : memref<16384xf32, #tpu.memory_space<vmem>>, vector<16xf32>,
        %add3A_161 = arith.constant 32 : i32
        %add3A_162 = vector.broadcast %add3A_161 : i32 to vector<16xi32>
        %add3A_163 = arith.addi %iota3A, %add3A_162 : vector<16xi32>
        tpu.vector_store_idx %arg11[%broadcast_in_dim3A_138, %add3A_163], %get3A_160 {add = true} : memref<264x128xf32, #tpu.memory_space<vmem>>[vector<16xi32>, vector<16xi32>], vector<16xf32>,
        %add3A_164 = arith.constant 48 : i32
        %add3A_165 = arith.addi %mul3A_142, %add3A_164 : i32
        %get3A_166 = arith.index_cast %add3A_165 : i32 to index
        %get3A_167 = tpu.vector_load %arg9[%get3A_166] {strides = array<i32>} : memref<16384xf32, #tpu.memory_space<vmem>>, vector<16xf32>,
        %add3A_168 = arith.constant 48 : i32
        %add3A_169 = vector.broadcast %add3A_168 : i32 to vector<16xi32>
        %add3A_170 = arith.addi %iota3A, %add3A_169 : vector<16xi32>
        tpu.vector_store_idx %arg11[%broadcast_in_dim3A_138, %add3A_170], %get3A_167 {add = true} : memref<264x128xf32, #tpu.memory_space<vmem>>[vector<16xi32>, vector<16xi32>], vector<16xf32>,
        %add3A_171 = arith.constant 64 : i32
        %add3A_172 = arith.addi %mul3A_142, %add3A_171 : i32
        %get3A_173 = arith.index_cast %add3A_172 : i32 to index
        %get3A_174 = tpu.vector_load %arg9[%get3A_173] {strides = array<i32>} : memref<16384xf32, #tpu.memory_space<vmem>>, vector<16xf32>,
        %add3A_175 = arith.constant 64 : i32
        %add3A_176 = vector.broadcast %add3A_175 : i32 to vector<16xi32>
        %add3A_177 = arith.addi %iota3A, %add3A_176 : vector<16xi32>
        tpu.vector_store_idx %arg11[%broadcast_in_dim3A_138, %add3A_177], %get3A_174 {add = true} : memref<264x128xf32, #tpu.memory_space<vmem>>[vector<16xi32>, vector<16xi32>], vector<16xf32>,
        %add3A_178 = arith.constant 80 : i32
        %add3A_179 = arith.addi %mul3A_142, %add3A_178 : i32
        %get3A_180 = arith.index_cast %add3A_179 : i32 to index
        %get3A_181 = tpu.vector_load %arg9[%get3A_180] {strides = array<i32>} : memref<16384xf32, #tpu.memory_space<vmem>>, vector<16xf32>,
        %add3A_182 = arith.constant 80 : i32
        %add3A_183 = vector.broadcast %add3A_182 : i32 to vector<16xi32>
        %add3A_184 = arith.addi %iota3A, %add3A_183 : vector<16xi32>
        tpu.vector_store_idx %arg11[%broadcast_in_dim3A_138, %add3A_184], %get3A_181 {add = true} : memref<264x128xf32, #tpu.memory_space<vmem>>[vector<16xi32>, vector<16xi32>], vector<16xf32>,
        %add3A_185 = arith.constant 96 : i32
        %add3A_186 = arith.addi %mul3A_142, %add3A_185 : i32
        %get3A_187 = arith.index_cast %add3A_186 : i32 to index
        %get3A_188 = tpu.vector_load %arg9[%get3A_187] {strides = array<i32>} : memref<16384xf32, #tpu.memory_space<vmem>>, vector<16xf32>,
        %add3A_189 = arith.constant 96 : i32
        %add3A_190 = vector.broadcast %add3A_189 : i32 to vector<16xi32>
        %add3A_191 = arith.addi %iota3A, %add3A_190 : vector<16xi32>
        tpu.vector_store_idx %arg11[%broadcast_in_dim3A_138, %add3A_191], %get3A_188 {add = true} : memref<264x128xf32, #tpu.memory_space<vmem>>[vector<16xi32>, vector<16xi32>], vector<16xf32>,
        %add3A_192 = arith.constant 112 : i32
        %add3A_193 = arith.addi %mul3A_142, %add3A_192 : i32
        %get3A_194 = arith.index_cast %add3A_193 : i32 to index
        %get3A_195 = tpu.vector_load %arg9[%get3A_194] {strides = array<i32>} : memref<16384xf32, #tpu.memory_space<vmem>>, vector<16xf32>,
        %add3A_196 = arith.constant 112 : i32
        %add3A_197 = vector.broadcast %add3A_196 : i32 to vector<16xi32>
        %add3A_198 = arith.addi %iota3A, %add3A_197 : vector<16xi32>
        tpu.vector_store_idx %arg11[%broadcast_in_dim3A_138, %add3A_198], %get3A_195 {add = true} : memref<264x128xf32, #tpu.memory_space<vmem>>[vector<16xi32>, vector<16xi32>], vector<16xf32>,
        tpu.vector_store_idx %arg12[%broadcast_in_dim3A_138, %iota3A], %broadcast_in_dim3A_17 {add = true} : memref<264x16xf32, #tpu.memory_space<vmem>>[vector<16xi32>, vector<16xi32>], vector<16xf32>,
        %slice3A_199 = vector.extract_strided_slice %get3A_74 {offsets = [2], sizes = [1], strides = [1]} : vector<16xi32> to vector<1xi32>
        %squeeze3A_200 = vector.extract %slice3A_199[0] : i32 from vector<1xi32>
        %broadcast_in_dim3A_201 = vector.broadcast %squeeze3A_200 : i32 to vector<16xi32>
        %add3A_202 = arith.constant 2 : i32
        %add3A_203 = arith.addi %mul3A_70, %add3A_202 : i32
        %mul3A_204 = arith.constant 128 : i32
        %mul3A_205 = arith.muli %add3A_203, %mul3A_204 : i32
        %add3A_206 = arith.constant 0 : i32
        %add3A_207 = arith.addi %mul3A_205, %add3A_206 : i32
        %get3A_208 = arith.index_cast %add3A_207 : i32 to index
        %get3A_209 = tpu.vector_load %arg9[%get3A_208] {strides = array<i32>} : memref<16384xf32, #tpu.memory_space<vmem>>, vector<16xf32>,
        %add3A_210 = arith.constant 0 : i32
        %add3A_211 = vector.broadcast %add3A_210 : i32 to vector<16xi32>
        %add3A_212 = arith.addi %iota3A, %add3A_211 : vector<16xi32>
        tpu.vector_store_idx %arg11[%broadcast_in_dim3A_201, %add3A_212], %get3A_209 {add = true} : memref<264x128xf32, #tpu.memory_space<vmem>>[vector<16xi32>, vector<16xi32>], vector<16xf32>,
        %add3A_213 = arith.constant 16 : i32
        %add3A_214 = arith.addi %mul3A_205, %add3A_213 : i32
        %get3A_215 = arith.index_cast %add3A_214 : i32 to index
        %get3A_216 = tpu.vector_load %arg9[%get3A_215] {strides = array<i32>} : memref<16384xf32, #tpu.memory_space<vmem>>, vector<16xf32>,
        %add3A_217 = arith.constant 16 : i32
        %add3A_218 = vector.broadcast %add3A_217 : i32 to vector<16xi32>
        %add3A_219 = arith.addi %iota3A, %add3A_218 : vector<16xi32>
        tpu.vector_store_idx %arg11[%broadcast_in_dim3A_201, %add3A_219], %get3A_216 {add = true} : memref<264x128xf32, #tpu.memory_space<vmem>>[vector<16xi32>, vector<16xi32>], vector<16xf32>,
        %add3A_220 = arith.constant 32 : i32
        %add3A_221 = arith.addi %mul3A_205, %add3A_220 : i32
        %get3A_222 = arith.index_cast %add3A_221 : i32 to index
        %get3A_223 = tpu.vector_load %arg9[%get3A_222] {strides = array<i32>} : memref<16384xf32, #tpu.memory_space<vmem>>, vector<16xf32>,
        %add3A_224 = arith.constant 32 : i32
        %add3A_225 = vector.broadcast %add3A_224 : i32 to vector<16xi32>
        %add3A_226 = arith.addi %iota3A, %add3A_225 : vector<16xi32>
        tpu.vector_store_idx %arg11[%broadcast_in_dim3A_201, %add3A_226], %get3A_223 {add = true} : memref<264x128xf32, #tpu.memory_space<vmem>>[vector<16xi32>, vector<16xi32>], vector<16xf32>,
        %add3A_227 = arith.constant 48 : i32
        %add3A_228 = arith.addi %mul3A_205, %add3A_227 : i32
        %get3A_229 = arith.index_cast %add3A_228 : i32 to index
        %get3A_230 = tpu.vector_load %arg9[%get3A_229] {strides = array<i32>} : memref<16384xf32, #tpu.memory_space<vmem>>, vector<16xf32>,
        %add3A_231 = arith.constant 48 : i32
        %add3A_232 = vector.broadcast %add3A_231 : i32 to vector<16xi32>
        %add3A_233 = arith.addi %iota3A, %add3A_232 : vector<16xi32>
        tpu.vector_store_idx %arg11[%broadcast_in_dim3A_201, %add3A_233], %get3A_230 {add = true} : memref<264x128xf32, #tpu.memory_space<vmem>>[vector<16xi32>, vector<16xi32>], vector<16xf32>,
        %add3A_234 = arith.constant 64 : i32
        %add3A_235 = arith.addi %mul3A_205, %add3A_234 : i32
        %get3A_236 = arith.index_cast %add3A_235 : i32 to index
        %get3A_237 = tpu.vector_load %arg9[%get3A_236] {strides = array<i32>} : memref<16384xf32, #tpu.memory_space<vmem>>, vector<16xf32>,
        %add3A_238 = arith.constant 64 : i32
        %add3A_239 = vector.broadcast %add3A_238 : i32 to vector<16xi32>
        %add3A_240 = arith.addi %iota3A, %add3A_239 : vector<16xi32>
        tpu.vector_store_idx %arg11[%broadcast_in_dim3A_201, %add3A_240], %get3A_237 {add = true} : memref<264x128xf32, #tpu.memory_space<vmem>>[vector<16xi32>, vector<16xi32>], vector<16xf32>,
        %add3A_241 = arith.constant 80 : i32
        %add3A_242 = arith.addi %mul3A_205, %add3A_241 : i32
        %get3A_243 = arith.index_cast %add3A_242 : i32 to index
        %get3A_244 = tpu.vector_load %arg9[%get3A_243] {strides = array<i32>} : memref<16384xf32, #tpu.memory_space<vmem>>, vector<16xf32>,
        %add3A_245 = arith.constant 80 : i32
        %add3A_246 = vector.broadcast %add3A_245 : i32 to vector<16xi32>
        %add3A_247 = arith.addi %iota3A, %add3A_246 : vector<16xi32>
        tpu.vector_store_idx %arg11[%broadcast_in_dim3A_201, %add3A_247], %get3A_244 {add = true} : memref<264x128xf32, #tpu.memory_space<vmem>>[vector<16xi32>, vector<16xi32>], vector<16xf32>,
        %add3A_248 = arith.constant 96 : i32
        %add3A_249 = arith.addi %mul3A_205, %add3A_248 : i32
        %get3A_250 = arith.index_cast %add3A_249 : i32 to index
        %get3A_251 = tpu.vector_load %arg9[%get3A_250] {strides = array<i32>} : memref<16384xf32, #tpu.memory_space<vmem>>, vector<16xf32>,
        %add3A_252 = arith.constant 96 : i32
        %add3A_253 = vector.broadcast %add3A_252 : i32 to vector<16xi32>
        %add3A_254 = arith.addi %iota3A, %add3A_253 : vector<16xi32>
        tpu.vector_store_idx %arg11[%broadcast_in_dim3A_201, %add3A_254], %get3A_251 {add = true} : memref<264x128xf32, #tpu.memory_space<vmem>>[vector<16xi32>, vector<16xi32>], vector<16xf32>,
        %add3A_255 = arith.constant 112 : i32
        %add3A_256 = arith.addi %mul3A_205, %add3A_255 : i32
        %get3A_257 = arith.index_cast %add3A_256 : i32 to index
        %get3A_258 = tpu.vector_load %arg9[%get3A_257] {strides = array<i32>} : memref<16384xf32, #tpu.memory_space<vmem>>, vector<16xf32>,
        %add3A_259 = arith.constant 112 : i32
        %add3A_260 = vector.broadcast %add3A_259 : i32 to vector<16xi32>
        %add3A_261 = arith.addi %iota3A, %add3A_260 : vector<16xi32>
        tpu.vector_store_idx %arg11[%broadcast_in_dim3A_201, %add3A_261], %get3A_258 {add = true} : memref<264x128xf32, #tpu.memory_space<vmem>>[vector<16xi32>, vector<16xi32>], vector<16xf32>,
        tpu.vector_store_idx %arg12[%broadcast_in_dim3A_201, %iota3A], %broadcast_in_dim3A_17 {add = true} : memref<264x16xf32, #tpu.memory_space<vmem>>[vector<16xi32>, vector<16xi32>], vector<16xf32>,
        %slice3A_262 = vector.extract_strided_slice %get3A_74 {offsets = [3], sizes = [1], strides = [1]} : vector<16xi32> to vector<1xi32>
        %squeeze3A_263 = vector.extract %slice3A_262[0] : i32 from vector<1xi32>
        %broadcast_in_dim3A_264 = vector.broadcast %squeeze3A_263 : i32 to vector<16xi32>
        %add3A_265 = arith.constant 3 : i32
        %add3A_266 = arith.addi %mul3A_70, %add3A_265 : i32
        %mul3A_267 = arith.constant 128 : i32
        %mul3A_268 = arith.muli %add3A_266, %mul3A_267 : i32
        %add3A_269 = arith.constant 0 : i32
        %add3A_270 = arith.addi %mul3A_268, %add3A_269 : i32
        %get3A_271 = arith.index_cast %add3A_270 : i32 to index
        %get3A_272 = tpu.vector_load %arg9[%get3A_271] {strides = array<i32>} : memref<16384xf32, #tpu.memory_space<vmem>>, vector<16xf32>,
        %add3A_273 = arith.constant 0 : i32
        %add3A_274 = vector.broadcast %add3A_273 : i32 to vector<16xi32>
        %add3A_275 = arith.addi %iota3A, %add3A_274 : vector<16xi32>
        tpu.vector_store_idx %arg11[%broadcast_in_dim3A_264, %add3A_275], %get3A_272 {add = true} : memref<264x128xf32, #tpu.memory_space<vmem>>[vector<16xi32>, vector<16xi32>], vector<16xf32>,
        %add3A_276 = arith.constant 16 : i32
        %add3A_277 = arith.addi %mul3A_268, %add3A_276 : i32
        %get3A_278 = arith.index_cast %add3A_277 : i32 to index
        %get3A_279 = tpu.vector_load %arg9[%get3A_278] {strides = array<i32>} : memref<16384xf32, #tpu.memory_space<vmem>>, vector<16xf32>,
        %add3A_280 = arith.constant 16 : i32
        %add3A_281 = vector.broadcast %add3A_280 : i32 to vector<16xi32>
        %add3A_282 = arith.addi %iota3A, %add3A_281 : vector<16xi32>
        tpu.vector_store_idx %arg11[%broadcast_in_dim3A_264, %add3A_282], %get3A_279 {add = true} : memref<264x128xf32, #tpu.memory_space<vmem>>[vector<16xi32>, vector<16xi32>], vector<16xf32>,
        %add3A_283 = arith.constant 32 : i32
        %add3A_284 = arith.addi %mul3A_268, %add3A_283 : i32
        %get3A_285 = arith.index_cast %add3A_284 : i32 to index
        %get3A_286 = tpu.vector_load %arg9[%get3A_285] {strides = array<i32>} : memref<16384xf32, #tpu.memory_space<vmem>>, vector<16xf32>,
        %add3A_287 = arith.constant 32 : i32
        %add3A_288 = vector.broadcast %add3A_287 : i32 to vector<16xi32>
        %add3A_289 = arith.addi %iota3A, %add3A_288 : vector<16xi32>
        tpu.vector_store_idx %arg11[%broadcast_in_dim3A_264, %add3A_289], %get3A_286 {add = true} : memref<264x128xf32, #tpu.memory_space<vmem>>[vector<16xi32>, vector<16xi32>], vector<16xf32>,
        %add3A_290 = arith.constant 48 : i32
        %add3A_291 = arith.addi %mul3A_268, %add3A_290 : i32
        %get3A_292 = arith.index_cast %add3A_291 : i32 to index
        %get3A_293 = tpu.vector_load %arg9[%get3A_292] {strides = array<i32>} : memref<16384xf32, #tpu.memory_space<vmem>>, vector<16xf32>,
        %add3A_294 = arith.constant 48 : i32
        %add3A_295 = vector.broadcast %add3A_294 : i32 to vector<16xi32>
        %add3A_296 = arith.addi %iota3A, %add3A_295 : vector<16xi32>
        tpu.vector_store_idx %arg11[%broadcast_in_dim3A_264, %add3A_296], %get3A_293 {add = true} : memref<264x128xf32, #tpu.memory_space<vmem>>[vector<16xi32>, vector<16xi32>], vector<16xf32>,
        %add3A_297 = arith.constant 64 : i32
        %add3A_298 = arith.addi %mul3A_268, %add3A_297 : i32
        %get3A_299 = arith.index_cast %add3A_298 : i32 to index
        %get3A_300 = tpu.vector_load %arg9[%get3A_299] {strides = array<i32>} : memref<16384xf32, #tpu.memory_space<vmem>>, vector<16xf32>,
        %add3A_301 = arith.constant 64 : i32
        %add3A_302 = vector.broadcast %add3A_301 : i32 to vector<16xi32>
        %add3A_303 = arith.addi %iota3A, %add3A_302 : vector<16xi32>
        tpu.vector_store_idx %arg11[%broadcast_in_dim3A_264, %add3A_303], %get3A_300 {add = true} : memref<264x128xf32, #tpu.memory_space<vmem>>[vector<16xi32>, vector<16xi32>], vector<16xf32>,
        %add3A_304 = arith.constant 80 : i32
        %add3A_305 = arith.addi %mul3A_268, %add3A_304 : i32
        %get3A_306 = arith.index_cast %add3A_305 : i32 to index
        %get3A_307 = tpu.vector_load %arg9[%get3A_306] {strides = array<i32>} : memref<16384xf32, #tpu.memory_space<vmem>>, vector<16xf32>,
        %add3A_308 = arith.constant 80 : i32
        %add3A_309 = vector.broadcast %add3A_308 : i32 to vector<16xi32>
        %add3A_310 = arith.addi %iota3A, %add3A_309 : vector<16xi32>
        tpu.vector_store_idx %arg11[%broadcast_in_dim3A_264, %add3A_310], %get3A_307 {add = true} : memref<264x128xf32, #tpu.memory_space<vmem>>[vector<16xi32>, vector<16xi32>], vector<16xf32>,
        %add3A_311 = arith.constant 96 : i32
        %add3A_312 = arith.addi %mul3A_268, %add3A_311 : i32
        %get3A_313 = arith.index_cast %add3A_312 : i32 to index
        %get3A_314 = tpu.vector_load %arg9[%get3A_313] {strides = array<i32>} : memref<16384xf32, #tpu.memory_space<vmem>>, vector<16xf32>,
        %add3A_315 = arith.constant 96 : i32
        %add3A_316 = vector.broadcast %add3A_315 : i32 to vector<16xi32>
        %add3A_317 = arith.addi %iota3A, %add3A_316 : vector<16xi32>
        tpu.vector_store_idx %arg11[%broadcast_in_dim3A_264, %add3A_317], %get3A_314 {add = true} : memref<264x128xf32, #tpu.memory_space<vmem>>[vector<16xi32>, vector<16xi32>], vector<16xf32>,
        %add3A_318 = arith.constant 112 : i32
        %add3A_319 = arith.addi %mul3A_268, %add3A_318 : i32
        %get3A_320 = arith.index_cast %add3A_319 : i32 to index
        %get3A_321 = tpu.vector_load %arg9[%get3A_320] {strides = array<i32>} : memref<16384xf32, #tpu.memory_space<vmem>>, vector<16xf32>,
        %add3A_322 = arith.constant 112 : i32
        %add3A_323 = vector.broadcast %add3A_322 : i32 to vector<16xi32>
        %add3A_324 = arith.addi %iota3A, %add3A_323 : vector<16xi32>
        tpu.vector_store_idx %arg11[%broadcast_in_dim3A_264, %add3A_324], %get3A_321 {add = true} : memref<264x128xf32, #tpu.memory_space<vmem>>[vector<16xi32>, vector<16xi32>], vector<16xf32>,
        tpu.vector_store_idx %arg12[%broadcast_in_dim3A_264, %iota3A], %broadcast_in_dim3A_17 {add = true} : memref<264x16xf32, #tpu.memory_space<vmem>>[vector<16xi32>, vector<16xi32>], vector<16xf32>,
        %slice3A_325 = vector.extract_strided_slice %get3A_74 {offsets = [4], sizes = [1], strides = [1]} : vector<16xi32> to vector<1xi32>
        %squeeze3A_326 = vector.extract %slice3A_325[0] : i32 from vector<1xi32>
        %broadcast_in_dim3A_327 = vector.broadcast %squeeze3A_326 : i32 to vector<16xi32>
        %add3A_328 = arith.constant 4 : i32
        %add3A_329 = arith.addi %mul3A_70, %add3A_328 : i32
        %mul3A_330 = arith.constant 128 : i32
        %mul3A_331 = arith.muli %add3A_329, %mul3A_330 : i32
        %add3A_332 = arith.constant 0 : i32
        %add3A_333 = arith.addi %mul3A_331, %add3A_332 : i32
        %get3A_334 = arith.index_cast %add3A_333 : i32 to index
        %get3A_335 = tpu.vector_load %arg9[%get3A_334] {strides = array<i32>} : memref<16384xf32, #tpu.memory_space<vmem>>, vector<16xf32>,
        %add3A_336 = arith.constant 0 : i32
        %add3A_337 = vector.broadcast %add3A_336 : i32 to vector<16xi32>
        %add3A_338 = arith.addi %iota3A, %add3A_337 : vector<16xi32>
        tpu.vector_store_idx %arg11[%broadcast_in_dim3A_327, %add3A_338], %get3A_335 {add = true} : memref<264x128xf32, #tpu.memory_space<vmem>>[vector<16xi32>, vector<16xi32>], vector<16xf32>,
        %add3A_339 = arith.constant 16 : i32
        %add3A_340 = arith.addi %mul3A_331, %add3A_339 : i32
        %get3A_341 = arith.index_cast %add3A_340 : i32 to index
        %get3A_342 = tpu.vector_load %arg9[%get3A_341] {strides = array<i32>} : memref<16384xf32, #tpu.memory_space<vmem>>, vector<16xf32>,
        %add3A_343 = arith.constant 16 : i32
        %add3A_344 = vector.broadcast %add3A_343 : i32 to vector<16xi32>
        %add3A_345 = arith.addi %iota3A, %add3A_344 : vector<16xi32>
        tpu.vector_store_idx %arg11[%broadcast_in_dim3A_327, %add3A_345], %get3A_342 {add = true} : memref<264x128xf32, #tpu.memory_space<vmem>>[vector<16xi32>, vector<16xi32>], vector<16xf32>,
        %add3A_346 = arith.constant 32 : i32
        %add3A_347 = arith.addi %mul3A_331, %add3A_346 : i32
        %get3A_348 = arith.index_cast %add3A_347 : i32 to index
        %get3A_349 = tpu.vector_load %arg9[%get3A_348] {strides = array<i32>} : memref<16384xf32, #tpu.memory_space<vmem>>, vector<16xf32>,
        %add3A_350 = arith.constant 32 : i32
        %add3A_351 = vector.broadcast %add3A_350 : i32 to vector<16xi32>
        %add3A_352 = arith.addi %iota3A, %add3A_351 : vector<16xi32>
        tpu.vector_store_idx %arg11[%broadcast_in_dim3A_327, %add3A_352], %get3A_349 {add = true} : memref<264x128xf32, #tpu.memory_space<vmem>>[vector<16xi32>, vector<16xi32>], vector<16xf32>,
        %add3A_353 = arith.constant 48 : i32
        %add3A_354 = arith.addi %mul3A_331, %add3A_353 : i32
        %get3A_355 = arith.index_cast %add3A_354 : i32 to index
        %get3A_356 = tpu.vector_load %arg9[%get3A_355] {strides = array<i32>} : memref<16384xf32, #tpu.memory_space<vmem>>, vector<16xf32>,
        %add3A_357 = arith.constant 48 : i32
        %add3A_358 = vector.broadcast %add3A_357 : i32 to vector<16xi32>
        %add3A_359 = arith.addi %iota3A, %add3A_358 : vector<16xi32>
        tpu.vector_store_idx %arg11[%broadcast_in_dim3A_327, %add3A_359], %get3A_356 {add = true} : memref<264x128xf32, #tpu.memory_space<vmem>>[vector<16xi32>, vector<16xi32>], vector<16xf32>,
        %add3A_360 = arith.constant 64 : i32
        %add3A_361 = arith.addi %mul3A_331, %add3A_360 : i32
        %get3A_362 = arith.index_cast %add3A_361 : i32 to index
        %get3A_363 = tpu.vector_load %arg9[%get3A_362] {strides = array<i32>} : memref<16384xf32, #tpu.memory_space<vmem>>, vector<16xf32>,
        %add3A_364 = arith.constant 64 : i32
        %add3A_365 = vector.broadcast %add3A_364 : i32 to vector<16xi32>
        %add3A_366 = arith.addi %iota3A, %add3A_365 : vector<16xi32>
        tpu.vector_store_idx %arg11[%broadcast_in_dim3A_327, %add3A_366], %get3A_363 {add = true} : memref<264x128xf32, #tpu.memory_space<vmem>>[vector<16xi32>, vector<16xi32>], vector<16xf32>,
        %add3A_367 = arith.constant 80 : i32
        %add3A_368 = arith.addi %mul3A_331, %add3A_367 : i32
        %get3A_369 = arith.index_cast %add3A_368 : i32 to index
        %get3A_370 = tpu.vector_load %arg9[%get3A_369] {strides = array<i32>} : memref<16384xf32, #tpu.memory_space<vmem>>, vector<16xf32>,
        %add3A_371 = arith.constant 80 : i32
        %add3A_372 = vector.broadcast %add3A_371 : i32 to vector<16xi32>
        %add3A_373 = arith.addi %iota3A, %add3A_372 : vector<16xi32>
        tpu.vector_store_idx %arg11[%broadcast_in_dim3A_327, %add3A_373], %get3A_370 {add = true} : memref<264x128xf32, #tpu.memory_space<vmem>>[vector<16xi32>, vector<16xi32>], vector<16xf32>,
        %add3A_374 = arith.constant 96 : i32
        %add3A_375 = arith.addi %mul3A_331, %add3A_374 : i32
        %get3A_376 = arith.index_cast %add3A_375 : i32 to index
        %get3A_377 = tpu.vector_load %arg9[%get3A_376] {strides = array<i32>} : memref<16384xf32, #tpu.memory_space<vmem>>, vector<16xf32>,
        %add3A_378 = arith.constant 96 : i32
        %add3A_379 = vector.broadcast %add3A_378 : i32 to vector<16xi32>
        %add3A_380 = arith.addi %iota3A, %add3A_379 : vector<16xi32>
        tpu.vector_store_idx %arg11[%broadcast_in_dim3A_327, %add3A_380], %get3A_377 {add = true} : memref<264x128xf32, #tpu.memory_space<vmem>>[vector<16xi32>, vector<16xi32>], vector<16xf32>,
        %add3A_381 = arith.constant 112 : i32
        %add3A_382 = arith.addi %mul3A_331, %add3A_381 : i32
        %get3A_383 = arith.index_cast %add3A_382 : i32 to index
        %get3A_384 = tpu.vector_load %arg9[%get3A_383] {strides = array<i32>} : memref<16384xf32, #tpu.memory_space<vmem>>, vector<16xf32>,
        %add3A_385 = arith.constant 112 : i32
        %add3A_386 = vector.broadcast %add3A_385 : i32 to vector<16xi32>
        %add3A_387 = arith.addi %iota3A, %add3A_386 : vector<16xi32>
        tpu.vector_store_idx %arg11[%broadcast_in_dim3A_327, %add3A_387], %get3A_384 {add = true} : memref<264x128xf32, #tpu.memory_space<vmem>>[vector<16xi32>, vector<16xi32>], vector<16xf32>,
        tpu.vector_store_idx %arg12[%broadcast_in_dim3A_327, %iota3A], %broadcast_in_dim3A_17 {add = true} : memref<264x16xf32, #tpu.memory_space<vmem>>[vector<16xi32>, vector<16xi32>], vector<16xf32>,
        %slice3A_388 = vector.extract_strided_slice %get3A_74 {offsets = [5], sizes = [1], strides = [1]} : vector<16xi32> to vector<1xi32>
        %squeeze3A_389 = vector.extract %slice3A_388[0] : i32 from vector<1xi32>
        %broadcast_in_dim3A_390 = vector.broadcast %squeeze3A_389 : i32 to vector<16xi32>
        %add3A_391 = arith.constant 5 : i32
        %add3A_392 = arith.addi %mul3A_70, %add3A_391 : i32
        %mul3A_393 = arith.constant 128 : i32
        %mul3A_394 = arith.muli %add3A_392, %mul3A_393 : i32
        %add3A_395 = arith.constant 0 : i32
        %add3A_396 = arith.addi %mul3A_394, %add3A_395 : i32
        %get3A_397 = arith.index_cast %add3A_396 : i32 to index
        %get3A_398 = tpu.vector_load %arg9[%get3A_397] {strides = array<i32>} : memref<16384xf32, #tpu.memory_space<vmem>>, vector<16xf32>,
        %add3A_399 = arith.constant 0 : i32
        %add3A_400 = vector.broadcast %add3A_399 : i32 to vector<16xi32>
        %add3A_401 = arith.addi %iota3A, %add3A_400 : vector<16xi32>
        tpu.vector_store_idx %arg11[%broadcast_in_dim3A_390, %add3A_401], %get3A_398 {add = true} : memref<264x128xf32, #tpu.memory_space<vmem>>[vector<16xi32>, vector<16xi32>], vector<16xf32>,
        %add3A_402 = arith.constant 16 : i32
        %add3A_403 = arith.addi %mul3A_394, %add3A_402 : i32
        %get3A_404 = arith.index_cast %add3A_403 : i32 to index
        %get3A_405 = tpu.vector_load %arg9[%get3A_404] {strides = array<i32>} : memref<16384xf32, #tpu.memory_space<vmem>>, vector<16xf32>,
        %add3A_406 = arith.constant 16 : i32
        %add3A_407 = vector.broadcast %add3A_406 : i32 to vector<16xi32>
        %add3A_408 = arith.addi %iota3A, %add3A_407 : vector<16xi32>
        tpu.vector_store_idx %arg11[%broadcast_in_dim3A_390, %add3A_408], %get3A_405 {add = true} : memref<264x128xf32, #tpu.memory_space<vmem>>[vector<16xi32>, vector<16xi32>], vector<16xf32>,
        %add3A_409 = arith.constant 32 : i32
        %add3A_410 = arith.addi %mul3A_394, %add3A_409 : i32
        %get3A_411 = arith.index_cast %add3A_410 : i32 to index
        %get3A_412 = tpu.vector_load %arg9[%get3A_411] {strides = array<i32>} : memref<16384xf32, #tpu.memory_space<vmem>>, vector<16xf32>,
        %add3A_413 = arith.constant 32 : i32
        %add3A_414 = vector.broadcast %add3A_413 : i32 to vector<16xi32>
        %add3A_415 = arith.addi %iota3A, %add3A_414 : vector<16xi32>
        tpu.vector_store_idx %arg11[%broadcast_in_dim3A_390, %add3A_415], %get3A_412 {add = true} : memref<264x128xf32, #tpu.memory_space<vmem>>[vector<16xi32>, vector<16xi32>], vector<16xf32>,
        %add3A_416 = arith.constant 48 : i32
        %add3A_417 = arith.addi %mul3A_394, %add3A_416 : i32
        %get3A_418 = arith.index_cast %add3A_417 : i32 to index
        %get3A_419 = tpu.vector_load %arg9[%get3A_418] {strides = array<i32>} : memref<16384xf32, #tpu.memory_space<vmem>>, vector<16xf32>,
        %add3A_420 = arith.constant 48 : i32
        %add3A_421 = vector.broadcast %add3A_420 : i32 to vector<16xi32>
        %add3A_422 = arith.addi %iota3A, %add3A_421 : vector<16xi32>
        tpu.vector_store_idx %arg11[%broadcast_in_dim3A_390, %add3A_422], %get3A_419 {add = true} : memref<264x128xf32, #tpu.memory_space<vmem>>[vector<16xi32>, vector<16xi32>], vector<16xf32>,
        %add3A_423 = arith.constant 64 : i32
        %add3A_424 = arith.addi %mul3A_394, %add3A_423 : i32
        %get3A_425 = arith.index_cast %add3A_424 : i32 to index
        %get3A_426 = tpu.vector_load %arg9[%get3A_425] {strides = array<i32>} : memref<16384xf32, #tpu.memory_space<vmem>>, vector<16xf32>,
        %add3A_427 = arith.constant 64 : i32
        %add3A_428 = vector.broadcast %add3A_427 : i32 to vector<16xi32>
        %add3A_429 = arith.addi %iota3A, %add3A_428 : vector<16xi32>
        tpu.vector_store_idx %arg11[%broadcast_in_dim3A_390, %add3A_429], %get3A_426 {add = true} : memref<264x128xf32, #tpu.memory_space<vmem>>[vector<16xi32>, vector<16xi32>], vector<16xf32>,
        %add3A_430 = arith.constant 80 : i32
        %add3A_431 = arith.addi %mul3A_394, %add3A_430 : i32
        %get3A_432 = arith.index_cast %add3A_431 : i32 to index
        %get3A_433 = tpu.vector_load %arg9[%get3A_432] {strides = array<i32>} : memref<16384xf32, #tpu.memory_space<vmem>>, vector<16xf32>,
        %add3A_434 = arith.constant 80 : i32
        %add3A_435 = vector.broadcast %add3A_434 : i32 to vector<16xi32>
        %add3A_436 = arith.addi %iota3A, %add3A_435 : vector<16xi32>
        tpu.vector_store_idx %arg11[%broadcast_in_dim3A_390, %add3A_436], %get3A_433 {add = true} : memref<264x128xf32, #tpu.memory_space<vmem>>[vector<16xi32>, vector<16xi32>], vector<16xf32>,
        %add3A_437 = arith.constant 96 : i32
        %add3A_438 = arith.addi %mul3A_394, %add3A_437 : i32
        %get3A_439 = arith.index_cast %add3A_438 : i32 to index
        %get3A_440 = tpu.vector_load %arg9[%get3A_439] {strides = array<i32>} : memref<16384xf32, #tpu.memory_space<vmem>>, vector<16xf32>,
        %add3A_441 = arith.constant 96 : i32
        %add3A_442 = vector.broadcast %add3A_441 : i32 to vector<16xi32>
        %add3A_443 = arith.addi %iota3A, %add3A_442 : vector<16xi32>
        tpu.vector_store_idx %arg11[%broadcast_in_dim3A_390, %add3A_443], %get3A_440 {add = true} : memref<264x128xf32, #tpu.memory_space<vmem>>[vector<16xi32>, vector<16xi32>], vector<16xf32>,
        %add3A_444 = arith.constant 112 : i32
        %add3A_445 = arith.addi %mul3A_394, %add3A_444 : i32
        %get3A_446 = arith.index_cast %add3A_445 : i32 to index
        %get3A_447 = tpu.vector_load %arg9[%get3A_446] {strides = array<i32>} : memref<16384xf32, #tpu.memory_space<vmem>>, vector<16xf32>,
        %add3A_448 = arith.constant 112 : i32
        %add3A_449 = vector.broadcast %add3A_448 : i32 to vector<16xi32>
        %add3A_450 = arith.addi %iota3A, %add3A_449 : vector<16xi32>
        tpu.vector_store_idx %arg11[%broadcast_in_dim3A_390, %add3A_450], %get3A_447 {add = true} : memref<264x128xf32, #tpu.memory_space<vmem>>[vector<16xi32>, vector<16xi32>], vector<16xf32>,
        tpu.vector_store_idx %arg12[%broadcast_in_dim3A_390, %iota3A], %broadcast_in_dim3A_17 {add = true} : memref<264x16xf32, #tpu.memory_space<vmem>>[vector<16xi32>, vector<16xi32>], vector<16xf32>,
        %slice3A_451 = vector.extract_strided_slice %get3A_74 {offsets = [6], sizes = [1], strides = [1]} : vector<16xi32> to vector<1xi32>
        %squeeze3A_452 = vector.extract %slice3A_451[0] : i32 from vector<1xi32>
        %broadcast_in_dim3A_453 = vector.broadcast %squeeze3A_452 : i32 to vector<16xi32>
        %add3A_454 = arith.constant 6 : i32
        %add3A_455 = arith.addi %mul3A_70, %add3A_454 : i32
        %mul3A_456 = arith.constant 128 : i32
        %mul3A_457 = arith.muli %add3A_455, %mul3A_456 : i32
        %add3A_458 = arith.constant 0 : i32
        %add3A_459 = arith.addi %mul3A_457, %add3A_458 : i32
        %get3A_460 = arith.index_cast %add3A_459 : i32 to index
        %get3A_461 = tpu.vector_load %arg9[%get3A_460] {strides = array<i32>} : memref<16384xf32, #tpu.memory_space<vmem>>, vector<16xf32>,
        %add3A_462 = arith.constant 0 : i32
        %add3A_463 = vector.broadcast %add3A_462 : i32 to vector<16xi32>
        %add3A_464 = arith.addi %iota3A, %add3A_463 : vector<16xi32>
        tpu.vector_store_idx %arg11[%broadcast_in_dim3A_453, %add3A_464], %get3A_461 {add = true} : memref<264x128xf32, #tpu.memory_space<vmem>>[vector<16xi32>, vector<16xi32>], vector<16xf32>,
        %add3A_465 = arith.constant 16 : i32
        %add3A_466 = arith.addi %mul3A_457, %add3A_465 : i32
        %get3A_467 = arith.index_cast %add3A_466 : i32 to index
        %get3A_468 = tpu.vector_load %arg9[%get3A_467] {strides = array<i32>} : memref<16384xf32, #tpu.memory_space<vmem>>, vector<16xf32>,
        %add3A_469 = arith.constant 16 : i32
        %add3A_470 = vector.broadcast %add3A_469 : i32 to vector<16xi32>
        %add3A_471 = arith.addi %iota3A, %add3A_470 : vector<16xi32>
        tpu.vector_store_idx %arg11[%broadcast_in_dim3A_453, %add3A_471], %get3A_468 {add = true} : memref<264x128xf32, #tpu.memory_space<vmem>>[vector<16xi32>, vector<16xi32>], vector<16xf32>,
        %add3A_472 = arith.constant 32 : i32
        %add3A_473 = arith.addi %mul3A_457, %add3A_472 : i32
        %get3A_474 = arith.index_cast %add3A_473 : i32 to index
        %get3A_475 = tpu.vector_load %arg9[%get3A_474] {strides = array<i32>} : memref<16384xf32, #tpu.memory_space<vmem>>, vector<16xf32>,
        %add3A_476 = arith.constant 32 : i32
        %add3A_477 = vector.broadcast %add3A_476 : i32 to vector<16xi32>
        %add3A_478 = arith.addi %iota3A, %add3A_477 : vector<16xi32>
        tpu.vector_store_idx %arg11[%broadcast_in_dim3A_453, %add3A_478], %get3A_475 {add = true} : memref<264x128xf32, #tpu.memory_space<vmem>>[vector<16xi32>, vector<16xi32>], vector<16xf32>,
        %add3A_479 = arith.constant 48 : i32
        %add3A_480 = arith.addi %mul3A_457, %add3A_479 : i32
        %get3A_481 = arith.index_cast %add3A_480 : i32 to index
        %get3A_482 = tpu.vector_load %arg9[%get3A_481] {strides = array<i32>} : memref<16384xf32, #tpu.memory_space<vmem>>, vector<16xf32>,
        %add3A_483 = arith.constant 48 : i32
        %add3A_484 = vector.broadcast %add3A_483 : i32 to vector<16xi32>
        %add3A_485 = arith.addi %iota3A, %add3A_484 : vector<16xi32>
        tpu.vector_store_idx %arg11[%broadcast_in_dim3A_453, %add3A_485], %get3A_482 {add = true} : memref<264x128xf32, #tpu.memory_space<vmem>>[vector<16xi32>, vector<16xi32>], vector<16xf32>,
        %add3A_486 = arith.constant 64 : i32
        %add3A_487 = arith.addi %mul3A_457, %add3A_486 : i32
        %get3A_488 = arith.index_cast %add3A_487 : i32 to index
        %get3A_489 = tpu.vector_load %arg9[%get3A_488] {strides = array<i32>} : memref<16384xf32, #tpu.memory_space<vmem>>, vector<16xf32>,
        %add3A_490 = arith.constant 64 : i32
        %add3A_491 = vector.broadcast %add3A_490 : i32 to vector<16xi32>
        %add3A_492 = arith.addi %iota3A, %add3A_491 : vector<16xi32>
        tpu.vector_store_idx %arg11[%broadcast_in_dim3A_453, %add3A_492], %get3A_489 {add = true} : memref<264x128xf32, #tpu.memory_space<vmem>>[vector<16xi32>, vector<16xi32>], vector<16xf32>,
        %add3A_493 = arith.constant 80 : i32
        %add3A_494 = arith.addi %mul3A_457, %add3A_493 : i32
        %get3A_495 = arith.index_cast %add3A_494 : i32 to index
        %get3A_496 = tpu.vector_load %arg9[%get3A_495] {strides = array<i32>} : memref<16384xf32, #tpu.memory_space<vmem>>, vector<16xf32>,
        %add3A_497 = arith.constant 80 : i32
        %add3A_498 = vector.broadcast %add3A_497 : i32 to vector<16xi32>
        %add3A_499 = arith.addi %iota3A, %add3A_498 : vector<16xi32>
        tpu.vector_store_idx %arg11[%broadcast_in_dim3A_453, %add3A_499], %get3A_496 {add = true} : memref<264x128xf32, #tpu.memory_space<vmem>>[vector<16xi32>, vector<16xi32>], vector<16xf32>,
        %add3A_500 = arith.constant 96 : i32
        %add3A_501 = arith.addi %mul3A_457, %add3A_500 : i32
        %get3A_502 = arith.index_cast %add3A_501 : i32 to index
        %get3A_503 = tpu.vector_load %arg9[%get3A_502] {strides = array<i32>} : memref<16384xf32, #tpu.memory_space<vmem>>, vector<16xf32>,
        %add3A_504 = arith.constant 96 : i32
        %add3A_505 = vector.broadcast %add3A_504 : i32 to vector<16xi32>
        %add3A_506 = arith.addi %iota3A, %add3A_505 : vector<16xi32>
        tpu.vector_store_idx %arg11[%broadcast_in_dim3A_453, %add3A_506], %get3A_503 {add = true} : memref<264x128xf32, #tpu.memory_space<vmem>>[vector<16xi32>, vector<16xi32>], vector<16xf32>,
        %add3A_507 = arith.constant 112 : i32
        %add3A_508 = arith.addi %mul3A_457, %add3A_507 : i32
        %get3A_509 = arith.index_cast %add3A_508 : i32 to index
        %get3A_510 = tpu.vector_load %arg9[%get3A_509] {strides = array<i32>} : memref<16384xf32, #tpu.memory_space<vmem>>, vector<16xf32>,
        %add3A_511 = arith.constant 112 : i32
        %add3A_512 = vector.broadcast %add3A_511 : i32 to vector<16xi32>
        %add3A_513 = arith.addi %iota3A, %add3A_512 : vector<16xi32>
        tpu.vector_store_idx %arg11[%broadcast_in_dim3A_453, %add3A_513], %get3A_510 {add = true} : memref<264x128xf32, #tpu.memory_space<vmem>>[vector<16xi32>, vector<16xi32>], vector<16xf32>,
        tpu.vector_store_idx %arg12[%broadcast_in_dim3A_453, %iota3A], %broadcast_in_dim3A_17 {add = true} : memref<264x16xf32, #tpu.memory_space<vmem>>[vector<16xi32>, vector<16xi32>], vector<16xf32>,
        %slice3A_514 = vector.extract_strided_slice %get3A_74 {offsets = [7], sizes = [1], strides = [1]} : vector<16xi32> to vector<1xi32>
        %squeeze3A_515 = vector.extract %slice3A_514[0] : i32 from vector<1xi32>
        %broadcast_in_dim3A_516 = vector.broadcast %squeeze3A_515 : i32 to vector<16xi32>
        %add3A_517 = arith.constant 7 : i32
        %add3A_518 = arith.addi %mul3A_70, %add3A_517 : i32
        %mul3A_519 = arith.constant 128 : i32
        %mul3A_520 = arith.muli %add3A_518, %mul3A_519 : i32
        %add3A_521 = arith.constant 0 : i32
        %add3A_522 = arith.addi %mul3A_520, %add3A_521 : i32
        %get3A_523 = arith.index_cast %add3A_522 : i32 to index
        %get3A_524 = tpu.vector_load %arg9[%get3A_523] {strides = array<i32>} : memref<16384xf32, #tpu.memory_space<vmem>>, vector<16xf32>,
        %add3A_525 = arith.constant 0 : i32
        %add3A_526 = vector.broadcast %add3A_525 : i32 to vector<16xi32>
        %add3A_527 = arith.addi %iota3A, %add3A_526 : vector<16xi32>
        tpu.vector_store_idx %arg11[%broadcast_in_dim3A_516, %add3A_527], %get3A_524 {add = true} : memref<264x128xf32, #tpu.memory_space<vmem>>[vector<16xi32>, vector<16xi32>], vector<16xf32>,
        %add3A_528 = arith.constant 16 : i32
        %add3A_529 = arith.addi %mul3A_520, %add3A_528 : i32
        %get3A_530 = arith.index_cast %add3A_529 : i32 to index
        %get3A_531 = tpu.vector_load %arg9[%get3A_530] {strides = array<i32>} : memref<16384xf32, #tpu.memory_space<vmem>>, vector<16xf32>,
        %add3A_532 = arith.constant 16 : i32
        %add3A_533 = vector.broadcast %add3A_532 : i32 to vector<16xi32>
        %add3A_534 = arith.addi %iota3A, %add3A_533 : vector<16xi32>
        tpu.vector_store_idx %arg11[%broadcast_in_dim3A_516, %add3A_534], %get3A_531 {add = true} : memref<264x128xf32, #tpu.memory_space<vmem>>[vector<16xi32>, vector<16xi32>], vector<16xf32>,
        %add3A_535 = arith.constant 32 : i32
        %add3A_536 = arith.addi %mul3A_520, %add3A_535 : i32
        %get3A_537 = arith.index_cast %add3A_536 : i32 to index
        %get3A_538 = tpu.vector_load %arg9[%get3A_537] {strides = array<i32>} : memref<16384xf32, #tpu.memory_space<vmem>>, vector<16xf32>,
        %add3A_539 = arith.constant 32 : i32
        %add3A_540 = vector.broadcast %add3A_539 : i32 to vector<16xi32>
        %add3A_541 = arith.addi %iota3A, %add3A_540 : vector<16xi32>
        tpu.vector_store_idx %arg11[%broadcast_in_dim3A_516, %add3A_541], %get3A_538 {add = true} : memref<264x128xf32, #tpu.memory_space<vmem>>[vector<16xi32>, vector<16xi32>], vector<16xf32>,
        %add3A_542 = arith.constant 48 : i32
        %add3A_543 = arith.addi %mul3A_520, %add3A_542 : i32
        %get3A_544 = arith.index_cast %add3A_543 : i32 to index
        %get3A_545 = tpu.vector_load %arg9[%get3A_544] {strides = array<i32>} : memref<16384xf32, #tpu.memory_space<vmem>>, vector<16xf32>,
        %add3A_546 = arith.constant 48 : i32
        %add3A_547 = vector.broadcast %add3A_546 : i32 to vector<16xi32>
        %add3A_548 = arith.addi %iota3A, %add3A_547 : vector<16xi32>
        tpu.vector_store_idx %arg11[%broadcast_in_dim3A_516, %add3A_548], %get3A_545 {add = true} : memref<264x128xf32, #tpu.memory_space<vmem>>[vector<16xi32>, vector<16xi32>], vector<16xf32>,
        %add3A_549 = arith.constant 64 : i32
        %add3A_550 = arith.addi %mul3A_520, %add3A_549 : i32
        %get3A_551 = arith.index_cast %add3A_550 : i32 to index
        %get3A_552 = tpu.vector_load %arg9[%get3A_551] {strides = array<i32>} : memref<16384xf32, #tpu.memory_space<vmem>>, vector<16xf32>,
        %add3A_553 = arith.constant 64 : i32
        %add3A_554 = vector.broadcast %add3A_553 : i32 to vector<16xi32>
        %add3A_555 = arith.addi %iota3A, %add3A_554 : vector<16xi32>
        tpu.vector_store_idx %arg11[%broadcast_in_dim3A_516, %add3A_555], %get3A_552 {add = true} : memref<264x128xf32, #tpu.memory_space<vmem>>[vector<16xi32>, vector<16xi32>], vector<16xf32>,
        %add3A_556 = arith.constant 80 : i32
        %add3A_557 = arith.addi %mul3A_520, %add3A_556 : i32
        %get3A_558 = arith.index_cast %add3A_557 : i32 to index
        %get3A_559 = tpu.vector_load %arg9[%get3A_558] {strides = array<i32>} : memref<16384xf32, #tpu.memory_space<vmem>>, vector<16xf32>,
        %add3A_560 = arith.constant 80 : i32
        %add3A_561 = vector.broadcast %add3A_560 : i32 to vector<16xi32>
        %add3A_562 = arith.addi %iota3A, %add3A_561 : vector<16xi32>
        tpu.vector_store_idx %arg11[%broadcast_in_dim3A_516, %add3A_562], %get3A_559 {add = true} : memref<264x128xf32, #tpu.memory_space<vmem>>[vector<16xi32>, vector<16xi32>], vector<16xf32>,
        %add3A_563 = arith.constant 96 : i32
        %add3A_564 = arith.addi %mul3A_520, %add3A_563 : i32
        %get3A_565 = arith.index_cast %add3A_564 : i32 to index
        %get3A_566 = tpu.vector_load %arg9[%get3A_565] {strides = array<i32>} : memref<16384xf32, #tpu.memory_space<vmem>>, vector<16xf32>,
        %add3A_567 = arith.constant 96 : i32
        %add3A_568 = vector.broadcast %add3A_567 : i32 to vector<16xi32>
        %add3A_569 = arith.addi %iota3A, %add3A_568 : vector<16xi32>
        tpu.vector_store_idx %arg11[%broadcast_in_dim3A_516, %add3A_569], %get3A_566 {add = true} : memref<264x128xf32, #tpu.memory_space<vmem>>[vector<16xi32>, vector<16xi32>], vector<16xf32>,
        %add3A_570 = arith.constant 112 : i32
        %add3A_571 = arith.addi %mul3A_520, %add3A_570 : i32
        %get3A_572 = arith.index_cast %add3A_571 : i32 to index
        %get3A_573 = tpu.vector_load %arg9[%get3A_572] {strides = array<i32>} : memref<16384xf32, #tpu.memory_space<vmem>>, vector<16xf32>,
        %add3A_574 = arith.constant 112 : i32
        %add3A_575 = vector.broadcast %add3A_574 : i32 to vector<16xi32>
        %add3A_576 = arith.addi %iota3A, %add3A_575 : vector<16xi32>
        tpu.vector_store_idx %arg11[%broadcast_in_dim3A_516, %add3A_576], %get3A_573 {add = true} : memref<264x128xf32, #tpu.memory_space<vmem>>[vector<16xi32>, vector<16xi32>], vector<16xf32>,
        tpu.vector_store_idx %arg12[%broadcast_in_dim3A_516, %iota3A], %broadcast_in_dim3A_17 {add = true} : memref<264x16xf32, #tpu.memory_space<vmem>>[vector<16xi32>, vector<16xi32>], vector<16xf32>,
        %slice3A_577 = vector.extract_strided_slice %get3A_74 {offsets = [8], sizes = [1], strides = [1]} : vector<16xi32> to vector<1xi32>
        %squeeze3A_578 = vector.extract %slice3A_577[0] : i32 from vector<1xi32>
        %broadcast_in_dim3A_579 = vector.broadcast %squeeze3A_578 : i32 to vector<16xi32>
        %add3A_580 = arith.constant 8 : i32
        %add3A_581 = arith.addi %mul3A_70, %add3A_580 : i32
        %mul3A_582 = arith.constant 128 : i32
        %mul3A_583 = arith.muli %add3A_581, %mul3A_582 : i32
        %add3A_584 = arith.constant 0 : i32
        %add3A_585 = arith.addi %mul3A_583, %add3A_584 : i32
        %get3A_586 = arith.index_cast %add3A_585 : i32 to index
        %get3A_587 = tpu.vector_load %arg9[%get3A_586] {strides = array<i32>} : memref<16384xf32, #tpu.memory_space<vmem>>, vector<16xf32>,
        %add3A_588 = arith.constant 0 : i32
        %add3A_589 = vector.broadcast %add3A_588 : i32 to vector<16xi32>
        %add3A_590 = arith.addi %iota3A, %add3A_589 : vector<16xi32>
        tpu.vector_store_idx %arg11[%broadcast_in_dim3A_579, %add3A_590], %get3A_587 {add = true} : memref<264x128xf32, #tpu.memory_space<vmem>>[vector<16xi32>, vector<16xi32>], vector<16xf32>,
        %add3A_591 = arith.constant 16 : i32
        %add3A_592 = arith.addi %mul3A_583, %add3A_591 : i32
        %get3A_593 = arith.index_cast %add3A_592 : i32 to index
        %get3A_594 = tpu.vector_load %arg9[%get3A_593] {strides = array<i32>} : memref<16384xf32, #tpu.memory_space<vmem>>, vector<16xf32>,
        %add3A_595 = arith.constant 16 : i32
        %add3A_596 = vector.broadcast %add3A_595 : i32 to vector<16xi32>
        %add3A_597 = arith.addi %iota3A, %add3A_596 : vector<16xi32>
        tpu.vector_store_idx %arg11[%broadcast_in_dim3A_579, %add3A_597], %get3A_594 {add = true} : memref<264x128xf32, #tpu.memory_space<vmem>>[vector<16xi32>, vector<16xi32>], vector<16xf32>,
        %add3A_598 = arith.constant 32 : i32
        %add3A_599 = arith.addi %mul3A_583, %add3A_598 : i32
        %get3A_600 = arith.index_cast %add3A_599 : i32 to index
        %get3A_601 = tpu.vector_load %arg9[%get3A_600] {strides = array<i32>} : memref<16384xf32, #tpu.memory_space<vmem>>, vector<16xf32>,
        %add3A_602 = arith.constant 32 : i32
        %add3A_603 = vector.broadcast %add3A_602 : i32 to vector<16xi32>
        %add3A_604 = arith.addi %iota3A, %add3A_603 : vector<16xi32>
        tpu.vector_store_idx %arg11[%broadcast_in_dim3A_579, %add3A_604], %get3A_601 {add = true} : memref<264x128xf32, #tpu.memory_space<vmem>>[vector<16xi32>, vector<16xi32>], vector<16xf32>,
        %add3A_605 = arith.constant 48 : i32
        %add3A_606 = arith.addi %mul3A_583, %add3A_605 : i32
        %get3A_607 = arith.index_cast %add3A_606 : i32 to index
        %get3A_608 = tpu.vector_load %arg9[%get3A_607] {strides = array<i32>} : memref<16384xf32, #tpu.memory_space<vmem>>, vector<16xf32>,
        %add3A_609 = arith.constant 48 : i32
        %add3A_610 = vector.broadcast %add3A_609 : i32 to vector<16xi32>
        %add3A_611 = arith.addi %iota3A, %add3A_610 : vector<16xi32>
        tpu.vector_store_idx %arg11[%broadcast_in_dim3A_579, %add3A_611], %get3A_608 {add = true} : memref<264x128xf32, #tpu.memory_space<vmem>>[vector<16xi32>, vector<16xi32>], vector<16xf32>,
        %add3A_612 = arith.constant 64 : i32
        %add3A_613 = arith.addi %mul3A_583, %add3A_612 : i32
        %get3A_614 = arith.index_cast %add3A_613 : i32 to index
        %get3A_615 = tpu.vector_load %arg9[%get3A_614] {strides = array<i32>} : memref<16384xf32, #tpu.memory_space<vmem>>, vector<16xf32>,
        %add3A_616 = arith.constant 64 : i32
        %add3A_617 = vector.broadcast %add3A_616 : i32 to vector<16xi32>
        %add3A_618 = arith.addi %iota3A, %add3A_617 : vector<16xi32>
        tpu.vector_store_idx %arg11[%broadcast_in_dim3A_579, %add3A_618], %get3A_615 {add = true} : memref<264x128xf32, #tpu.memory_space<vmem>>[vector<16xi32>, vector<16xi32>], vector<16xf32>,
        %add3A_619 = arith.constant 80 : i32
        %add3A_620 = arith.addi %mul3A_583, %add3A_619 : i32
        %get3A_621 = arith.index_cast %add3A_620 : i32 to index
        %get3A_622 = tpu.vector_load %arg9[%get3A_621] {strides = array<i32>} : memref<16384xf32, #tpu.memory_space<vmem>>, vector<16xf32>,
        %add3A_623 = arith.constant 80 : i32
        %add3A_624 = vector.broadcast %add3A_623 : i32 to vector<16xi32>
        %add3A_625 = arith.addi %iota3A, %add3A_624 : vector<16xi32>
        tpu.vector_store_idx %arg11[%broadcast_in_dim3A_579, %add3A_625], %get3A_622 {add = true} : memref<264x128xf32, #tpu.memory_space<vmem>>[vector<16xi32>, vector<16xi32>], vector<16xf32>,
        %add3A_626 = arith.constant 96 : i32
        %add3A_627 = arith.addi %mul3A_583, %add3A_626 : i32
        %get3A_628 = arith.index_cast %add3A_627 : i32 to index
        %get3A_629 = tpu.vector_load %arg9[%get3A_628] {strides = array<i32>} : memref<16384xf32, #tpu.memory_space<vmem>>, vector<16xf32>,
        %add3A_630 = arith.constant 96 : i32
        %add3A_631 = vector.broadcast %add3A_630 : i32 to vector<16xi32>
        %add3A_632 = arith.addi %iota3A, %add3A_631 : vector<16xi32>
        tpu.vector_store_idx %arg11[%broadcast_in_dim3A_579, %add3A_632], %get3A_629 {add = true} : memref<264x128xf32, #tpu.memory_space<vmem>>[vector<16xi32>, vector<16xi32>], vector<16xf32>,
        %add3A_633 = arith.constant 112 : i32
        %add3A_634 = arith.addi %mul3A_583, %add3A_633 : i32
        %get3A_635 = arith.index_cast %add3A_634 : i32 to index
        %get3A_636 = tpu.vector_load %arg9[%get3A_635] {strides = array<i32>} : memref<16384xf32, #tpu.memory_space<vmem>>, vector<16xf32>,
        %add3A_637 = arith.constant 112 : i32
        %add3A_638 = vector.broadcast %add3A_637 : i32 to vector<16xi32>
        %add3A_639 = arith.addi %iota3A, %add3A_638 : vector<16xi32>
        tpu.vector_store_idx %arg11[%broadcast_in_dim3A_579, %add3A_639], %get3A_636 {add = true} : memref<264x128xf32, #tpu.memory_space<vmem>>[vector<16xi32>, vector<16xi32>], vector<16xf32>,
        tpu.vector_store_idx %arg12[%broadcast_in_dim3A_579, %iota3A], %broadcast_in_dim3A_17 {add = true} : memref<264x16xf32, #tpu.memory_space<vmem>>[vector<16xi32>, vector<16xi32>], vector<16xf32>,
        %slice3A_640 = vector.extract_strided_slice %get3A_74 {offsets = [9], sizes = [1], strides = [1]} : vector<16xi32> to vector<1xi32>
        %squeeze3A_641 = vector.extract %slice3A_640[0] : i32 from vector<1xi32>
        %broadcast_in_dim3A_642 = vector.broadcast %squeeze3A_641 : i32 to vector<16xi32>
        %add3A_643 = arith.constant 9 : i32
        %add3A_644 = arith.addi %mul3A_70, %add3A_643 : i32
        %mul3A_645 = arith.constant 128 : i32
        %mul3A_646 = arith.muli %add3A_644, %mul3A_645 : i32
        %add3A_647 = arith.constant 0 : i32
        %add3A_648 = arith.addi %mul3A_646, %add3A_647 : i32
        %get3A_649 = arith.index_cast %add3A_648 : i32 to index
        %get3A_650 = tpu.vector_load %arg9[%get3A_649] {strides = array<i32>} : memref<16384xf32, #tpu.memory_space<vmem>>, vector<16xf32>,
        %add3A_651 = arith.constant 0 : i32
        %add3A_652 = vector.broadcast %add3A_651 : i32 to vector<16xi32>
        %add3A_653 = arith.addi %iota3A, %add3A_652 : vector<16xi32>
        tpu.vector_store_idx %arg11[%broadcast_in_dim3A_642, %add3A_653], %get3A_650 {add = true} : memref<264x128xf32, #tpu.memory_space<vmem>>[vector<16xi32>, vector<16xi32>], vector<16xf32>,
        %add3A_654 = arith.constant 16 : i32
        %add3A_655 = arith.addi %mul3A_646, %add3A_654 : i32
        %get3A_656 = arith.index_cast %add3A_655 : i32 to index
        %get3A_657 = tpu.vector_load %arg9[%get3A_656] {strides = array<i32>} : memref<16384xf32, #tpu.memory_space<vmem>>, vector<16xf32>,
        %add3A_658 = arith.constant 16 : i32
        %add3A_659 = vector.broadcast %add3A_658 : i32 to vector<16xi32>
        %add3A_660 = arith.addi %iota3A, %add3A_659 : vector<16xi32>
        tpu.vector_store_idx %arg11[%broadcast_in_dim3A_642, %add3A_660], %get3A_657 {add = true} : memref<264x128xf32, #tpu.memory_space<vmem>>[vector<16xi32>, vector<16xi32>], vector<16xf32>,
        %add3A_661 = arith.constant 32 : i32
        %add3A_662 = arith.addi %mul3A_646, %add3A_661 : i32
        %get3A_663 = arith.index_cast %add3A_662 : i32 to index
        %get3A_664 = tpu.vector_load %arg9[%get3A_663] {strides = array<i32>} : memref<16384xf32, #tpu.memory_space<vmem>>, vector<16xf32>,
        %add3A_665 = arith.constant 32 : i32
        %add3A_666 = vector.broadcast %add3A_665 : i32 to vector<16xi32>
        %add3A_667 = arith.addi %iota3A, %add3A_666 : vector<16xi32>
        tpu.vector_store_idx %arg11[%broadcast_in_dim3A_642, %add3A_667], %get3A_664 {add = true} : memref<264x128xf32, #tpu.memory_space<vmem>>[vector<16xi32>, vector<16xi32>], vector<16xf32>,
        %add3A_668 = arith.constant 48 : i32
        %add3A_669 = arith.addi %mul3A_646, %add3A_668 : i32
        %get3A_670 = arith.index_cast %add3A_669 : i32 to index
        %get3A_671 = tpu.vector_load %arg9[%get3A_670] {strides = array<i32>} : memref<16384xf32, #tpu.memory_space<vmem>>, vector<16xf32>,
        %add3A_672 = arith.constant 48 : i32
        %add3A_673 = vector.broadcast %add3A_672 : i32 to vector<16xi32>
        %add3A_674 = arith.addi %iota3A, %add3A_673 : vector<16xi32>
        tpu.vector_store_idx %arg11[%broadcast_in_dim3A_642, %add3A_674], %get3A_671 {add = true} : memref<264x128xf32, #tpu.memory_space<vmem>>[vector<16xi32>, vector<16xi32>], vector<16xf32>,
        %add3A_675 = arith.constant 64 : i32
        %add3A_676 = arith.addi %mul3A_646, %add3A_675 : i32
        %get3A_677 = arith.index_cast %add3A_676 : i32 to index
        %get3A_678 = tpu.vector_load %arg9[%get3A_677] {strides = array<i32>} : memref<16384xf32, #tpu.memory_space<vmem>>, vector<16xf32>,
        %add3A_679 = arith.constant 64 : i32
        %add3A_680 = vector.broadcast %add3A_679 : i32 to vector<16xi32>
        %add3A_681 = arith.addi %iota3A, %add3A_680 : vector<16xi32>
        tpu.vector_store_idx %arg11[%broadcast_in_dim3A_642, %add3A_681], %get3A_678 {add = true} : memref<264x128xf32, #tpu.memory_space<vmem>>[vector<16xi32>, vector<16xi32>], vector<16xf32>,
        %add3A_682 = arith.constant 80 : i32
        %add3A_683 = arith.addi %mul3A_646, %add3A_682 : i32
        %get3A_684 = arith.index_cast %add3A_683 : i32 to index
        %get3A_685 = tpu.vector_load %arg9[%get3A_684] {strides = array<i32>} : memref<16384xf32, #tpu.memory_space<vmem>>, vector<16xf32>,
        %add3A_686 = arith.constant 80 : i32
        %add3A_687 = vector.broadcast %add3A_686 : i32 to vector<16xi32>
        %add3A_688 = arith.addi %iota3A, %add3A_687 : vector<16xi32>
        tpu.vector_store_idx %arg11[%broadcast_in_dim3A_642, %add3A_688], %get3A_685 {add = true} : memref<264x128xf32, #tpu.memory_space<vmem>>[vector<16xi32>, vector<16xi32>], vector<16xf32>,
        %add3A_689 = arith.constant 96 : i32
        %add3A_690 = arith.addi %mul3A_646, %add3A_689 : i32
        %get3A_691 = arith.index_cast %add3A_690 : i32 to index
        %get3A_692 = tpu.vector_load %arg9[%get3A_691] {strides = array<i32>} : memref<16384xf32, #tpu.memory_space<vmem>>, vector<16xf32>,
        %add3A_693 = arith.constant 96 : i32
        %add3A_694 = vector.broadcast %add3A_693 : i32 to vector<16xi32>
        %add3A_695 = arith.addi %iota3A, %add3A_694 : vector<16xi32>
        tpu.vector_store_idx %arg11[%broadcast_in_dim3A_642, %add3A_695], %get3A_692 {add = true} : memref<264x128xf32, #tpu.memory_space<vmem>>[vector<16xi32>, vector<16xi32>], vector<16xf32>,
        %add3A_696 = arith.constant 112 : i32
        %add3A_697 = arith.addi %mul3A_646, %add3A_696 : i32
        %get3A_698 = arith.index_cast %add3A_697 : i32 to index
        %get3A_699 = tpu.vector_load %arg9[%get3A_698] {strides = array<i32>} : memref<16384xf32, #tpu.memory_space<vmem>>, vector<16xf32>,
        %add3A_700 = arith.constant 112 : i32
        %add3A_701 = vector.broadcast %add3A_700 : i32 to vector<16xi32>
        %add3A_702 = arith.addi %iota3A, %add3A_701 : vector<16xi32>
        tpu.vector_store_idx %arg11[%broadcast_in_dim3A_642, %add3A_702], %get3A_699 {add = true} : memref<264x128xf32, #tpu.memory_space<vmem>>[vector<16xi32>, vector<16xi32>], vector<16xf32>,
        tpu.vector_store_idx %arg12[%broadcast_in_dim3A_642, %iota3A], %broadcast_in_dim3A_17 {add = true} : memref<264x16xf32, #tpu.memory_space<vmem>>[vector<16xi32>, vector<16xi32>], vector<16xf32>,
        %slice3A_703 = vector.extract_strided_slice %get3A_74 {offsets = [10], sizes = [1], strides = [1]} : vector<16xi32> to vector<1xi32>
        %squeeze3A_704 = vector.extract %slice3A_703[0] : i32 from vector<1xi32>
        %broadcast_in_dim3A_705 = vector.broadcast %squeeze3A_704 : i32 to vector<16xi32>
        %add3A_706 = arith.constant 10 : i32
        %add3A_707 = arith.addi %mul3A_70, %add3A_706 : i32
        %mul3A_708 = arith.constant 128 : i32
        %mul3A_709 = arith.muli %add3A_707, %mul3A_708 : i32
        %add3A_710 = arith.constant 0 : i32
        %add3A_711 = arith.addi %mul3A_709, %add3A_710 : i32
        %get3A_712 = arith.index_cast %add3A_711 : i32 to index
        %get3A_713 = tpu.vector_load %arg9[%get3A_712] {strides = array<i32>} : memref<16384xf32, #tpu.memory_space<vmem>>, vector<16xf32>,
        %add3A_714 = arith.constant 0 : i32
        %add3A_715 = vector.broadcast %add3A_714 : i32 to vector<16xi32>
        %add3A_716 = arith.addi %iota3A, %add3A_715 : vector<16xi32>
        tpu.vector_store_idx %arg11[%broadcast_in_dim3A_705, %add3A_716], %get3A_713 {add = true} : memref<264x128xf32, #tpu.memory_space<vmem>>[vector<16xi32>, vector<16xi32>], vector<16xf32>,
        %add3A_717 = arith.constant 16 : i32
        %add3A_718 = arith.addi %mul3A_709, %add3A_717 : i32
        %get3A_719 = arith.index_cast %add3A_718 : i32 to index
        %get3A_720 = tpu.vector_load %arg9[%get3A_719] {strides = array<i32>} : memref<16384xf32, #tpu.memory_space<vmem>>, vector<16xf32>,
        %add3A_721 = arith.constant 16 : i32
        %add3A_722 = vector.broadcast %add3A_721 : i32 to vector<16xi32>
        %add3A_723 = arith.addi %iota3A, %add3A_722 : vector<16xi32>
        tpu.vector_store_idx %arg11[%broadcast_in_dim3A_705, %add3A_723], %get3A_720 {add = true} : memref<264x128xf32, #tpu.memory_space<vmem>>[vector<16xi32>, vector<16xi32>], vector<16xf32>,
        %add3A_724 = arith.constant 32 : i32
        %add3A_725 = arith.addi %mul3A_709, %add3A_724 : i32
        %get3A_726 = arith.index_cast %add3A_725 : i32 to index
        %get3A_727 = tpu.vector_load %arg9[%get3A_726] {strides = array<i32>} : memref<16384xf32, #tpu.memory_space<vmem>>, vector<16xf32>,
        %add3A_728 = arith.constant 32 : i32
        %add3A_729 = vector.broadcast %add3A_728 : i32 to vector<16xi32>
        %add3A_730 = arith.addi %iota3A, %add3A_729 : vector<16xi32>
        tpu.vector_store_idx %arg11[%broadcast_in_dim3A_705, %add3A_730], %get3A_727 {add = true} : memref<264x128xf32, #tpu.memory_space<vmem>>[vector<16xi32>, vector<16xi32>], vector<16xf32>,
        %add3A_731 = arith.constant 48 : i32
        %add3A_732 = arith.addi %mul3A_709, %add3A_731 : i32
        %get3A_733 = arith.index_cast %add3A_732 : i32 to index
        %get3A_734 = tpu.vector_load %arg9[%get3A_733] {strides = array<i32>} : memref<16384xf32, #tpu.memory_space<vmem>>, vector<16xf32>,
        %add3A_735 = arith.constant 48 : i32
        %add3A_736 = vector.broadcast %add3A_735 : i32 to vector<16xi32>
        %add3A_737 = arith.addi %iota3A, %add3A_736 : vector<16xi32>
        tpu.vector_store_idx %arg11[%broadcast_in_dim3A_705, %add3A_737], %get3A_734 {add = true} : memref<264x128xf32, #tpu.memory_space<vmem>>[vector<16xi32>, vector<16xi32>], vector<16xf32>,
        %add3A_738 = arith.constant 64 : i32
        %add3A_739 = arith.addi %mul3A_709, %add3A_738 : i32
        %get3A_740 = arith.index_cast %add3A_739 : i32 to index
        %get3A_741 = tpu.vector_load %arg9[%get3A_740] {strides = array<i32>} : memref<16384xf32, #tpu.memory_space<vmem>>, vector<16xf32>,
        %add3A_742 = arith.constant 64 : i32
        %add3A_743 = vector.broadcast %add3A_742 : i32 to vector<16xi32>
        %add3A_744 = arith.addi %iota3A, %add3A_743 : vector<16xi32>
        tpu.vector_store_idx %arg11[%broadcast_in_dim3A_705, %add3A_744], %get3A_741 {add = true} : memref<264x128xf32, #tpu.memory_space<vmem>>[vector<16xi32>, vector<16xi32>], vector<16xf32>,
        %add3A_745 = arith.constant 80 : i32
        %add3A_746 = arith.addi %mul3A_709, %add3A_745 : i32
        %get3A_747 = arith.index_cast %add3A_746 : i32 to index
        %get3A_748 = tpu.vector_load %arg9[%get3A_747] {strides = array<i32>} : memref<16384xf32, #tpu.memory_space<vmem>>, vector<16xf32>,
        %add3A_749 = arith.constant 80 : i32
        %add3A_750 = vector.broadcast %add3A_749 : i32 to vector<16xi32>
        %add3A_751 = arith.addi %iota3A, %add3A_750 : vector<16xi32>
        tpu.vector_store_idx %arg11[%broadcast_in_dim3A_705, %add3A_751], %get3A_748 {add = true} : memref<264x128xf32, #tpu.memory_space<vmem>>[vector<16xi32>, vector<16xi32>], vector<16xf32>,
        %add3A_752 = arith.constant 96 : i32
        %add3A_753 = arith.addi %mul3A_709, %add3A_752 : i32
        %get3A_754 = arith.index_cast %add3A_753 : i32 to index
        %get3A_755 = tpu.vector_load %arg9[%get3A_754] {strides = array<i32>} : memref<16384xf32, #tpu.memory_space<vmem>>, vector<16xf32>,
        %add3A_756 = arith.constant 96 : i32
        %add3A_757 = vector.broadcast %add3A_756 : i32 to vector<16xi32>
        %add3A_758 = arith.addi %iota3A, %add3A_757 : vector<16xi32>
        tpu.vector_store_idx %arg11[%broadcast_in_dim3A_705, %add3A_758], %get3A_755 {add = true} : memref<264x128xf32, #tpu.memory_space<vmem>>[vector<16xi32>, vector<16xi32>], vector<16xf32>,
        %add3A_759 = arith.constant 112 : i32
        %add3A_760 = arith.addi %mul3A_709, %add3A_759 : i32
        %get3A_761 = arith.index_cast %add3A_760 : i32 to index
        %get3A_762 = tpu.vector_load %arg9[%get3A_761] {strides = array<i32>} : memref<16384xf32, #tpu.memory_space<vmem>>, vector<16xf32>,
        %add3A_763 = arith.constant 112 : i32
        %add3A_764 = vector.broadcast %add3A_763 : i32 to vector<16xi32>
        %add3A_765 = arith.addi %iota3A, %add3A_764 : vector<16xi32>
        tpu.vector_store_idx %arg11[%broadcast_in_dim3A_705, %add3A_765], %get3A_762 {add = true} : memref<264x128xf32, #tpu.memory_space<vmem>>[vector<16xi32>, vector<16xi32>], vector<16xf32>,
        tpu.vector_store_idx %arg12[%broadcast_in_dim3A_705, %iota3A], %broadcast_in_dim3A_17 {add = true} : memref<264x16xf32, #tpu.memory_space<vmem>>[vector<16xi32>, vector<16xi32>], vector<16xf32>,
        %slice3A_766 = vector.extract_strided_slice %get3A_74 {offsets = [11], sizes = [1], strides = [1]} : vector<16xi32> to vector<1xi32>
        %squeeze3A_767 = vector.extract %slice3A_766[0] : i32 from vector<1xi32>
        %broadcast_in_dim3A_768 = vector.broadcast %squeeze3A_767 : i32 to vector<16xi32>
        %add3A_769 = arith.constant 11 : i32
        %add3A_770 = arith.addi %mul3A_70, %add3A_769 : i32
        %mul3A_771 = arith.constant 128 : i32
        %mul3A_772 = arith.muli %add3A_770, %mul3A_771 : i32
        %add3A_773 = arith.constant 0 : i32
        %add3A_774 = arith.addi %mul3A_772, %add3A_773 : i32
        %get3A_775 = arith.index_cast %add3A_774 : i32 to index
        %get3A_776 = tpu.vector_load %arg9[%get3A_775] {strides = array<i32>} : memref<16384xf32, #tpu.memory_space<vmem>>, vector<16xf32>,
        %add3A_777 = arith.constant 0 : i32
        %add3A_778 = vector.broadcast %add3A_777 : i32 to vector<16xi32>
        %add3A_779 = arith.addi %iota3A, %add3A_778 : vector<16xi32>
        tpu.vector_store_idx %arg11[%broadcast_in_dim3A_768, %add3A_779], %get3A_776 {add = true} : memref<264x128xf32, #tpu.memory_space<vmem>>[vector<16xi32>, vector<16xi32>], vector<16xf32>,
        %add3A_780 = arith.constant 16 : i32
        %add3A_781 = arith.addi %mul3A_772, %add3A_780 : i32
        %get3A_782 = arith.index_cast %add3A_781 : i32 to index
        %get3A_783 = tpu.vector_load %arg9[%get3A_782] {strides = array<i32>} : memref<16384xf32, #tpu.memory_space<vmem>>, vector<16xf32>,
        %add3A_784 = arith.constant 16 : i32
        %add3A_785 = vector.broadcast %add3A_784 : i32 to vector<16xi32>
        %add3A_786 = arith.addi %iota3A, %add3A_785 : vector<16xi32>
        tpu.vector_store_idx %arg11[%broadcast_in_dim3A_768, %add3A_786], %get3A_783 {add = true} : memref<264x128xf32, #tpu.memory_space<vmem>>[vector<16xi32>, vector<16xi32>], vector<16xf32>,
        %add3A_787 = arith.constant 32 : i32
        %add3A_788 = arith.addi %mul3A_772, %add3A_787 : i32
        %get3A_789 = arith.index_cast %add3A_788 : i32 to index
        %get3A_790 = tpu.vector_load %arg9[%get3A_789] {strides = array<i32>} : memref<16384xf32, #tpu.memory_space<vmem>>, vector<16xf32>,
        %add3A_791 = arith.constant 32 : i32
        %add3A_792 = vector.broadcast %add3A_791 : i32 to vector<16xi32>
        %add3A_793 = arith.addi %iota3A, %add3A_792 : vector<16xi32>
        tpu.vector_store_idx %arg11[%broadcast_in_dim3A_768, %add3A_793], %get3A_790 {add = true} : memref<264x128xf32, #tpu.memory_space<vmem>>[vector<16xi32>, vector<16xi32>], vector<16xf32>,
        %add3A_794 = arith.constant 48 : i32
        %add3A_795 = arith.addi %mul3A_772, %add3A_794 : i32
        %get3A_796 = arith.index_cast %add3A_795 : i32 to index
        %get3A_797 = tpu.vector_load %arg9[%get3A_796] {strides = array<i32>} : memref<16384xf32, #tpu.memory_space<vmem>>, vector<16xf32>,
        %add3A_798 = arith.constant 48 : i32
        %add3A_799 = vector.broadcast %add3A_798 : i32 to vector<16xi32>
        %add3A_800 = arith.addi %iota3A, %add3A_799 : vector<16xi32>
        tpu.vector_store_idx %arg11[%broadcast_in_dim3A_768, %add3A_800], %get3A_797 {add = true} : memref<264x128xf32, #tpu.memory_space<vmem>>[vector<16xi32>, vector<16xi32>], vector<16xf32>,
        %add3A_801 = arith.constant 64 : i32
        %add3A_802 = arith.addi %mul3A_772, %add3A_801 : i32
        %get3A_803 = arith.index_cast %add3A_802 : i32 to index
        %get3A_804 = tpu.vector_load %arg9[%get3A_803] {strides = array<i32>} : memref<16384xf32, #tpu.memory_space<vmem>>, vector<16xf32>,
        %add3A_805 = arith.constant 64 : i32
        %add3A_806 = vector.broadcast %add3A_805 : i32 to vector<16xi32>
        %add3A_807 = arith.addi %iota3A, %add3A_806 : vector<16xi32>
        tpu.vector_store_idx %arg11[%broadcast_in_dim3A_768, %add3A_807], %get3A_804 {add = true} : memref<264x128xf32, #tpu.memory_space<vmem>>[vector<16xi32>, vector<16xi32>], vector<16xf32>,
        %add3A_808 = arith.constant 80 : i32
        %add3A_809 = arith.addi %mul3A_772, %add3A_808 : i32
        %get3A_810 = arith.index_cast %add3A_809 : i32 to index
        %get3A_811 = tpu.vector_load %arg9[%get3A_810] {strides = array<i32>} : memref<16384xf32, #tpu.memory_space<vmem>>, vector<16xf32>,
        %add3A_812 = arith.constant 80 : i32
        %add3A_813 = vector.broadcast %add3A_812 : i32 to vector<16xi32>
        %add3A_814 = arith.addi %iota3A, %add3A_813 : vector<16xi32>
        tpu.vector_store_idx %arg11[%broadcast_in_dim3A_768, %add3A_814], %get3A_811 {add = true} : memref<264x128xf32, #tpu.memory_space<vmem>>[vector<16xi32>, vector<16xi32>], vector<16xf32>,
        %add3A_815 = arith.constant 96 : i32
        %add3A_816 = arith.addi %mul3A_772, %add3A_815 : i32
        %get3A_817 = arith.index_cast %add3A_816 : i32 to index
        %get3A_818 = tpu.vector_load %arg9[%get3A_817] {strides = array<i32>} : memref<16384xf32, #tpu.memory_space<vmem>>, vector<16xf32>,
        %add3A_819 = arith.constant 96 : i32
        %add3A_820 = vector.broadcast %add3A_819 : i32 to vector<16xi32>
        %add3A_821 = arith.addi %iota3A, %add3A_820 : vector<16xi32>
        tpu.vector_store_idx %arg11[%broadcast_in_dim3A_768, %add3A_821], %get3A_818 {add = true} : memref<264x128xf32, #tpu.memory_space<vmem>>[vector<16xi32>, vector<16xi32>], vector<16xf32>,
        %add3A_822 = arith.constant 112 : i32
        %add3A_823 = arith.addi %mul3A_772, %add3A_822 : i32
        %get3A_824 = arith.index_cast %add3A_823 : i32 to index
        %get3A_825 = tpu.vector_load %arg9[%get3A_824] {strides = array<i32>} : memref<16384xf32, #tpu.memory_space<vmem>>, vector<16xf32>,
        %add3A_826 = arith.constant 112 : i32
        %add3A_827 = vector.broadcast %add3A_826 : i32 to vector<16xi32>
        %add3A_828 = arith.addi %iota3A, %add3A_827 : vector<16xi32>
        tpu.vector_store_idx %arg11[%broadcast_in_dim3A_768, %add3A_828], %get3A_825 {add = true} : memref<264x128xf32, #tpu.memory_space<vmem>>[vector<16xi32>, vector<16xi32>], vector<16xf32>,
        tpu.vector_store_idx %arg12[%broadcast_in_dim3A_768, %iota3A], %broadcast_in_dim3A_17 {add = true} : memref<264x16xf32, #tpu.memory_space<vmem>>[vector<16xi32>, vector<16xi32>], vector<16xf32>,
        %slice3A_829 = vector.extract_strided_slice %get3A_74 {offsets = [12], sizes = [1], strides = [1]} : vector<16xi32> to vector<1xi32>
        %squeeze3A_830 = vector.extract %slice3A_829[0] : i32 from vector<1xi32>
        %broadcast_in_dim3A_831 = vector.broadcast %squeeze3A_830 : i32 to vector<16xi32>
        %add3A_832 = arith.constant 12 : i32
        %add3A_833 = arith.addi %mul3A_70, %add3A_832 : i32
        %mul3A_834 = arith.constant 128 : i32
        %mul3A_835 = arith.muli %add3A_833, %mul3A_834 : i32
        %add3A_836 = arith.constant 0 : i32
        %add3A_837 = arith.addi %mul3A_835, %add3A_836 : i32
        %get3A_838 = arith.index_cast %add3A_837 : i32 to index
        %get3A_839 = tpu.vector_load %arg9[%get3A_838] {strides = array<i32>} : memref<16384xf32, #tpu.memory_space<vmem>>, vector<16xf32>,
        %add3A_840 = arith.constant 0 : i32
        %add3A_841 = vector.broadcast %add3A_840 : i32 to vector<16xi32>
        %add3A_842 = arith.addi %iota3A, %add3A_841 : vector<16xi32>
        tpu.vector_store_idx %arg11[%broadcast_in_dim3A_831, %add3A_842], %get3A_839 {add = true} : memref<264x128xf32, #tpu.memory_space<vmem>>[vector<16xi32>, vector<16xi32>], vector<16xf32>,
        %add3A_843 = arith.constant 16 : i32
        %add3A_844 = arith.addi %mul3A_835, %add3A_843 : i32
        %get3A_845 = arith.index_cast %add3A_844 : i32 to index
        %get3A_846 = tpu.vector_load %arg9[%get3A_845] {strides = array<i32>} : memref<16384xf32, #tpu.memory_space<vmem>>, vector<16xf32>,
        %add3A_847 = arith.constant 16 : i32
        %add3A_848 = vector.broadcast %add3A_847 : i32 to vector<16xi32>
        %add3A_849 = arith.addi %iota3A, %add3A_848 : vector<16xi32>
        tpu.vector_store_idx %arg11[%broadcast_in_dim3A_831, %add3A_849], %get3A_846 {add = true} : memref<264x128xf32, #tpu.memory_space<vmem>>[vector<16xi32>, vector<16xi32>], vector<16xf32>,
        %add3A_850 = arith.constant 32 : i32
        %add3A_851 = arith.addi %mul3A_835, %add3A_850 : i32
        %get3A_852 = arith.index_cast %add3A_851 : i32 to index
        %get3A_853 = tpu.vector_load %arg9[%get3A_852] {strides = array<i32>} : memref<16384xf32, #tpu.memory_space<vmem>>, vector<16xf32>,
        %add3A_854 = arith.constant 32 : i32
        %add3A_855 = vector.broadcast %add3A_854 : i32 to vector<16xi32>
        %add3A_856 = arith.addi %iota3A, %add3A_855 : vector<16xi32>
        tpu.vector_store_idx %arg11[%broadcast_in_dim3A_831, %add3A_856], %get3A_853 {add = true} : memref<264x128xf32, #tpu.memory_space<vmem>>[vector<16xi32>, vector<16xi32>], vector<16xf32>,
        %add3A_857 = arith.constant 48 : i32
        %add3A_858 = arith.addi %mul3A_835, %add3A_857 : i32
        %get3A_859 = arith.index_cast %add3A_858 : i32 to index
        %get3A_860 = tpu.vector_load %arg9[%get3A_859] {strides = array<i32>} : memref<16384xf32, #tpu.memory_space<vmem>>, vector<16xf32>,
        %add3A_861 = arith.constant 48 : i32
        %add3A_862 = vector.broadcast %add3A_861 : i32 to vector<16xi32>
        %add3A_863 = arith.addi %iota3A, %add3A_862 : vector<16xi32>
        tpu.vector_store_idx %arg11[%broadcast_in_dim3A_831, %add3A_863], %get3A_860 {add = true} : memref<264x128xf32, #tpu.memory_space<vmem>>[vector<16xi32>, vector<16xi32>], vector<16xf32>,
        %add3A_864 = arith.constant 64 : i32
        %add3A_865 = arith.addi %mul3A_835, %add3A_864 : i32
        %get3A_866 = arith.index_cast %add3A_865 : i32 to index
        %get3A_867 = tpu.vector_load %arg9[%get3A_866] {strides = array<i32>} : memref<16384xf32, #tpu.memory_space<vmem>>, vector<16xf32>,
        %add3A_868 = arith.constant 64 : i32
        %add3A_869 = vector.broadcast %add3A_868 : i32 to vector<16xi32>
        %add3A_870 = arith.addi %iota3A, %add3A_869 : vector<16xi32>
        tpu.vector_store_idx %arg11[%broadcast_in_dim3A_831, %add3A_870], %get3A_867 {add = true} : memref<264x128xf32, #tpu.memory_space<vmem>>[vector<16xi32>, vector<16xi32>], vector<16xf32>,
        %add3A_871 = arith.constant 80 : i32
        %add3A_872 = arith.addi %mul3A_835, %add3A_871 : i32
        %get3A_873 = arith.index_cast %add3A_872 : i32 to index
        %get3A_874 = tpu.vector_load %arg9[%get3A_873] {strides = array<i32>} : memref<16384xf32, #tpu.memory_space<vmem>>, vector<16xf32>,
        %add3A_875 = arith.constant 80 : i32
        %add3A_876 = vector.broadcast %add3A_875 : i32 to vector<16xi32>
        %add3A_877 = arith.addi %iota3A, %add3A_876 : vector<16xi32>
        tpu.vector_store_idx %arg11[%broadcast_in_dim3A_831, %add3A_877], %get3A_874 {add = true} : memref<264x128xf32, #tpu.memory_space<vmem>>[vector<16xi32>, vector<16xi32>], vector<16xf32>,
        %add3A_878 = arith.constant 96 : i32
        %add3A_879 = arith.addi %mul3A_835, %add3A_878 : i32
        %get3A_880 = arith.index_cast %add3A_879 : i32 to index
        %get3A_881 = tpu.vector_load %arg9[%get3A_880] {strides = array<i32>} : memref<16384xf32, #tpu.memory_space<vmem>>, vector<16xf32>,
        %add3A_882 = arith.constant 96 : i32
        %add3A_883 = vector.broadcast %add3A_882 : i32 to vector<16xi32>
        %add3A_884 = arith.addi %iota3A, %add3A_883 : vector<16xi32>
        tpu.vector_store_idx %arg11[%broadcast_in_dim3A_831, %add3A_884], %get3A_881 {add = true} : memref<264x128xf32, #tpu.memory_space<vmem>>[vector<16xi32>, vector<16xi32>], vector<16xf32>,
        %add3A_885 = arith.constant 112 : i32
        %add3A_886 = arith.addi %mul3A_835, %add3A_885 : i32
        %get3A_887 = arith.index_cast %add3A_886 : i32 to index
        %get3A_888 = tpu.vector_load %arg9[%get3A_887] {strides = array<i32>} : memref<16384xf32, #tpu.memory_space<vmem>>, vector<16xf32>,
        %add3A_889 = arith.constant 112 : i32
        %add3A_890 = vector.broadcast %add3A_889 : i32 to vector<16xi32>
        %add3A_891 = arith.addi %iota3A, %add3A_890 : vector<16xi32>
        tpu.vector_store_idx %arg11[%broadcast_in_dim3A_831, %add3A_891], %get3A_888 {add = true} : memref<264x128xf32, #tpu.memory_space<vmem>>[vector<16xi32>, vector<16xi32>], vector<16xf32>,
        tpu.vector_store_idx %arg12[%broadcast_in_dim3A_831, %iota3A], %broadcast_in_dim3A_17 {add = true} : memref<264x16xf32, #tpu.memory_space<vmem>>[vector<16xi32>, vector<16xi32>], vector<16xf32>,
        %slice3A_892 = vector.extract_strided_slice %get3A_74 {offsets = [13], sizes = [1], strides = [1]} : vector<16xi32> to vector<1xi32>
        %squeeze3A_893 = vector.extract %slice3A_892[0] : i32 from vector<1xi32>
        %broadcast_in_dim3A_894 = vector.broadcast %squeeze3A_893 : i32 to vector<16xi32>
        %add3A_895 = arith.constant 13 : i32
        %add3A_896 = arith.addi %mul3A_70, %add3A_895 : i32
        %mul3A_897 = arith.constant 128 : i32
        %mul3A_898 = arith.muli %add3A_896, %mul3A_897 : i32
        %add3A_899 = arith.constant 0 : i32
        %add3A_900 = arith.addi %mul3A_898, %add3A_899 : i32
        %get3A_901 = arith.index_cast %add3A_900 : i32 to index
        %get3A_902 = tpu.vector_load %arg9[%get3A_901] {strides = array<i32>} : memref<16384xf32, #tpu.memory_space<vmem>>, vector<16xf32>,
        %add3A_903 = arith.constant 0 : i32
        %add3A_904 = vector.broadcast %add3A_903 : i32 to vector<16xi32>
        %add3A_905 = arith.addi %iota3A, %add3A_904 : vector<16xi32>
        tpu.vector_store_idx %arg11[%broadcast_in_dim3A_894, %add3A_905], %get3A_902 {add = true} : memref<264x128xf32, #tpu.memory_space<vmem>>[vector<16xi32>, vector<16xi32>], vector<16xf32>,
        %add3A_906 = arith.constant 16 : i32
        %add3A_907 = arith.addi %mul3A_898, %add3A_906 : i32
        %get3A_908 = arith.index_cast %add3A_907 : i32 to index
        %get3A_909 = tpu.vector_load %arg9[%get3A_908] {strides = array<i32>} : memref<16384xf32, #tpu.memory_space<vmem>>, vector<16xf32>,
        %add3A_910 = arith.constant 16 : i32
        %add3A_911 = vector.broadcast %add3A_910 : i32 to vector<16xi32>
        %add3A_912 = arith.addi %iota3A, %add3A_911 : vector<16xi32>
        tpu.vector_store_idx %arg11[%broadcast_in_dim3A_894, %add3A_912], %get3A_909 {add = true} : memref<264x128xf32, #tpu.memory_space<vmem>>[vector<16xi32>, vector<16xi32>], vector<16xf32>,
        %add3A_913 = arith.constant 32 : i32
        %add3A_914 = arith.addi %mul3A_898, %add3A_913 : i32
        %get3A_915 = arith.index_cast %add3A_914 : i32 to index
        %get3A_916 = tpu.vector_load %arg9[%get3A_915] {strides = array<i32>} : memref<16384xf32, #tpu.memory_space<vmem>>, vector<16xf32>,
        %add3A_917 = arith.constant 32 : i32
        %add3A_918 = vector.broadcast %add3A_917 : i32 to vector<16xi32>
        %add3A_919 = arith.addi %iota3A, %add3A_918 : vector<16xi32>
        tpu.vector_store_idx %arg11[%broadcast_in_dim3A_894, %add3A_919], %get3A_916 {add = true} : memref<264x128xf32, #tpu.memory_space<vmem>>[vector<16xi32>, vector<16xi32>], vector<16xf32>,
        %add3A_920 = arith.constant 48 : i32
        %add3A_921 = arith.addi %mul3A_898, %add3A_920 : i32
        %get3A_922 = arith.index_cast %add3A_921 : i32 to index
        %get3A_923 = tpu.vector_load %arg9[%get3A_922] {strides = array<i32>} : memref<16384xf32, #tpu.memory_space<vmem>>, vector<16xf32>,
        %add3A_924 = arith.constant 48 : i32
        %add3A_925 = vector.broadcast %add3A_924 : i32 to vector<16xi32>
        %add3A_926 = arith.addi %iota3A, %add3A_925 : vector<16xi32>
        tpu.vector_store_idx %arg11[%broadcast_in_dim3A_894, %add3A_926], %get3A_923 {add = true} : memref<264x128xf32, #tpu.memory_space<vmem>>[vector<16xi32>, vector<16xi32>], vector<16xf32>,
        %add3A_927 = arith.constant 64 : i32
        %add3A_928 = arith.addi %mul3A_898, %add3A_927 : i32
        %get3A_929 = arith.index_cast %add3A_928 : i32 to index
        %get3A_930 = tpu.vector_load %arg9[%get3A_929] {strides = array<i32>} : memref<16384xf32, #tpu.memory_space<vmem>>, vector<16xf32>,
        %add3A_931 = arith.constant 64 : i32
        %add3A_932 = vector.broadcast %add3A_931 : i32 to vector<16xi32>
        %add3A_933 = arith.addi %iota3A, %add3A_932 : vector<16xi32>
        tpu.vector_store_idx %arg11[%broadcast_in_dim3A_894, %add3A_933], %get3A_930 {add = true} : memref<264x128xf32, #tpu.memory_space<vmem>>[vector<16xi32>, vector<16xi32>], vector<16xf32>,
        %add3A_934 = arith.constant 80 : i32
        %add3A_935 = arith.addi %mul3A_898, %add3A_934 : i32
        %get3A_936 = arith.index_cast %add3A_935 : i32 to index
        %get3A_937 = tpu.vector_load %arg9[%get3A_936] {strides = array<i32>} : memref<16384xf32, #tpu.memory_space<vmem>>, vector<16xf32>,
        %add3A_938 = arith.constant 80 : i32
        %add3A_939 = vector.broadcast %add3A_938 : i32 to vector<16xi32>
        %add3A_940 = arith.addi %iota3A, %add3A_939 : vector<16xi32>
        tpu.vector_store_idx %arg11[%broadcast_in_dim3A_894, %add3A_940], %get3A_937 {add = true} : memref<264x128xf32, #tpu.memory_space<vmem>>[vector<16xi32>, vector<16xi32>], vector<16xf32>,
        %add3A_941 = arith.constant 96 : i32
        %add3A_942 = arith.addi %mul3A_898, %add3A_941 : i32
        %get3A_943 = arith.index_cast %add3A_942 : i32 to index
        %get3A_944 = tpu.vector_load %arg9[%get3A_943] {strides = array<i32>} : memref<16384xf32, #tpu.memory_space<vmem>>, vector<16xf32>,
        %add3A_945 = arith.constant 96 : i32
        %add3A_946 = vector.broadcast %add3A_945 : i32 to vector<16xi32>
        %add3A_947 = arith.addi %iota3A, %add3A_946 : vector<16xi32>
        tpu.vector_store_idx %arg11[%broadcast_in_dim3A_894, %add3A_947], %get3A_944 {add = true} : memref<264x128xf32, #tpu.memory_space<vmem>>[vector<16xi32>, vector<16xi32>], vector<16xf32>,
        %add3A_948 = arith.constant 112 : i32
        %add3A_949 = arith.addi %mul3A_898, %add3A_948 : i32
        %get3A_950 = arith.index_cast %add3A_949 : i32 to index
        %get3A_951 = tpu.vector_load %arg9[%get3A_950] {strides = array<i32>} : memref<16384xf32, #tpu.memory_space<vmem>>, vector<16xf32>,
        %add3A_952 = arith.constant 112 : i32
        %add3A_953 = vector.broadcast %add3A_952 : i32 to vector<16xi32>
        %add3A_954 = arith.addi %iota3A, %add3A_953 : vector<16xi32>
        tpu.vector_store_idx %arg11[%broadcast_in_dim3A_894, %add3A_954], %get3A_951 {add = true} : memref<264x128xf32, #tpu.memory_space<vmem>>[vector<16xi32>, vector<16xi32>], vector<16xf32>,
        tpu.vector_store_idx %arg12[%broadcast_in_dim3A_894, %iota3A], %broadcast_in_dim3A_17 {add = true} : memref<264x16xf32, #tpu.memory_space<vmem>>[vector<16xi32>, vector<16xi32>], vector<16xf32>,
        %slice3A_955 = vector.extract_strided_slice %get3A_74 {offsets = [14], sizes = [1], strides = [1]} : vector<16xi32> to vector<1xi32>
        %squeeze3A_956 = vector.extract %slice3A_955[0] : i32 from vector<1xi32>
        %broadcast_in_dim3A_957 = vector.broadcast %squeeze3A_956 : i32 to vector<16xi32>
        %add3A_958 = arith.constant 14 : i32
        %add3A_959 = arith.addi %mul3A_70, %add3A_958 : i32
        %mul3A_960 = arith.constant 128 : i32
        %mul3A_961 = arith.muli %add3A_959, %mul3A_960 : i32
        %add3A_962 = arith.constant 0 : i32
        %add3A_963 = arith.addi %mul3A_961, %add3A_962 : i32
        %get3A_964 = arith.index_cast %add3A_963 : i32 to index
        %get3A_965 = tpu.vector_load %arg9[%get3A_964] {strides = array<i32>} : memref<16384xf32, #tpu.memory_space<vmem>>, vector<16xf32>,
        %add3A_966 = arith.constant 0 : i32
        %add3A_967 = vector.broadcast %add3A_966 : i32 to vector<16xi32>
        %add3A_968 = arith.addi %iota3A, %add3A_967 : vector<16xi32>
        tpu.vector_store_idx %arg11[%broadcast_in_dim3A_957, %add3A_968], %get3A_965 {add = true} : memref<264x128xf32, #tpu.memory_space<vmem>>[vector<16xi32>, vector<16xi32>], vector<16xf32>,
        %add3A_969 = arith.constant 16 : i32
        %add3A_970 = arith.addi %mul3A_961, %add3A_969 : i32
        %get3A_971 = arith.index_cast %add3A_970 : i32 to index
        %get3A_972 = tpu.vector_load %arg9[%get3A_971] {strides = array<i32>} : memref<16384xf32, #tpu.memory_space<vmem>>, vector<16xf32>,
        %add3A_973 = arith.constant 16 : i32
        %add3A_974 = vector.broadcast %add3A_973 : i32 to vector<16xi32>
        %add3A_975 = arith.addi %iota3A, %add3A_974 : vector<16xi32>
        tpu.vector_store_idx %arg11[%broadcast_in_dim3A_957, %add3A_975], %get3A_972 {add = true} : memref<264x128xf32, #tpu.memory_space<vmem>>[vector<16xi32>, vector<16xi32>], vector<16xf32>,
        %add3A_976 = arith.constant 32 : i32
        %add3A_977 = arith.addi %mul3A_961, %add3A_976 : i32
        %get3A_978 = arith.index_cast %add3A_977 : i32 to index
        %get3A_979 = tpu.vector_load %arg9[%get3A_978] {strides = array<i32>} : memref<16384xf32, #tpu.memory_space<vmem>>, vector<16xf32>,
        %add3A_980 = arith.constant 32 : i32
        %add3A_981 = vector.broadcast %add3A_980 : i32 to vector<16xi32>
        %add3A_982 = arith.addi %iota3A, %add3A_981 : vector<16xi32>
        tpu.vector_store_idx %arg11[%broadcast_in_dim3A_957, %add3A_982], %get3A_979 {add = true} : memref<264x128xf32, #tpu.memory_space<vmem>>[vector<16xi32>, vector<16xi32>], vector<16xf32>,
        %add3A_983 = arith.constant 48 : i32
        %add3A_984 = arith.addi %mul3A_961, %add3A_983 : i32
        %get3A_985 = arith.index_cast %add3A_984 : i32 to index
        %get3A_986 = tpu.vector_load %arg9[%get3A_985] {strides = array<i32>} : memref<16384xf32, #tpu.memory_space<vmem>>, vector<16xf32>,
        %add3A_987 = arith.constant 48 : i32
        %add3A_988 = vector.broadcast %add3A_987 : i32 to vector<16xi32>
        %add3A_989 = arith.addi %iota3A, %add3A_988 : vector<16xi32>
        tpu.vector_store_idx %arg11[%broadcast_in_dim3A_957, %add3A_989], %get3A_986 {add = true} : memref<264x128xf32, #tpu.memory_space<vmem>>[vector<16xi32>, vector<16xi32>], vector<16xf32>,
        %add3A_990 = arith.constant 64 : i32
        %add3A_991 = arith.addi %mul3A_961, %add3A_990 : i32
        %get3A_992 = arith.index_cast %add3A_991 : i32 to index
        %get3A_993 = tpu.vector_load %arg9[%get3A_992] {strides = array<i32>} : memref<16384xf32, #tpu.memory_space<vmem>>, vector<16xf32>,
        %add3A_994 = arith.constant 64 : i32
        %add3A_995 = vector.broadcast %add3A_994 : i32 to vector<16xi32>
        %add3A_996 = arith.addi %iota3A, %add3A_995 : vector<16xi32>
        tpu.vector_store_idx %arg11[%broadcast_in_dim3A_957, %add3A_996], %get3A_993 {add = true} : memref<264x128xf32, #tpu.memory_space<vmem>>[vector<16xi32>, vector<16xi32>], vector<16xf32>,
        %add3A_997 = arith.constant 80 : i32
        %add3A_998 = arith.addi %mul3A_961, %add3A_997 : i32
        %get3A_999 = arith.index_cast %add3A_998 : i32 to index
        %get3A_1000 = tpu.vector_load %arg9[%get3A_999] {strides = array<i32>} : memref<16384xf32, #tpu.memory_space<vmem>>, vector<16xf32>,
        %add3A_1001 = arith.constant 80 : i32
        %add3A_1002 = vector.broadcast %add3A_1001 : i32 to vector<16xi32>
        %add3A_1003 = arith.addi %iota3A, %add3A_1002 : vector<16xi32>
        tpu.vector_store_idx %arg11[%broadcast_in_dim3A_957, %add3A_1003], %get3A_1000 {add = true} : memref<264x128xf32, #tpu.memory_space<vmem>>[vector<16xi32>, vector<16xi32>], vector<16xf32>,
        %add3A_1004 = arith.constant 96 : i32
        %add3A_1005 = arith.addi %mul3A_961, %add3A_1004 : i32
        %get3A_1006 = arith.index_cast %add3A_1005 : i32 to index
        %get3A_1007 = tpu.vector_load %arg9[%get3A_1006] {strides = array<i32>} : memref<16384xf32, #tpu.memory_space<vmem>>, vector<16xf32>,
        %add3A_1008 = arith.constant 96 : i32
        %add3A_1009 = vector.broadcast %add3A_1008 : i32 to vector<16xi32>
        %add3A_1010 = arith.addi %iota3A, %add3A_1009 : vector<16xi32>
        tpu.vector_store_idx %arg11[%broadcast_in_dim3A_957, %add3A_1010], %get3A_1007 {add = true} : memref<264x128xf32, #tpu.memory_space<vmem>>[vector<16xi32>, vector<16xi32>], vector<16xf32>,
        %add3A_1011 = arith.constant 112 : i32
        %add3A_1012 = arith.addi %mul3A_961, %add3A_1011 : i32
        %get3A_1013 = arith.index_cast %add3A_1012 : i32 to index
        %get3A_1014 = tpu.vector_load %arg9[%get3A_1013] {strides = array<i32>} : memref<16384xf32, #tpu.memory_space<vmem>>, vector<16xf32>,
        %add3A_1015 = arith.constant 112 : i32
        %add3A_1016 = vector.broadcast %add3A_1015 : i32 to vector<16xi32>
        %add3A_1017 = arith.addi %iota3A, %add3A_1016 : vector<16xi32>
        tpu.vector_store_idx %arg11[%broadcast_in_dim3A_957, %add3A_1017], %get3A_1014 {add = true} : memref<264x128xf32, #tpu.memory_space<vmem>>[vector<16xi32>, vector<16xi32>], vector<16xf32>,
        tpu.vector_store_idx %arg12[%broadcast_in_dim3A_957, %iota3A], %broadcast_in_dim3A_17 {add = true} : memref<264x16xf32, #tpu.memory_space<vmem>>[vector<16xi32>, vector<16xi32>], vector<16xf32>,
        %slice3A_1018 = vector.extract_strided_slice %get3A_74 {offsets = [15], sizes = [1], strides = [1]} : vector<16xi32> to vector<1xi32>
        %squeeze3A_1019 = vector.extract %slice3A_1018[0] : i32 from vector<1xi32>
        %broadcast_in_dim3A_1020 = vector.broadcast %squeeze3A_1019 : i32 to vector<16xi32>
        %add3A_1021 = arith.constant 15 : i32
        %add3A_1022 = arith.addi %mul3A_70, %add3A_1021 : i32
        %mul3A_1023 = arith.constant 128 : i32
        %mul3A_1024 = arith.muli %add3A_1022, %mul3A_1023 : i32
        %add3A_1025 = arith.constant 0 : i32
        %add3A_1026 = arith.addi %mul3A_1024, %add3A_1025 : i32
        %get3A_1027 = arith.index_cast %add3A_1026 : i32 to index
        %get3A_1028 = tpu.vector_load %arg9[%get3A_1027] {strides = array<i32>} : memref<16384xf32, #tpu.memory_space<vmem>>, vector<16xf32>,
        %add3A_1029 = arith.constant 0 : i32
        %add3A_1030 = vector.broadcast %add3A_1029 : i32 to vector<16xi32>
        %add3A_1031 = arith.addi %iota3A, %add3A_1030 : vector<16xi32>
        tpu.vector_store_idx %arg11[%broadcast_in_dim3A_1020, %add3A_1031], %get3A_1028 {add = true} : memref<264x128xf32, #tpu.memory_space<vmem>>[vector<16xi32>, vector<16xi32>], vector<16xf32>,
        %add3A_1032 = arith.constant 16 : i32
        %add3A_1033 = arith.addi %mul3A_1024, %add3A_1032 : i32
        %get3A_1034 = arith.index_cast %add3A_1033 : i32 to index
        %get3A_1035 = tpu.vector_load %arg9[%get3A_1034] {strides = array<i32>} : memref<16384xf32, #tpu.memory_space<vmem>>, vector<16xf32>,
        %add3A_1036 = arith.constant 16 : i32
        %add3A_1037 = vector.broadcast %add3A_1036 : i32 to vector<16xi32>
        %add3A_1038 = arith.addi %iota3A, %add3A_1037 : vector<16xi32>
        tpu.vector_store_idx %arg11[%broadcast_in_dim3A_1020, %add3A_1038], %get3A_1035 {add = true} : memref<264x128xf32, #tpu.memory_space<vmem>>[vector<16xi32>, vector<16xi32>], vector<16xf32>,
        %add3A_1039 = arith.constant 32 : i32
        %add3A_1040 = arith.addi %mul3A_1024, %add3A_1039 : i32
        %get3A_1041 = arith.index_cast %add3A_1040 : i32 to index
        %get3A_1042 = tpu.vector_load %arg9[%get3A_1041] {strides = array<i32>} : memref<16384xf32, #tpu.memory_space<vmem>>, vector<16xf32>,
        %add3A_1043 = arith.constant 32 : i32
        %add3A_1044 = vector.broadcast %add3A_1043 : i32 to vector<16xi32>
        %add3A_1045 = arith.addi %iota3A, %add3A_1044 : vector<16xi32>
        tpu.vector_store_idx %arg11[%broadcast_in_dim3A_1020, %add3A_1045], %get3A_1042 {add = true} : memref<264x128xf32, #tpu.memory_space<vmem>>[vector<16xi32>, vector<16xi32>], vector<16xf32>,
        %add3A_1046 = arith.constant 48 : i32
        %add3A_1047 = arith.addi %mul3A_1024, %add3A_1046 : i32
        %get3A_1048 = arith.index_cast %add3A_1047 : i32 to index
        %get3A_1049 = tpu.vector_load %arg9[%get3A_1048] {strides = array<i32>} : memref<16384xf32, #tpu.memory_space<vmem>>, vector<16xf32>,
        %add3A_1050 = arith.constant 48 : i32
        %add3A_1051 = vector.broadcast %add3A_1050 : i32 to vector<16xi32>
        %add3A_1052 = arith.addi %iota3A, %add3A_1051 : vector<16xi32>
        tpu.vector_store_idx %arg11[%broadcast_in_dim3A_1020, %add3A_1052], %get3A_1049 {add = true} : memref<264x128xf32, #tpu.memory_space<vmem>>[vector<16xi32>, vector<16xi32>], vector<16xf32>,
        %add3A_1053 = arith.constant 64 : i32
        %add3A_1054 = arith.addi %mul3A_1024, %add3A_1053 : i32
        %get3A_1055 = arith.index_cast %add3A_1054 : i32 to index
        %get3A_1056 = tpu.vector_load %arg9[%get3A_1055] {strides = array<i32>} : memref<16384xf32, #tpu.memory_space<vmem>>, vector<16xf32>,
        %add3A_1057 = arith.constant 64 : i32
        %add3A_1058 = vector.broadcast %add3A_1057 : i32 to vector<16xi32>
        %add3A_1059 = arith.addi %iota3A, %add3A_1058 : vector<16xi32>
        tpu.vector_store_idx %arg11[%broadcast_in_dim3A_1020, %add3A_1059], %get3A_1056 {add = true} : memref<264x128xf32, #tpu.memory_space<vmem>>[vector<16xi32>, vector<16xi32>], vector<16xf32>,
        %add3A_1060 = arith.constant 80 : i32
        %add3A_1061 = arith.addi %mul3A_1024, %add3A_1060 : i32
        %get3A_1062 = arith.index_cast %add3A_1061 : i32 to index
        %get3A_1063 = tpu.vector_load %arg9[%get3A_1062] {strides = array<i32>} : memref<16384xf32, #tpu.memory_space<vmem>>, vector<16xf32>,
        %add3A_1064 = arith.constant 80 : i32
        %add3A_1065 = vector.broadcast %add3A_1064 : i32 to vector<16xi32>
        %add3A_1066 = arith.addi %iota3A, %add3A_1065 : vector<16xi32>
        tpu.vector_store_idx %arg11[%broadcast_in_dim3A_1020, %add3A_1066], %get3A_1063 {add = true} : memref<264x128xf32, #tpu.memory_space<vmem>>[vector<16xi32>, vector<16xi32>], vector<16xf32>,
        %add3A_1067 = arith.constant 96 : i32
        %add3A_1068 = arith.addi %mul3A_1024, %add3A_1067 : i32
        %get3A_1069 = arith.index_cast %add3A_1068 : i32 to index
        %get3A_1070 = tpu.vector_load %arg9[%get3A_1069] {strides = array<i32>} : memref<16384xf32, #tpu.memory_space<vmem>>, vector<16xf32>,
        %add3A_1071 = arith.constant 96 : i32
        %add3A_1072 = vector.broadcast %add3A_1071 : i32 to vector<16xi32>
        %add3A_1073 = arith.addi %iota3A, %add3A_1072 : vector<16xi32>
        tpu.vector_store_idx %arg11[%broadcast_in_dim3A_1020, %add3A_1073], %get3A_1070 {add = true} : memref<264x128xf32, #tpu.memory_space<vmem>>[vector<16xi32>, vector<16xi32>], vector<16xf32>,
        %add3A_1074 = arith.constant 112 : i32
        %add3A_1075 = arith.addi %mul3A_1024, %add3A_1074 : i32
        %get3A_1076 = arith.index_cast %add3A_1075 : i32 to index
        %get3A_1077 = tpu.vector_load %arg9[%get3A_1076] {strides = array<i32>} : memref<16384xf32, #tpu.memory_space<vmem>>, vector<16xf32>,
        %add3A_1078 = arith.constant 112 : i32
        %add3A_1079 = vector.broadcast %add3A_1078 : i32 to vector<16xi32>
        %add3A_1080 = arith.addi %iota3A, %add3A_1079 : vector<16xi32>
        tpu.vector_store_idx %arg11[%broadcast_in_dim3A_1020, %add3A_1080], %get3A_1077 {add = true} : memref<264x128xf32, #tpu.memory_space<vmem>>[vector<16xi32>, vector<16xi32>], vector<16xf32>,
        tpu.vector_store_idx %arg12[%broadcast_in_dim3A_1020, %iota3A], %broadcast_in_dim3A_17 {add = true} : memref<264x16xf32, #tpu.memory_space<vmem>>[vector<16xi32>, vector<16xi32>], vector<16xf32>,
      }
      %scan3A_60 = arith.constant 8 : i32
      %add3A_61 = arith.constant 3 : i32
      %add3A_62 = arith.addi %mul3A_34, %add3A_61 : i32
      %lt3A_63 = arith.constant 25 : i32
      %lt3A_64 = arith.cmpi slt, %add3A_62, %lt3A_63 : i32
      %convert_element_type3A_65 = arith.extui %lt3A_64 : i1 to i32
      %cond3A_66 = arith.constant 0 : i32
      %cond3A_67 = arith.cmpi ne, %convert_element_type3A_65, %cond3A_66 : i32
      scf.if %cond3A_67 {
        %add3A_68 = arith.constant 3 : i32
        %add3A_69 = arith.addi %mul3A_34, %add3A_68 : i32
        %mul3A_70 = arith.constant 128 : i32
        %mul3A_71 = arith.muli %add3A_69, %mul3A_70 : i32
        %add3A_72 = arith.addi %mul3A_2, %mul3A_71 : i32
        %min3A_73 = arith.constant 99872 : i32
        %min3A_74 = arith.minsi %add3A_72, %min3A_73 : i32
        %mul3A_75 = arith.constant 128 : i32
        %mul3A_76 = arith.muli %min3A_74, %mul3A_75 : i32
        %dma_start3A_77 = tpu.memref_slice %arg2[%mul3A_76] : memref<12800000xf32, #tpu.memory_space<hbm>> -> memref<16384xf32, #tpu.memory_space<hbm>>
        %dma_start3A_78 = tpu.memref_slice %arg2[%mul3A_76] : memref<12800000xf32, #tpu.memory_space<hbm>> -> memref<16384xf32, #tpu.memory_space<hbm>>
        tpu.enqueue_dma source(%dma_start3A_78 : memref<16384xf32, #tpu.memory_space<hbm>>) target(%arg9 : memref<16384xf32, #tpu.memory_space<vmem>>) target_semaphore(%arg14 : memref<!tpu.dma_semaphore, #tpu.memory_space<semaphore_mem>>)
      } else {
      }
    }
    %scan3A_22 = arith.constant 12 : i32
    %dma_wait3A = arith.constant 0 : i32
    %dma_wait3A_23 = tpu.memref_slice %arg2[%dma_wait3A] : memref<12800000xf32, #tpu.memory_space<hbm>> -> memref<16384xf32, #tpu.memory_space<hbm>>
    %dma_wait3A_24 = arith.constant 0 : i32
    %dma_wait3A_25 = tpu.memref_slice %arg2[%dma_wait3A_24] : memref<12800000xf32, #tpu.memory_space<hbm>> -> memref<16384xf32, #tpu.memory_space<hbm>>
    tpu.wait_dma2 semaphore(%arg13 : memref<!tpu.dma_semaphore, #tpu.memory_space<semaphore_mem>>) src(%dma_wait3A_25 : memref<16384xf32, #tpu.memory_space<hbm>>) dst(%arg8 : memref<16384xf32, #tpu.memory_space<vmem>>)
    %scan3A_26 = arith.constant 0 : i32
    %scan3A_27 = arith.constant 0 : i32
    %scan3A_28 = arith.constant 8 : i32
    %scan3A_29 = arith.addi %scan3A_27, %scan3A_28 : i32
    %scan3A_30 = arith.constant 1 : i32
    scf.for %scan3A_32 = %scan3A_27 to %scan3A_29 step %scan3A_30  : i32 {
      %mul3A_33 = arith.constant 16 : i32
      %mul3A_34 = arith.muli %scan3A_32, %mul3A_33 : i32
      %add3A_35 = arith.constant 3072 : i32
      %add3A_36 = arith.addi %add3A_35, %mul3A_34 : i32
      %get3A = arith.index_cast %add3A_36 : i32 to index
      %get3A_37 = tpu.vector_load %arg10[%get3A] {strides = array<i32>} : memref<3200xi32, #tpu.memory_space<vmem>>, vector<16xi32>,
      %slice3A = vector.extract_strided_slice %get3A_37 {offsets = [0], sizes = [1], strides = [1]} : vector<16xi32> to vector<1xi32>
      %squeeze3A = vector.extract %slice3A[0] : i32 from vector<1xi32>
      %broadcast_in_dim3A_38 = vector.broadcast %squeeze3A : i32 to vector<16xi32>
      %add3A_39 = arith.constant 0 : i32
      %add3A_40 = arith.addi %mul3A_34, %add3A_39 : i32
      %mul3A_41 = arith.constant 128 : i32
      %mul3A_42 = arith.muli %add3A_40, %mul3A_41 : i32
      %add3A_43 = arith.constant 0 : i32
      %add3A_44 = arith.addi %mul3A_42, %add3A_43 : i32
      %get3A_45 = arith.index_cast %add3A_44 : i32 to index
      %get3A_46 = tpu.vector_load %arg8[%get3A_45] {strides = array<i32>} : memref<16384xf32, #tpu.memory_space<vmem>>, vector<16xf32>,
      %add3A_47 = arith.constant 0 : i32
      %add3A_48 = vector.broadcast %add3A_47 : i32 to vector<16xi32>
      %add3A_49 = arith.addi %iota3A, %add3A_48 : vector<16xi32>
      tpu.vector_store_idx %arg11[%broadcast_in_dim3A_38, %add3A_49], %get3A_46 {add = true} : memref<264x128xf32, #tpu.memory_space<vmem>>[vector<16xi32>, vector<16xi32>], vector<16xf32>,
      %add3A_50 = arith.constant 16 : i32
      %add3A_51 = arith.addi %mul3A_42, %add3A_50 : i32
      %get3A_52 = arith.index_cast %add3A_51 : i32 to index
      %get3A_53 = tpu.vector_load %arg8[%get3A_52] {strides = array<i32>} : memref<16384xf32, #tpu.memory_space<vmem>>, vector<16xf32>,
      %add3A_54 = arith.constant 16 : i32
      %add3A_55 = vector.broadcast %add3A_54 : i32 to vector<16xi32>
      %add3A_56 = arith.addi %iota3A, %add3A_55 : vector<16xi32>
      tpu.vector_store_idx %arg11[%broadcast_in_dim3A_38, %add3A_56], %get3A_53 {add = true} : memref<264x128xf32, #tpu.memory_space<vmem>>[vector<16xi32>, vector<16xi32>], vector<16xf32>,
      %add3A_57 = arith.constant 32 : i32
      %add3A_58 = arith.addi %mul3A_42, %add3A_57 : i32
      %get3A_59 = arith.index_cast %add3A_58 : i32 to index
      %get3A_60 = tpu.vector_load %arg8[%get3A_59] {strides = array<i32>} : memref<16384xf32, #tpu.memory_space<vmem>>, vector<16xf32>,
      %add3A_61 = arith.constant 32 : i32
      %add3A_62 = vector.broadcast %add3A_61 : i32 to vector<16xi32>
      %add3A_63 = arith.addi %iota3A, %add3A_62 : vector<16xi32>
      tpu.vector_store_idx %arg11[%broadcast_in_dim3A_38, %add3A_63], %get3A_60 {add = true} : memref<264x128xf32, #tpu.memory_space<vmem>>[vector<16xi32>, vector<16xi32>], vector<16xf32>,
      %add3A_64 = arith.constant 48 : i32
      %add3A_65 = arith.addi %mul3A_42, %add3A_64 : i32
      %get3A_66 = arith.index_cast %add3A_65 : i32 to index
      %get3A_67 = tpu.vector_load %arg8[%get3A_66] {strides = array<i32>} : memref<16384xf32, #tpu.memory_space<vmem>>, vector<16xf32>,
      %add3A_68 = arith.constant 48 : i32
      %add3A_69 = vector.broadcast %add3A_68 : i32 to vector<16xi32>
      %add3A_70 = arith.addi %iota3A, %add3A_69 : vector<16xi32>
      tpu.vector_store_idx %arg11[%broadcast_in_dim3A_38, %add3A_70], %get3A_67 {add = true} : memref<264x128xf32, #tpu.memory_space<vmem>>[vector<16xi32>, vector<16xi32>], vector<16xf32>,
      %add3A_71 = arith.constant 64 : i32
      %add3A_72 = arith.addi %mul3A_42, %add3A_71 : i32
      %get3A_73 = arith.index_cast %add3A_72 : i32 to index
      %get3A_74 = tpu.vector_load %arg8[%get3A_73] {strides = array<i32>} : memref<16384xf32, #tpu.memory_space<vmem>>, vector<16xf32>,
      %add3A_75 = arith.constant 64 : i32
      %add3A_76 = vector.broadcast %add3A_75 : i32 to vector<16xi32>
      %add3A_77 = arith.addi %iota3A, %add3A_76 : vector<16xi32>
      tpu.vector_store_idx %arg11[%broadcast_in_dim3A_38, %add3A_77], %get3A_74 {add = true} : memref<264x128xf32, #tpu.memory_space<vmem>>[vector<16xi32>, vector<16xi32>], vector<16xf32>,
      %add3A_78 = arith.constant 80 : i32
      %add3A_79 = arith.addi %mul3A_42, %add3A_78 : i32
      %get3A_80 = arith.index_cast %add3A_79 : i32 to index
      %get3A_81 = tpu.vector_load %arg8[%get3A_80] {strides = array<i32>} : memref<16384xf32, #tpu.memory_space<vmem>>, vector<16xf32>,
      %add3A_82 = arith.constant 80 : i32
      %add3A_83 = vector.broadcast %add3A_82 : i32 to vector<16xi32>
      %add3A_84 = arith.addi %iota3A, %add3A_83 : vector<16xi32>
      tpu.vector_store_idx %arg11[%broadcast_in_dim3A_38, %add3A_84], %get3A_81 {add = true} : memref<264x128xf32, #tpu.memory_space<vmem>>[vector<16xi32>, vector<16xi32>], vector<16xf32>,
      %add3A_85 = arith.constant 96 : i32
      %add3A_86 = arith.addi %mul3A_42, %add3A_85 : i32
      %get3A_87 = arith.index_cast %add3A_86 : i32 to index
      %get3A_88 = tpu.vector_load %arg8[%get3A_87] {strides = array<i32>} : memref<16384xf32, #tpu.memory_space<vmem>>, vector<16xf32>,
      %add3A_89 = arith.constant 96 : i32
      %add3A_90 = vector.broadcast %add3A_89 : i32 to vector<16xi32>
      %add3A_91 = arith.addi %iota3A, %add3A_90 : vector<16xi32>
      tpu.vector_store_idx %arg11[%broadcast_in_dim3A_38, %add3A_91], %get3A_88 {add = true} : memref<264x128xf32, #tpu.memory_space<vmem>>[vector<16xi32>, vector<16xi32>], vector<16xf32>,
      %add3A_92 = arith.constant 112 : i32
      %add3A_93 = arith.addi %mul3A_42, %add3A_92 : i32
      %get3A_94 = arith.index_cast %add3A_93 : i32 to index
      %get3A_95 = tpu.vector_load %arg8[%get3A_94] {strides = array<i32>} : memref<16384xf32, #tpu.memory_space<vmem>>, vector<16xf32>,
      %add3A_96 = arith.constant 112 : i32
      %add3A_97 = vector.broadcast %add3A_96 : i32 to vector<16xi32>
      %add3A_98 = arith.addi %iota3A, %add3A_97 : vector<16xi32>
      tpu.vector_store_idx %arg11[%broadcast_in_dim3A_38, %add3A_98], %get3A_95 {add = true} : memref<264x128xf32, #tpu.memory_space<vmem>>[vector<16xi32>, vector<16xi32>], vector<16xf32>,
      tpu.vector_store_idx %arg12[%broadcast_in_dim3A_38, %iota3A], %broadcast_in_dim3A_17 {add = true} : memref<264x16xf32, #tpu.memory_space<vmem>>[vector<16xi32>, vector<16xi32>], vector<16xf32>,
      %slice3A_99 = vector.extract_strided_slice %get3A_37 {offsets = [1], sizes = [1], strides = [1]} : vector<16xi32> to vector<1xi32>
      %squeeze3A_100 = vector.extract %slice3A_99[0] : i32 from vector<1xi32>
      %broadcast_in_dim3A_101 = vector.broadcast %squeeze3A_100 : i32 to vector<16xi32>
      %add3A_102 = arith.constant 1 : i32
      %add3A_103 = arith.addi %mul3A_34, %add3A_102 : i32
      %mul3A_104 = arith.constant 128 : i32
      %mul3A_105 = arith.muli %add3A_103, %mul3A_104 : i32
      %add3A_106 = arith.constant 0 : i32
      %add3A_107 = arith.addi %mul3A_105, %add3A_106 : i32
      %get3A_108 = arith.index_cast %add3A_107 : i32 to index
      %get3A_109 = tpu.vector_load %arg8[%get3A_108] {strides = array<i32>} : memref<16384xf32, #tpu.memory_space<vmem>>, vector<16xf32>,
      %add3A_110 = arith.constant 0 : i32
      %add3A_111 = vector.broadcast %add3A_110 : i32 to vector<16xi32>
      %add3A_112 = arith.addi %iota3A, %add3A_111 : vector<16xi32>
      tpu.vector_store_idx %arg11[%broadcast_in_dim3A_101, %add3A_112], %get3A_109 {add = true} : memref<264x128xf32, #tpu.memory_space<vmem>>[vector<16xi32>, vector<16xi32>], vector<16xf32>,
      %add3A_113 = arith.constant 16 : i32
      %add3A_114 = arith.addi %mul3A_105, %add3A_113 : i32
      %get3A_115 = arith.index_cast %add3A_114 : i32 to index
      %get3A_116 = tpu.vector_load %arg8[%get3A_115] {strides = array<i32>} : memref<16384xf32, #tpu.memory_space<vmem>>, vector<16xf32>,
      %add3A_117 = arith.constant 16 : i32
      %add3A_118 = vector.broadcast %add3A_117 : i32 to vector<16xi32>
      %add3A_119 = arith.addi %iota3A, %add3A_118 : vector<16xi32>
      tpu.vector_store_idx %arg11[%broadcast_in_dim3A_101, %add3A_119], %get3A_116 {add = true} : memref<264x128xf32, #tpu.memory_space<vmem>>[vector<16xi32>, vector<16xi32>], vector<16xf32>,
      %add3A_120 = arith.constant 32 : i32
      %add3A_121 = arith.addi %mul3A_105, %add3A_120 : i32
      %get3A_122 = arith.index_cast %add3A_121 : i32 to index
      %get3A_123 = tpu.vector_load %arg8[%get3A_122] {strides = array<i32>} : memref<16384xf32, #tpu.memory_space<vmem>>, vector<16xf32>,
      %add3A_124 = arith.constant 32 : i32
      %add3A_125 = vector.broadcast %add3A_124 : i32 to vector<16xi32>
      %add3A_126 = arith.addi %iota3A, %add3A_125 : vector<16xi32>
      tpu.vector_store_idx %arg11[%broadcast_in_dim3A_101, %add3A_126], %get3A_123 {add = true} : memref<264x128xf32, #tpu.memory_space<vmem>>[vector<16xi32>, vector<16xi32>], vector<16xf32>,
      %add3A_127 = arith.constant 48 : i32
      %add3A_128 = arith.addi %mul3A_105, %add3A_127 : i32
      %get3A_129 = arith.index_cast %add3A_128 : i32 to index
      %get3A_130 = tpu.vector_load %arg8[%get3A_129] {strides = array<i32>} : memref<16384xf32, #tpu.memory_space<vmem>>, vector<16xf32>,
      %add3A_131 = arith.constant 48 : i32
      %add3A_132 = vector.broadcast %add3A_131 : i32 to vector<16xi32>
      %add3A_133 = arith.addi %iota3A, %add3A_132 : vector<16xi32>
      tpu.vector_store_idx %arg11[%broadcast_in_dim3A_101, %add3A_133], %get3A_130 {add = true} : memref<264x128xf32, #tpu.memory_space<vmem>>[vector<16xi32>, vector<16xi32>], vector<16xf32>,
      %add3A_134 = arith.constant 64 : i32
      %add3A_135 = arith.addi %mul3A_105, %add3A_134 : i32
      %get3A_136 = arith.index_cast %add3A_135 : i32 to index
      %get3A_137 = tpu.vector_load %arg8[%get3A_136] {strides = array<i32>} : memref<16384xf32, #tpu.memory_space<vmem>>, vector<16xf32>,
      %add3A_138 = arith.constant 64 : i32
      %add3A_139 = vector.broadcast %add3A_138 : i32 to vector<16xi32>
      %add3A_140 = arith.addi %iota3A, %add3A_139 : vector<16xi32>
      tpu.vector_store_idx %arg11[%broadcast_in_dim3A_101, %add3A_140], %get3A_137 {add = true} : memref<264x128xf32, #tpu.memory_space<vmem>>[vector<16xi32>, vector<16xi32>], vector<16xf32>,
      %add3A_141 = arith.constant 80 : i32
      %add3A_142 = arith.addi %mul3A_105, %add3A_141 : i32
      %get3A_143 = arith.index_cast %add3A_142 : i32 to index
      %get3A_144 = tpu.vector_load %arg8[%get3A_143] {strides = array<i32>} : memref<16384xf32, #tpu.memory_space<vmem>>, vector<16xf32>,
      %add3A_145 = arith.constant 80 : i32
      %add3A_146 = vector.broadcast %add3A_145 : i32 to vector<16xi32>
      %add3A_147 = arith.addi %iota3A, %add3A_146 : vector<16xi32>
      tpu.vector_store_idx %arg11[%broadcast_in_dim3A_101, %add3A_147], %get3A_144 {add = true} : memref<264x128xf32, #tpu.memory_space<vmem>>[vector<16xi32>, vector<16xi32>], vector<16xf32>,
      %add3A_148 = arith.constant 96 : i32
      %add3A_149 = arith.addi %mul3A_105, %add3A_148 : i32
      %get3A_150 = arith.index_cast %add3A_149 : i32 to index
      %get3A_151 = tpu.vector_load %arg8[%get3A_150] {strides = array<i32>} : memref<16384xf32, #tpu.memory_space<vmem>>, vector<16xf32>,
      %add3A_152 = arith.constant 96 : i32
      %add3A_153 = vector.broadcast %add3A_152 : i32 to vector<16xi32>
      %add3A_154 = arith.addi %iota3A, %add3A_153 : vector<16xi32>
      tpu.vector_store_idx %arg11[%broadcast_in_dim3A_101, %add3A_154], %get3A_151 {add = true} : memref<264x128xf32, #tpu.memory_space<vmem>>[vector<16xi32>, vector<16xi32>], vector<16xf32>,
      %add3A_155 = arith.constant 112 : i32
      %add3A_156 = arith.addi %mul3A_105, %add3A_155 : i32
      %get3A_157 = arith.index_cast %add3A_156 : i32 to index
      %get3A_158 = tpu.vector_load %arg8[%get3A_157] {strides = array<i32>} : memref<16384xf32, #tpu.memory_space<vmem>>, vector<16xf32>,
      %add3A_159 = arith.constant 112 : i32
      %add3A_160 = vector.broadcast %add3A_159 : i32 to vector<16xi32>
      %add3A_161 = arith.addi %iota3A, %add3A_160 : vector<16xi32>
      tpu.vector_store_idx %arg11[%broadcast_in_dim3A_101, %add3A_161], %get3A_158 {add = true} : memref<264x128xf32, #tpu.memory_space<vmem>>[vector<16xi32>, vector<16xi32>], vector<16xf32>,
      tpu.vector_store_idx %arg12[%broadcast_in_dim3A_101, %iota3A], %broadcast_in_dim3A_17 {add = true} : memref<264x16xf32, #tpu.memory_space<vmem>>[vector<16xi32>, vector<16xi32>], vector<16xf32>,
      %slice3A_162 = vector.extract_strided_slice %get3A_37 {offsets = [2], sizes = [1], strides = [1]} : vector<16xi32> to vector<1xi32>
      %squeeze3A_163 = vector.extract %slice3A_162[0] : i32 from vector<1xi32>
      %broadcast_in_dim3A_164 = vector.broadcast %squeeze3A_163 : i32 to vector<16xi32>
      %add3A_165 = arith.constant 2 : i32
      %add3A_166 = arith.addi %mul3A_34, %add3A_165 : i32
      %mul3A_167 = arith.constant 128 : i32
      %mul3A_168 = arith.muli %add3A_166, %mul3A_167 : i32
      %add3A_169 = arith.constant 0 : i32
      %add3A_170 = arith.addi %mul3A_168, %add3A_169 : i32
      %get3A_171 = arith.index_cast %add3A_170 : i32 to index
      %get3A_172 = tpu.vector_load %arg8[%get3A_171] {strides = array<i32>} : memref<16384xf32, #tpu.memory_space<vmem>>, vector<16xf32>,
      %add3A_173 = arith.constant 0 : i32
      %add3A_174 = vector.broadcast %add3A_173 : i32 to vector<16xi32>
      %add3A_175 = arith.addi %iota3A, %add3A_174 : vector<16xi32>
      tpu.vector_store_idx %arg11[%broadcast_in_dim3A_164, %add3A_175], %get3A_172 {add = true} : memref<264x128xf32, #tpu.memory_space<vmem>>[vector<16xi32>, vector<16xi32>], vector<16xf32>,
      %add3A_176 = arith.constant 16 : i32
      %add3A_177 = arith.addi %mul3A_168, %add3A_176 : i32
      %get3A_178 = arith.index_cast %add3A_177 : i32 to index
      %get3A_179 = tpu.vector_load %arg8[%get3A_178] {strides = array<i32>} : memref<16384xf32, #tpu.memory_space<vmem>>, vector<16xf32>,
      %add3A_180 = arith.constant 16 : i32
      %add3A_181 = vector.broadcast %add3A_180 : i32 to vector<16xi32>
      %add3A_182 = arith.addi %iota3A, %add3A_181 : vector<16xi32>
      tpu.vector_store_idx %arg11[%broadcast_in_dim3A_164, %add3A_182], %get3A_179 {add = true} : memref<264x128xf32, #tpu.memory_space<vmem>>[vector<16xi32>, vector<16xi32>], vector<16xf32>,
      %add3A_183 = arith.constant 32 : i32
      %add3A_184 = arith.addi %mul3A_168, %add3A_183 : i32
      %get3A_185 = arith.index_cast %add3A_184 : i32 to index
      %get3A_186 = tpu.vector_load %arg8[%get3A_185] {strides = array<i32>} : memref<16384xf32, #tpu.memory_space<vmem>>, vector<16xf32>,
      %add3A_187 = arith.constant 32 : i32
      %add3A_188 = vector.broadcast %add3A_187 : i32 to vector<16xi32>
      %add3A_189 = arith.addi %iota3A, %add3A_188 : vector<16xi32>
      tpu.vector_store_idx %arg11[%broadcast_in_dim3A_164, %add3A_189], %get3A_186 {add = true} : memref<264x128xf32, #tpu.memory_space<vmem>>[vector<16xi32>, vector<16xi32>], vector<16xf32>,
      %add3A_190 = arith.constant 48 : i32
      %add3A_191 = arith.addi %mul3A_168, %add3A_190 : i32
      %get3A_192 = arith.index_cast %add3A_191 : i32 to index
      %get3A_193 = tpu.vector_load %arg8[%get3A_192] {strides = array<i32>} : memref<16384xf32, #tpu.memory_space<vmem>>, vector<16xf32>,
      %add3A_194 = arith.constant 48 : i32
      %add3A_195 = vector.broadcast %add3A_194 : i32 to vector<16xi32>
      %add3A_196 = arith.addi %iota3A, %add3A_195 : vector<16xi32>
      tpu.vector_store_idx %arg11[%broadcast_in_dim3A_164, %add3A_196], %get3A_193 {add = true} : memref<264x128xf32, #tpu.memory_space<vmem>>[vector<16xi32>, vector<16xi32>], vector<16xf32>,
      %add3A_197 = arith.constant 64 : i32
      %add3A_198 = arith.addi %mul3A_168, %add3A_197 : i32
      %get3A_199 = arith.index_cast %add3A_198 : i32 to index
      %get3A_200 = tpu.vector_load %arg8[%get3A_199] {strides = array<i32>} : memref<16384xf32, #tpu.memory_space<vmem>>, vector<16xf32>,
      %add3A_201 = arith.constant 64 : i32
      %add3A_202 = vector.broadcast %add3A_201 : i32 to vector<16xi32>
      %add3A_203 = arith.addi %iota3A, %add3A_202 : vector<16xi32>
      tpu.vector_store_idx %arg11[%broadcast_in_dim3A_164, %add3A_203], %get3A_200 {add = true} : memref<264x128xf32, #tpu.memory_space<vmem>>[vector<16xi32>, vector<16xi32>], vector<16xf32>,
      %add3A_204 = arith.constant 80 : i32
      %add3A_205 = arith.addi %mul3A_168, %add3A_204 : i32
      %get3A_206 = arith.index_cast %add3A_205 : i32 to index
      %get3A_207 = tpu.vector_load %arg8[%get3A_206] {strides = array<i32>} : memref<16384xf32, #tpu.memory_space<vmem>>, vector<16xf32>,
      %add3A_208 = arith.constant 80 : i32
      %add3A_209 = vector.broadcast %add3A_208 : i32 to vector<16xi32>
      %add3A_210 = arith.addi %iota3A, %add3A_209 : vector<16xi32>
      tpu.vector_store_idx %arg11[%broadcast_in_dim3A_164, %add3A_210], %get3A_207 {add = true} : memref<264x128xf32, #tpu.memory_space<vmem>>[vector<16xi32>, vector<16xi32>], vector<16xf32>,
      %add3A_211 = arith.constant 96 : i32
      %add3A_212 = arith.addi %mul3A_168, %add3A_211 : i32
      %get3A_213 = arith.index_cast %add3A_212 : i32 to index
      %get3A_214 = tpu.vector_load %arg8[%get3A_213] {strides = array<i32>} : memref<16384xf32, #tpu.memory_space<vmem>>, vector<16xf32>,
      %add3A_215 = arith.constant 96 : i32
      %add3A_216 = vector.broadcast %add3A_215 : i32 to vector<16xi32>
      %add3A_217 = arith.addi %iota3A, %add3A_216 : vector<16xi32>
      tpu.vector_store_idx %arg11[%broadcast_in_dim3A_164, %add3A_217], %get3A_214 {add = true} : memref<264x128xf32, #tpu.memory_space<vmem>>[vector<16xi32>, vector<16xi32>], vector<16xf32>,
      %add3A_218 = arith.constant 112 : i32
      %add3A_219 = arith.addi %mul3A_168, %add3A_218 : i32
      %get3A_220 = arith.index_cast %add3A_219 : i32 to index
      %get3A_221 = tpu.vector_load %arg8[%get3A_220] {strides = array<i32>} : memref<16384xf32, #tpu.memory_space<vmem>>, vector<16xf32>,
      %add3A_222 = arith.constant 112 : i32
      %add3A_223 = vector.broadcast %add3A_222 : i32 to vector<16xi32>
      %add3A_224 = arith.addi %iota3A, %add3A_223 : vector<16xi32>
      tpu.vector_store_idx %arg11[%broadcast_in_dim3A_164, %add3A_224], %get3A_221 {add = true} : memref<264x128xf32, #tpu.memory_space<vmem>>[vector<16xi32>, vector<16xi32>], vector<16xf32>,
      tpu.vector_store_idx %arg12[%broadcast_in_dim3A_164, %iota3A], %broadcast_in_dim3A_17 {add = true} : memref<264x16xf32, #tpu.memory_space<vmem>>[vector<16xi32>, vector<16xi32>], vector<16xf32>,
      %slice3A_225 = vector.extract_strided_slice %get3A_37 {offsets = [3], sizes = [1], strides = [1]} : vector<16xi32> to vector<1xi32>
      %squeeze3A_226 = vector.extract %slice3A_225[0] : i32 from vector<1xi32>
      %broadcast_in_dim3A_227 = vector.broadcast %squeeze3A_226 : i32 to vector<16xi32>
      %add3A_228 = arith.constant 3 : i32
      %add3A_229 = arith.addi %mul3A_34, %add3A_228 : i32
      %mul3A_230 = arith.constant 128 : i32
      %mul3A_231 = arith.muli %add3A_229, %mul3A_230 : i32
      %add3A_232 = arith.constant 0 : i32
      %add3A_233 = arith.addi %mul3A_231, %add3A_232 : i32
      %get3A_234 = arith.index_cast %add3A_233 : i32 to index
      %get3A_235 = tpu.vector_load %arg8[%get3A_234] {strides = array<i32>} : memref<16384xf32, #tpu.memory_space<vmem>>, vector<16xf32>,
      %add3A_236 = arith.constant 0 : i32
      %add3A_237 = vector.broadcast %add3A_236 : i32 to vector<16xi32>
      %add3A_238 = arith.addi %iota3A, %add3A_237 : vector<16xi32>
      tpu.vector_store_idx %arg11[%broadcast_in_dim3A_227, %add3A_238], %get3A_235 {add = true} : memref<264x128xf32, #tpu.memory_space<vmem>>[vector<16xi32>, vector<16xi32>], vector<16xf32>,
      %add3A_239 = arith.constant 16 : i32
      %add3A_240 = arith.addi %mul3A_231, %add3A_239 : i32
      %get3A_241 = arith.index_cast %add3A_240 : i32 to index
      %get3A_242 = tpu.vector_load %arg8[%get3A_241] {strides = array<i32>} : memref<16384xf32, #tpu.memory_space<vmem>>, vector<16xf32>,
      %add3A_243 = arith.constant 16 : i32
      %add3A_244 = vector.broadcast %add3A_243 : i32 to vector<16xi32>
      %add3A_245 = arith.addi %iota3A, %add3A_244 : vector<16xi32>
      tpu.vector_store_idx %arg11[%broadcast_in_dim3A_227, %add3A_245], %get3A_242 {add = true} : memref<264x128xf32, #tpu.memory_space<vmem>>[vector<16xi32>, vector<16xi32>], vector<16xf32>,
      %add3A_246 = arith.constant 32 : i32
      %add3A_247 = arith.addi %mul3A_231, %add3A_246 : i32
      %get3A_248 = arith.index_cast %add3A_247 : i32 to index
      %get3A_249 = tpu.vector_load %arg8[%get3A_248] {strides = array<i32>} : memref<16384xf32, #tpu.memory_space<vmem>>, vector<16xf32>,
      %add3A_250 = arith.constant 32 : i32
      %add3A_251 = vector.broadcast %add3A_250 : i32 to vector<16xi32>
      %add3A_252 = arith.addi %iota3A, %add3A_251 : vector<16xi32>
      tpu.vector_store_idx %arg11[%broadcast_in_dim3A_227, %add3A_252], %get3A_249 {add = true} : memref<264x128xf32, #tpu.memory_space<vmem>>[vector<16xi32>, vector<16xi32>], vector<16xf32>,
      %add3A_253 = arith.constant 48 : i32
      %add3A_254 = arith.addi %mul3A_231, %add3A_253 : i32
      %get3A_255 = arith.index_cast %add3A_254 : i32 to index
      %get3A_256 = tpu.vector_load %arg8[%get3A_255] {strides = array<i32>} : memref<16384xf32, #tpu.memory_space<vmem>>, vector<16xf32>,
      %add3A_257 = arith.constant 48 : i32
      %add3A_258 = vector.broadcast %add3A_257 : i32 to vector<16xi32>
      %add3A_259 = arith.addi %iota3A, %add3A_258 : vector<16xi32>
      tpu.vector_store_idx %arg11[%broadcast_in_dim3A_227, %add3A_259], %get3A_256 {add = true} : memref<264x128xf32, #tpu.memory_space<vmem>>[vector<16xi32>, vector<16xi32>], vector<16xf32>,
      %add3A_260 = arith.constant 64 : i32
      %add3A_261 = arith.addi %mul3A_231, %add3A_260 : i32
      %get3A_262 = arith.index_cast %add3A_261 : i32 to index
      %get3A_263 = tpu.vector_load %arg8[%get3A_262] {strides = array<i32>} : memref<16384xf32, #tpu.memory_space<vmem>>, vector<16xf32>,
      %add3A_264 = arith.constant 64 : i32
      %add3A_265 = vector.broadcast %add3A_264 : i32 to vector<16xi32>
      %add3A_266 = arith.addi %iota3A, %add3A_265 : vector<16xi32>
      tpu.vector_store_idx %arg11[%broadcast_in_dim3A_227, %add3A_266], %get3A_263 {add = true} : memref<264x128xf32, #tpu.memory_space<vmem>>[vector<16xi32>, vector<16xi32>], vector<16xf32>,
      %add3A_267 = arith.constant 80 : i32
      %add3A_268 = arith.addi %mul3A_231, %add3A_267 : i32
      %get3A_269 = arith.index_cast %add3A_268 : i32 to index
      %get3A_270 = tpu.vector_load %arg8[%get3A_269] {strides = array<i32>} : memref<16384xf32, #tpu.memory_space<vmem>>, vector<16xf32>,
      %add3A_271 = arith.constant 80 : i32
      %add3A_272 = vector.broadcast %add3A_271 : i32 to vector<16xi32>
      %add3A_273 = arith.addi %iota3A, %add3A_272 : vector<16xi32>
      tpu.vector_store_idx %arg11[%broadcast_in_dim3A_227, %add3A_273], %get3A_270 {add = true} : memref<264x128xf32, #tpu.memory_space<vmem>>[vector<16xi32>, vector<16xi32>], vector<16xf32>,
      %add3A_274 = arith.constant 96 : i32
      %add3A_275 = arith.addi %mul3A_231, %add3A_274 : i32
      %get3A_276 = arith.index_cast %add3A_275 : i32 to index
      %get3A_277 = tpu.vector_load %arg8[%get3A_276] {strides = array<i32>} : memref<16384xf32, #tpu.memory_space<vmem>>, vector<16xf32>,
      %add3A_278 = arith.constant 96 : i32
      %add3A_279 = vector.broadcast %add3A_278 : i32 to vector<16xi32>
      %add3A_280 = arith.addi %iota3A, %add3A_279 : vector<16xi32>
      tpu.vector_store_idx %arg11[%broadcast_in_dim3A_227, %add3A_280], %get3A_277 {add = true} : memref<264x128xf32, #tpu.memory_space<vmem>>[vector<16xi32>, vector<16xi32>], vector<16xf32>,
      %add3A_281 = arith.constant 112 : i32
      %add3A_282 = arith.addi %mul3A_231, %add3A_281 : i32
      %get3A_283 = arith.index_cast %add3A_282 : i32 to index
      %get3A_284 = tpu.vector_load %arg8[%get3A_283] {strides = array<i32>} : memref<16384xf32, #tpu.memory_space<vmem>>, vector<16xf32>,
      %add3A_285 = arith.constant 112 : i32
      %add3A_286 = vector.broadcast %add3A_285 : i32 to vector<16xi32>
      %add3A_287 = arith.addi %iota3A, %add3A_286 : vector<16xi32>
      tpu.vector_store_idx %arg11[%broadcast_in_dim3A_227, %add3A_287], %get3A_284 {add = true} : memref<264x128xf32, #tpu.memory_space<vmem>>[vector<16xi32>, vector<16xi32>], vector<16xf32>,
      tpu.vector_store_idx %arg12[%broadcast_in_dim3A_227, %iota3A], %broadcast_in_dim3A_17 {add = true} : memref<264x16xf32, #tpu.memory_space<vmem>>[vector<16xi32>, vector<16xi32>], vector<16xf32>,
      %slice3A_288 = vector.extract_strided_slice %get3A_37 {offsets = [4], sizes = [1], strides = [1]} : vector<16xi32> to vector<1xi32>
      %squeeze3A_289 = vector.extract %slice3A_288[0] : i32 from vector<1xi32>
      %broadcast_in_dim3A_290 = vector.broadcast %squeeze3A_289 : i32 to vector<16xi32>
      %add3A_291 = arith.constant 4 : i32
      %add3A_292 = arith.addi %mul3A_34, %add3A_291 : i32
      %mul3A_293 = arith.constant 128 : i32
      %mul3A_294 = arith.muli %add3A_292, %mul3A_293 : i32
      %add3A_295 = arith.constant 0 : i32
      %add3A_296 = arith.addi %mul3A_294, %add3A_295 : i32
      %get3A_297 = arith.index_cast %add3A_296 : i32 to index
      %get3A_298 = tpu.vector_load %arg8[%get3A_297] {strides = array<i32>} : memref<16384xf32, #tpu.memory_space<vmem>>, vector<16xf32>,
      %add3A_299 = arith.constant 0 : i32
      %add3A_300 = vector.broadcast %add3A_299 : i32 to vector<16xi32>
      %add3A_301 = arith.addi %iota3A, %add3A_300 : vector<16xi32>
      tpu.vector_store_idx %arg11[%broadcast_in_dim3A_290, %add3A_301], %get3A_298 {add = true} : memref<264x128xf32, #tpu.memory_space<vmem>>[vector<16xi32>, vector<16xi32>], vector<16xf32>,
      %add3A_302 = arith.constant 16 : i32
      %add3A_303 = arith.addi %mul3A_294, %add3A_302 : i32
      %get3A_304 = arith.index_cast %add3A_303 : i32 to index
      %get3A_305 = tpu.vector_load %arg8[%get3A_304] {strides = array<i32>} : memref<16384xf32, #tpu.memory_space<vmem>>, vector<16xf32>,
      %add3A_306 = arith.constant 16 : i32
      %add3A_307 = vector.broadcast %add3A_306 : i32 to vector<16xi32>
      %add3A_308 = arith.addi %iota3A, %add3A_307 : vector<16xi32>
      tpu.vector_store_idx %arg11[%broadcast_in_dim3A_290, %add3A_308], %get3A_305 {add = true} : memref<264x128xf32, #tpu.memory_space<vmem>>[vector<16xi32>, vector<16xi32>], vector<16xf32>,
      %add3A_309 = arith.constant 32 : i32
      %add3A_310 = arith.addi %mul3A_294, %add3A_309 : i32
      %get3A_311 = arith.index_cast %add3A_310 : i32 to index
      %get3A_312 = tpu.vector_load %arg8[%get3A_311] {strides = array<i32>} : memref<16384xf32, #tpu.memory_space<vmem>>, vector<16xf32>,
      %add3A_313 = arith.constant 32 : i32
      %add3A_314 = vector.broadcast %add3A_313 : i32 to vector<16xi32>
      %add3A_315 = arith.addi %iota3A, %add3A_314 : vector<16xi32>
      tpu.vector_store_idx %arg11[%broadcast_in_dim3A_290, %add3A_315], %get3A_312 {add = true} : memref<264x128xf32, #tpu.memory_space<vmem>>[vector<16xi32>, vector<16xi32>], vector<16xf32>,
      %add3A_316 = arith.constant 48 : i32
      %add3A_317 = arith.addi %mul3A_294, %add3A_316 : i32
      %get3A_318 = arith.index_cast %add3A_317 : i32 to index
      %get3A_319 = tpu.vector_load %arg8[%get3A_318] {strides = array<i32>} : memref<16384xf32, #tpu.memory_space<vmem>>, vector<16xf32>,
      %add3A_320 = arith.constant 48 : i32
      %add3A_321 = vector.broadcast %add3A_320 : i32 to vector<16xi32>
      %add3A_322 = arith.addi %iota3A, %add3A_321 : vector<16xi32>
      tpu.vector_store_idx %arg11[%broadcast_in_dim3A_290, %add3A_322], %get3A_319 {add = true} : memref<264x128xf32, #tpu.memory_space<vmem>>[vector<16xi32>, vector<16xi32>], vector<16xf32>,
      %add3A_323 = arith.constant 64 : i32
      %add3A_324 = arith.addi %mul3A_294, %add3A_323 : i32
      %get3A_325 = arith.index_cast %add3A_324 : i32 to index
      %get3A_326 = tpu.vector_load %arg8[%get3A_325] {strides = array<i32>} : memref<16384xf32, #tpu.memory_space<vmem>>, vector<16xf32>,
      %add3A_327 = arith.constant 64 : i32
      %add3A_328 = vector.broadcast %add3A_327 : i32 to vector<16xi32>
      %add3A_329 = arith.addi %iota3A, %add3A_328 : vector<16xi32>
      tpu.vector_store_idx %arg11[%broadcast_in_dim3A_290, %add3A_329], %get3A_326 {add = true} : memref<264x128xf32, #tpu.memory_space<vmem>>[vector<16xi32>, vector<16xi32>], vector<16xf32>,
      %add3A_330 = arith.constant 80 : i32
      %add3A_331 = arith.addi %mul3A_294, %add3A_330 : i32
      %get3A_332 = arith.index_cast %add3A_331 : i32 to index
      %get3A_333 = tpu.vector_load %arg8[%get3A_332] {strides = array<i32>} : memref<16384xf32, #tpu.memory_space<vmem>>, vector<16xf32>,
      %add3A_334 = arith.constant 80 : i32
      %add3A_335 = vector.broadcast %add3A_334 : i32 to vector<16xi32>
      %add3A_336 = arith.addi %iota3A, %add3A_335 : vector<16xi32>
      tpu.vector_store_idx %arg11[%broadcast_in_dim3A_290, %add3A_336], %get3A_333 {add = true} : memref<264x128xf32, #tpu.memory_space<vmem>>[vector<16xi32>, vector<16xi32>], vector<16xf32>,
      %add3A_337 = arith.constant 96 : i32
      %add3A_338 = arith.addi %mul3A_294, %add3A_337 : i32
      %get3A_339 = arith.index_cast %add3A_338 : i32 to index
      %get3A_340 = tpu.vector_load %arg8[%get3A_339] {strides = array<i32>} : memref<16384xf32, #tpu.memory_space<vmem>>, vector<16xf32>,
      %add3A_341 = arith.constant 96 : i32
      %add3A_342 = vector.broadcast %add3A_341 : i32 to vector<16xi32>
      %add3A_343 = arith.addi %iota3A, %add3A_342 : vector<16xi32>
      tpu.vector_store_idx %arg11[%broadcast_in_dim3A_290, %add3A_343], %get3A_340 {add = true} : memref<264x128xf32, #tpu.memory_space<vmem>>[vector<16xi32>, vector<16xi32>], vector<16xf32>,
      %add3A_344 = arith.constant 112 : i32
      %add3A_345 = arith.addi %mul3A_294, %add3A_344 : i32
      %get3A_346 = arith.index_cast %add3A_345 : i32 to index
      %get3A_347 = tpu.vector_load %arg8[%get3A_346] {strides = array<i32>} : memref<16384xf32, #tpu.memory_space<vmem>>, vector<16xf32>,
      %add3A_348 = arith.constant 112 : i32
      %add3A_349 = vector.broadcast %add3A_348 : i32 to vector<16xi32>
      %add3A_350 = arith.addi %iota3A, %add3A_349 : vector<16xi32>
      tpu.vector_store_idx %arg11[%broadcast_in_dim3A_290, %add3A_350], %get3A_347 {add = true} : memref<264x128xf32, #tpu.memory_space<vmem>>[vector<16xi32>, vector<16xi32>], vector<16xf32>,
      tpu.vector_store_idx %arg12[%broadcast_in_dim3A_290, %iota3A], %broadcast_in_dim3A_17 {add = true} : memref<264x16xf32, #tpu.memory_space<vmem>>[vector<16xi32>, vector<16xi32>], vector<16xf32>,
      %slice3A_351 = vector.extract_strided_slice %get3A_37 {offsets = [5], sizes = [1], strides = [1]} : vector<16xi32> to vector<1xi32>
      %squeeze3A_352 = vector.extract %slice3A_351[0] : i32 from vector<1xi32>
      %broadcast_in_dim3A_353 = vector.broadcast %squeeze3A_352 : i32 to vector<16xi32>
      %add3A_354 = arith.constant 5 : i32
      %add3A_355 = arith.addi %mul3A_34, %add3A_354 : i32
      %mul3A_356 = arith.constant 128 : i32
      %mul3A_357 = arith.muli %add3A_355, %mul3A_356 : i32
      %add3A_358 = arith.constant 0 : i32
      %add3A_359 = arith.addi %mul3A_357, %add3A_358 : i32
      %get3A_360 = arith.index_cast %add3A_359 : i32 to index
      %get3A_361 = tpu.vector_load %arg8[%get3A_360] {strides = array<i32>} : memref<16384xf32, #tpu.memory_space<vmem>>, vector<16xf32>,
      %add3A_362 = arith.constant 0 : i32
      %add3A_363 = vector.broadcast %add3A_362 : i32 to vector<16xi32>
      %add3A_364 = arith.addi %iota3A, %add3A_363 : vector<16xi32>
      tpu.vector_store_idx %arg11[%broadcast_in_dim3A_353, %add3A_364], %get3A_361 {add = true} : memref<264x128xf32, #tpu.memory_space<vmem>>[vector<16xi32>, vector<16xi32>], vector<16xf32>,
      %add3A_365 = arith.constant 16 : i32
      %add3A_366 = arith.addi %mul3A_357, %add3A_365 : i32
      %get3A_367 = arith.index_cast %add3A_366 : i32 to index
      %get3A_368 = tpu.vector_load %arg8[%get3A_367] {strides = array<i32>} : memref<16384xf32, #tpu.memory_space<vmem>>, vector<16xf32>,
      %add3A_369 = arith.constant 16 : i32
      %add3A_370 = vector.broadcast %add3A_369 : i32 to vector<16xi32>
      %add3A_371 = arith.addi %iota3A, %add3A_370 : vector<16xi32>
      tpu.vector_store_idx %arg11[%broadcast_in_dim3A_353, %add3A_371], %get3A_368 {add = true} : memref<264x128xf32, #tpu.memory_space<vmem>>[vector<16xi32>, vector<16xi32>], vector<16xf32>,
      %add3A_372 = arith.constant 32 : i32
      %add3A_373 = arith.addi %mul3A_357, %add3A_372 : i32
      %get3A_374 = arith.index_cast %add3A_373 : i32 to index
      %get3A_375 = tpu.vector_load %arg8[%get3A_374] {strides = array<i32>} : memref<16384xf32, #tpu.memory_space<vmem>>, vector<16xf32>,
      %add3A_376 = arith.constant 32 : i32
      %add3A_377 = vector.broadcast %add3A_376 : i32 to vector<16xi32>
      %add3A_378 = arith.addi %iota3A, %add3A_377 : vector<16xi32>
      tpu.vector_store_idx %arg11[%broadcast_in_dim3A_353, %add3A_378], %get3A_375 {add = true} : memref<264x128xf32, #tpu.memory_space<vmem>>[vector<16xi32>, vector<16xi32>], vector<16xf32>,
      %add3A_379 = arith.constant 48 : i32
      %add3A_380 = arith.addi %mul3A_357, %add3A_379 : i32
      %get3A_381 = arith.index_cast %add3A_380 : i32 to index
      %get3A_382 = tpu.vector_load %arg8[%get3A_381] {strides = array<i32>} : memref<16384xf32, #tpu.memory_space<vmem>>, vector<16xf32>,
      %add3A_383 = arith.constant 48 : i32
      %add3A_384 = vector.broadcast %add3A_383 : i32 to vector<16xi32>
      %add3A_385 = arith.addi %iota3A, %add3A_384 : vector<16xi32>
      tpu.vector_store_idx %arg11[%broadcast_in_dim3A_353, %add3A_385], %get3A_382 {add = true} : memref<264x128xf32, #tpu.memory_space<vmem>>[vector<16xi32>, vector<16xi32>], vector<16xf32>,
      %add3A_386 = arith.constant 64 : i32
      %add3A_387 = arith.addi %mul3A_357, %add3A_386 : i32
      %get3A_388 = arith.index_cast %add3A_387 : i32 to index
      %get3A_389 = tpu.vector_load %arg8[%get3A_388] {strides = array<i32>} : memref<16384xf32, #tpu.memory_space<vmem>>, vector<16xf32>,
      %add3A_390 = arith.constant 64 : i32
      %add3A_391 = vector.broadcast %add3A_390 : i32 to vector<16xi32>
      %add3A_392 = arith.addi %iota3A, %add3A_391 : vector<16xi32>
      tpu.vector_store_idx %arg11[%broadcast_in_dim3A_353, %add3A_392], %get3A_389 {add = true} : memref<264x128xf32, #tpu.memory_space<vmem>>[vector<16xi32>, vector<16xi32>], vector<16xf32>,
      %add3A_393 = arith.constant 80 : i32
      %add3A_394 = arith.addi %mul3A_357, %add3A_393 : i32
      %get3A_395 = arith.index_cast %add3A_394 : i32 to index
      %get3A_396 = tpu.vector_load %arg8[%get3A_395] {strides = array<i32>} : memref<16384xf32, #tpu.memory_space<vmem>>, vector<16xf32>,
      %add3A_397 = arith.constant 80 : i32
      %add3A_398 = vector.broadcast %add3A_397 : i32 to vector<16xi32>
      %add3A_399 = arith.addi %iota3A, %add3A_398 : vector<16xi32>
      tpu.vector_store_idx %arg11[%broadcast_in_dim3A_353, %add3A_399], %get3A_396 {add = true} : memref<264x128xf32, #tpu.memory_space<vmem>>[vector<16xi32>, vector<16xi32>], vector<16xf32>,
      %add3A_400 = arith.constant 96 : i32
      %add3A_401 = arith.addi %mul3A_357, %add3A_400 : i32
      %get3A_402 = arith.index_cast %add3A_401 : i32 to index
      %get3A_403 = tpu.vector_load %arg8[%get3A_402] {strides = array<i32>} : memref<16384xf32, #tpu.memory_space<vmem>>, vector<16xf32>,
      %add3A_404 = arith.constant 96 : i32
      %add3A_405 = vector.broadcast %add3A_404 : i32 to vector<16xi32>
      %add3A_406 = arith.addi %iota3A, %add3A_405 : vector<16xi32>
      tpu.vector_store_idx %arg11[%broadcast_in_dim3A_353, %add3A_406], %get3A_403 {add = true} : memref<264x128xf32, #tpu.memory_space<vmem>>[vector<16xi32>, vector<16xi32>], vector<16xf32>,
      %add3A_407 = arith.constant 112 : i32
      %add3A_408 = arith.addi %mul3A_357, %add3A_407 : i32
      %get3A_409 = arith.index_cast %add3A_408 : i32 to index
      %get3A_410 = tpu.vector_load %arg8[%get3A_409] {strides = array<i32>} : memref<16384xf32, #tpu.memory_space<vmem>>, vector<16xf32>,
      %add3A_411 = arith.constant 112 : i32
      %add3A_412 = vector.broadcast %add3A_411 : i32 to vector<16xi32>
      %add3A_413 = arith.addi %iota3A, %add3A_412 : vector<16xi32>
      tpu.vector_store_idx %arg11[%broadcast_in_dim3A_353, %add3A_413], %get3A_410 {add = true} : memref<264x128xf32, #tpu.memory_space<vmem>>[vector<16xi32>, vector<16xi32>], vector<16xf32>,
      tpu.vector_store_idx %arg12[%broadcast_in_dim3A_353, %iota3A], %broadcast_in_dim3A_17 {add = true} : memref<264x16xf32, #tpu.memory_space<vmem>>[vector<16xi32>, vector<16xi32>], vector<16xf32>,
      %slice3A_414 = vector.extract_strided_slice %get3A_37 {offsets = [6], sizes = [1], strides = [1]} : vector<16xi32> to vector<1xi32>
      %squeeze3A_415 = vector.extract %slice3A_414[0] : i32 from vector<1xi32>
      %broadcast_in_dim3A_416 = vector.broadcast %squeeze3A_415 : i32 to vector<16xi32>
      %add3A_417 = arith.constant 6 : i32
      %add3A_418 = arith.addi %mul3A_34, %add3A_417 : i32
      %mul3A_419 = arith.constant 128 : i32
      %mul3A_420 = arith.muli %add3A_418, %mul3A_419 : i32
      %add3A_421 = arith.constant 0 : i32
      %add3A_422 = arith.addi %mul3A_420, %add3A_421 : i32
      %get3A_423 = arith.index_cast %add3A_422 : i32 to index
      %get3A_424 = tpu.vector_load %arg8[%get3A_423] {strides = array<i32>} : memref<16384xf32, #tpu.memory_space<vmem>>, vector<16xf32>,
      %add3A_425 = arith.constant 0 : i32
      %add3A_426 = vector.broadcast %add3A_425 : i32 to vector<16xi32>
      %add3A_427 = arith.addi %iota3A, %add3A_426 : vector<16xi32>
      tpu.vector_store_idx %arg11[%broadcast_in_dim3A_416, %add3A_427], %get3A_424 {add = true} : memref<264x128xf32, #tpu.memory_space<vmem>>[vector<16xi32>, vector<16xi32>], vector<16xf32>,
      %add3A_428 = arith.constant 16 : i32
      %add3A_429 = arith.addi %mul3A_420, %add3A_428 : i32
      %get3A_430 = arith.index_cast %add3A_429 : i32 to index
      %get3A_431 = tpu.vector_load %arg8[%get3A_430] {strides = array<i32>} : memref<16384xf32, #tpu.memory_space<vmem>>, vector<16xf32>,
      %add3A_432 = arith.constant 16 : i32
      %add3A_433 = vector.broadcast %add3A_432 : i32 to vector<16xi32>
      %add3A_434 = arith.addi %iota3A, %add3A_433 : vector<16xi32>
      tpu.vector_store_idx %arg11[%broadcast_in_dim3A_416, %add3A_434], %get3A_431 {add = true} : memref<264x128xf32, #tpu.memory_space<vmem>>[vector<16xi32>, vector<16xi32>], vector<16xf32>,
      %add3A_435 = arith.constant 32 : i32
      %add3A_436 = arith.addi %mul3A_420, %add3A_435 : i32
      %get3A_437 = arith.index_cast %add3A_436 : i32 to index
      %get3A_438 = tpu.vector_load %arg8[%get3A_437] {strides = array<i32>} : memref<16384xf32, #tpu.memory_space<vmem>>, vector<16xf32>,
      %add3A_439 = arith.constant 32 : i32
      %add3A_440 = vector.broadcast %add3A_439 : i32 to vector<16xi32>
      %add3A_441 = arith.addi %iota3A, %add3A_440 : vector<16xi32>
      tpu.vector_store_idx %arg11[%broadcast_in_dim3A_416, %add3A_441], %get3A_438 {add = true} : memref<264x128xf32, #tpu.memory_space<vmem>>[vector<16xi32>, vector<16xi32>], vector<16xf32>,
      %add3A_442 = arith.constant 48 : i32
      %add3A_443 = arith.addi %mul3A_420, %add3A_442 : i32
      %get3A_444 = arith.index_cast %add3A_443 : i32 to index
      %get3A_445 = tpu.vector_load %arg8[%get3A_444] {strides = array<i32>} : memref<16384xf32, #tpu.memory_space<vmem>>, vector<16xf32>,
      %add3A_446 = arith.constant 48 : i32
      %add3A_447 = vector.broadcast %add3A_446 : i32 to vector<16xi32>
      %add3A_448 = arith.addi %iota3A, %add3A_447 : vector<16xi32>
      tpu.vector_store_idx %arg11[%broadcast_in_dim3A_416, %add3A_448], %get3A_445 {add = true} : memref<264x128xf32, #tpu.memory_space<vmem>>[vector<16xi32>, vector<16xi32>], vector<16xf32>,
      %add3A_449 = arith.constant 64 : i32
      %add3A_450 = arith.addi %mul3A_420, %add3A_449 : i32
      %get3A_451 = arith.index_cast %add3A_450 : i32 to index
      %get3A_452 = tpu.vector_load %arg8[%get3A_451] {strides = array<i32>} : memref<16384xf32, #tpu.memory_space<vmem>>, vector<16xf32>,
      %add3A_453 = arith.constant 64 : i32
      %add3A_454 = vector.broadcast %add3A_453 : i32 to vector<16xi32>
      %add3A_455 = arith.addi %iota3A, %add3A_454 : vector<16xi32>
      tpu.vector_store_idx %arg11[%broadcast_in_dim3A_416, %add3A_455], %get3A_452 {add = true} : memref<264x128xf32, #tpu.memory_space<vmem>>[vector<16xi32>, vector<16xi32>], vector<16xf32>,
      %add3A_456 = arith.constant 80 : i32
      %add3A_457 = arith.addi %mul3A_420, %add3A_456 : i32
      %get3A_458 = arith.index_cast %add3A_457 : i32 to index
      %get3A_459 = tpu.vector_load %arg8[%get3A_458] {strides = array<i32>} : memref<16384xf32, #tpu.memory_space<vmem>>, vector<16xf32>,
      %add3A_460 = arith.constant 80 : i32
      %add3A_461 = vector.broadcast %add3A_460 : i32 to vector<16xi32>
      %add3A_462 = arith.addi %iota3A, %add3A_461 : vector<16xi32>
      tpu.vector_store_idx %arg11[%broadcast_in_dim3A_416, %add3A_462], %get3A_459 {add = true} : memref<264x128xf32, #tpu.memory_space<vmem>>[vector<16xi32>, vector<16xi32>], vector<16xf32>,
      %add3A_463 = arith.constant 96 : i32
      %add3A_464 = arith.addi %mul3A_420, %add3A_463 : i32
      %get3A_465 = arith.index_cast %add3A_464 : i32 to index
      %get3A_466 = tpu.vector_load %arg8[%get3A_465] {strides = array<i32>} : memref<16384xf32, #tpu.memory_space<vmem>>, vector<16xf32>,
      %add3A_467 = arith.constant 96 : i32
      %add3A_468 = vector.broadcast %add3A_467 : i32 to vector<16xi32>
      %add3A_469 = arith.addi %iota3A, %add3A_468 : vector<16xi32>
      tpu.vector_store_idx %arg11[%broadcast_in_dim3A_416, %add3A_469], %get3A_466 {add = true} : memref<264x128xf32, #tpu.memory_space<vmem>>[vector<16xi32>, vector<16xi32>], vector<16xf32>,
      %add3A_470 = arith.constant 112 : i32
      %add3A_471 = arith.addi %mul3A_420, %add3A_470 : i32
      %get3A_472 = arith.index_cast %add3A_471 : i32 to index
      %get3A_473 = tpu.vector_load %arg8[%get3A_472] {strides = array<i32>} : memref<16384xf32, #tpu.memory_space<vmem>>, vector<16xf32>,
      %add3A_474 = arith.constant 112 : i32
      %add3A_475 = vector.broadcast %add3A_474 : i32 to vector<16xi32>
      %add3A_476 = arith.addi %iota3A, %add3A_475 : vector<16xi32>
      tpu.vector_store_idx %arg11[%broadcast_in_dim3A_416, %add3A_476], %get3A_473 {add = true} : memref<264x128xf32, #tpu.memory_space<vmem>>[vector<16xi32>, vector<16xi32>], vector<16xf32>,
      tpu.vector_store_idx %arg12[%broadcast_in_dim3A_416, %iota3A], %broadcast_in_dim3A_17 {add = true} : memref<264x16xf32, #tpu.memory_space<vmem>>[vector<16xi32>, vector<16xi32>], vector<16xf32>,
      %slice3A_477 = vector.extract_strided_slice %get3A_37 {offsets = [7], sizes = [1], strides = [1]} : vector<16xi32> to vector<1xi32>
      %squeeze3A_478 = vector.extract %slice3A_477[0] : i32 from vector<1xi32>
      %broadcast_in_dim3A_479 = vector.broadcast %squeeze3A_478 : i32 to vector<16xi32>
      %add3A_480 = arith.constant 7 : i32
      %add3A_481 = arith.addi %mul3A_34, %add3A_480 : i32
      %mul3A_482 = arith.constant 128 : i32
      %mul3A_483 = arith.muli %add3A_481, %mul3A_482 : i32
      %add3A_484 = arith.constant 0 : i32
      %add3A_485 = arith.addi %mul3A_483, %add3A_484 : i32
      %get3A_486 = arith.index_cast %add3A_485 : i32 to index
      %get3A_487 = tpu.vector_load %arg8[%get3A_486] {strides = array<i32>} : memref<16384xf32, #tpu.memory_space<vmem>>, vector<16xf32>,
      %add3A_488 = arith.constant 0 : i32
      %add3A_489 = vector.broadcast %add3A_488 : i32 to vector<16xi32>
      %add3A_490 = arith.addi %iota3A, %add3A_489 : vector<16xi32>
      tpu.vector_store_idx %arg11[%broadcast_in_dim3A_479, %add3A_490], %get3A_487 {add = true} : memref<264x128xf32, #tpu.memory_space<vmem>>[vector<16xi32>, vector<16xi32>], vector<16xf32>,
      %add3A_491 = arith.constant 16 : i32
      %add3A_492 = arith.addi %mul3A_483, %add3A_491 : i32
      %get3A_493 = arith.index_cast %add3A_492 : i32 to index
      %get3A_494 = tpu.vector_load %arg8[%get3A_493] {strides = array<i32>} : memref<16384xf32, #tpu.memory_space<vmem>>, vector<16xf32>,
      %add3A_495 = arith.constant 16 : i32
      %add3A_496 = vector.broadcast %add3A_495 : i32 to vector<16xi32>
      %add3A_497 = arith.addi %iota3A, %add3A_496 : vector<16xi32>
      tpu.vector_store_idx %arg11[%broadcast_in_dim3A_479, %add3A_497], %get3A_494 {add = true} : memref<264x128xf32, #tpu.memory_space<vmem>>[vector<16xi32>, vector<16xi32>], vector<16xf32>,
      %add3A_498 = arith.constant 32 : i32
      %add3A_499 = arith.addi %mul3A_483, %add3A_498 : i32
      %get3A_500 = arith.index_cast %add3A_499 : i32 to index
      %get3A_501 = tpu.vector_load %arg8[%get3A_500] {strides = array<i32>} : memref<16384xf32, #tpu.memory_space<vmem>>, vector<16xf32>,
      %add3A_502 = arith.constant 32 : i32
      %add3A_503 = vector.broadcast %add3A_502 : i32 to vector<16xi32>
      %add3A_504 = arith.addi %iota3A, %add3A_503 : vector<16xi32>
      tpu.vector_store_idx %arg11[%broadcast_in_dim3A_479, %add3A_504], %get3A_501 {add = true} : memref<264x128xf32, #tpu.memory_space<vmem>>[vector<16xi32>, vector<16xi32>], vector<16xf32>,
      %add3A_505 = arith.constant 48 : i32
      %add3A_506 = arith.addi %mul3A_483, %add3A_505 : i32
      %get3A_507 = arith.index_cast %add3A_506 : i32 to index
      %get3A_508 = tpu.vector_load %arg8[%get3A_507] {strides = array<i32>} : memref<16384xf32, #tpu.memory_space<vmem>>, vector<16xf32>,
      %add3A_509 = arith.constant 48 : i32
      %add3A_510 = vector.broadcast %add3A_509 : i32 to vector<16xi32>
      %add3A_511 = arith.addi %iota3A, %add3A_510 : vector<16xi32>
      tpu.vector_store_idx %arg11[%broadcast_in_dim3A_479, %add3A_511], %get3A_508 {add = true} : memref<264x128xf32, #tpu.memory_space<vmem>>[vector<16xi32>, vector<16xi32>], vector<16xf32>,
      %add3A_512 = arith.constant 64 : i32
      %add3A_513 = arith.addi %mul3A_483, %add3A_512 : i32
      %get3A_514 = arith.index_cast %add3A_513 : i32 to index
      %get3A_515 = tpu.vector_load %arg8[%get3A_514] {strides = array<i32>} : memref<16384xf32, #tpu.memory_space<vmem>>, vector<16xf32>,
      %add3A_516 = arith.constant 64 : i32
      %add3A_517 = vector.broadcast %add3A_516 : i32 to vector<16xi32>
      %add3A_518 = arith.addi %iota3A, %add3A_517 : vector<16xi32>
      tpu.vector_store_idx %arg11[%broadcast_in_dim3A_479, %add3A_518], %get3A_515 {add = true} : memref<264x128xf32, #tpu.memory_space<vmem>>[vector<16xi32>, vector<16xi32>], vector<16xf32>,
      %add3A_519 = arith.constant 80 : i32
      %add3A_520 = arith.addi %mul3A_483, %add3A_519 : i32
      %get3A_521 = arith.index_cast %add3A_520 : i32 to index
      %get3A_522 = tpu.vector_load %arg8[%get3A_521] {strides = array<i32>} : memref<16384xf32, #tpu.memory_space<vmem>>, vector<16xf32>,
      %add3A_523 = arith.constant 80 : i32
      %add3A_524 = vector.broadcast %add3A_523 : i32 to vector<16xi32>
      %add3A_525 = arith.addi %iota3A, %add3A_524 : vector<16xi32>
      tpu.vector_store_idx %arg11[%broadcast_in_dim3A_479, %add3A_525], %get3A_522 {add = true} : memref<264x128xf32, #tpu.memory_space<vmem>>[vector<16xi32>, vector<16xi32>], vector<16xf32>,
      %add3A_526 = arith.constant 96 : i32
      %add3A_527 = arith.addi %mul3A_483, %add3A_526 : i32
      %get3A_528 = arith.index_cast %add3A_527 : i32 to index
      %get3A_529 = tpu.vector_load %arg8[%get3A_528] {strides = array<i32>} : memref<16384xf32, #tpu.memory_space<vmem>>, vector<16xf32>,
      %add3A_530 = arith.constant 96 : i32
      %add3A_531 = vector.broadcast %add3A_530 : i32 to vector<16xi32>
      %add3A_532 = arith.addi %iota3A, %add3A_531 : vector<16xi32>
      tpu.vector_store_idx %arg11[%broadcast_in_dim3A_479, %add3A_532], %get3A_529 {add = true} : memref<264x128xf32, #tpu.memory_space<vmem>>[vector<16xi32>, vector<16xi32>], vector<16xf32>,
      %add3A_533 = arith.constant 112 : i32
      %add3A_534 = arith.addi %mul3A_483, %add3A_533 : i32
      %get3A_535 = arith.index_cast %add3A_534 : i32 to index
      %get3A_536 = tpu.vector_load %arg8[%get3A_535] {strides = array<i32>} : memref<16384xf32, #tpu.memory_space<vmem>>, vector<16xf32>,
      %add3A_537 = arith.constant 112 : i32
      %add3A_538 = vector.broadcast %add3A_537 : i32 to vector<16xi32>
      %add3A_539 = arith.addi %iota3A, %add3A_538 : vector<16xi32>
      tpu.vector_store_idx %arg11[%broadcast_in_dim3A_479, %add3A_539], %get3A_536 {add = true} : memref<264x128xf32, #tpu.memory_space<vmem>>[vector<16xi32>, vector<16xi32>], vector<16xf32>,
      tpu.vector_store_idx %arg12[%broadcast_in_dim3A_479, %iota3A], %broadcast_in_dim3A_17 {add = true} : memref<264x16xf32, #tpu.memory_space<vmem>>[vector<16xi32>, vector<16xi32>], vector<16xf32>,
      %slice3A_540 = vector.extract_strided_slice %get3A_37 {offsets = [8], sizes = [1], strides = [1]} : vector<16xi32> to vector<1xi32>
      %squeeze3A_541 = vector.extract %slice3A_540[0] : i32 from vector<1xi32>
      %broadcast_in_dim3A_542 = vector.broadcast %squeeze3A_541 : i32 to vector<16xi32>
      %add3A_543 = arith.constant 8 : i32
      %add3A_544 = arith.addi %mul3A_34, %add3A_543 : i32
      %mul3A_545 = arith.constant 128 : i32
      %mul3A_546 = arith.muli %add3A_544, %mul3A_545 : i32
      %add3A_547 = arith.constant 0 : i32
      %add3A_548 = arith.addi %mul3A_546, %add3A_547 : i32
      %get3A_549 = arith.index_cast %add3A_548 : i32 to index
      %get3A_550 = tpu.vector_load %arg8[%get3A_549] {strides = array<i32>} : memref<16384xf32, #tpu.memory_space<vmem>>, vector<16xf32>,
      %add3A_551 = arith.constant 0 : i32
      %add3A_552 = vector.broadcast %add3A_551 : i32 to vector<16xi32>
      %add3A_553 = arith.addi %iota3A, %add3A_552 : vector<16xi32>
      tpu.vector_store_idx %arg11[%broadcast_in_dim3A_542, %add3A_553], %get3A_550 {add = true} : memref<264x128xf32, #tpu.memory_space<vmem>>[vector<16xi32>, vector<16xi32>], vector<16xf32>,
      %add3A_554 = arith.constant 16 : i32
      %add3A_555 = arith.addi %mul3A_546, %add3A_554 : i32
      %get3A_556 = arith.index_cast %add3A_555 : i32 to index
      %get3A_557 = tpu.vector_load %arg8[%get3A_556] {strides = array<i32>} : memref<16384xf32, #tpu.memory_space<vmem>>, vector<16xf32>,
      %add3A_558 = arith.constant 16 : i32
      %add3A_559 = vector.broadcast %add3A_558 : i32 to vector<16xi32>
      %add3A_560 = arith.addi %iota3A, %add3A_559 : vector<16xi32>
      tpu.vector_store_idx %arg11[%broadcast_in_dim3A_542, %add3A_560], %get3A_557 {add = true} : memref<264x128xf32, #tpu.memory_space<vmem>>[vector<16xi32>, vector<16xi32>], vector<16xf32>,
      %add3A_561 = arith.constant 32 : i32
      %add3A_562 = arith.addi %mul3A_546, %add3A_561 : i32
      %get3A_563 = arith.index_cast %add3A_562 : i32 to index
      %get3A_564 = tpu.vector_load %arg8[%get3A_563] {strides = array<i32>} : memref<16384xf32, #tpu.memory_space<vmem>>, vector<16xf32>,
      %add3A_565 = arith.constant 32 : i32
      %add3A_566 = vector.broadcast %add3A_565 : i32 to vector<16xi32>
      %add3A_567 = arith.addi %iota3A, %add3A_566 : vector<16xi32>
      tpu.vector_store_idx %arg11[%broadcast_in_dim3A_542, %add3A_567], %get3A_564 {add = true} : memref<264x128xf32, #tpu.memory_space<vmem>>[vector<16xi32>, vector<16xi32>], vector<16xf32>,
      %add3A_568 = arith.constant 48 : i32
      %add3A_569 = arith.addi %mul3A_546, %add3A_568 : i32
      %get3A_570 = arith.index_cast %add3A_569 : i32 to index
      %get3A_571 = tpu.vector_load %arg8[%get3A_570] {strides = array<i32>} : memref<16384xf32, #tpu.memory_space<vmem>>, vector<16xf32>,
      %add3A_572 = arith.constant 48 : i32
      %add3A_573 = vector.broadcast %add3A_572 : i32 to vector<16xi32>
      %add3A_574 = arith.addi %iota3A, %add3A_573 : vector<16xi32>
      tpu.vector_store_idx %arg11[%broadcast_in_dim3A_542, %add3A_574], %get3A_571 {add = true} : memref<264x128xf32, #tpu.memory_space<vmem>>[vector<16xi32>, vector<16xi32>], vector<16xf32>,
      %add3A_575 = arith.constant 64 : i32
      %add3A_576 = arith.addi %mul3A_546, %add3A_575 : i32
      %get3A_577 = arith.index_cast %add3A_576 : i32 to index
      %get3A_578 = tpu.vector_load %arg8[%get3A_577] {strides = array<i32>} : memref<16384xf32, #tpu.memory_space<vmem>>, vector<16xf32>,
      %add3A_579 = arith.constant 64 : i32
      %add3A_580 = vector.broadcast %add3A_579 : i32 to vector<16xi32>
      %add3A_581 = arith.addi %iota3A, %add3A_580 : vector<16xi32>
      tpu.vector_store_idx %arg11[%broadcast_in_dim3A_542, %add3A_581], %get3A_578 {add = true} : memref<264x128xf32, #tpu.memory_space<vmem>>[vector<16xi32>, vector<16xi32>], vector<16xf32>,
      %add3A_582 = arith.constant 80 : i32
      %add3A_583 = arith.addi %mul3A_546, %add3A_582 : i32
      %get3A_584 = arith.index_cast %add3A_583 : i32 to index
      %get3A_585 = tpu.vector_load %arg8[%get3A_584] {strides = array<i32>} : memref<16384xf32, #tpu.memory_space<vmem>>, vector<16xf32>,
      %add3A_586 = arith.constant 80 : i32
      %add3A_587 = vector.broadcast %add3A_586 : i32 to vector<16xi32>
      %add3A_588 = arith.addi %iota3A, %add3A_587 : vector<16xi32>
      tpu.vector_store_idx %arg11[%broadcast_in_dim3A_542, %add3A_588], %get3A_585 {add = true} : memref<264x128xf32, #tpu.memory_space<vmem>>[vector<16xi32>, vector<16xi32>], vector<16xf32>,
      %add3A_589 = arith.constant 96 : i32
      %add3A_590 = arith.addi %mul3A_546, %add3A_589 : i32
      %get3A_591 = arith.index_cast %add3A_590 : i32 to index
      %get3A_592 = tpu.vector_load %arg8[%get3A_591] {strides = array<i32>} : memref<16384xf32, #tpu.memory_space<vmem>>, vector<16xf32>,
      %add3A_593 = arith.constant 96 : i32
      %add3A_594 = vector.broadcast %add3A_593 : i32 to vector<16xi32>
      %add3A_595 = arith.addi %iota3A, %add3A_594 : vector<16xi32>
      tpu.vector_store_idx %arg11[%broadcast_in_dim3A_542, %add3A_595], %get3A_592 {add = true} : memref<264x128xf32, #tpu.memory_space<vmem>>[vector<16xi32>, vector<16xi32>], vector<16xf32>,
      %add3A_596 = arith.constant 112 : i32
      %add3A_597 = arith.addi %mul3A_546, %add3A_596 : i32
      %get3A_598 = arith.index_cast %add3A_597 : i32 to index
      %get3A_599 = tpu.vector_load %arg8[%get3A_598] {strides = array<i32>} : memref<16384xf32, #tpu.memory_space<vmem>>, vector<16xf32>,
      %add3A_600 = arith.constant 112 : i32
      %add3A_601 = vector.broadcast %add3A_600 : i32 to vector<16xi32>
      %add3A_602 = arith.addi %iota3A, %add3A_601 : vector<16xi32>
      tpu.vector_store_idx %arg11[%broadcast_in_dim3A_542, %add3A_602], %get3A_599 {add = true} : memref<264x128xf32, #tpu.memory_space<vmem>>[vector<16xi32>, vector<16xi32>], vector<16xf32>,
      tpu.vector_store_idx %arg12[%broadcast_in_dim3A_542, %iota3A], %broadcast_in_dim3A_17 {add = true} : memref<264x16xf32, #tpu.memory_space<vmem>>[vector<16xi32>, vector<16xi32>], vector<16xf32>,
      %slice3A_603 = vector.extract_strided_slice %get3A_37 {offsets = [9], sizes = [1], strides = [1]} : vector<16xi32> to vector<1xi32>
      %squeeze3A_604 = vector.extract %slice3A_603[0] : i32 from vector<1xi32>
      %broadcast_in_dim3A_605 = vector.broadcast %squeeze3A_604 : i32 to vector<16xi32>
      %add3A_606 = arith.constant 9 : i32
      %add3A_607 = arith.addi %mul3A_34, %add3A_606 : i32
      %mul3A_608 = arith.constant 128 : i32
      %mul3A_609 = arith.muli %add3A_607, %mul3A_608 : i32
      %add3A_610 = arith.constant 0 : i32
      %add3A_611 = arith.addi %mul3A_609, %add3A_610 : i32
      %get3A_612 = arith.index_cast %add3A_611 : i32 to index
      %get3A_613 = tpu.vector_load %arg8[%get3A_612] {strides = array<i32>} : memref<16384xf32, #tpu.memory_space<vmem>>, vector<16xf32>,
      %add3A_614 = arith.constant 0 : i32
      %add3A_615 = vector.broadcast %add3A_614 : i32 to vector<16xi32>
      %add3A_616 = arith.addi %iota3A, %add3A_615 : vector<16xi32>
      tpu.vector_store_idx %arg11[%broadcast_in_dim3A_605, %add3A_616], %get3A_613 {add = true} : memref<264x128xf32, #tpu.memory_space<vmem>>[vector<16xi32>, vector<16xi32>], vector<16xf32>,
      %add3A_617 = arith.constant 16 : i32
      %add3A_618 = arith.addi %mul3A_609, %add3A_617 : i32
      %get3A_619 = arith.index_cast %add3A_618 : i32 to index
      %get3A_620 = tpu.vector_load %arg8[%get3A_619] {strides = array<i32>} : memref<16384xf32, #tpu.memory_space<vmem>>, vector<16xf32>,
      %add3A_621 = arith.constant 16 : i32
      %add3A_622 = vector.broadcast %add3A_621 : i32 to vector<16xi32>
      %add3A_623 = arith.addi %iota3A, %add3A_622 : vector<16xi32>
      tpu.vector_store_idx %arg11[%broadcast_in_dim3A_605, %add3A_623], %get3A_620 {add = true} : memref<264x128xf32, #tpu.memory_space<vmem>>[vector<16xi32>, vector<16xi32>], vector<16xf32>,
      %add3A_624 = arith.constant 32 : i32
      %add3A_625 = arith.addi %mul3A_609, %add3A_624 : i32
      %get3A_626 = arith.index_cast %add3A_625 : i32 to index
      %get3A_627 = tpu.vector_load %arg8[%get3A_626] {strides = array<i32>} : memref<16384xf32, #tpu.memory_space<vmem>>, vector<16xf32>,
      %add3A_628 = arith.constant 32 : i32
      %add3A_629 = vector.broadcast %add3A_628 : i32 to vector<16xi32>
      %add3A_630 = arith.addi %iota3A, %add3A_629 : vector<16xi32>
      tpu.vector_store_idx %arg11[%broadcast_in_dim3A_605, %add3A_630], %get3A_627 {add = true} : memref<264x128xf32, #tpu.memory_space<vmem>>[vector<16xi32>, vector<16xi32>], vector<16xf32>,
      %add3A_631 = arith.constant 48 : i32
      %add3A_632 = arith.addi %mul3A_609, %add3A_631 : i32
      %get3A_633 = arith.index_cast %add3A_632 : i32 to index
      %get3A_634 = tpu.vector_load %arg8[%get3A_633] {strides = array<i32>} : memref<16384xf32, #tpu.memory_space<vmem>>, vector<16xf32>,
      %add3A_635 = arith.constant 48 : i32
      %add3A_636 = vector.broadcast %add3A_635 : i32 to vector<16xi32>
      %add3A_637 = arith.addi %iota3A, %add3A_636 : vector<16xi32>
      tpu.vector_store_idx %arg11[%broadcast_in_dim3A_605, %add3A_637], %get3A_634 {add = true} : memref<264x128xf32, #tpu.memory_space<vmem>>[vector<16xi32>, vector<16xi32>], vector<16xf32>,
      %add3A_638 = arith.constant 64 : i32
      %add3A_639 = arith.addi %mul3A_609, %add3A_638 : i32
      %get3A_640 = arith.index_cast %add3A_639 : i32 to index
      %get3A_641 = tpu.vector_load %arg8[%get3A_640] {strides = array<i32>} : memref<16384xf32, #tpu.memory_space<vmem>>, vector<16xf32>,
      %add3A_642 = arith.constant 64 : i32
      %add3A_643 = vector.broadcast %add3A_642 : i32 to vector<16xi32>
      %add3A_644 = arith.addi %iota3A, %add3A_643 : vector<16xi32>
      tpu.vector_store_idx %arg11[%broadcast_in_dim3A_605, %add3A_644], %get3A_641 {add = true} : memref<264x128xf32, #tpu.memory_space<vmem>>[vector<16xi32>, vector<16xi32>], vector<16xf32>,
      %add3A_645 = arith.constant 80 : i32
      %add3A_646 = arith.addi %mul3A_609, %add3A_645 : i32
      %get3A_647 = arith.index_cast %add3A_646 : i32 to index
      %get3A_648 = tpu.vector_load %arg8[%get3A_647] {strides = array<i32>} : memref<16384xf32, #tpu.memory_space<vmem>>, vector<16xf32>,
      %add3A_649 = arith.constant 80 : i32
      %add3A_650 = vector.broadcast %add3A_649 : i32 to vector<16xi32>
      %add3A_651 = arith.addi %iota3A, %add3A_650 : vector<16xi32>
      tpu.vector_store_idx %arg11[%broadcast_in_dim3A_605, %add3A_651], %get3A_648 {add = true} : memref<264x128xf32, #tpu.memory_space<vmem>>[vector<16xi32>, vector<16xi32>], vector<16xf32>,
      %add3A_652 = arith.constant 96 : i32
      %add3A_653 = arith.addi %mul3A_609, %add3A_652 : i32
      %get3A_654 = arith.index_cast %add3A_653 : i32 to index
      %get3A_655 = tpu.vector_load %arg8[%get3A_654] {strides = array<i32>} : memref<16384xf32, #tpu.memory_space<vmem>>, vector<16xf32>,
      %add3A_656 = arith.constant 96 : i32
      %add3A_657 = vector.broadcast %add3A_656 : i32 to vector<16xi32>
      %add3A_658 = arith.addi %iota3A, %add3A_657 : vector<16xi32>
      tpu.vector_store_idx %arg11[%broadcast_in_dim3A_605, %add3A_658], %get3A_655 {add = true} : memref<264x128xf32, #tpu.memory_space<vmem>>[vector<16xi32>, vector<16xi32>], vector<16xf32>,
      %add3A_659 = arith.constant 112 : i32
      %add3A_660 = arith.addi %mul3A_609, %add3A_659 : i32
      %get3A_661 = arith.index_cast %add3A_660 : i32 to index
      %get3A_662 = tpu.vector_load %arg8[%get3A_661] {strides = array<i32>} : memref<16384xf32, #tpu.memory_space<vmem>>, vector<16xf32>,
      %add3A_663 = arith.constant 112 : i32
      %add3A_664 = vector.broadcast %add3A_663 : i32 to vector<16xi32>
      %add3A_665 = arith.addi %iota3A, %add3A_664 : vector<16xi32>
      tpu.vector_store_idx %arg11[%broadcast_in_dim3A_605, %add3A_665], %get3A_662 {add = true} : memref<264x128xf32, #tpu.memory_space<vmem>>[vector<16xi32>, vector<16xi32>], vector<16xf32>,
      tpu.vector_store_idx %arg12[%broadcast_in_dim3A_605, %iota3A], %broadcast_in_dim3A_17 {add = true} : memref<264x16xf32, #tpu.memory_space<vmem>>[vector<16xi32>, vector<16xi32>], vector<16xf32>,
      %slice3A_666 = vector.extract_strided_slice %get3A_37 {offsets = [10], sizes = [1], strides = [1]} : vector<16xi32> to vector<1xi32>
      %squeeze3A_667 = vector.extract %slice3A_666[0] : i32 from vector<1xi32>
      %broadcast_in_dim3A_668 = vector.broadcast %squeeze3A_667 : i32 to vector<16xi32>
      %add3A_669 = arith.constant 10 : i32
      %add3A_670 = arith.addi %mul3A_34, %add3A_669 : i32
      %mul3A_671 = arith.constant 128 : i32
      %mul3A_672 = arith.muli %add3A_670, %mul3A_671 : i32
      %add3A_673 = arith.constant 0 : i32
      %add3A_674 = arith.addi %mul3A_672, %add3A_673 : i32
      %get3A_675 = arith.index_cast %add3A_674 : i32 to index
      %get3A_676 = tpu.vector_load %arg8[%get3A_675] {strides = array<i32>} : memref<16384xf32, #tpu.memory_space<vmem>>, vector<16xf32>,
      %add3A_677 = arith.constant 0 : i32
      %add3A_678 = vector.broadcast %add3A_677 : i32 to vector<16xi32>
      %add3A_679 = arith.addi %iota3A, %add3A_678 : vector<16xi32>
      tpu.vector_store_idx %arg11[%broadcast_in_dim3A_668, %add3A_679], %get3A_676 {add = true} : memref<264x128xf32, #tpu.memory_space<vmem>>[vector<16xi32>, vector<16xi32>], vector<16xf32>,
      %add3A_680 = arith.constant 16 : i32
      %add3A_681 = arith.addi %mul3A_672, %add3A_680 : i32
      %get3A_682 = arith.index_cast %add3A_681 : i32 to index
      %get3A_683 = tpu.vector_load %arg8[%get3A_682] {strides = array<i32>} : memref<16384xf32, #tpu.memory_space<vmem>>, vector<16xf32>,
      %add3A_684 = arith.constant 16 : i32
      %add3A_685 = vector.broadcast %add3A_684 : i32 to vector<16xi32>
      %add3A_686 = arith.addi %iota3A, %add3A_685 : vector<16xi32>
      tpu.vector_store_idx %arg11[%broadcast_in_dim3A_668, %add3A_686], %get3A_683 {add = true} : memref<264x128xf32, #tpu.memory_space<vmem>>[vector<16xi32>, vector<16xi32>], vector<16xf32>,
      %add3A_687 = arith.constant 32 : i32
      %add3A_688 = arith.addi %mul3A_672, %add3A_687 : i32
      %get3A_689 = arith.index_cast %add3A_688 : i32 to index
      %get3A_690 = tpu.vector_load %arg8[%get3A_689] {strides = array<i32>} : memref<16384xf32, #tpu.memory_space<vmem>>, vector<16xf32>,
      %add3A_691 = arith.constant 32 : i32
      %add3A_692 = vector.broadcast %add3A_691 : i32 to vector<16xi32>
      %add3A_693 = arith.addi %iota3A, %add3A_692 : vector<16xi32>
      tpu.vector_store_idx %arg11[%broadcast_in_dim3A_668, %add3A_693], %get3A_690 {add = true} : memref<264x128xf32, #tpu.memory_space<vmem>>[vector<16xi32>, vector<16xi32>], vector<16xf32>,
      %add3A_694 = arith.constant 48 : i32
      %add3A_695 = arith.addi %mul3A_672, %add3A_694 : i32
      %get3A_696 = arith.index_cast %add3A_695 : i32 to index
      %get3A_697 = tpu.vector_load %arg8[%get3A_696] {strides = array<i32>} : memref<16384xf32, #tpu.memory_space<vmem>>, vector<16xf32>,
      %add3A_698 = arith.constant 48 : i32
      %add3A_699 = vector.broadcast %add3A_698 : i32 to vector<16xi32>
      %add3A_700 = arith.addi %iota3A, %add3A_699 : vector<16xi32>
      tpu.vector_store_idx %arg11[%broadcast_in_dim3A_668, %add3A_700], %get3A_697 {add = true} : memref<264x128xf32, #tpu.memory_space<vmem>>[vector<16xi32>, vector<16xi32>], vector<16xf32>,
      %add3A_701 = arith.constant 64 : i32
      %add3A_702 = arith.addi %mul3A_672, %add3A_701 : i32
      %get3A_703 = arith.index_cast %add3A_702 : i32 to index
      %get3A_704 = tpu.vector_load %arg8[%get3A_703] {strides = array<i32>} : memref<16384xf32, #tpu.memory_space<vmem>>, vector<16xf32>,
      %add3A_705 = arith.constant 64 : i32
      %add3A_706 = vector.broadcast %add3A_705 : i32 to vector<16xi32>
      %add3A_707 = arith.addi %iota3A, %add3A_706 : vector<16xi32>
      tpu.vector_store_idx %arg11[%broadcast_in_dim3A_668, %add3A_707], %get3A_704 {add = true} : memref<264x128xf32, #tpu.memory_space<vmem>>[vector<16xi32>, vector<16xi32>], vector<16xf32>,
      %add3A_708 = arith.constant 80 : i32
      %add3A_709 = arith.addi %mul3A_672, %add3A_708 : i32
      %get3A_710 = arith.index_cast %add3A_709 : i32 to index
      %get3A_711 = tpu.vector_load %arg8[%get3A_710] {strides = array<i32>} : memref<16384xf32, #tpu.memory_space<vmem>>, vector<16xf32>,
      %add3A_712 = arith.constant 80 : i32
      %add3A_713 = vector.broadcast %add3A_712 : i32 to vector<16xi32>
      %add3A_714 = arith.addi %iota3A, %add3A_713 : vector<16xi32>
      tpu.vector_store_idx %arg11[%broadcast_in_dim3A_668, %add3A_714], %get3A_711 {add = true} : memref<264x128xf32, #tpu.memory_space<vmem>>[vector<16xi32>, vector<16xi32>], vector<16xf32>,
      %add3A_715 = arith.constant 96 : i32
      %add3A_716 = arith.addi %mul3A_672, %add3A_715 : i32
      %get3A_717 = arith.index_cast %add3A_716 : i32 to index
      %get3A_718 = tpu.vector_load %arg8[%get3A_717] {strides = array<i32>} : memref<16384xf32, #tpu.memory_space<vmem>>, vector<16xf32>,
      %add3A_719 = arith.constant 96 : i32
      %add3A_720 = vector.broadcast %add3A_719 : i32 to vector<16xi32>
      %add3A_721 = arith.addi %iota3A, %add3A_720 : vector<16xi32>
      tpu.vector_store_idx %arg11[%broadcast_in_dim3A_668, %add3A_721], %get3A_718 {add = true} : memref<264x128xf32, #tpu.memory_space<vmem>>[vector<16xi32>, vector<16xi32>], vector<16xf32>,
      %add3A_722 = arith.constant 112 : i32
      %add3A_723 = arith.addi %mul3A_672, %add3A_722 : i32
      %get3A_724 = arith.index_cast %add3A_723 : i32 to index
      %get3A_725 = tpu.vector_load %arg8[%get3A_724] {strides = array<i32>} : memref<16384xf32, #tpu.memory_space<vmem>>, vector<16xf32>,
      %add3A_726 = arith.constant 112 : i32
      %add3A_727 = vector.broadcast %add3A_726 : i32 to vector<16xi32>
      %add3A_728 = arith.addi %iota3A, %add3A_727 : vector<16xi32>
      tpu.vector_store_idx %arg11[%broadcast_in_dim3A_668, %add3A_728], %get3A_725 {add = true} : memref<264x128xf32, #tpu.memory_space<vmem>>[vector<16xi32>, vector<16xi32>], vector<16xf32>,
      tpu.vector_store_idx %arg12[%broadcast_in_dim3A_668, %iota3A], %broadcast_in_dim3A_17 {add = true} : memref<264x16xf32, #tpu.memory_space<vmem>>[vector<16xi32>, vector<16xi32>], vector<16xf32>,
      %slice3A_729 = vector.extract_strided_slice %get3A_37 {offsets = [11], sizes = [1], strides = [1]} : vector<16xi32> to vector<1xi32>
      %squeeze3A_730 = vector.extract %slice3A_729[0] : i32 from vector<1xi32>
      %broadcast_in_dim3A_731 = vector.broadcast %squeeze3A_730 : i32 to vector<16xi32>
      %add3A_732 = arith.constant 11 : i32
      %add3A_733 = arith.addi %mul3A_34, %add3A_732 : i32
      %mul3A_734 = arith.constant 128 : i32
      %mul3A_735 = arith.muli %add3A_733, %mul3A_734 : i32
      %add3A_736 = arith.constant 0 : i32
      %add3A_737 = arith.addi %mul3A_735, %add3A_736 : i32
      %get3A_738 = arith.index_cast %add3A_737 : i32 to index
      %get3A_739 = tpu.vector_load %arg8[%get3A_738] {strides = array<i32>} : memref<16384xf32, #tpu.memory_space<vmem>>, vector<16xf32>,
      %add3A_740 = arith.constant 0 : i32
      %add3A_741 = vector.broadcast %add3A_740 : i32 to vector<16xi32>
      %add3A_742 = arith.addi %iota3A, %add3A_741 : vector<16xi32>
      tpu.vector_store_idx %arg11[%broadcast_in_dim3A_731, %add3A_742], %get3A_739 {add = true} : memref<264x128xf32, #tpu.memory_space<vmem>>[vector<16xi32>, vector<16xi32>], vector<16xf32>,
      %add3A_743 = arith.constant 16 : i32
      %add3A_744 = arith.addi %mul3A_735, %add3A_743 : i32
      %get3A_745 = arith.index_cast %add3A_744 : i32 to index
      %get3A_746 = tpu.vector_load %arg8[%get3A_745] {strides = array<i32>} : memref<16384xf32, #tpu.memory_space<vmem>>, vector<16xf32>,
      %add3A_747 = arith.constant 16 : i32
      %add3A_748 = vector.broadcast %add3A_747 : i32 to vector<16xi32>
      %add3A_749 = arith.addi %iota3A, %add3A_748 : vector<16xi32>
      tpu.vector_store_idx %arg11[%broadcast_in_dim3A_731, %add3A_749], %get3A_746 {add = true} : memref<264x128xf32, #tpu.memory_space<vmem>>[vector<16xi32>, vector<16xi32>], vector<16xf32>,
      %add3A_750 = arith.constant 32 : i32
      %add3A_751 = arith.addi %mul3A_735, %add3A_750 : i32
      %get3A_752 = arith.index_cast %add3A_751 : i32 to index
      %get3A_753 = tpu.vector_load %arg8[%get3A_752] {strides = array<i32>} : memref<16384xf32, #tpu.memory_space<vmem>>, vector<16xf32>,
      %add3A_754 = arith.constant 32 : i32
      %add3A_755 = vector.broadcast %add3A_754 : i32 to vector<16xi32>
      %add3A_756 = arith.addi %iota3A, %add3A_755 : vector<16xi32>
      tpu.vector_store_idx %arg11[%broadcast_in_dim3A_731, %add3A_756], %get3A_753 {add = true} : memref<264x128xf32, #tpu.memory_space<vmem>>[vector<16xi32>, vector<16xi32>], vector<16xf32>,
      %add3A_757 = arith.constant 48 : i32
      %add3A_758 = arith.addi %mul3A_735, %add3A_757 : i32
      %get3A_759 = arith.index_cast %add3A_758 : i32 to index
      %get3A_760 = tpu.vector_load %arg8[%get3A_759] {strides = array<i32>} : memref<16384xf32, #tpu.memory_space<vmem>>, vector<16xf32>,
      %add3A_761 = arith.constant 48 : i32
      %add3A_762 = vector.broadcast %add3A_761 : i32 to vector<16xi32>
      %add3A_763 = arith.addi %iota3A, %add3A_762 : vector<16xi32>
      tpu.vector_store_idx %arg11[%broadcast_in_dim3A_731, %add3A_763], %get3A_760 {add = true} : memref<264x128xf32, #tpu.memory_space<vmem>>[vector<16xi32>, vector<16xi32>], vector<16xf32>,
      %add3A_764 = arith.constant 64 : i32
      %add3A_765 = arith.addi %mul3A_735, %add3A_764 : i32
      %get3A_766 = arith.index_cast %add3A_765 : i32 to index
      %get3A_767 = tpu.vector_load %arg8[%get3A_766] {strides = array<i32>} : memref<16384xf32, #tpu.memory_space<vmem>>, vector<16xf32>,
      %add3A_768 = arith.constant 64 : i32
      %add3A_769 = vector.broadcast %add3A_768 : i32 to vector<16xi32>
      %add3A_770 = arith.addi %iota3A, %add3A_769 : vector<16xi32>
      tpu.vector_store_idx %arg11[%broadcast_in_dim3A_731, %add3A_770], %get3A_767 {add = true} : memref<264x128xf32, #tpu.memory_space<vmem>>[vector<16xi32>, vector<16xi32>], vector<16xf32>,
      %add3A_771 = arith.constant 80 : i32
      %add3A_772 = arith.addi %mul3A_735, %add3A_771 : i32
      %get3A_773 = arith.index_cast %add3A_772 : i32 to index
      %get3A_774 = tpu.vector_load %arg8[%get3A_773] {strides = array<i32>} : memref<16384xf32, #tpu.memory_space<vmem>>, vector<16xf32>,
      %add3A_775 = arith.constant 80 : i32
      %add3A_776 = vector.broadcast %add3A_775 : i32 to vector<16xi32>
      %add3A_777 = arith.addi %iota3A, %add3A_776 : vector<16xi32>
      tpu.vector_store_idx %arg11[%broadcast_in_dim3A_731, %add3A_777], %get3A_774 {add = true} : memref<264x128xf32, #tpu.memory_space<vmem>>[vector<16xi32>, vector<16xi32>], vector<16xf32>,
      %add3A_778 = arith.constant 96 : i32
      %add3A_779 = arith.addi %mul3A_735, %add3A_778 : i32
      %get3A_780 = arith.index_cast %add3A_779 : i32 to index
      %get3A_781 = tpu.vector_load %arg8[%get3A_780] {strides = array<i32>} : memref<16384xf32, #tpu.memory_space<vmem>>, vector<16xf32>,
      %add3A_782 = arith.constant 96 : i32
      %add3A_783 = vector.broadcast %add3A_782 : i32 to vector<16xi32>
      %add3A_784 = arith.addi %iota3A, %add3A_783 : vector<16xi32>
      tpu.vector_store_idx %arg11[%broadcast_in_dim3A_731, %add3A_784], %get3A_781 {add = true} : memref<264x128xf32, #tpu.memory_space<vmem>>[vector<16xi32>, vector<16xi32>], vector<16xf32>,
      %add3A_785 = arith.constant 112 : i32
      %add3A_786 = arith.addi %mul3A_735, %add3A_785 : i32
      %get3A_787 = arith.index_cast %add3A_786 : i32 to index
      %get3A_788 = tpu.vector_load %arg8[%get3A_787] {strides = array<i32>} : memref<16384xf32, #tpu.memory_space<vmem>>, vector<16xf32>,
      %add3A_789 = arith.constant 112 : i32
      %add3A_790 = vector.broadcast %add3A_789 : i32 to vector<16xi32>
      %add3A_791 = arith.addi %iota3A, %add3A_790 : vector<16xi32>
      tpu.vector_store_idx %arg11[%broadcast_in_dim3A_731, %add3A_791], %get3A_788 {add = true} : memref<264x128xf32, #tpu.memory_space<vmem>>[vector<16xi32>, vector<16xi32>], vector<16xf32>,
      tpu.vector_store_idx %arg12[%broadcast_in_dim3A_731, %iota3A], %broadcast_in_dim3A_17 {add = true} : memref<264x16xf32, #tpu.memory_space<vmem>>[vector<16xi32>, vector<16xi32>], vector<16xf32>,
      %slice3A_792 = vector.extract_strided_slice %get3A_37 {offsets = [12], sizes = [1], strides = [1]} : vector<16xi32> to vector<1xi32>
      %squeeze3A_793 = vector.extract %slice3A_792[0] : i32 from vector<1xi32>
      %broadcast_in_dim3A_794 = vector.broadcast %squeeze3A_793 : i32 to vector<16xi32>
      %add3A_795 = arith.constant 12 : i32
      %add3A_796 = arith.addi %mul3A_34, %add3A_795 : i32
      %mul3A_797 = arith.constant 128 : i32
      %mul3A_798 = arith.muli %add3A_796, %mul3A_797 : i32
      %add3A_799 = arith.constant 0 : i32
      %add3A_800 = arith.addi %mul3A_798, %add3A_799 : i32
      %get3A_801 = arith.index_cast %add3A_800 : i32 to index
      %get3A_802 = tpu.vector_load %arg8[%get3A_801] {strides = array<i32>} : memref<16384xf32, #tpu.memory_space<vmem>>, vector<16xf32>,
      %add3A_803 = arith.constant 0 : i32
      %add3A_804 = vector.broadcast %add3A_803 : i32 to vector<16xi32>
      %add3A_805 = arith.addi %iota3A, %add3A_804 : vector<16xi32>
      tpu.vector_store_idx %arg11[%broadcast_in_dim3A_794, %add3A_805], %get3A_802 {add = true} : memref<264x128xf32, #tpu.memory_space<vmem>>[vector<16xi32>, vector<16xi32>], vector<16xf32>,
      %add3A_806 = arith.constant 16 : i32
      %add3A_807 = arith.addi %mul3A_798, %add3A_806 : i32
      %get3A_808 = arith.index_cast %add3A_807 : i32 to index
      %get3A_809 = tpu.vector_load %arg8[%get3A_808] {strides = array<i32>} : memref<16384xf32, #tpu.memory_space<vmem>>, vector<16xf32>,
      %add3A_810 = arith.constant 16 : i32
      %add3A_811 = vector.broadcast %add3A_810 : i32 to vector<16xi32>
      %add3A_812 = arith.addi %iota3A, %add3A_811 : vector<16xi32>
      tpu.vector_store_idx %arg11[%broadcast_in_dim3A_794, %add3A_812], %get3A_809 {add = true} : memref<264x128xf32, #tpu.memory_space<vmem>>[vector<16xi32>, vector<16xi32>], vector<16xf32>,
      %add3A_813 = arith.constant 32 : i32
      %add3A_814 = arith.addi %mul3A_798, %add3A_813 : i32
      %get3A_815 = arith.index_cast %add3A_814 : i32 to index
      %get3A_816 = tpu.vector_load %arg8[%get3A_815] {strides = array<i32>} : memref<16384xf32, #tpu.memory_space<vmem>>, vector<16xf32>,
      %add3A_817 = arith.constant 32 : i32
      %add3A_818 = vector.broadcast %add3A_817 : i32 to vector<16xi32>
      %add3A_819 = arith.addi %iota3A, %add3A_818 : vector<16xi32>
      tpu.vector_store_idx %arg11[%broadcast_in_dim3A_794, %add3A_819], %get3A_816 {add = true} : memref<264x128xf32, #tpu.memory_space<vmem>>[vector<16xi32>, vector<16xi32>], vector<16xf32>,
      %add3A_820 = arith.constant 48 : i32
      %add3A_821 = arith.addi %mul3A_798, %add3A_820 : i32
      %get3A_822 = arith.index_cast %add3A_821 : i32 to index
      %get3A_823 = tpu.vector_load %arg8[%get3A_822] {strides = array<i32>} : memref<16384xf32, #tpu.memory_space<vmem>>, vector<16xf32>,
      %add3A_824 = arith.constant 48 : i32
      %add3A_825 = vector.broadcast %add3A_824 : i32 to vector<16xi32>
      %add3A_826 = arith.addi %iota3A, %add3A_825 : vector<16xi32>
      tpu.vector_store_idx %arg11[%broadcast_in_dim3A_794, %add3A_826], %get3A_823 {add = true} : memref<264x128xf32, #tpu.memory_space<vmem>>[vector<16xi32>, vector<16xi32>], vector<16xf32>,
      %add3A_827 = arith.constant 64 : i32
      %add3A_828 = arith.addi %mul3A_798, %add3A_827 : i32
      %get3A_829 = arith.index_cast %add3A_828 : i32 to index
      %get3A_830 = tpu.vector_load %arg8[%get3A_829] {strides = array<i32>} : memref<16384xf32, #tpu.memory_space<vmem>>, vector<16xf32>,
      %add3A_831 = arith.constant 64 : i32
      %add3A_832 = vector.broadcast %add3A_831 : i32 to vector<16xi32>
      %add3A_833 = arith.addi %iota3A, %add3A_832 : vector<16xi32>
      tpu.vector_store_idx %arg11[%broadcast_in_dim3A_794, %add3A_833], %get3A_830 {add = true} : memref<264x128xf32, #tpu.memory_space<vmem>>[vector<16xi32>, vector<16xi32>], vector<16xf32>,
      %add3A_834 = arith.constant 80 : i32
      %add3A_835 = arith.addi %mul3A_798, %add3A_834 : i32
      %get3A_836 = arith.index_cast %add3A_835 : i32 to index
      %get3A_837 = tpu.vector_load %arg8[%get3A_836] {strides = array<i32>} : memref<16384xf32, #tpu.memory_space<vmem>>, vector<16xf32>,
      %add3A_838 = arith.constant 80 : i32
      %add3A_839 = vector.broadcast %add3A_838 : i32 to vector<16xi32>
      %add3A_840 = arith.addi %iota3A, %add3A_839 : vector<16xi32>
      tpu.vector_store_idx %arg11[%broadcast_in_dim3A_794, %add3A_840], %get3A_837 {add = true} : memref<264x128xf32, #tpu.memory_space<vmem>>[vector<16xi32>, vector<16xi32>], vector<16xf32>,
      %add3A_841 = arith.constant 96 : i32
      %add3A_842 = arith.addi %mul3A_798, %add3A_841 : i32
      %get3A_843 = arith.index_cast %add3A_842 : i32 to index
      %get3A_844 = tpu.vector_load %arg8[%get3A_843] {strides = array<i32>} : memref<16384xf32, #tpu.memory_space<vmem>>, vector<16xf32>,
      %add3A_845 = arith.constant 96 : i32
      %add3A_846 = vector.broadcast %add3A_845 : i32 to vector<16xi32>
      %add3A_847 = arith.addi %iota3A, %add3A_846 : vector<16xi32>
      tpu.vector_store_idx %arg11[%broadcast_in_dim3A_794, %add3A_847], %get3A_844 {add = true} : memref<264x128xf32, #tpu.memory_space<vmem>>[vector<16xi32>, vector<16xi32>], vector<16xf32>,
      %add3A_848 = arith.constant 112 : i32
      %add3A_849 = arith.addi %mul3A_798, %add3A_848 : i32
      %get3A_850 = arith.index_cast %add3A_849 : i32 to index
      %get3A_851 = tpu.vector_load %arg8[%get3A_850] {strides = array<i32>} : memref<16384xf32, #tpu.memory_space<vmem>>, vector<16xf32>,
      %add3A_852 = arith.constant 112 : i32
      %add3A_853 = vector.broadcast %add3A_852 : i32 to vector<16xi32>
      %add3A_854 = arith.addi %iota3A, %add3A_853 : vector<16xi32>
      tpu.vector_store_idx %arg11[%broadcast_in_dim3A_794, %add3A_854], %get3A_851 {add = true} : memref<264x128xf32, #tpu.memory_space<vmem>>[vector<16xi32>, vector<16xi32>], vector<16xf32>,
      tpu.vector_store_idx %arg12[%broadcast_in_dim3A_794, %iota3A], %broadcast_in_dim3A_17 {add = true} : memref<264x16xf32, #tpu.memory_space<vmem>>[vector<16xi32>, vector<16xi32>], vector<16xf32>,
      %slice3A_855 = vector.extract_strided_slice %get3A_37 {offsets = [13], sizes = [1], strides = [1]} : vector<16xi32> to vector<1xi32>
      %squeeze3A_856 = vector.extract %slice3A_855[0] : i32 from vector<1xi32>
      %broadcast_in_dim3A_857 = vector.broadcast %squeeze3A_856 : i32 to vector<16xi32>
      %add3A_858 = arith.constant 13 : i32
      %add3A_859 = arith.addi %mul3A_34, %add3A_858 : i32
      %mul3A_860 = arith.constant 128 : i32
      %mul3A_861 = arith.muli %add3A_859, %mul3A_860 : i32
      %add3A_862 = arith.constant 0 : i32
      %add3A_863 = arith.addi %mul3A_861, %add3A_862 : i32
      %get3A_864 = arith.index_cast %add3A_863 : i32 to index
      %get3A_865 = tpu.vector_load %arg8[%get3A_864] {strides = array<i32>} : memref<16384xf32, #tpu.memory_space<vmem>>, vector<16xf32>,
      %add3A_866 = arith.constant 0 : i32
      %add3A_867 = vector.broadcast %add3A_866 : i32 to vector<16xi32>
      %add3A_868 = arith.addi %iota3A, %add3A_867 : vector<16xi32>
      tpu.vector_store_idx %arg11[%broadcast_in_dim3A_857, %add3A_868], %get3A_865 {add = true} : memref<264x128xf32, #tpu.memory_space<vmem>>[vector<16xi32>, vector<16xi32>], vector<16xf32>,
      %add3A_869 = arith.constant 16 : i32
      %add3A_870 = arith.addi %mul3A_861, %add3A_869 : i32
      %get3A_871 = arith.index_cast %add3A_870 : i32 to index
      %get3A_872 = tpu.vector_load %arg8[%get3A_871] {strides = array<i32>} : memref<16384xf32, #tpu.memory_space<vmem>>, vector<16xf32>,
      %add3A_873 = arith.constant 16 : i32
      %add3A_874 = vector.broadcast %add3A_873 : i32 to vector<16xi32>
      %add3A_875 = arith.addi %iota3A, %add3A_874 : vector<16xi32>
      tpu.vector_store_idx %arg11[%broadcast_in_dim3A_857, %add3A_875], %get3A_872 {add = true} : memref<264x128xf32, #tpu.memory_space<vmem>>[vector<16xi32>, vector<16xi32>], vector<16xf32>,
      %add3A_876 = arith.constant 32 : i32
      %add3A_877 = arith.addi %mul3A_861, %add3A_876 : i32
      %get3A_878 = arith.index_cast %add3A_877 : i32 to index
      %get3A_879 = tpu.vector_load %arg8[%get3A_878] {strides = array<i32>} : memref<16384xf32, #tpu.memory_space<vmem>>, vector<16xf32>,
      %add3A_880 = arith.constant 32 : i32
      %add3A_881 = vector.broadcast %add3A_880 : i32 to vector<16xi32>
      %add3A_882 = arith.addi %iota3A, %add3A_881 : vector<16xi32>
      tpu.vector_store_idx %arg11[%broadcast_in_dim3A_857, %add3A_882], %get3A_879 {add = true} : memref<264x128xf32, #tpu.memory_space<vmem>>[vector<16xi32>, vector<16xi32>], vector<16xf32>,
      %add3A_883 = arith.constant 48 : i32
      %add3A_884 = arith.addi %mul3A_861, %add3A_883 : i32
      %get3A_885 = arith.index_cast %add3A_884 : i32 to index
      %get3A_886 = tpu.vector_load %arg8[%get3A_885] {strides = array<i32>} : memref<16384xf32, #tpu.memory_space<vmem>>, vector<16xf32>,
      %add3A_887 = arith.constant 48 : i32
      %add3A_888 = vector.broadcast %add3A_887 : i32 to vector<16xi32>
      %add3A_889 = arith.addi %iota3A, %add3A_888 : vector<16xi32>
      tpu.vector_store_idx %arg11[%broadcast_in_dim3A_857, %add3A_889], %get3A_886 {add = true} : memref<264x128xf32, #tpu.memory_space<vmem>>[vector<16xi32>, vector<16xi32>], vector<16xf32>,
      %add3A_890 = arith.constant 64 : i32
      %add3A_891 = arith.addi %mul3A_861, %add3A_890 : i32
      %get3A_892 = arith.index_cast %add3A_891 : i32 to index
      %get3A_893 = tpu.vector_load %arg8[%get3A_892] {strides = array<i32>} : memref<16384xf32, #tpu.memory_space<vmem>>, vector<16xf32>,
      %add3A_894 = arith.constant 64 : i32
      %add3A_895 = vector.broadcast %add3A_894 : i32 to vector<16xi32>
      %add3A_896 = arith.addi %iota3A, %add3A_895 : vector<16xi32>
      tpu.vector_store_idx %arg11[%broadcast_in_dim3A_857, %add3A_896], %get3A_893 {add = true} : memref<264x128xf32, #tpu.memory_space<vmem>>[vector<16xi32>, vector<16xi32>], vector<16xf32>,
      %add3A_897 = arith.constant 80 : i32
      %add3A_898 = arith.addi %mul3A_861, %add3A_897 : i32
      %get3A_899 = arith.index_cast %add3A_898 : i32 to index
      %get3A_900 = tpu.vector_load %arg8[%get3A_899] {strides = array<i32>} : memref<16384xf32, #tpu.memory_space<vmem>>, vector<16xf32>,
      %add3A_901 = arith.constant 80 : i32
      %add3A_902 = vector.broadcast %add3A_901 : i32 to vector<16xi32>
      %add3A_903 = arith.addi %iota3A, %add3A_902 : vector<16xi32>
      tpu.vector_store_idx %arg11[%broadcast_in_dim3A_857, %add3A_903], %get3A_900 {add = true} : memref<264x128xf32, #tpu.memory_space<vmem>>[vector<16xi32>, vector<16xi32>], vector<16xf32>,
      %add3A_904 = arith.constant 96 : i32
      %add3A_905 = arith.addi %mul3A_861, %add3A_904 : i32
      %get3A_906 = arith.index_cast %add3A_905 : i32 to index
      %get3A_907 = tpu.vector_load %arg8[%get3A_906] {strides = array<i32>} : memref<16384xf32, #tpu.memory_space<vmem>>, vector<16xf32>,
      %add3A_908 = arith.constant 96 : i32
      %add3A_909 = vector.broadcast %add3A_908 : i32 to vector<16xi32>
      %add3A_910 = arith.addi %iota3A, %add3A_909 : vector<16xi32>
      tpu.vector_store_idx %arg11[%broadcast_in_dim3A_857, %add3A_910], %get3A_907 {add = true} : memref<264x128xf32, #tpu.memory_space<vmem>>[vector<16xi32>, vector<16xi32>], vector<16xf32>,
      %add3A_911 = arith.constant 112 : i32
      %add3A_912 = arith.addi %mul3A_861, %add3A_911 : i32
      %get3A_913 = arith.index_cast %add3A_912 : i32 to index
      %get3A_914 = tpu.vector_load %arg8[%get3A_913] {strides = array<i32>} : memref<16384xf32, #tpu.memory_space<vmem>>, vector<16xf32>,
      %add3A_915 = arith.constant 112 : i32
      %add3A_916 = vector.broadcast %add3A_915 : i32 to vector<16xi32>
      %add3A_917 = arith.addi %iota3A, %add3A_916 : vector<16xi32>
      tpu.vector_store_idx %arg11[%broadcast_in_dim3A_857, %add3A_917], %get3A_914 {add = true} : memref<264x128xf32, #tpu.memory_space<vmem>>[vector<16xi32>, vector<16xi32>], vector<16xf32>,
      tpu.vector_store_idx %arg12[%broadcast_in_dim3A_857, %iota3A], %broadcast_in_dim3A_17 {add = true} : memref<264x16xf32, #tpu.memory_space<vmem>>[vector<16xi32>, vector<16xi32>], vector<16xf32>,
      %slice3A_918 = vector.extract_strided_slice %get3A_37 {offsets = [14], sizes = [1], strides = [1]} : vector<16xi32> to vector<1xi32>
      %squeeze3A_919 = vector.extract %slice3A_918[0] : i32 from vector<1xi32>
      %broadcast_in_dim3A_920 = vector.broadcast %squeeze3A_919 : i32 to vector<16xi32>
      %add3A_921 = arith.constant 14 : i32
      %add3A_922 = arith.addi %mul3A_34, %add3A_921 : i32
      %mul3A_923 = arith.constant 128 : i32
      %mul3A_924 = arith.muli %add3A_922, %mul3A_923 : i32
      %add3A_925 = arith.constant 0 : i32
      %add3A_926 = arith.addi %mul3A_924, %add3A_925 : i32
      %get3A_927 = arith.index_cast %add3A_926 : i32 to index
      %get3A_928 = tpu.vector_load %arg8[%get3A_927] {strides = array<i32>} : memref<16384xf32, #tpu.memory_space<vmem>>, vector<16xf32>,
      %add3A_929 = arith.constant 0 : i32
      %add3A_930 = vector.broadcast %add3A_929 : i32 to vector<16xi32>
      %add3A_931 = arith.addi %iota3A, %add3A_930 : vector<16xi32>
      tpu.vector_store_idx %arg11[%broadcast_in_dim3A_920, %add3A_931], %get3A_928 {add = true} : memref<264x128xf32, #tpu.memory_space<vmem>>[vector<16xi32>, vector<16xi32>], vector<16xf32>,
      %add3A_932 = arith.constant 16 : i32
      %add3A_933 = arith.addi %mul3A_924, %add3A_932 : i32
      %get3A_934 = arith.index_cast %add3A_933 : i32 to index
      %get3A_935 = tpu.vector_load %arg8[%get3A_934] {strides = array<i32>} : memref<16384xf32, #tpu.memory_space<vmem>>, vector<16xf32>,
      %add3A_936 = arith.constant 16 : i32
      %add3A_937 = vector.broadcast %add3A_936 : i32 to vector<16xi32>
      %add3A_938 = arith.addi %iota3A, %add3A_937 : vector<16xi32>
      tpu.vector_store_idx %arg11[%broadcast_in_dim3A_920, %add3A_938], %get3A_935 {add = true} : memref<264x128xf32, #tpu.memory_space<vmem>>[vector<16xi32>, vector<16xi32>], vector<16xf32>,
      %add3A_939 = arith.constant 32 : i32
      %add3A_940 = arith.addi %mul3A_924, %add3A_939 : i32
      %get3A_941 = arith.index_cast %add3A_940 : i32 to index
      %get3A_942 = tpu.vector_load %arg8[%get3A_941] {strides = array<i32>} : memref<16384xf32, #tpu.memory_space<vmem>>, vector<16xf32>,
      %add3A_943 = arith.constant 32 : i32
      %add3A_944 = vector.broadcast %add3A_943 : i32 to vector<16xi32>
      %add3A_945 = arith.addi %iota3A, %add3A_944 : vector<16xi32>
      tpu.vector_store_idx %arg11[%broadcast_in_dim3A_920, %add3A_945], %get3A_942 {add = true} : memref<264x128xf32, #tpu.memory_space<vmem>>[vector<16xi32>, vector<16xi32>], vector<16xf32>,
      %add3A_946 = arith.constant 48 : i32
      %add3A_947 = arith.addi %mul3A_924, %add3A_946 : i32
      %get3A_948 = arith.index_cast %add3A_947 : i32 to index
      %get3A_949 = tpu.vector_load %arg8[%get3A_948] {strides = array<i32>} : memref<16384xf32, #tpu.memory_space<vmem>>, vector<16xf32>,
      %add3A_950 = arith.constant 48 : i32
      %add3A_951 = vector.broadcast %add3A_950 : i32 to vector<16xi32>
      %add3A_952 = arith.addi %iota3A, %add3A_951 : vector<16xi32>
      tpu.vector_store_idx %arg11[%broadcast_in_dim3A_920, %add3A_952], %get3A_949 {add = true} : memref<264x128xf32, #tpu.memory_space<vmem>>[vector<16xi32>, vector<16xi32>], vector<16xf32>,
      %add3A_953 = arith.constant 64 : i32
      %add3A_954 = arith.addi %mul3A_924, %add3A_953 : i32
      %get3A_955 = arith.index_cast %add3A_954 : i32 to index
      %get3A_956 = tpu.vector_load %arg8[%get3A_955] {strides = array<i32>} : memref<16384xf32, #tpu.memory_space<vmem>>, vector<16xf32>,
      %add3A_957 = arith.constant 64 : i32
      %add3A_958 = vector.broadcast %add3A_957 : i32 to vector<16xi32>
      %add3A_959 = arith.addi %iota3A, %add3A_958 : vector<16xi32>
      tpu.vector_store_idx %arg11[%broadcast_in_dim3A_920, %add3A_959], %get3A_956 {add = true} : memref<264x128xf32, #tpu.memory_space<vmem>>[vector<16xi32>, vector<16xi32>], vector<16xf32>,
      %add3A_960 = arith.constant 80 : i32
      %add3A_961 = arith.addi %mul3A_924, %add3A_960 : i32
      %get3A_962 = arith.index_cast %add3A_961 : i32 to index
      %get3A_963 = tpu.vector_load %arg8[%get3A_962] {strides = array<i32>} : memref<16384xf32, #tpu.memory_space<vmem>>, vector<16xf32>,
      %add3A_964 = arith.constant 80 : i32
      %add3A_965 = vector.broadcast %add3A_964 : i32 to vector<16xi32>
      %add3A_966 = arith.addi %iota3A, %add3A_965 : vector<16xi32>
      tpu.vector_store_idx %arg11[%broadcast_in_dim3A_920, %add3A_966], %get3A_963 {add = true} : memref<264x128xf32, #tpu.memory_space<vmem>>[vector<16xi32>, vector<16xi32>], vector<16xf32>,
      %add3A_967 = arith.constant 96 : i32
      %add3A_968 = arith.addi %mul3A_924, %add3A_967 : i32
      %get3A_969 = arith.index_cast %add3A_968 : i32 to index
      %get3A_970 = tpu.vector_load %arg8[%get3A_969] {strides = array<i32>} : memref<16384xf32, #tpu.memory_space<vmem>>, vector<16xf32>,
      %add3A_971 = arith.constant 96 : i32
      %add3A_972 = vector.broadcast %add3A_971 : i32 to vector<16xi32>
      %add3A_973 = arith.addi %iota3A, %add3A_972 : vector<16xi32>
      tpu.vector_store_idx %arg11[%broadcast_in_dim3A_920, %add3A_973], %get3A_970 {add = true} : memref<264x128xf32, #tpu.memory_space<vmem>>[vector<16xi32>, vector<16xi32>], vector<16xf32>,
      %add3A_974 = arith.constant 112 : i32
      %add3A_975 = arith.addi %mul3A_924, %add3A_974 : i32
      %get3A_976 = arith.index_cast %add3A_975 : i32 to index
      %get3A_977 = tpu.vector_load %arg8[%get3A_976] {strides = array<i32>} : memref<16384xf32, #tpu.memory_space<vmem>>, vector<16xf32>,
      %add3A_978 = arith.constant 112 : i32
      %add3A_979 = vector.broadcast %add3A_978 : i32 to vector<16xi32>
      %add3A_980 = arith.addi %iota3A, %add3A_979 : vector<16xi32>
      tpu.vector_store_idx %arg11[%broadcast_in_dim3A_920, %add3A_980], %get3A_977 {add = true} : memref<264x128xf32, #tpu.memory_space<vmem>>[vector<16xi32>, vector<16xi32>], vector<16xf32>,
      tpu.vector_store_idx %arg12[%broadcast_in_dim3A_920, %iota3A], %broadcast_in_dim3A_17 {add = true} : memref<264x16xf32, #tpu.memory_space<vmem>>[vector<16xi32>, vector<16xi32>], vector<16xf32>,
      %slice3A_981 = vector.extract_strided_slice %get3A_37 {offsets = [15], sizes = [1], strides = [1]} : vector<16xi32> to vector<1xi32>
      %squeeze3A_982 = vector.extract %slice3A_981[0] : i32 from vector<1xi32>
      %broadcast_in_dim3A_983 = vector.broadcast %squeeze3A_982 : i32 to vector<16xi32>
      %add3A_984 = arith.constant 15 : i32
      %add3A_985 = arith.addi %mul3A_34, %add3A_984 : i32
      %mul3A_986 = arith.constant 128 : i32
      %mul3A_987 = arith.muli %add3A_985, %mul3A_986 : i32
      %add3A_988 = arith.constant 0 : i32
      %add3A_989 = arith.addi %mul3A_987, %add3A_988 : i32
      %get3A_990 = arith.index_cast %add3A_989 : i32 to index
      %get3A_991 = tpu.vector_load %arg8[%get3A_990] {strides = array<i32>} : memref<16384xf32, #tpu.memory_space<vmem>>, vector<16xf32>,
      %add3A_992 = arith.constant 0 : i32
      %add3A_993 = vector.broadcast %add3A_992 : i32 to vector<16xi32>
      %add3A_994 = arith.addi %iota3A, %add3A_993 : vector<16xi32>
      tpu.vector_store_idx %arg11[%broadcast_in_dim3A_983, %add3A_994], %get3A_991 {add = true} : memref<264x128xf32, #tpu.memory_space<vmem>>[vector<16xi32>, vector<16xi32>], vector<16xf32>,
      %add3A_995 = arith.constant 16 : i32
      %add3A_996 = arith.addi %mul3A_987, %add3A_995 : i32
      %get3A_997 = arith.index_cast %add3A_996 : i32 to index
      %get3A_998 = tpu.vector_load %arg8[%get3A_997] {strides = array<i32>} : memref<16384xf32, #tpu.memory_space<vmem>>, vector<16xf32>,
      %add3A_999 = arith.constant 16 : i32
      %add3A_1000 = vector.broadcast %add3A_999 : i32 to vector<16xi32>
      %add3A_1001 = arith.addi %iota3A, %add3A_1000 : vector<16xi32>
      tpu.vector_store_idx %arg11[%broadcast_in_dim3A_983, %add3A_1001], %get3A_998 {add = true} : memref<264x128xf32, #tpu.memory_space<vmem>>[vector<16xi32>, vector<16xi32>], vector<16xf32>,
      %add3A_1002 = arith.constant 32 : i32
      %add3A_1003 = arith.addi %mul3A_987, %add3A_1002 : i32
      %get3A_1004 = arith.index_cast %add3A_1003 : i32 to index
      %get3A_1005 = tpu.vector_load %arg8[%get3A_1004] {strides = array<i32>} : memref<16384xf32, #tpu.memory_space<vmem>>, vector<16xf32>,
      %add3A_1006 = arith.constant 32 : i32
      %add3A_1007 = vector.broadcast %add3A_1006 : i32 to vector<16xi32>
      %add3A_1008 = arith.addi %iota3A, %add3A_1007 : vector<16xi32>
      tpu.vector_store_idx %arg11[%broadcast_in_dim3A_983, %add3A_1008], %get3A_1005 {add = true} : memref<264x128xf32, #tpu.memory_space<vmem>>[vector<16xi32>, vector<16xi32>], vector<16xf32>,
      %add3A_1009 = arith.constant 48 : i32
      %add3A_1010 = arith.addi %mul3A_987, %add3A_1009 : i32
      %get3A_1011 = arith.index_cast %add3A_1010 : i32 to index
      %get3A_1012 = tpu.vector_load %arg8[%get3A_1011] {strides = array<i32>} : memref<16384xf32, #tpu.memory_space<vmem>>, vector<16xf32>,
      %add3A_1013 = arith.constant 48 : i32
      %add3A_1014 = vector.broadcast %add3A_1013 : i32 to vector<16xi32>
      %add3A_1015 = arith.addi %iota3A, %add3A_1014 : vector<16xi32>
      tpu.vector_store_idx %arg11[%broadcast_in_dim3A_983, %add3A_1015], %get3A_1012 {add = true} : memref<264x128xf32, #tpu.memory_space<vmem>>[vector<16xi32>, vector<16xi32>], vector<16xf32>,
      %add3A_1016 = arith.constant 64 : i32
      %add3A_1017 = arith.addi %mul3A_987, %add3A_1016 : i32
      %get3A_1018 = arith.index_cast %add3A_1017 : i32 to index
      %get3A_1019 = tpu.vector_load %arg8[%get3A_1018] {strides = array<i32>} : memref<16384xf32, #tpu.memory_space<vmem>>, vector<16xf32>,
      %add3A_1020 = arith.constant 64 : i32
      %add3A_1021 = vector.broadcast %add3A_1020 : i32 to vector<16xi32>
      %add3A_1022 = arith.addi %iota3A, %add3A_1021 : vector<16xi32>
      tpu.vector_store_idx %arg11[%broadcast_in_dim3A_983, %add3A_1022], %get3A_1019 {add = true} : memref<264x128xf32, #tpu.memory_space<vmem>>[vector<16xi32>, vector<16xi32>], vector<16xf32>,
      %add3A_1023 = arith.constant 80 : i32
      %add3A_1024 = arith.addi %mul3A_987, %add3A_1023 : i32
      %get3A_1025 = arith.index_cast %add3A_1024 : i32 to index
      %get3A_1026 = tpu.vector_load %arg8[%get3A_1025] {strides = array<i32>} : memref<16384xf32, #tpu.memory_space<vmem>>, vector<16xf32>,
      %add3A_1027 = arith.constant 80 : i32
      %add3A_1028 = vector.broadcast %add3A_1027 : i32 to vector<16xi32>
      %add3A_1029 = arith.addi %iota3A, %add3A_1028 : vector<16xi32>
      tpu.vector_store_idx %arg11[%broadcast_in_dim3A_983, %add3A_1029], %get3A_1026 {add = true} : memref<264x128xf32, #tpu.memory_space<vmem>>[vector<16xi32>, vector<16xi32>], vector<16xf32>,
      %add3A_1030 = arith.constant 96 : i32
      %add3A_1031 = arith.addi %mul3A_987, %add3A_1030 : i32
      %get3A_1032 = arith.index_cast %add3A_1031 : i32 to index
      %get3A_1033 = tpu.vector_load %arg8[%get3A_1032] {strides = array<i32>} : memref<16384xf32, #tpu.memory_space<vmem>>, vector<16xf32>,
      %add3A_1034 = arith.constant 96 : i32
      %add3A_1035 = vector.broadcast %add3A_1034 : i32 to vector<16xi32>
      %add3A_1036 = arith.addi %iota3A, %add3A_1035 : vector<16xi32>
      tpu.vector_store_idx %arg11[%broadcast_in_dim3A_983, %add3A_1036], %get3A_1033 {add = true} : memref<264x128xf32, #tpu.memory_space<vmem>>[vector<16xi32>, vector<16xi32>], vector<16xf32>,
      %add3A_1037 = arith.constant 112 : i32
      %add3A_1038 = arith.addi %mul3A_987, %add3A_1037 : i32
      %get3A_1039 = arith.index_cast %add3A_1038 : i32 to index
      %get3A_1040 = tpu.vector_load %arg8[%get3A_1039] {strides = array<i32>} : memref<16384xf32, #tpu.memory_space<vmem>>, vector<16xf32>,
      %add3A_1041 = arith.constant 112 : i32
      %add3A_1042 = vector.broadcast %add3A_1041 : i32 to vector<16xi32>
      %add3A_1043 = arith.addi %iota3A, %add3A_1042 : vector<16xi32>
      tpu.vector_store_idx %arg11[%broadcast_in_dim3A_983, %add3A_1043], %get3A_1040 {add = true} : memref<264x128xf32, #tpu.memory_space<vmem>>[vector<16xi32>, vector<16xi32>], vector<16xf32>,
      tpu.vector_store_idx %arg12[%broadcast_in_dim3A_983, %iota3A], %broadcast_in_dim3A_17 {add = true} : memref<264x16xf32, #tpu.memory_space<vmem>>[vector<16xi32>, vector<16xi32>], vector<16xf32>,
    }
    %scan3A_31 = arith.constant 8 : i32
    "tpu.region"() ({
      %run_scoped3A = tpu.sem_alloc : memref<!tpu.dma_semaphore, #tpu.memory_space<semaphore_mem>>
      %dma_start3A_32 = arith.constant 0 : i32
      %dma_start3A_33 = arith.constant 0 : i32
      %dma_start3A_34 = tpu.memref_slice %arg6[%add3A, %dma_start3A_32, %dma_start3A_33] : memref<32x264x128xf32, #tpu.memory_space<hbm>> -> memref<1x264x128xf32, #tpu.memory_space<hbm>>
      %dma_start3A_35 = tpu.memref_squeeze %dma_start3A_34 : memref<1x264x128xf32, #tpu.memory_space<hbm>> -> memref<264x128xf32, #tpu.memory_space<hbm>>
      %dma_start3A_36 = arith.constant 0 : i32
      %dma_start3A_37 = arith.constant 0 : i32
      %dma_start3A_38 = tpu.memref_slice %arg6[%add3A, %dma_start3A_36, %dma_start3A_37] : memref<32x264x128xf32, #tpu.memory_space<hbm>> -> memref<1x264x128xf32, #tpu.memory_space<hbm>>
      %dma_start3A_39 = tpu.memref_squeeze %dma_start3A_38 : memref<1x264x128xf32, #tpu.memory_space<hbm>> -> memref<264x128xf32, #tpu.memory_space<hbm>>
      tpu.enqueue_dma source(%arg11 : memref<264x128xf32, #tpu.memory_space<vmem>>) target(%dma_start3A_39 : memref<264x128xf32, #tpu.memory_space<hbm>>) target_semaphore(%run_scoped3A : memref<!tpu.dma_semaphore, #tpu.memory_space<semaphore_mem>>)
      %dma_wait3A_40 = arith.constant 0 : i32
      %dma_wait3A_41 = arith.constant 0 : i32
      %dma_wait3A_42 = tpu.memref_slice %arg6[%add3A, %dma_wait3A_40, %dma_wait3A_41] : memref<32x264x128xf32, #tpu.memory_space<hbm>> -> memref<1x264x128xf32, #tpu.memory_space<hbm>>
      %dma_wait3A_43 = tpu.memref_squeeze %dma_wait3A_42 : memref<1x264x128xf32, #tpu.memory_space<hbm>> -> memref<264x128xf32, #tpu.memory_space<hbm>>
      %dma_wait3A_44 = arith.constant 0 : i32
      %dma_wait3A_45 = arith.constant 0 : i32
      %dma_wait3A_46 = tpu.memref_slice %arg6[%add3A, %dma_wait3A_44, %dma_wait3A_45] : memref<32x264x128xf32, #tpu.memory_space<hbm>> -> memref<1x264x128xf32, #tpu.memory_space<hbm>>
      %dma_wait3A_47 = tpu.memref_squeeze %dma_wait3A_46 : memref<1x264x128xf32, #tpu.memory_space<hbm>> -> memref<264x128xf32, #tpu.memory_space<hbm>>
      tpu.wait_dma2 semaphore(%run_scoped3A : memref<!tpu.dma_semaphore, #tpu.memory_space<semaphore_mem>>) src(%arg11 : memref<264x128xf32, #tpu.memory_space<vmem>>) dst(%dma_wait3A_47 : memref<264x128xf32, #tpu.memory_space<hbm>>)
      tpu.yield
    }) : () -> ()
    "tpu.region"() ({
      %run_scoped3A = tpu.sem_alloc : memref<!tpu.dma_semaphore, #tpu.memory_space<semaphore_mem>>
      %dma_start3A_32 = arith.constant 0 : i32
      %dma_start3A_33 = arith.constant 0 : i32
      %dma_start3A_34 = tpu.memref_slice %arg7[%add3A, %dma_start3A_32, %dma_start3A_33] : memref<32x264x16xf32, #tpu.memory_space<hbm>> -> memref<1x264x16xf32, #tpu.memory_space<hbm>>
      %dma_start3A_35 = tpu.memref_squeeze %dma_start3A_34 : memref<1x264x16xf32, #tpu.memory_space<hbm>> -> memref<264x16xf32, #tpu.memory_space<hbm>>
      %dma_start3A_36 = arith.constant 0 : i32
      %dma_start3A_37 = arith.constant 0 : i32
      %dma_start3A_38 = tpu.memref_slice %arg7[%add3A, %dma_start3A_36, %dma_start3A_37] : memref<32x264x16xf32, #tpu.memory_space<hbm>> -> memref<1x264x16xf32, #tpu.memory_space<hbm>>
      %dma_start3A_39 = tpu.memref_squeeze %dma_start3A_38 : memref<1x264x16xf32, #tpu.memory_space<hbm>> -> memref<264x16xf32, #tpu.memory_space<hbm>>
      tpu.enqueue_dma source(%arg12 : memref<264x16xf32, #tpu.memory_space<vmem>>) target(%dma_start3A_39 : memref<264x16xf32, #tpu.memory_space<hbm>>) target_semaphore(%run_scoped3A : memref<!tpu.dma_semaphore, #tpu.memory_space<semaphore_mem>>)
      %dma_wait3A_40 = arith.constant 0 : i32
      %dma_wait3A_41 = arith.constant 0 : i32
      %dma_wait3A_42 = tpu.memref_slice %arg7[%add3A, %dma_wait3A_40, %dma_wait3A_41] : memref<32x264x16xf32, #tpu.memory_space<hbm>> -> memref<1x264x16xf32, #tpu.memory_space<hbm>>
      %dma_wait3A_43 = tpu.memref_squeeze %dma_wait3A_42 : memref<1x264x16xf32, #tpu.memory_space<hbm>> -> memref<264x16xf32, #tpu.memory_space<hbm>>
      %dma_wait3A_44 = arith.constant 0 : i32
      %dma_wait3A_45 = arith.constant 0 : i32
      %dma_wait3A_46 = tpu.memref_slice %arg7[%add3A, %dma_wait3A_44, %dma_wait3A_45] : memref<32x264x16xf32, #tpu.memory_space<hbm>> -> memref<1x264x16xf32, #tpu.memory_space<hbm>>
      %dma_wait3A_47 = tpu.memref_squeeze %dma_wait3A_46 : memref<1x264x16xf32, #tpu.memory_space<hbm>> -> memref<264x16xf32, #tpu.memory_space<hbm>>
      tpu.wait_dma2 semaphore(%run_scoped3A : memref<!tpu.dma_semaphore, #tpu.memory_space<semaphore_mem>>) src(%arg12 : memref<264x16xf32, #tpu.memory_space<vmem>>) dst(%dma_wait3A_47 : memref<264x16xf32, #tpu.memory_space<hbm>>)
      tpu.yield
    }) : () -> ()
    return
  }
}

module attributes {stable_mosaic.version = 14 : i64} {
  func.func @_mlp_kernel(%arg0: memref<32x264x128xf32, #tpu.memory_space<vmem>>, %arg1: memref<32x264x16xf32, #tpu.memory_space<vmem>>, %arg2: memref<128x256xf32, #tpu.memory_space<vmem>>, %arg3: memref<1x256xf32, #tpu.memory_space<vmem>>, %arg4: memref<256x256xf32, #tpu.memory_space<vmem>>, %arg5: memref<1x256xf32, #tpu.memory_space<vmem>>, %arg6: memref<256x10xf32, #tpu.memory_space<vmem>>, %arg7: memref<1x10xf32, #tpu.memory_space<vmem>>, %arg8: memref<256x10xf32, #tpu.memory_space<vmem>>) attributes {dimension_semantics = [], scalar_prefetch = 0 : i64, scratch_operands = 0 : i64, tpu.core_type = #tpu.core_type<tc>} {
    %get3A = arith.constant 0 : index
    %get3A_0 = arith.constant 0 : index
    %get3A_1 = arith.constant 0 : index
    %get3A_2 = vector.load %arg0[%get3A, %get3A_0, %get3A_1] : memref<32x264x128xf32, #tpu.memory_space<vmem>>, vector<32x264x128xf32>
    %reduce_sum3A = arith.constant dense<0.000000e+00> : vector<264x128xf32>
    %reduce_sum3A_3 = vector.multi_reduction <add>, %get3A_2, %reduce_sum3A [0] : vector<32x264x128xf32> to vector<264x128xf32>
    %slice3A = vector.extract_strided_slice %reduce_sum3A_3 {offsets = [0, 0], sizes = [256, 128], strides = [1, 1]} : vector<264x128xf32> to vector<256x128xf32>
    %get3A_4 = arith.constant 0 : index
    %get3A_5 = arith.constant 0 : index
    %get3A_6 = arith.constant 0 : index
    %get3A_7 = vector.load %arg1[%get3A_4, %get3A_5, %get3A_6] : memref<32x264x16xf32, #tpu.memory_space<vmem>>, vector<32x264x16xf32>
    %reduce_sum3A_8 = arith.constant dense<0.000000e+00> : vector<264x16xf32>
    %reduce_sum3A_9 = vector.multi_reduction <add>, %get3A_7, %reduce_sum3A_8 [0] : vector<32x264x16xf32> to vector<264x16xf32>
    %slice3A_10 = vector.extract_strided_slice %reduce_sum3A_9 {offsets = [0, 0], sizes = [256, 1], strides = [1, 1]} : vector<264x16xf32> to vector<256x1xf32>
    %max3A = arith.constant 1.000000e+00 : f32
    %max3A_11 = vector.broadcast %max3A : f32 to vector<256x1xf32>
    %max3A_12 = arith.maximumf %slice3A_10, %max3A_11 : vector<256x1xf32>
    %div3A = vector.broadcast %max3A_12 : vector<256x1xf32> to vector<256x128xf32>
    %div3A_13 = arith.divf %slice3A, %div3A : vector<256x128xf32>
    %get3A_14 = arith.constant 0 : index
    %get3A_15 = arith.constant 0 : index
    %get3A_16 = vector.load %arg2[%get3A_14, %get3A_15] : memref<128x256xf32, #tpu.memory_space<vmem>>, vector<128x256xf32>
    %dot_general3A = arith.constant dense<0.000000e+00> : vector<256x256xf32>
    %dot_general3A_17 = tpu.matmul %div3A_13, %get3A_16, %dot_general3A {dimension_numbers = #tpu.dot_dimension_numbers<[1], [0], [0], [1], [0, 0, 1, 1], [], []>, transpose_lhs_hint = false} : vector<256x128xf32>, vector<128x256xf32>, vector<256x256xf32> -> vector<256x256xf32>
    %get3A_18 = arith.constant 0 : index
    %get3A_19 = arith.constant 0 : index
    %get3A_20 = vector.load %arg3[%get3A_18, %get3A_19] : memref<1x256xf32, #tpu.memory_space<vmem>>, vector<1x256xf32>
    %add3A = vector.broadcast %get3A_20 : vector<1x256xf32> to vector<256x256xf32>
    %add3A_21 = arith.addf %dot_general3A_17, %add3A : vector<256x256xf32>
    %max3A_22 = arith.constant 0.000000e+00 : f32
    %max3A_23 = vector.broadcast %max3A_22 : f32 to vector<256x256xf32>
    %max3A_24 = arith.maximumf %add3A_21, %max3A_23 : vector<256x256xf32>
    %get3A_25 = arith.constant 0 : index
    %get3A_26 = arith.constant 0 : index
    %get3A_27 = vector.load %arg4[%get3A_25, %get3A_26] : memref<256x256xf32, #tpu.memory_space<vmem>>, vector<256x256xf32>
    %dot_general3A_28 = arith.constant dense<0.000000e+00> : vector<256x256xf32>
    %dot_general3A_29 = tpu.matmul %max3A_24, %get3A_27, %dot_general3A_28 {dimension_numbers = #tpu.dot_dimension_numbers<[1], [0], [0], [1], [0, 0, 1, 1], [], []>, transpose_lhs_hint = false} : vector<256x256xf32>, vector<256x256xf32>, vector<256x256xf32> -> vector<256x256xf32>
    %get3A_30 = arith.constant 0 : index
    %get3A_31 = arith.constant 0 : index
    %get3A_32 = vector.load %arg5[%get3A_30, %get3A_31] : memref<1x256xf32, #tpu.memory_space<vmem>>, vector<1x256xf32>
    %add3A_33 = vector.broadcast %get3A_32 : vector<1x256xf32> to vector<256x256xf32>
    %add3A_34 = arith.addf %dot_general3A_29, %add3A_33 : vector<256x256xf32>
    %max3A_35 = arith.constant 0.000000e+00 : f32
    %max3A_36 = vector.broadcast %max3A_35 : f32 to vector<256x256xf32>
    %max3A_37 = arith.maximumf %add3A_34, %max3A_36 : vector<256x256xf32>
    %get3A_38 = arith.constant 0 : index
    %get3A_39 = arith.constant 0 : index
    %get3A_40 = vector.load %arg6[%get3A_38, %get3A_39] : memref<256x10xf32, #tpu.memory_space<vmem>>, vector<256x10xf32>
    %dot_general3A_41 = arith.constant dense<0.000000e+00> : vector<256x10xf32>
    %dot_general3A_42 = tpu.matmul %max3A_37, %get3A_40, %dot_general3A_41 {dimension_numbers = #tpu.dot_dimension_numbers<[1], [0], [0], [1], [0, 0, 1, 1], [], []>, transpose_lhs_hint = false} : vector<256x256xf32>, vector<256x10xf32>, vector<256x10xf32> -> vector<256x10xf32>
    %get3A_43 = arith.constant 0 : index
    %get3A_44 = arith.constant 0 : index
    %get3A_45 = vector.load %arg7[%get3A_43, %get3A_44] : memref<1x10xf32, #tpu.memory_space<vmem>>, vector<1x10xf32>
    %add3A_46 = vector.broadcast %get3A_45 : vector<1x10xf32> to vector<256x10xf32>
    %add3A_47 = arith.addf %dot_general3A_42, %add3A_46 : vector<256x10xf32>
    %swap3A = arith.constant 0 : index
    %swap3A_48 = arith.constant 0 : index
    %swap3A_49 = vector.load %arg8[%swap3A, %swap3A_48] : memref<256x10xf32, #tpu.memory_space<vmem>>, vector<256x10xf32>
    tpu.vector_store %arg8[%swap3A, %swap3A_48], %add3A_47 {strides = array<i32>} : memref<256x10xf32, #tpu.memory_space<vmem>>, vector<256x10xf32>,
    return
  }
}

</mosaic_0001>

<sc_bundles>
// kernel: kernel.4.cloned.1.call-start
scs
__scs_entry_jumppad:
0x0: {  	(pc) =	sbr.rel $0x88, $3  }
0x1: {  	(tag) =	ssettag $0x0;
	lr =	simm.s32 $0x1  }
0x2: {  	[smem:$0x3F99] =	sst lr;
	_ =	strace $0xD0000000  }
0x3: {  	_ = 	snop  }
0x4: {  	_ = 	snop  }
0x5: {  	_ = 	snop  }
0x6: {  	_ = 	snop  }
0x7: {  	_ = 	snop  }
__scs_overlays_trampoline_lowered:
0x8: {  	[smem:$0x3FA8] =	sst s0  }
0x9: {  	[smem:$0x3FA9] =	sst s1  }
0xa: {  	[smem:$0x3FAA] =	sst s2  }
0xb: {  	[smem:$0x3FAB] =	sst s3  }
0xc: {  	[smem:$0x3FAC] =	sst s4  }
0xd: {  	[smem:$0x3FAD] =	sst s5  }
0xe: {  	[smem:$0x3FAE] =	sst s6  }
0xf: {  	[smem:$0x3FAF] =	sst s7  }
0x10: {  	[smem:$0x3FB0] =	sst s8  }
0x11: {  	[smem:$0x3FB1] =	sst s9;
	s0 =	simm.s32 @!p0 $0x0  }
0x12: {  	s1 =	sld [smem:$0x3F97];
	s0 =	simm.s32 @p0 $0x1  }
0x13: {  	[smem:$0x3FB2] =	sst s0;
	s0 =	simm.s32 @!p1 $0x0  }
0x14: {  	s2 =	sld [smem:$0x3F96];
	s0 =	simm.s32 @p1 $0x1  }
0x15: {  	[smem:$0x3FB3] =	sst s0;
	s0 =	simm.s32 @!p2 $0x0  }
0x16: {  	s3 =	sld [smem:$0x3FDB];
	s0 =	simm.s32 @p2 $0x1  }
0x17: {  	s4 =	simm.s32 $0x1BF5;
	[smem:$0x3FB5] =	sst s0  }
0x18: {  	s0 =	sld [smem:$0x3F98];
	_ =	swait.ge [sflag:s4], $0x0  }
0x19: {  	s7 =	sld [smem:$0x3F99]  }
0x1a: {  	s8 =	sadd.s32 $0xFFFFE003, lr  }
0x1b: {  	s9 =	sadd.s32 $0xFFFFFEF7, lr;
	s5 =	simm.s32 $0xFFFFFFFF;
	p2 =	slt.u32 s8, $0xFFFFF086  }
0x1c: {  	p1 =	slt.u32 s9, $0xF7A;
	s5 =	simm.s32 @!p2 $0x0  }
0x1d: {  	s5 =	simm.s32 @p1 $0x1;
	p0 =	seq.s32 s7, s2  }
0x1e: {  	s7 =	smul.u32 @!p0 $0xF7A, s2;
	p2 =	seq.s32 @!p0 s5, $0x0  }
0x1f: {  	s9 =	smul.u32 $0xF7A, s1;
	s8 =	simm.s32 @!p0 $0x1BF5;
	p2 =	por !p2, p0  }
0x20: {  	[sflag:s8] =	ssyncset.s32 @!p0 $0xFFFFF086;
	s6 =	sadd.s32 @!p0 s3, s7;
	s7 =	simm.s32 @!p0 $0x108  }
0x21: {  	s3 =	sadd.s32 s3, s9;
	s6 =	sadd.s32 @!p0 $0x88, s6;
	s7 =	simm.s32 @p2 $0x1082  }
0x22: {  	[simem:s7], [sflag:s8] =	dma.local @!p0 [hbm:s6], $0xF7A  }
0x23: {  	s9 =	sor.u32 $0xD0000000, s2;
	s6 =	simm.s32 $0x108;
	_ =	swait.ge @!p0 [sflag:s8], $0x0  }
0x24: {  	s3 =	sadd.s32 $0x88, s3;
	s6 =	simm.s32 @!p1 $0x1082;
	[sflag:s4] =	ssyncset.s32 $0xFFFFF086  }
0x25: {  	[simem:s6], [sflag:s4] =	dma.local [hbm:s3], $0xF7A  }
0x26: {  	[smem:$0x3F99] =	sst s1;
	(tag) =	ssettag s2;
	_ =	strace s9  }
0x27: {  	s1 =	sld [smem:$0x3FA9]  }
0x28: {  	s2 =	sld [smem:$0x3FAA]  }
0x29: {  	s4 =	sld [smem:$0x3FAC]  }
0x2a: {  	p0 =	seq.s32 s5, $0x0;
	s5 =	sld [smem:$0x3FAD]  }
0x2b: {  	s6 =	sld [smem:$0x3FAE]  }
0x2c: {  	s7 =	sld [smem:$0x3FAF]  }
0x2d: {  	s3 =	simm.s32 $0x108;
	s8 =	sld [smem:$0x3FB0]  }
0x2e: {  	s3 =	simm.s32 @!p0 $0x1082;
	s9 =	sld [smem:$0x3FB1]  }
0x2f: {  	lr =	sadd.s32 s0, s3;
	s0 =	sld [smem:$0x3FA8]  }
0x30: {  	s3 =	sld [smem:$0x3FAB]  }
0x31: {  	[smem:$0x3FB4] =	sst s10  }
0x32: {  	s10 =	sld [smem:$0x3FB2];
	_ =	sdelay $0x3  }
0x33: {  	p0 =	seq.s32 s10, $0x1;
	s10 =	sld [smem:$0x3FB4];
	_ =	sdelay $0x3  }
0x34: {  	[smem:$0x3FB4] =	sst s10  }
0x35: {  	s10 =	sld [smem:$0x3FB3];
	_ =	sdelay $0x3  }
0x36: {  	p1 =	seq.s32 s10, $0x1;
	s10 =	sld [smem:$0x3FB4];
	_ =	sdelay $0x3  }
0x37: {  	[smem:$0x3FB4] =	sst s10  }
0x38: {  	s10 =	sld [smem:$0x3FB5]  }
0x39: {  	_ = 	snop;
	(pc) =	sbr.ind lr, $3  }
0x3a: {  	_ = 	snop  }
0x3b: {  	_ = 	snop  }
0x3c: {  	p2 =	seq.s32 s10, $0x1;
	s10 =	sld [smem:$0x3FB4]  }
0x3d: {  	_ =	shalt  }
0x3e: {  	_ =	shalt  }
0x3f: {  	_ =	shalt  }
0x40: {  	_ =	shalt  }
0x41: {  	_ =	shalt  }
0x42: {  	_ =	shalt  }
0x43: {  	_ =	shalt  }
0x44: {  	_ =	shalt  }
0x45: {  	_ =	shalt  }
0x46: {  	_ =	shalt  }
0x47: {  	_ =	shalt  }
0x48: {  	_ =	shalt  }
0x49: {  	_ =	shalt  }
0x4a: {  	_ =	shalt  }
0x4b: {  	_ =	shalt  }
0x4c: {  	_ =	shalt  }
0x4d: {  	_ =	shalt  }
0x4e: {  	_ =	shalt  }
0x4f: {  	_ =	shalt  }
0x50: {  	_ =	shalt  }
0x51: {  	_ =	shalt  }
0x52: {  	_ =	shalt  }
0x53: {  	_ =	shalt  }
0x54: {  	_ =	shalt  }
0x55: {  	_ =	shalt  }
0x56: {  	_ =	shalt  }
0x57: {  	_ =	shalt  }
0x58: {  	_ =	shalt  }
0x59: {  	_ =	shalt  }
0x5a: {  	_ =	shalt  }
0x5b: {  	_ =	shalt  }
0x5c: {  	_ =	shalt  }
0x5d: {  	_ =	shalt  }
0x5e: {  	_ =	shalt  }
0x5f: {  	_ =	shalt  }
0x60: {  	_ =	shalt  }
0x61: {  	_ =	shalt  }
0x62: {  	_ =	shalt  }
0x63: {  	_ =	shalt  }
0x64: {  	_ =	shalt  }
0x65: {  	_ =	shalt  }
0x66: {  	_ =	shalt  }
0x67: {  	_ =	shalt  }
0x68: {  	_ =	shalt  }
0x69: {  	_ =	shalt  }
0x6a: {  	_ =	shalt  }
0x6b: {  	_ =	shalt  }
0x6c: {  	_ =	shalt  }
0x6d: {  	_ =	shalt  }
0x6e: {  	_ =	shalt  }
0x6f: {  	_ =	shalt  }
0x70: {  	_ =	shalt  }
0x71: {  	_ =	shalt  }
0x72: {  	_ =	shalt  }
0x73: {  	_ =	shalt  }
0x74: {  	_ =	shalt  }
0x75: {  	_ =	shalt  }
0x76: {  	_ =	shalt  }
0x77: {  	_ =	shalt  }
0x78: {  	_ =	shalt  }
0x79: {  	_ =	shalt  }
0x7a: {  	_ =	shalt  }
0x7b: {  	_ =	shalt  }
0x7c: {  	_ =	shalt  }
0x7d: {  	_ =	shalt  }
0x7e: {  	_ =	shalt  }
0x7f: {  	_ =	shalt  }
0x80: {  	_ =	shalt  }
0x81: {  	_ =	shalt  }
0x82: {  	_ =	shalt  }
0x83: {  	_ =	shalt  }
0x84: {  	_ =	shalt  }
0x85: {  	_ =	shalt  }
0x86: {  	_ =	shalt  }
0x87: {  	_ =	shalt  }
.Lfunc_end0:
.L_simem_size_0:
called_computation_lowered:
.L_overlay_start_0:
0x88: {  	s2 =	sld [smem:$0x3FD9]  }
0x89: {  	s3 =	sld [smem:$0x3FFE];
	_ =	sdelay $0x1  }
0x8a: {  	s1 =	srdreg.scid  }
0x8b: {  	s0 =	sand.u32 $0x1, s1  }
0x8c: {  	s17 =	sshll.u32 s0, $0xA;
	s2 =	sadd.s32 s3, s2  }
0x8d: {  	s2 =	sadd.s32 s2, s17  }
0x8e: {  	[smem:$0x3FC0] =	sst s2  }
0x8f: {  	_ = 	snop  }
0x90: {  	s2 =	sld [smem:$0x3FC9];
	(tm) =	ssettm $0x1  }
0x91: {  	s18 =	sld [smem:$0x3FFB];
	_ =	sdelay $0x3  }
0x92: {  	_ =	strace s18  }
0x93: {  	s3 =	sld [smem:$0x3FFC];
	_ =	sdelay $0x3  }
0x94: {  	_ =	strace s3  }
0x95: {  	s3 =	sld [smem:$0x3FFD];
	_ =	sdelay $0x3  }
0x96: {  	_ =	strace s3  }
0x97: {  	_ =	strace $0x8FFFFFFF  }
0x98: {  	s19 =	sld [smem:$0x3FDB];
	_ =	sdelay $0x1  }
0x99: {  	s4 =	simm.s32 $_scs_section_size  }
0x9a: {  	s5 =	simm.s32 $_size__tile_overlayer_lowered;
	s6 =	simm.s32 $_tile_overlayer_lowered  }
0x9b: {  	s22 =	simm.s32 $0x1BFF;
	s21 =	sshll.u32 s6, $0x1;
	s3 =	sadd.s32 s4, s19  }
0x9c: {  	s7 =	simm.s32 $0x0;
	s20 =	sshll.u32 s5, $0x1;
	s5 =	sadd.s32 s21, s3  }
0x9d: {  	[timem:s7], [sflag:s22] =	dma.local [hbm:s5], s20  }
0x9e: {  	_ =	swait.ge [sflag:s22], s20  }
0x9f: {  	s4 =	ssub.s32 $0x0, s20;
	[sflag:s22] =	ssyncset.done $0x0  }
0xa0: {  	[sflag:s22] =	ssyncadd.s32 s4;
	_ =	sdelay $0x1  }
0xa1: {  	s23 =	simm.s32 $0x1B8B  }
0xa2: {  	_ =	swait.ge [sflag:s23], $0x1  }
0xa3: {  	[sflag:s23] =	ssyncset.done $0x0  }
0xa4: {  	s25 =	simm.s32 $0x1B8E;
	s24 =	sld [smem:$0x3FFE];
	[sflag:s23] =	ssyncadd.s32 $0xFFFFFFFF  }
0xa5: {  	s26 =	simm.s32 $execute0_lowered;
	[smem:$0x3FD2] =	sst s25  }
0xa6: {  	s5 =	sshll.u32 s26, $0x1;
	_ =	strace $0x80000046;
	[dreg:$0x1] =	wrdreg $0xFFFFFFFF  }
0xa7: {  	s28 =	simm.s32 $_size_execute0_lowered;
	s3 =	sadd.s32 s3, s5;
	[dreg:$0x0] =	wrdreg $0x0  }
0xa8: {  	s5 =	sshll.u32 s28, $0x1;
	[dreg:$0x2] =	wrdreg s3  }
0xa9: {  	[dreg:$0x3] =	wrdreg s5  }
0xaa: {  	[dreg:$0x4] =	wrdreg $0xC0  }
0xab: {  	_ =	task [dreg:s7], $0x5FFFF  }
0xac: {  	[dreg:$0x1] =	wrdreg $0xFFFFFFFF  }
0xad: {  	[dreg:$0x0] =	wrdreg $0x60  }
0xae: {  	[dreg:$0x2] =	wrdreg s2  }
0xaf: {  	[dreg:$0x3] =	wrdreg s24  }
0xb0: {  	[dreg:$0x4] =	wrdreg $0x9  }
0xb1: {  	_ =	task.clear_ibuf [dreg:s7], $0x5FFFF;
	_ =	strace $0x90000046  }
0xb2: {  	s29 =	simm.s32 $0x9;
	_ =	strace $0x80000048  }
0xb3: {  	_ =	swait.ge [sflag:s29], $0x1  }
0xb4: {  	[sflag:s29] =	ssyncadd.s32 $0xFFFFFFFF  }
0xb5: {  	_ =	strace $0x90000048  }
0xb6: {  	_ =	sfence  }
0xb7: {  	s30 =	sld [smem:$0x0];
	_ =	sdelay $0x2  }
0xb8: {  	s31 =	sshll.u32 s1, $0xD;
	s1 =	sshrl.u32 s1, $0x2  }
0xb9: {  	s3 =	sand.u32 $0x4000, s31;
	s1 =	sadd.s32 s1, s30  }
0xba: {  	s0 =	sor.u32 s3, s0;
	s1 =	sshll.u32 s1, $0x11  }
0xbb: {  	s0 =	sor.u32 s1, s0  }
0xbc: {  	s0 =	sadd.s32 $0x8F2B, s0  }
0xbd: {  	[sflag:s0] =	ssyncadd.remote.s32 $0x1  }
0xbe: {  	_ =	sfence.sel $0xFFFF  }
0xbf: {  	[dreg:$0x0] =	wrdreg $0xFFFFFFFF;
	(pc) =	sbr.abs _section_cstart, $3  }
0xc0: {  	[dreg:$0x1] =	wrdreg $0xFFFFFFFF  }
0xc1: {  	_ =	task.clear_ibuf [dreg:s7], $0x2FFFF;
	_ =	strace $0x9FFFFFFF  }
0xc2: {  	(tm) =	ssettm $0x7FFFFFFF  }
0xc3: {  	_ =	shalt  }
tec
execute0_lowered:
.L_overlay_start_1:
0x0: {  	(tag) =	ssettag $0x1  }
0x1: {  	s1 =	srdreg.scid  }
0x2: {  	s0 =	stileid.u32;
	s2 =	rddreg [dreg:$0x0]  }
0x3: {  	s7 =	rddreg [dreg:$0x1];
	s3 =	simm.s32 $0x0;
	s16 =	simm.s32 $0x8C80  }
0x4: {  	s17 =	simm.s32 $0x11080;
	s6 =	sand.u32 $0x1, s1;
	s29 =	sshll.u32 s0, $0x1  }
0x5: {  	s18 =	simm.s32 $0x1;
	s19 =	simm.s32 $0x2;
	s5 =	sor.u32 s6, s29  }
0x6: {  	s20 =	simm.s32 $0x0;
	s1 =	rddreg [dreg:$0x2];
	s10 =	smul.u32 $0xC80, s5  }
0x7: {  	[smem:$0x7FF] =	sst s3;
	s30 =	ssub.s32 $0x2, s6;
	s8 =	smul.u32 $0x1080, s5  }
0x8: {  	_ =	strace $0x80000047;
	s9 =	smul.u32 $0x210, s5;
	s31 =	sshrl.u32 s30, $0x1  }
0x9: {  	s12 =	smul.u32 $0xC800, s5;
	s5 =	sadd.s32 $0x5C00, s7;
	s15 =	ssub.s32 s30, s31  }
0xa: {  	s4 =	sshrl.u32 s10, $0x3;
	s13 =	sadd.s32 s8, s7;
	s14 =	sadd.s32 s9, s7  }
0xb: {  	v0 =	vlaneseq.u32;
	s6 =	sadd.s32 s2, s12;
	s9 =	sadd.s32 $0x100, s10;
	s10 =	sadd.s32 $0x180, s10  }
0xc: {  	v8 =	vimm.f32 $1.000000000e+00;
	v1 =	vor.u32 $0x10, v0;
	s11 =	sadd.s32 s4, s7;
	s4 =	sadd.s32 $0x4A00, s7;
	s7 =	sadd.s32 $0x800, s6  }
0xd: {  	v2 =	vor.u32 $0x20, v0;
	v3 =	vor.u32 $0x30, v0;
	v4 =	vor.u32 $0x40, v0;
	s12 =	sadd.s32 $0x6000, s14;
	s14 =	simm.s32 $0x4000;
	s8 =	sadd.s32 $0x1800, s11  }
0xe: {  	v5 =	vor.u32 $0x50, v0;
	v6 =	vor.u32 $0x60, v0;
	v7 =	vor.u32 $0x70, v0;
	s11 =	sadd.s32 $0xA200, s13;
	s13 =	smax.u32 s15, $0x1;
	s15 =	simm.s32 $0x3  }
.LBB2_1:
0xf: {  	[tilespmem:s3], [sflag:$0x1] =	stream.linear.gather [hbm4b:s6+s3], $0x4000, $0x38;
	[tilespmem:$0x12100] =	vst v63  }
0x10: {  	_ = 	snop  }
0x11: {  	[tilespmem:s14], [sflag:$0x2] =	stream.linear.gather [hbm4b:s7+s3], $0x4000, $0x38;
	[tilespmem:$0x12100] =	vst v63  }
0x12: {  	s21 =	simm.s32 $0x8000  }
0x13: {  	[tilespmem:s21], [sflag:$0x3] =	stream.linear.gather [hbm4b:s8+s3], $0xC80, $0x38;
	[tilespmem:$0x12100] =	vst v63  }
0x14: {  	_ =	swait.ge [sflag:s15], $0xC80  }
0x15: {  	[sflag:s15] =	ssyncset.done $0x0  }
0x16: {  	[sflag:s15] =	ssyncadd.s32 $0xFFFFF380  }
0x17: {  	[tilespmem:s16], [sflag:$0x3] =	stream.linear.gather [hbm4b:s4+s3], $0x8400, $0x38;
	[tilespmem:$0x12100] =	vst v63  }
0x18: {  	_ =	swait.ge [sflag:s15], $0x8400  }
0x19: {  	[sflag:s15] =	ssyncset.done $0x0  }
0x1a: {  	[sflag:s15] =	ssyncadd.s32 $0xFFFF7C00  }
0x1b: {  	[tilespmem:s17], [sflag:$0x3] =	stream.linear.gather [hbm4b:s5+s3], $0x1080, $0x38;
	[tilespmem:$0x12100] =	vst v63  }
0x1c: {  	_ =	swait.ge [sflag:s15], $0x1080  }
0x1d: {  	[sflag:s15] =	ssyncset.done $0x0  }
0x1e: {  	s22 =	simm.s32 $0x8080;
	s23 =	simm.s32 $0x0;
	[sflag:s15] =	ssyncadd.s32 $0xFFFFEF80  }
.LBB2_2:
0x1f: {  	v9 =	vmov s21  }
0x20: {  	_ =	swait.ge [sflag:s18], $0x4000  }
0x21: {  	[sflag:s18] =	ssyncset.done $0x0  }
0x22: {  	s24 =	simm.s32 $0x0;
	s25 =	simm.s32 $0x400;
	[sflag:s18] =	ssyncadd.s32 $0xFFFFC000  }
.LBB2_3:
0x23: {  	s26 =	sshra.s32 s24, $0x2  }
0x24: {  	v10 =	vld.idx.msk [tilespmem:v9+s26+$0x0 ss:$0x1], $0xffff;
	_ =	sdelay $0x4  }
0x25: {  	v11 =	vbroadcast v10, $0x0;
	_ =	sdelay $0x1  }
0x26: {  	v12 =	vshll.u32 v11, $0x7  }
0x27: {  	v13 =	vld [tilespmem:s25+$0xFFFFFC00];
	v14 =	vor.u32 v0, v12;
	_ =	sdelay $0x4  }
0x28: {  	[tilespmem:v14+s16+$0x0] =	vst.idx.add.f32.msk $0xffff, v13  }
0x29: {  	v21 =	vor.u32 v1, v12;
	v13 =	vld [tilespmem:s25+$0xFFFFFC10];
	_ =	sdelay $0x4  }
0x2a: {  	[tilespmem:v21+s16+$0x0] =	vst.idx.add.f32.msk $0xffff, v13  }
0x2b: {  	v22 =	vor.u32 v2, v12;
	v13 =	vld [tilespmem:s25+$0xFFFFFC20];
	_ =	sdelay $0x4  }
0x2c: {  	[tilespmem:v22+s16+$0x0] =	vst.idx.add.f32.msk $0xffff, v13  }
0x2d: {  	v23 =	vor.u32 v3, v12;
	v13 =	vld [tilespmem:s25+$0xFFFFFC30];
	_ =	sdelay $0x4  }
0x2e: {  	[tilespmem:v23+s16+$0x0] =	vst.idx.add.f32.msk $0xffff, v13  }
0x2f: {  	v24 =	vor.u32 v4, v12;
	v13 =	vld [tilespmem:s25+$0xFFFFFC40];
	_ =	sdelay $0x4  }
0x30: {  	[tilespmem:v24+s16+$0x0] =	vst.idx.add.f32.msk $0xffff, v13  }
0x31: {  	v25 =	vor.u32 v5, v12;
	v13 =	vld [tilespmem:s25+$0xFFFFFC50];
	_ =	sdelay $0x4  }
0x32: {  	[tilespmem:v25+s16+$0x0] =	vst.idx.add.f32.msk $0xffff, v13  }
0x33: {  	v26 =	vor.u32 v6, v12;
	v13 =	vld [tilespmem:s25+$0xFFFFFC60];
	_ =	sdelay $0x4  }
0x34: {  	[tilespmem:v26+s16+$0x0] =	vst.idx.add.f32.msk $0xffff, v13  }
0x35: {  	v11 =	vshll.u32 v11, $0x4;
	v12 =	vor.u32 v7, v12;
	v13 =	vld [tilespmem:s25+$0xFFFFFC70]  }
0x36: {  	v11 =	vor.u32 v0, v11;
	_ =	sdelay $0x2  }
0x37: {  	v27 =	vbroadcast v10, $0x1  }
0x38: {  	[tilespmem:v12+s16+$0x0] =	vst.idx.add.f32.msk $0xffff, v13  }
0x39: {  	[tilespmem:v11+s17+$0x0] =	vst.idx.add.f32.msk $0xffff, v8;
	v11 =	vshll.u32 v27, $0x7  }
0x3a: {  	v12 =	vld [tilespmem:s25+$0xFFFFFC80];
	v28 =	vor.u32 v0, v11;
	_ =	sdelay $0x4  }
0x3b: {  	[tilespmem:v28+s16+$0x0] =	vst.idx.add.f32.msk $0xffff, v12  }
0x3c: {  	v29 =	vor.u32 v1, v11;
	v12 =	vld [tilespmem:s25+$0xFFFFFC90];
	_ =	sdelay $0x4  }
0x3d: {  	[tilespmem:v29+s16+$0x0] =	vst.idx.add.f32.msk $0xffff, v12  }
0x3e: {  	v30 =	vor.u32 v2, v11;
	v12 =	vld [tilespmem:s25+$0xFFFFFCA0];
	_ =	sdelay $0x4  }
0x3f: {  	[tilespmem:v30+s16+$0x0] =	vst.idx.add.f32.msk $0xffff, v12  }
0x40: {  	v31 =	vor.u32 v3, v11;
	v12 =	vld [tilespmem:s25+$0xFFFFFCB0];
	_ =	sdelay $0x4  }
0x41: {  	[tilespmem:v31+s16+$0x0] =	vst.idx.add.f32.msk $0xffff, v12  }
0x42: {  	v32 =	vor.u32 v4, v11;
	v12 =	vld [tilespmem:s25+$0xFFFFFCC0];
	_ =	sdelay $0x4  }
0x43: {  	[tilespmem:v32+s16+$0x0] =	vst.idx.add.f32.msk $0xffff, v12  }
0x44: {  	v33 =	vor.u32 v5, v11;
	v12 =	vld [tilespmem:s25+$0xFFFFFCD0];
	_ =	sdelay $0x4  }
0x45: {  	[tilespmem:v33+s16+$0x0] =	vst.idx.add.f32.msk $0xffff, v12  }
0x46: {  	v34 =	vor.u32 v6, v11;
	v12 =	vld [tilespmem:s25+$0xFFFFFCE0];
	_ =	sdelay $0x4  }
0x47: {  	[tilespmem:v34+s16+$0x0] =	vst.idx.add.f32.msk $0xffff, v12  }
0x48: {  	v35 =	vshll.u32 v27, $0x4;
	v11 =	vor.u32 v7, v11;
	v12 =	vld [tilespmem:s25+$0xFFFFFCF0]  }
0x49: {  	v13 =	vor.u32 v0, v35;
	_ =	sdelay $0x2  }
0x4a: {  	v36 =	vbroadcast v10, $0x2  }
0x4b: {  	[tilespmem:v11+s16+$0x0] =	vst.idx.add.f32.msk $0xffff, v12  }
0x4c: {  	v11 =	vshll.u32 v36, $0x7;
	[tilespmem:v13+s17+$0x0] =	vst.idx.add.f32.msk $0xffff, v8  }
0x4d: {  	v37 =	vor.u32 v0, v11;
	v12 =	vld [tilespmem:s25+$0xFFFFFD00];
	_ =	sdelay $0x4  }
0x4e: {  	[tilespmem:v37+s16+$0x0] =	vst.idx.add.f32.msk $0xffff, v12  }
0x4f: {  	v38 =	vor.u32 v1, v11;
	v12 =	vld [tilespmem:s25+$0xFFFFFD10];
	_ =	sdelay $0x4  }
0x50: {  	[tilespmem:v38+s16+$0x0] =	vst.idx.add.f32.msk $0xffff, v12  }
0x51: {  	v39 =	vor.u32 v2, v11;
	v12 =	vld [tilespmem:s25+$0xFFFFFD20];
	_ =	sdelay $0x4  }
0x52: {  	[tilespmem:v39+s16+$0x0] =	vst.idx.add.f32.msk $0xffff, v12  }
0x53: {  	v40 =	vor.u32 v3, v11;
	v12 =	vld [tilespmem:s25+$0xFFFFFD30];
	_ =	sdelay $0x4  }
0x54: {  	[tilespmem:v40+s16+$0x0] =	vst.idx.add.f32.msk $0xffff, v12  }
0x55: {  	v41 =	vor.u32 v4, v11;
	v12 =	vld [tilespmem:s25+$0xFFFFFD40];
	_ =	sdelay $0x4  }
0x56: {  	[tilespmem:v41+s16+$0x0] =	vst.idx.add.f32.msk $0xffff, v12  }
0x57: {  	v42 =	vor.u32 v5, v11;
	v12 =	vld [tilespmem:s25+$0xFFFFFD50];
	_ =	sdelay $0x4  }
0x58: {  	[tilespmem:v42+s16+$0x0] =	vst.idx.add.f32.msk $0xffff, v12  }
0x59: {  	v43 =	vor.u32 v6, v11;
	v12 =	vld [tilespmem:s25+$0xFFFFFD60];
	_ =	sdelay $0x4  }
0x5a: {  	[tilespmem:v43+s16+$0x0] =	vst.idx.add.f32.msk $0xffff, v12  }
0x5b: {  	v44 =	vshll.u32 v36, $0x4;
	v11 =	vor.u32 v7, v11;
	v12 =	vld [tilespmem:s25+$0xFFFFFD70]  }
0x5c: {  	v13 =	vor.u32 v0, v44;
	_ =	sdelay $0x2  }
0x5d: {  	v45 =	vbroadcast v10, $0x3  }
0x5e: {  	[tilespmem:v11+s16+$0x0] =	vst.idx.add.f32.msk $0xffff, v12  }
0x5f: {  	v11 =	vshll.u32 v45, $0x7;
	[tilespmem:v13+s17+$0x0] =	vst.idx.add.f32.msk $0xffff, v8  }
0x60: {  	v46 =	vor.u32 v0, v11;
	v12 =	vld [tilespmem:s25+$0xFFFFFD80];
	_ =	sdelay $0x4  }
0x61: {  	[tilespmem:v46+s16+$0x0] =	vst.idx.add.f32.msk $0xffff, v12  }
0x62: {  	v47 =	vor.u32 v1, v11;
	v12 =	vld [tilespmem:s25+$0xFFFFFD90];
	_ =	sdelay $0x4  }
0x63: {  	[tilespmem:v47+s16+$0x0] =	vst.idx.add.f32.msk $0xffff, v12  }
0x64: {  	v48 =	vor.u32 v2, v11;
	v12 =	vld [tilespmem:s25+$0xFFFFFDA0];
	_ =	sdelay $0x4  }
0x65: {  	[tilespmem:v48+s16+$0x0] =	vst.idx.add.f32.msk $0xffff, v12  }
0x66: {  	v49 =	vor.u32 v3, v11;
	v12 =	vld [tilespmem:s25+$0xFFFFFDB0];
	_ =	sdelay $0x4  }
0x67: {  	[tilespmem:v49+s16+$0x0] =	vst.idx.add.f32.msk $0xffff, v12  }
0x68: {  	v50 =	vor.u32 v4, v11;
	v12 =	vld [tilespmem:s25+$0xFFFFFDC0];
	_ =	sdelay $0x4  }
0x69: {  	[tilespmem:v50+s16+$0x0] =	vst.idx.add.f32.msk $0xffff, v12  }
0x6a: {  	v51 =	vor.u32 v5, v11;
	v12 =	vld [tilespmem:s25+$0xFFFFFDD0];
	_ =	sdelay $0x4  }
0x6b: {  	[tilespmem:v51+s16+$0x0] =	vst.idx.add.f32.msk $0xffff, v12  }
0x6c: {  	v52 =	vor.u32 v6, v11;
	v12 =	vld [tilespmem:s25+$0xFFFFFDE0];
	_ =	sdelay $0x4  }
0x6d: {  	[tilespmem:v52+s16+$0x0] =	vst.idx.add.f32.msk $0xffff, v12  }
0x6e: {  	v53 =	vshll.u32 v45, $0x4;
	v11 =	vor.u32 v7, v11;
	v12 =	vld [tilespmem:s25+$0xFFFFFDF0]  }
0x6f: {  	v13 =	vor.u32 v0, v53;
	_ =	sdelay $0x2  }
0x70: {  	v54 =	vbroadcast v10, $0x4  }
0x71: {  	[tilespmem:v11+s16+$0x0] =	vst.idx.add.f32.msk $0xffff, v12  }
0x72: {  	v11 =	vshll.u32 v54, $0x7;
	[tilespmem:v13+s17+$0x0] =	vst.idx.add.f32.msk $0xffff, v8  }
0x73: {  	v55 =	vor.u32 v0, v11;
	v12 =	vld [tilespmem:s25+$0xFFFFFE00];
	_ =	sdelay $0x4  }
0x74: {  	[tilespmem:v55+s16+$0x0] =	vst.idx.add.f32.msk $0xffff, v12  }
0x75: {  	v56 =	vor.u32 v1, v11;
	v12 =	vld [tilespmem:s25+$0xFFFFFE10];
	_ =	sdelay $0x4  }
0x76: {  	[tilespmem:v56+s16+$0x0] =	vst.idx.add.f32.msk $0xffff, v12  }
0x77: {  	v57 =	vor.u32 v2, v11;
	v12 =	vld [tilespmem:s25+$0xFFFFFE20];
	_ =	sdelay $0x4  }
0x78: {  	[tilespmem:v57+s16+$0x0] =	vst.idx.add.f32.msk $0xffff, v12  }
0x79: {  	v58 =	vor.u32 v3, v11;
	v12 =	vld [tilespmem:s25+$0xFFFFFE30];
	_ =	sdelay $0x4  }
0x7a: {  	[tilespmem:v58+s16+$0x0] =	vst.idx.add.f32.msk $0xffff, v12  }
0x7b: {  	v59 =	vor.u32 v4, v11;
	v12 =	vld [tilespmem:s25+$0xFFFFFE40];
	_ =	sdelay $0x4  }
0x7c: {  	[tilespmem:v59+s16+$0x0] =	vst.idx.add.f32.msk $0xffff, v12  }
0x7d: {  	v60 =	vor.u32 v5, v11;
	v12 =	vld [tilespmem:s25+$0xFFFFFE50];
	_ =	sdelay $0x4  }
0x7e: {  	[tilespmem:v60+s16+$0x0] =	vst.idx.add.f32.msk $0xffff, v12  }
0x7f: {  	v61 =	vor.u32 v6, v11;
	v12 =	vld [tilespmem:s25+$0xFFFFFE60];
	_ =	sdelay $0x4  }
0x80: {  	[tilespmem:v61+s16+$0x0] =	vst.idx.add.f32.msk $0xffff, v12  }
0x81: {  	v62 =	vshll.u32 v54, $0x4;
	v11 =	vor.u32 v7, v11;
	v12 =	vld [tilespmem:s25+$0xFFFFFE70]  }
0x82: {  	v13 =	vor.u32 v0, v62;
	_ =	sdelay $0x2  }
0x83: {  	v63 =	vbroadcast v10, $0x5  }
0x84: {  	[tilespmem:v11+s16+$0x0] =	vst.idx.add.f32.msk $0xffff, v12  }
0x85: {  	v11 =	vshll.u32 v63, $0x7;
	[tilespmem:v13+s17+$0x0] =	vst.idx.add.f32.msk $0xffff, v8  }
0x86: {  	v16 =	vor.u32 v0, v11;
	v12 =	vld [tilespmem:s25+$0xFFFFFE80];
	_ =	sdelay $0x4  }
0x87: {  	[tilespmem:v16+s16+$0x0] =	vst.idx.add.f32.msk $0xffff, v12  }
0x88: {  	v17 =	vor.u32 v1, v11;
	v12 =	vld [tilespmem:s25+$0xFFFFFE90];
	_ =	sdelay $0x4  }
0x89: {  	[tilespmem:v17+s16+$0x0] =	vst.idx.add.f32.msk $0xffff, v12  }
0x8a: {  	v18 =	vor.u32 v2, v11;
	v12 =	vld [tilespmem:s25+$0xFFFFFEA0];
	_ =	sdelay $0x4  }
0x8b: {  	[tilespmem:v18+s16+$0x0] =	vst.idx.add.f32.msk $0xffff, v12  }
0x8c: {  	v19 =	vor.u32 v3, v11;
	v12 =	vld [tilespmem:s25+$0xFFFFFEB0];
	_ =	sdelay $0x4  }
0x8d: {  	[tilespmem:v19+s16+$0x0] =	vst.idx.add.f32.msk $0xffff, v12  }
0x8e: {  	v20 =	vor.u32 v4, v11;
	v12 =	vld [tilespmem:s25+$0xFFFFFEC0];
	_ =	sdelay $0x4  }
0x8f: {  	[tilespmem:v20+s16+$0x0] =	vst.idx.add.f32.msk $0xffff, v12  }
0x90: {  	v21 =	vor.u32 v5, v11;
	v12 =	vld [tilespmem:s25+$0xFFFFFED0];
	_ =	sdelay $0x4  }
0x91: {  	[tilespmem:v21+s16+$0x0] =	vst.idx.add.f32.msk $0xffff, v12  }
0x92: {  	v22 =	vor.u32 v6, v11;
	v12 =	vld [tilespmem:s25+$0xFFFFFEE0];
	_ =	sdelay $0x4  }
0x93: {  	[tilespmem:v22+s16+$0x0] =	vst.idx.add.f32.msk $0xffff, v12  }
0x94: {  	v23 =	vshll.u32 v63, $0x4;
	v11 =	vor.u32 v7, v11;
	v12 =	vld [tilespmem:s25+$0xFFFFFEF0]  }
0x95: {  	v13 =	vor.u32 v0, v23;
	_ =	sdelay $0x2  }
0x96: {  	v24 =	vbroadcast v10, $0x6  }
0x97: {  	[tilespmem:v11+s16+$0x0] =	vst.idx.add.f32.msk $0xffff, v12  }
0x98: {  	v11 =	vshll.u32 v24, $0x7;
	[tilespmem:v13+s17+$0x0] =	vst.idx.add.f32.msk $0xffff, v8  }
0x99: {  	v25 =	vor.u32 v0, v11;
	v12 =	vld [tilespmem:s25+$0xFFFFFF00];
	_ =	sdelay $0x4  }
0x9a: {  	[tilespmem:v25+s16+$0x0] =	vst.idx.add.f32.msk $0xffff, v12  }
0x9b: {  	v26 =	vor.u32 v1, v11;
	v12 =	vld [tilespmem:s25+$0xFFFFFF10];
	_ =	sdelay $0x4  }
0x9c: {  	[tilespmem:v26+s16+$0x0] =	vst.idx.add.f32.msk $0xffff, v12  }
0x9d: {  	v27 =	vor.u32 v2, v11;
	v12 =	vld [tilespmem:s25+$0xFFFFFF20];
	_ =	sdelay $0x4  }
0x9e: {  	[tilespmem:v27+s16+$0x0] =	vst.idx.add.f32.msk $0xffff, v12  }
0x9f: {  	v28 =	vor.u32 v3, v11;
	v12 =	vld [tilespmem:s25+$0xFFFFFF30];
	_ =	sdelay $0x4  }
0xa0: {  	[tilespmem:v28+s16+$0x0] =	vst.idx.add.f32.msk $0xffff, v12  }
0xa1: {  	v29 =	vor.u32 v4, v11;
	v12 =	vld [tilespmem:s25+$0xFFFFFF40];
	_ =	sdelay $0x4  }
0xa2: {  	[tilespmem:v29+s16+$0x0] =	vst.idx.add.f32.msk $0xffff, v12  }
0xa3: {  	v30 =	vor.u32 v5, v11;
	v12 =	vld [tilespmem:s25+$0xFFFFFF50];
	_ =	sdelay $0x4  }
0xa4: {  	[tilespmem:v30+s16+$0x0] =	vst.idx.add.f32.msk $0xffff, v12  }
0xa5: {  	v31 =	vor.u32 v6, v11;
	v12 =	vld [tilespmem:s25+$0xFFFFFF60];
	_ =	sdelay $0x4  }
0xa6: {  	[tilespmem:v31+s16+$0x0] =	vst.idx.add.f32.msk $0xffff, v12  }
0xa7: {  	v32 =	vshll.u32 v24, $0x4;
	v11 =	vor.u32 v7, v11;
	v12 =	vld [tilespmem:s25+$0xFFFFFF70]  }
0xa8: {  	v13 =	vor.u32 v0, v32;
	_ =	sdelay $0x2  }
0xa9: {  	v33 =	vbroadcast v10, $0x7  }
0xaa: {  	[tilespmem:v11+s16+$0x0] =	vst.idx.add.f32.msk $0xffff, v12  }
0xab: {  	v11 =	vshll.u32 v33, $0x7;
	[tilespmem:v13+s17+$0x0] =	vst.idx.add.f32.msk $0xffff, v8  }
0xac: {  	v34 =	vor.u32 v0, v11;
	v12 =	vld [tilespmem:s25+$0xFFFFFF80];
	_ =	sdelay $0x4  }
0xad: {  	[tilespmem:v34+s16+$0x0] =	vst.idx.add.f32.msk $0xffff, v12  }
0xae: {  	v35 =	vor.u32 v1, v11;
	v12 =	vld [tilespmem:s25+$0xFFFFFF90];
	_ =	sdelay $0x4  }
0xaf: {  	[tilespmem:v35+s16+$0x0] =	vst.idx.add.f32.msk $0xffff, v12  }
0xb0: {  	v36 =	vor.u32 v2, v11;
	v12 =	vld [tilespmem:s25+$0xFFFFFFA0];
	_ =	sdelay $0x4  }
0xb1: {  	[tilespmem:v36+s16+$0x0] =	vst.idx.add.f32.msk $0xffff, v12  }
0xb2: {  	v37 =	vor.u32 v3, v11;
	v12 =	vld [tilespmem:s25+$0xFFFFFFB0];
	_ =	sdelay $0x4  }
0xb3: {  	[tilespmem:v37+s16+$0x0] =	vst.idx.add.f32.msk $0xffff, v12  }
0xb4: {  	v38 =	vor.u32 v4, v11;
	v12 =	vld [tilespmem:s25+$0xFFFFFFC0];
	_ =	sdelay $0x4  }
0xb5: {  	[tilespmem:v38+s16+$0x0] =	vst.idx.add.f32.msk $0xffff, v12  }
0xb6: {  	v39 =	vor.u32 v5, v11;
	v12 =	vld [tilespmem:s25+$0xFFFFFFD0];
	_ =	sdelay $0x4  }
0xb7: {  	[tilespmem:v39+s16+$0x0] =	vst.idx.add.f32.msk $0xffff, v12  }
0xb8: {  	v40 =	vor.u32 v6, v11;
	v12 =	vld [tilespmem:s25+$0xFFFFFFE0];
	_ =	sdelay $0x4  }
0xb9: {  	[tilespmem:v40+s16+$0x0] =	vst.idx.add.f32.msk $0xffff, v12  }
0xba: {  	v41 =	vshll.u32 v33, $0x4;
	v11 =	vor.u32 v7, v11;
	v12 =	vld [tilespmem:s25+$0xFFFFFFF0]  }
0xbb: {  	v13 =	vor.u32 v0, v41;
	_ =	sdelay $0x2  }
0xbc: {  	v42 =	vbroadcast v10, $0x8  }
0xbd: {  	[tilespmem:v11+s16+$0x0] =	vst.idx.add.f32.msk $0xffff, v12  }
0xbe: {  	v11 =	vshll.u32 v42, $0x7;
	[tilespmem:v13+s17+$0x0] =	vst.idx.add.f32.msk $0xffff, v8  }
0xbf: {  	v43 =	vor.u32 v0, v11;
	v12 =	vld [tilespmem:s25+$0x0];
	_ =	sdelay $0x4  }
0xc0: {  	[tilespmem:v43+s16+$0x0] =	vst.idx.add.f32.msk $0xffff, v12  }
0xc1: {  	v44 =	vor.u32 v1, v11;
	v12 =	vld [tilespmem:s25+$0x10];
	_ =	sdelay $0x4  }
0xc2: {  	[tilespmem:v44+s16+$0x0] =	vst.idx.add.f32.msk $0xffff, v12  }
0xc3: {  	v45 =	vor.u32 v2, v11;
	v12 =	vld [tilespmem:s25+$0x20];
	_ =	sdelay $0x4  }
0xc4: {  	[tilespmem:v45+s16+$0x0] =	vst.idx.add.f32.msk $0xffff, v12  }
0xc5: {  	v46 =	vor.u32 v3, v11;
	v12 =	vld [tilespmem:s25+$0x30];
	_ =	sdelay $0x4  }
0xc6: {  	[tilespmem:v46+s16+$0x0] =	vst.idx.add.f32.msk $0xffff, v12  }
0xc7: {  	v47 =	vor.u32 v4, v11;
	v12 =	vld [tilespmem:s25+$0x40];
	_ =	sdelay $0x4  }
0xc8: {  	[tilespmem:v47+s16+$0x0] =	vst.idx.add.f32.msk $0xffff, v12  }
0xc9: {  	v48 =	vor.u32 v5, v11;
	v12 =	vld [tilespmem:s25+$0x50];
	_ =	sdelay $0x4  }
0xca: {  	[tilespmem:v48+s16+$0x0] =	vst.idx.add.f32.msk $0xffff, v12  }
0xcb: {  	v49 =	vor.u32 v6, v11;
	v12 =	vld [tilespmem:s25+$0x60];
	_ =	sdelay $0x4  }
0xcc: {  	[tilespmem:v49+s16+$0x0] =	vst.idx.add.f32.msk $0xffff, v12  }
0xcd: {  	v50 =	vshll.u32 v42, $0x4;
	v11 =	vor.u32 v7, v11;
	v12 =	vld [tilespmem:s25+$0x70]  }
0xce: {  	v13 =	vor.u32 v0, v50;
	_ =	sdelay $0x2  }
0xcf: {  	v51 =	vbroadcast v10, $0x9  }
0xd0: {  	[tilespmem:v11+s16+$0x0] =	vst.idx.add.f32.msk $0xffff, v12  }
0xd1: {  	v11 =	vshll.u32 v51, $0x7;
	[tilespmem:v13+s17+$0x0] =	vst.idx.add.f32.msk $0xffff, v8  }
0xd2: {  	v52 =	vor.u32 v0, v11;
	v12 =	vld [tilespmem:s25+$0x80];
	_ =	sdelay $0x4  }
0xd3: {  	[tilespmem:v52+s16+$0x0] =	vst.idx.add.f32.msk $0xffff, v12  }
0xd4: {  	v53 =	vor.u32 v1, v11;
	v12 =	vld [tilespmem:s25+$0x90];
	_ =	sdelay $0x4  }
0xd5: {  	[tilespmem:v53+s16+$0x0] =	vst.idx.add.f32.msk $0xffff, v12  }
0xd6: {  	v54 =	vor.u32 v2, v11;
	v12 =	vld [tilespmem:s25+$0xA0];
	_ =	sdelay $0x4  }
0xd7: {  	[tilespmem:v54+s16+$0x0] =	vst.idx.add.f32.msk $0xffff, v12  }
0xd8: {  	v55 =	vor.u32 v3, v11;
	v12 =	vld [tilespmem:s25+$0xB0];
	_ =	sdelay $0x4  }
0xd9: {  	[tilespmem:v55+s16+$0x0] =	vst.idx.add.f32.msk $0xffff, v12  }
0xda: {  	v56 =	vor.u32 v4, v11;
	v12 =	vld [tilespmem:s25+$0xC0];
	_ =	sdelay $0x4  }
0xdb: {  	[tilespmem:v56+s16+$0x0] =	vst.idx.add.f32.msk $0xffff, v12  }
0xdc: {  	v57 =	vor.u32 v5, v11;
	v12 =	vld [tilespmem:s25+$0xD0];
	_ =	sdelay $0x4  }
0xdd: {  	[tilespmem:v57+s16+$0x0] =	vst.idx.add.f32.msk $0xffff, v12  }
0xde: {  	v58 =	vor.u32 v6, v11;
	v12 =	vld [tilespmem:s25+$0xE0];
	_ =	sdelay $0x4  }
0xdf: {  	[tilespmem:v58+s16+$0x0] =	vst.idx.add.f32.msk $0xffff, v12  }
0xe0: {  	v59 =	vshll.u32 v51, $0x4;
	v11 =	vor.u32 v7, v11;
	v12 =	vld [tilespmem:s25+$0xF0]  }
0xe1: {  	v13 =	vor.u32 v0, v59;
	_ =	sdelay $0x2  }
0xe2: {  	v60 =	vbroadcast v10, $0xA  }
0xe3: {  	[tilespmem:v11+s16+$0x0] =	vst.idx.add.f32.msk $0xffff, v12  }
0xe4: {  	v11 =	vshll.u32 v60, $0x7;
	[tilespmem:v13+s17+$0x0] =	vst.idx.add.f32.msk $0xffff, v8  }
0xe5: {  	v61 =	vor.u32 v0, v11;
	v12 =	vld [tilespmem:s25+$0x100];
	_ =	sdelay $0x4  }
0xe6: {  	[tilespmem:v61+s16+$0x0] =	vst.idx.add.f32.msk $0xffff, v12  }
0xe7: {  	v62 =	vor.u32 v1, v11;
	v12 =	vld [tilespmem:s25+$0x110];
	_ =	sdelay $0x4  }
0xe8: {  	[tilespmem:v62+s16+$0x0] =	vst.idx.add.f32.msk $0xffff, v12  }
0xe9: {  	v63 =	vor.u32 v2, v11;
	v12 =	vld [tilespmem:s25+$0x120];
	_ =	sdelay $0x4  }
0xea: {  	[tilespmem:v63+s16+$0x0] =	vst.idx.add.f32.msk $0xffff, v12  }
0xeb: {  	v16 =	vor.u32 v3, v11;
	v12 =	vld [tilespmem:s25+$0x130];
	_ =	sdelay $0x4  }
0xec: {  	[tilespmem:v16+s16+$0x0] =	vst.idx.add.f32.msk $0xffff, v12  }
0xed: {  	v17 =	vor.u32 v4, v11;
	v12 =	vld [tilespmem:s25+$0x140];
	_ =	sdelay $0x4  }
0xee: {  	[tilespmem:v17+s16+$0x0] =	vst.idx.add.f32.msk $0xffff, v12  }
0xef: {  	v18 =	vor.u32 v5, v11;
	v12 =	vld [tilespmem:s25+$0x150];
	_ =	sdelay $0x4  }
0xf0: {  	[tilespmem:v18+s16+$0x0] =	vst.idx.add.f32.msk $0xffff, v12  }
0xf1: {  	v19 =	vor.u32 v6, v11;
	v12 =	vld [tilespmem:s25+$0x160];
	_ =	sdelay $0x4  }
0xf2: {  	[tilespmem:v19+s16+$0x0] =	vst.idx.add.f32.msk $0xffff, v12  }
0xf3: {  	v20 =	vshll.u32 v60, $0x4;
	v11 =	vor.u32 v7, v11;
	v12 =	vld [tilespmem:s25+$0x170]  }
0xf4: {  	v13 =	vor.u32 v0, v20;
	_ =	sdelay $0x2  }
0xf5: {  	v21 =	vbroadcast v10, $0xB  }
0xf6: {  	[tilespmem:v11+s16+$0x0] =	vst.idx.add.f32.msk $0xffff, v12  }
0xf7: {  	v11 =	vshll.u32 v21, $0x7;
	[tilespmem:v13+s17+$0x0] =	vst.idx.add.f32.msk $0xffff, v8  }
0xf8: {  	v22 =	vor.u32 v0, v11;
	v12 =	vld [tilespmem:s25+$0x180];
	_ =	sdelay $0x4  }
0xf9: {  	[tilespmem:v22+s16+$0x0] =	vst.idx.add.f32.msk $0xffff, v12  }
0xfa: {  	v23 =	vor.u32 v1, v11;
	v12 =	vld [tilespmem:s25+$0x190];
	_ =	sdelay $0x4  }
0xfb: {  	[tilespmem:v23+s16+$0x0] =	vst.idx.add.f32.msk $0xffff, v12  }
0xfc: {  	v24 =	vor.u32 v2, v11;
	v12 =	vld [tilespmem:s25+$0x1A0];
	_ =	sdelay $0x4  }
0xfd: {  	[tilespmem:v24+s16+$0x0] =	vst.idx.add.f32.msk $0xffff, v12  }
0xfe: {  	v25 =	vor.u32 v3, v11;
	v12 =	vld [tilespmem:s25+$0x1B0];
	_ =	sdelay $0x4  }
0xff: {  	[tilespmem:v25+s16+$0x0] =	vst.idx.add.f32.msk $0xffff, v12  }
0x100: {  	v26 =	vor.u32 v4, v11;
	v12 =	vld [tilespmem:s25+$0x1C0];
	_ =	sdelay $0x4  }
0x101: {  	[tilespmem:v26+s16+$0x0] =	vst.idx.add.f32.msk $0xffff, v12  }
0x102: {  	v27 =	vor.u32 v5, v11;
	v12 =	vld [tilespmem:s25+$0x1D0];
	_ =	sdelay $0x4  }
0x103: {  	[tilespmem:v27+s16+$0x0] =	vst.idx.add.f32.msk $0xffff, v12  }
0x104: {  	v28 =	vor.u32 v6, v11;
	v12 =	vld [tilespmem:s25+$0x1E0];
	_ =	sdelay $0x4  }
0x105: {  	[tilespmem:v28+s16+$0x0] =	vst.idx.add.f32.msk $0xffff, v12  }
0x106: {  	v29 =	vshll.u32 v21, $0x4;
	v11 =	vor.u32 v7, v11;
	v12 =	vld [tilespmem:s25+$0x1F0]  }
0x107: {  	v13 =	vor.u32 v0, v29;
	_ =	sdelay $0x2  }
0x108: {  	v30 =	vbroadcast v10, $0xC  }
0x109: {  	[tilespmem:v11+s16+$0x0] =	vst.idx.add.f32.msk $0xffff, v12  }
0x10a: {  	v11 =	vshll.u32 v30, $0x7;
	[tilespmem:v13+s17+$0x0] =	vst.idx.add.f32.msk $0xffff, v8  }
0x10b: {  	v31 =	vor.u32 v0, v11;
	v12 =	vld [tilespmem:s25+$0x200];
	_ =	sdelay $0x4  }
0x10c: {  	[tilespmem:v31+s16+$0x0] =	vst.idx.add.f32.msk $0xffff, v12  }
0x10d: {  	v32 =	vor.u32 v1, v11;
	v12 =	vld [tilespmem:s25+$0x210];
	_ =	sdelay $0x4  }
0x10e: {  	[tilespmem:v32+s16+$0x0] =	vst.idx.add.f32.msk $0xffff, v12  }
0x10f: {  	v33 =	vor.u32 v2, v11;
	v12 =	vld [tilespmem:s25+$0x220];
	_ =	sdelay $0x4  }
0x110: {  	[tilespmem:v33+s16+$0x0] =	vst.idx.add.f32.msk $0xffff, v12  }
0x111: {  	v34 =	vor.u32 v3, v11;
	v12 =	vld [tilespmem:s25+$0x230];
	_ =	sdelay $0x4  }
0x112: {  	[tilespmem:v34+s16+$0x0] =	vst.idx.add.f32.msk $0xffff, v12  }
0x113: {  	v35 =	vor.u32 v4, v11;
	v12 =	vld [tilespmem:s25+$0x240];
	_ =	sdelay $0x4  }
0x114: {  	[tilespmem:v35+s16+$0x0] =	vst.idx.add.f32.msk $0xffff, v12  }
0x115: {  	v36 =	vor.u32 v5, v11;
	v12 =	vld [tilespmem:s25+$0x250];
	_ =	sdelay $0x4  }
0x116: {  	[tilespmem:v36+s16+$0x0] =	vst.idx.add.f32.msk $0xffff, v12  }
0x117: {  	v37 =	vor.u32 v6, v11;
	v12 =	vld [tilespmem:s25+$0x260];
	_ =	sdelay $0x4  }
0x118: {  	[tilespmem:v37+s16+$0x0] =	vst.idx.add.f32.msk $0xffff, v12  }
0x119: {  	v38 =	vshll.u32 v30, $0x4;
	v11 =	vor.u32 v7, v11;
	v12 =	vld [tilespmem:s25+$0x270]  }
0x11a: {  	v13 =	vor.u32 v0, v38;
	_ =	sdelay $0x2  }
0x11b: {  	v39 =	vbroadcast v10, $0xD  }
0x11c: {  	[tilespmem:v11+s16+$0x0] =	vst.idx.add.f32.msk $0xffff, v12  }
0x11d: {  	v11 =	vshll.u32 v39, $0x7;
	[tilespmem:v13+s17+$0x0] =	vst.idx.add.f32.msk $0xffff, v8  }
0x11e: {  	v40 =	vor.u32 v0, v11;
	v12 =	vld [tilespmem:s25+$0x280];
	_ =	sdelay $0x4  }
0x11f: {  	[tilespmem:v40+s16+$0x0] =	vst.idx.add.f32.msk $0xffff, v12  }
0x120: {  	v41 =	vor.u32 v1, v11;
	v12 =	vld [tilespmem:s25+$0x290];
	_ =	sdelay $0x4  }
0x121: {  	[tilespmem:v41+s16+$0x0] =	vst.idx.add.f32.msk $0xffff, v12  }
0x122: {  	v42 =	vor.u32 v2, v11;
	v12 =	vld [tilespmem:s25+$0x2A0];
	_ =	sdelay $0x4  }
0x123: {  	[tilespmem:v42+s16+$0x0] =	vst.idx.add.f32.msk $0xffff, v12  }
0x124: {  	v43 =	vor.u32 v3, v11;
	v12 =	vld [tilespmem:s25+$0x2B0];
	_ =	sdelay $0x4  }
0x125: {  	[tilespmem:v43+s16+$0x0] =	vst.idx.add.f32.msk $0xffff, v12  }
0x126: {  	v44 =	vor.u32 v4, v11;
	v12 =	vld [tilespmem:s25+$0x2C0];
	_ =	sdelay $0x4  }
0x127: {  	[tilespmem:v44+s16+$0x0] =	vst.idx.add.f32.msk $0xffff, v12  }
0x128: {  	v45 =	vor.u32 v5, v11;
	v12 =	vld [tilespmem:s25+$0x2D0];
	_ =	sdelay $0x4  }
0x129: {  	[tilespmem:v45+s16+$0x0] =	vst.idx.add.f32.msk $0xffff, v12  }
0x12a: {  	v46 =	vor.u32 v6, v11;
	v12 =	vld [tilespmem:s25+$0x2E0];
	_ =	sdelay $0x4  }
0x12b: {  	[tilespmem:v46+s16+$0x0] =	vst.idx.add.f32.msk $0xffff, v12  }
0x12c: {  	v47 =	vshll.u32 v39, $0x4;
	v11 =	vor.u32 v7, v11;
	v12 =	vld [tilespmem:s25+$0x2F0]  }
0x12d: {  	v13 =	vor.u32 v0, v47;
	_ =	sdelay $0x2  }
0x12e: {  	v48 =	vbroadcast v10, $0xE  }
0x12f: {  	[tilespmem:v11+s16+$0x0] =	vst.idx.add.f32.msk $0xffff, v12  }
0x130: {  	v11 =	vshll.u32 v48, $0x7;
	[tilespmem:v13+s17+$0x0] =	vst.idx.add.f32.msk $0xffff, v8  }
0x131: {  	v49 =	vor.u32 v0, v11;
	v12 =	vld [tilespmem:s25+$0x300];
	_ =	sdelay $0x4  }
0x132: {  	[tilespmem:v49+s16+$0x0] =	vst.idx.add.f32.msk $0xffff, v12  }
0x133: {  	v50 =	vor.u32 v1, v11;
	v12 =	vld [tilespmem:s25+$0x310];
	_ =	sdelay $0x4  }
0x134: {  	[tilespmem:v50+s16+$0x0] =	vst.idx.add.f32.msk $0xffff, v12  }
0x135: {  	v51 =	vor.u32 v2, v11;
	v12 =	vld [tilespmem:s25+$0x320];
	_ =	sdelay $0x4  }
0x136: {  	[tilespmem:v51+s16+$0x0] =	vst.idx.add.f32.msk $0xffff, v12  }
0x137: {  	v52 =	vor.u32 v3, v11;
	v12 =	vld [tilespmem:s25+$0x330];
	_ =	sdelay $0x4  }
0x138: {  	[tilespmem:v52+s16+$0x0] =	vst.idx.add.f32.msk $0xffff, v12  }
0x139: {  	v53 =	vor.u32 v4, v11;
	v12 =	vld [tilespmem:s25+$0x340];
	_ =	sdelay $0x4  }
0x13a: {  	[tilespmem:v53+s16+$0x0] =	vst.idx.add.f32.msk $0xffff, v12  }
0x13b: {  	v54 =	vor.u32 v5, v11;
	v12 =	vld [tilespmem:s25+$0x350];
	_ =	sdelay $0x4  }
0x13c: {  	[tilespmem:v54+s16+$0x0] =	vst.idx.add.f32.msk $0xffff, v12  }
0x13d: {  	v55 =	vor.u32 v6, v11;
	v12 =	vld [tilespmem:s25+$0x360];
	_ =	sdelay $0x4  }
0x13e: {  	[tilespmem:v55+s16+$0x0] =	vst.idx.add.f32.msk $0xffff, v12  }
0x13f: {  	v56 =	vshll.u32 v48, $0x4;
	v11 =	vor.u32 v7, v11;
	v12 =	vld [tilespmem:s25+$0x370]  }
0x140: {  	v13 =	vor.u32 v0, v56;
	_ =	sdelay $0x2  }
0x141: {  	v10 =	vbroadcast v10, $0xF  }
0x142: {  	[tilespmem:v11+s16+$0x0] =	vst.idx.add.f32.msk $0xffff, v12  }
0x143: {  	v11 =	vshll.u32 v10, $0x7;
	[tilespmem:v13+s17+$0x0] =	vst.idx.add.f32.msk $0xffff, v8  }
0x144: {  	v57 =	vor.u32 v0, v11;
	v12 =	vld [tilespmem:s25+$0x380];
	_ =	sdelay $0x4  }
0x145: {  	[tilespmem:v57+s16+$0x0] =	vst.idx.add.f32.msk $0xffff, v12  }
0x146: {  	v58 =	vor.u32 v1, v11;
	v12 =	vld [tilespmem:s25+$0x390];
	_ =	sdelay $0x4  }
0x147: {  	[tilespmem:v58+s16+$0x0] =	vst.idx.add.f32.msk $0xffff, v12  }
0x148: {  	v59 =	vor.u32 v2, v11;
	v12 =	vld [tilespmem:s25+$0x3A0];
	_ =	sdelay $0x4  }
0x149: {  	[tilespmem:v59+s16+$0x0] =	vst.idx.add.f32.msk $0xffff, v12  }
0x14a: {  	v60 =	vor.u32 v3, v11;
	v12 =	vld [tilespmem:s25+$0x3B0];
	_ =	sdelay $0x4  }
0x14b: {  	[tilespmem:v60+s16+$0x0] =	vst.idx.add.f32.msk $0xffff, v12  }
0x14c: {  	v61 =	vor.u32 v4, v11;
	v12 =	vld [tilespmem:s25+$0x3C0];
	_ =	sdelay $0x4  }
0x14d: {  	[tilespmem:v61+s16+$0x0] =	vst.idx.add.f32.msk $0xffff, v12  }
0x14e: {  	v62 =	vor.u32 v5, v11;
	v12 =	vld [tilespmem:s25+$0x3D0];
	_ =	sdelay $0x4  }
0x14f: {  	[tilespmem:v62+s16+$0x0] =	vst.idx.add.f32.msk $0xffff, v12  }
0x150: {  	v63 =	vor.u32 v6, v11;
	v12 =	vld [tilespmem:s25+$0x3E0];
	_ =	sdelay $0x4  }
0x151: {  	[tilespmem:v63+s16+$0x0] =	vst.idx.add.f32.msk $0xffff, v12  }
0x152: {  	v10 =	vshll.u32 v10, $0x4;
	v11 =	vor.u32 v7, v11;
	v12 =	vld [tilespmem:s25+$0x3F0]  }
0x153: {  	p0 =	sne.s32 s24, $0x1C0;
	v10 =	vor.u32 v0, v10  }
.Ltmp0:
0x154: {  	_ = 	snop;
	(pc) =	sbr.rel @p0 .LBB2_3-.Ltmp0, $3  }
0x155: {  	_ =	sdelay $0x1  }
0x156: {  	[tilespmem:v11+s16+$0x0] =	vst.idx.add.f32.msk $0xffff, v12  }
0x157: {  	s24 =	sadd.s32 $0x40, s24;
	s25 =	sadd.s32 $0x800, s25;
	[tilespmem:v10+s17+$0x0] =	vst.idx.add.f32.msk $0xffff, v8  }
0x158: {  	s24 =	sshll.u32 s23, $0x8  }
0x159: {  	s25 =	sadd.s32 s24, s9  }
0x15a: {  	s25 =	smin.u32 s25, $0x18620  }
0x15b: {  	s25 =	sshll.u32 s25, $0x4  }
0x15c: {  	s26 =	sadd.s32 s2, s25;
	s25 =	simm.s32 $0x0  }
0x15d: {  	v9 =	vmov s22;
	[tilespmem:s25], [sflag:$0x1] =	stream.linear.gather [hbm4b:s26+s25], $0x4000, $0x38;
	[tilespmem:$0x12100] =	vst v63  }
0x15e: {  	_ =	swait.ge [sflag:s19], $0x4000  }
0x15f: {  	[sflag:s19] =	ssyncset.done $0x0  }
0x160: {  	s26 =	simm.s32 $0x4400;
	[sflag:s19] =	ssyncadd.s32 $0xFFFFC000  }
.LBB2_5:
0x161: {  	s28 =	sshra.s32 s25, $0x2  }
0x162: {  	v10 =	vld.idx.msk [tilespmem:v9+s28+$0x0 ss:$0x1], $0xffff;
	_ =	sdelay $0x4  }
0x163: {  	v11 =	vbroadcast v10, $0x0;
	_ =	sdelay $0x1  }
0x164: {  	v12 =	vshll.u32 v11, $0x7  }
0x165: {  	v13 =	vld [tilespmem:s26+$0xFFFFFC00];
	v14 =	vor.u32 v0, v12;
	_ =	sdelay $0x4  }
0x166: {  	[tilespmem:v14+s16+$0x0] =	vst.idx.add.f32.msk $0xffff, v13  }
0x167: {  	v21 =	vor.u32 v1, v12;
	v13 =	vld [tilespmem:s26+$0xFFFFFC10];
	_ =	sdelay $0x4  }
0x168: {  	[tilespmem:v21+s16+$0x0] =	vst.idx.add.f32.msk $0xffff, v13  }
0x169: {  	v22 =	vor.u32 v2, v12;
	v13 =	vld [tilespmem:s26+$0xFFFFFC20];
	_ =	sdelay $0x4  }
0x16a: {  	[tilespmem:v22+s16+$0x0] =	vst.idx.add.f32.msk $0xffff, v13  }
0x16b: {  	v23 =	vor.u32 v3, v12;
	v13 =	vld [tilespmem:s26+$0xFFFFFC30];
	_ =	sdelay $0x4  }
0x16c: {  	[tilespmem:v23+s16+$0x0] =	vst.idx.add.f32.msk $0xffff, v13  }
0x16d: {  	v24 =	vor.u32 v4, v12;
	v13 =	vld [tilespmem:s26+$0xFFFFFC40];
	_ =	sdelay $0x4  }
0x16e: {  	[tilespmem:v24+s16+$0x0] =	vst.idx.add.f32.msk $0xffff, v13  }
0x16f: {  	v25 =	vor.u32 v5, v12;
	v13 =	vld [tilespmem:s26+$0xFFFFFC50];
	_ =	sdelay $0x4  }
0x170: {  	[tilespmem:v25+s16+$0x0] =	vst.idx.add.f32.msk $0xffff, v13  }
0x171: {  	v26 =	vor.u32 v6, v12;
	v13 =	vld [tilespmem:s26+$0xFFFFFC60];
	_ =	sdelay $0x4  }
0x172: {  	[tilespmem:v26+s16+$0x0] =	vst.idx.add.f32.msk $0xffff, v13  }
0x173: {  	v11 =	vshll.u32 v11, $0x4;
	v12 =	vor.u32 v7, v12;
	v13 =	vld [tilespmem:s26+$0xFFFFFC70]  }
0x174: {  	v11 =	vor.u32 v0, v11;
	_ =	sdelay $0x2  }
0x175: {  	v27 =	vbroadcast v10, $0x1  }
0x176: {  	[tilespmem:v12+s16+$0x0] =	vst.idx.add.f32.msk $0xffff, v13  }
0x177: {  	[tilespmem:v11+s17+$0x0] =	vst.idx.add.f32.msk $0xffff, v8;
	v11 =	vshll.u32 v27, $0x7  }
0x178: {  	v12 =	vld [tilespmem:s26+$0xFFFFFC80];
	v28 =	vor.u32 v0, v11;
	_ =	sdelay $0x4  }
0x179: {  	[tilespmem:v28+s16+$0x0] =	vst.idx.add.f32.msk $0xffff, v12  }
0x17a: {  	v29 =	vor.u32 v1, v11;
	v12 =	vld [tilespmem:s26+$0xFFFFFC90];
	_ =	sdelay $0x4  }
0x17b: {  	[tilespmem:v29+s16+$0x0] =	vst.idx.add.f32.msk $0xffff, v12  }
0x17c: {  	v30 =	vor.u32 v2, v11;
	v12 =	vld [tilespmem:s26+$0xFFFFFCA0];
	_ =	sdelay $0x4  }
0x17d: {  	[tilespmem:v30+s16+$0x0] =	vst.idx.add.f32.msk $0xffff, v12  }
0x17e: {  	v31 =	vor.u32 v3, v11;
	v12 =	vld [tilespmem:s26+$0xFFFFFCB0];
	_ =	sdelay $0x4  }
0x17f: {  	[tilespmem:v31+s16+$0x0] =	vst.idx.add.f32.msk $0xffff, v12  }
0x180: {  	v32 =	vor.u32 v4, v11;
	v12 =	vld [tilespmem:s26+$0xFFFFFCC0];
	_ =	sdelay $0x4  }
0x181: {  	[tilespmem:v32+s16+$0x0] =	vst.idx.add.f32.msk $0xffff, v12  }
0x182: {  	v33 =	vor.u32 v5, v11;
	v12 =	vld [tilespmem:s26+$0xFFFFFCD0];
	_ =	sdelay $0x4  }
0x183: {  	[tilespmem:v33+s16+$0x0] =	vst.idx.add.f32.msk $0xffff, v12  }
0x184: {  	v34 =	vor.u32 v6, v11;
	v12 =	vld [tilespmem:s26+$0xFFFFFCE0];
	_ =	sdelay $0x4  }
0x185: {  	[tilespmem:v34+s16+$0x0] =	vst.idx.add.f32.msk $0xffff, v12  }
0x186: {  	v35 =	vshll.u32 v27, $0x4;
	v11 =	vor.u32 v7, v11;
	v12 =	vld [tilespmem:s26+$0xFFFFFCF0]  }
0x187: {  	v13 =	vor.u32 v0, v35;
	_ =	sdelay $0x2  }
0x188: {  	v36 =	vbroadcast v10, $0x2  }
0x189: {  	[tilespmem:v11+s16+$0x0] =	vst.idx.add.f32.msk $0xffff, v12  }
0x18a: {  	v11 =	vshll.u32 v36, $0x7;
	[tilespmem:v13+s17+$0x0] =	vst.idx.add.f32.msk $0xffff, v8  }
0x18b: {  	v37 =	vor.u32 v0, v11;
	v12 =	vld [tilespmem:s26+$0xFFFFFD00];
	_ =	sdelay $0x4  }
0x18c: {  	[tilespmem:v37+s16+$0x0] =	vst.idx.add.f32.msk $0xffff, v12  }
0x18d: {  	v38 =	vor.u32 v1, v11;
	v12 =	vld [tilespmem:s26+$0xFFFFFD10];
	_ =	sdelay $0x4  }
0x18e: {  	[tilespmem:v38+s16+$0x0] =	vst.idx.add.f32.msk $0xffff, v12  }
0x18f: {  	v39 =	vor.u32 v2, v11;
	v12 =	vld [tilespmem:s26+$0xFFFFFD20];
	_ =	sdelay $0x4  }
0x190: {  	[tilespmem:v39+s16+$0x0] =	vst.idx.add.f32.msk $0xffff, v12  }
0x191: {  	v40 =	vor.u32 v3, v11;
	v12 =	vld [tilespmem:s26+$0xFFFFFD30];
	_ =	sdelay $0x4  }
0x192: {  	[tilespmem:v40+s16+$0x0] =	vst.idx.add.f32.msk $0xffff, v12  }
0x193: {  	v41 =	vor.u32 v4, v11;
	v12 =	vld [tilespmem:s26+$0xFFFFFD40];
	_ =	sdelay $0x4  }
0x194: {  	[tilespmem:v41+s16+$0x0] =	vst.idx.add.f32.msk $0xffff, v12  }
0x195: {  	v42 =	vor.u32 v5, v11;
	v12 =	vld [tilespmem:s26+$0xFFFFFD50];
	_ =	sdelay $0x4  }
0x196: {  	[tilespmem:v42+s16+$0x0] =	vst.idx.add.f32.msk $0xffff, v12  }
0x197: {  	v43 =	vor.u32 v6, v11;
	v12 =	vld [tilespmem:s26+$0xFFFFFD60];
	_ =	sdelay $0x4  }
0x198: {  	[tilespmem:v43+s16+$0x0] =	vst.idx.add.f32.msk $0xffff, v12  }
0x199: {  	v44 =	vshll.u32 v36, $0x4;
	v11 =	vor.u32 v7, v11;
	v12 =	vld [tilespmem:s26+$0xFFFFFD70]  }
0x19a: {  	v13 =	vor.u32 v0, v44;
	_ =	sdelay $0x2  }
0x19b: {  	v45 =	vbroadcast v10, $0x3  }
0x19c: {  	[tilespmem:v11+s16+$0x0] =	vst.idx.add.f32.msk $0xffff, v12  }
0x19d: {  	v11 =	vshll.u32 v45, $0x7;
	[tilespmem:v13+s17+$0x0] =	vst.idx.add.f32.msk $0xffff, v8  }
0x19e: {  	v46 =	vor.u32 v0, v11;
	v12 =	vld [tilespmem:s26+$0xFFFFFD80];
	_ =	sdelay $0x4  }
0x19f: {  	[tilespmem:v46+s16+$0x0] =	vst.idx.add.f32.msk $0xffff, v12  }
0x1a0: {  	v47 =	vor.u32 v1, v11;
	v12 =	vld [tilespmem:s26+$0xFFFFFD90];
	_ =	sdelay $0x4  }
0x1a1: {  	[tilespmem:v47+s16+$0x0] =	vst.idx.add.f32.msk $0xffff, v12  }
0x1a2: {  	v48 =	vor.u32 v2, v11;
	v12 =	vld [tilespmem:s26+$0xFFFFFDA0];
	_ =	sdelay $0x4  }
0x1a3: {  	[tilespmem:v48+s16+$0x0] =	vst.idx.add.f32.msk $0xffff, v12  }
0x1a4: {  	v49 =	vor.u32 v3, v11;
	v12 =	vld [tilespmem:s26+$0xFFFFFDB0];
	_ =	sdelay $0x4  }
0x1a5: {  	[tilespmem:v49+s16+$0x0] =	vst.idx.add.f32.msk $0xffff, v12  }
0x1a6: {  	v50 =	vor.u32 v4, v11;
	v12 =	vld [tilespmem:s26+$0xFFFFFDC0];
	_ =	sdelay $0x4  }
0x1a7: {  	[tilespmem:v50+s16+$0x0] =	vst.idx.add.f32.msk $0xffff, v12  }
0x1a8: {  	v51 =	vor.u32 v5, v11;
	v12 =	vld [tilespmem:s26+$0xFFFFFDD0];
	_ =	sdelay $0x4  }
0x1a9: {  	[tilespmem:v51+s16+$0x0] =	vst.idx.add.f32.msk $0xffff, v12  }
0x1aa: {  	v52 =	vor.u32 v6, v11;
	v12 =	vld [tilespmem:s26+$0xFFFFFDE0];
	_ =	sdelay $0x4  }
0x1ab: {  	[tilespmem:v52+s16+$0x0] =	vst.idx.add.f32.msk $0xffff, v12  }
0x1ac: {  	v53 =	vshll.u32 v45, $0x4;
	v11 =	vor.u32 v7, v11;
	v12 =	vld [tilespmem:s26+$0xFFFFFDF0]  }
0x1ad: {  	v13 =	vor.u32 v0, v53;
	_ =	sdelay $0x2  }
0x1ae: {  	v54 =	vbroadcast v10, $0x4  }
0x1af: {  	[tilespmem:v11+s16+$0x0] =	vst.idx.add.f32.msk $0xffff, v12  }
0x1b0: {  	v11 =	vshll.u32 v54, $0x7;
	[tilespmem:v13+s17+$0x0] =	vst.idx.add.f32.msk $0xffff, v8  }
0x1b1: {  	v55 =	vor.u32 v0, v11;
	v12 =	vld [tilespmem:s26+$0xFFFFFE00];
	_ =	sdelay $0x4  }
0x1b2: {  	[tilespmem:v55+s16+$0x0] =	vst.idx.add.f32.msk $0xffff, v12  }
0x1b3: {  	v56 =	vor.u32 v1, v11;
	v12 =	vld [tilespmem:s26+$0xFFFFFE10];
	_ =	sdelay $0x4  }
0x1b4: {  	[tilespmem:v56+s16+$0x0] =	vst.idx.add.f32.msk $0xffff, v12  }
0x1b5: {  	v57 =	vor.u32 v2, v11;
	v12 =	vld [tilespmem:s26+$0xFFFFFE20];
	_ =	sdelay $0x4  }
0x1b6: {  	[tilespmem:v57+s16+$0x0] =	vst.idx.add.f32.msk $0xffff, v12  }
0x1b7: {  	v58 =	vor.u32 v3, v11;
	v12 =	vld [tilespmem:s26+$0xFFFFFE30];
	_ =	sdelay $0x4  }
0x1b8: {  	[tilespmem:v58+s16+$0x0] =	vst.idx.add.f32.msk $0xffff, v12  }
0x1b9: {  	v59 =	vor.u32 v4, v11;
	v12 =	vld [tilespmem:s26+$0xFFFFFE40];
	_ =	sdelay $0x4  }
0x1ba: {  	[tilespmem:v59+s16+$0x0] =	vst.idx.add.f32.msk $0xffff, v12  }
0x1bb: {  	v60 =	vor.u32 v5, v11;
	v12 =	vld [tilespmem:s26+$0xFFFFFE50];
	_ =	sdelay $0x4  }
0x1bc: {  	[tilespmem:v60+s16+$0x0] =	vst.idx.add.f32.msk $0xffff, v12  }
0x1bd: {  	v61 =	vor.u32 v6, v11;
	v12 =	vld [tilespmem:s26+$0xFFFFFE60];
	_ =	sdelay $0x4  }
0x1be: {  	[tilespmem:v61+s16+$0x0] =	vst.idx.add.f32.msk $0xffff, v12  }
0x1bf: {  	v62 =	vshll.u32 v54, $0x4;
	v11 =	vor.u32 v7, v11;
	v12 =	vld [tilespmem:s26+$0xFFFFFE70]  }
0x1c0: {  	v13 =	vor.u32 v0, v62;
	_ =	sdelay $0x2  }
0x1c1: {  	v63 =	vbroadcast v10, $0x5  }
0x1c2: {  	[tilespmem:v11+s16+$0x0] =	vst.idx.add.f32.msk $0xffff, v12  }
0x1c3: {  	v11 =	vshll.u32 v63, $0x7;
	[tilespmem:v13+s17+$0x0] =	vst.idx.add.f32.msk $0xffff, v8  }
0x1c4: {  	v16 =	vor.u32 v0, v11;
	v12 =	vld [tilespmem:s26+$0xFFFFFE80];
	_ =	sdelay $0x4  }
0x1c5: {  	[tilespmem:v16+s16+$0x0] =	vst.idx.add.f32.msk $0xffff, v12  }
0x1c6: {  	v17 =	vor.u32 v1, v11;
	v12 =	vld [tilespmem:s26+$0xFFFFFE90];
	_ =	sdelay $0x4  }
0x1c7: {  	[tilespmem:v17+s16+$0x0] =	vst.idx.add.f32.msk $0xffff, v12  }
0x1c8: {  	v18 =	vor.u32 v2, v11;
	v12 =	vld [tilespmem:s26+$0xFFFFFEA0];
	_ =	sdelay $0x4  }
0x1c9: {  	[tilespmem:v18+s16+$0x0] =	vst.idx.add.f32.msk $0xffff, v12  }
0x1ca: {  	v19 =	vor.u32 v3, v11;
	v12 =	vld [tilespmem:s26+$0xFFFFFEB0];
	_ =	sdelay $0x4  }
0x1cb: {  	[tilespmem:v19+s16+$0x0] =	vst.idx.add.f32.msk $0xffff, v12  }
0x1cc: {  	v20 =	vor.u32 v4, v11;
	v12 =	vld [tilespmem:s26+$0xFFFFFEC0];
	_ =	sdelay $0x4  }
0x1cd: {  	[tilespmem:v20+s16+$0x0] =	vst.idx.add.f32.msk $0xffff, v12  }
0x1ce: {  	v21 =	vor.u32 v5, v11;
	v12 =	vld [tilespmem:s26+$0xFFFFFED0];
	_ =	sdelay $0x4  }
0x1cf: {  	[tilespmem:v21+s16+$0x0] =	vst.idx.add.f32.msk $0xffff, v12  }
0x1d0: {  	v22 =	vor.u32 v6, v11;
	v12 =	vld [tilespmem:s26+$0xFFFFFEE0];
	_ =	sdelay $0x4  }
0x1d1: {  	[tilespmem:v22+s16+$0x0] =	vst.idx.add.f32.msk $0xffff, v12  }
0x1d2: {  	v23 =	vshll.u32 v63, $0x4;
	v11 =	vor.u32 v7, v11;
	v12 =	vld [tilespmem:s26+$0xFFFFFEF0]  }
0x1d3: {  	v13 =	vor.u32 v0, v23;
	_ =	sdelay $0x2  }
0x1d4: {  	v24 =	vbroadcast v10, $0x6  }
0x1d5: {  	[tilespmem:v11+s16+$0x0] =	vst.idx.add.f32.msk $0xffff, v12  }
0x1d6: {  	v11 =	vshll.u32 v24, $0x7;
	[tilespmem:v13+s17+$0x0] =	vst.idx.add.f32.msk $0xffff, v8  }
0x1d7: {  	v25 =	vor.u32 v0, v11;
	v12 =	vld [tilespmem:s26+$0xFFFFFF00];
	_ =	sdelay $0x4  }
0x1d8: {  	[tilespmem:v25+s16+$0x0] =	vst.idx.add.f32.msk $0xffff, v12  }
0x1d9: {  	v26 =	vor.u32 v1, v11;
	v12 =	vld [tilespmem:s26+$0xFFFFFF10];
	_ =	sdelay $0x4  }
0x1da: {  	[tilespmem:v26+s16+$0x0] =	vst.idx.add.f32.msk $0xffff, v12  }
0x1db: {  	v27 =	vor.u32 v2, v11;
	v12 =	vld [tilespmem:s26+$0xFFFFFF20];
	_ =	sdelay $0x4  }
0x1dc: {  	[tilespmem:v27+s16+$0x0] =	vst.idx.add.f32.msk $0xffff, v12  }
0x1dd: {  	v28 =	vor.u32 v3, v11;
	v12 =	vld [tilespmem:s26+$0xFFFFFF30];
	_ =	sdelay $0x4  }
0x1de: {  	[tilespmem:v28+s16+$0x0] =	vst.idx.add.f32.msk $0xffff, v12  }
0x1df: {  	v29 =	vor.u32 v4, v11;
	v12 =	vld [tilespmem:s26+$0xFFFFFF40];
	_ =	sdelay $0x4  }
0x1e0: {  	[tilespmem:v29+s16+$0x0] =	vst.idx.add.f32.msk $0xffff, v12  }
0x1e1: {  	v30 =	vor.u32 v5, v11;
	v12 =	vld [tilespmem:s26+$0xFFFFFF50];
	_ =	sdelay $0x4  }
0x1e2: {  	[tilespmem:v30+s16+$0x0] =	vst.idx.add.f32.msk $0xffff, v12  }
0x1e3: {  	v31 =	vor.u32 v6, v11;
	v12 =	vld [tilespmem:s26+$0xFFFFFF60];
	_ =	sdelay $0x4  }
0x1e4: {  	[tilespmem:v31+s16+$0x0] =	vst.idx.add.f32.msk $0xffff, v12  }
0x1e5: {  	v32 =	vshll.u32 v24, $0x4;
	v11 =	vor.u32 v7, v11;
	v12 =	vld [tilespmem:s26+$0xFFFFFF70]  }
0x1e6: {  	v13 =	vor.u32 v0, v32;
	_ =	sdelay $0x2  }
0x1e7: {  	v33 =	vbroadcast v10, $0x7  }
0x1e8: {  	[tilespmem:v11+s16+$0x0] =	vst.idx.add.f32.msk $0xffff, v12  }
0x1e9: {  	v11 =	vshll.u32 v33, $0x7;
	[tilespmem:v13+s17+$0x0] =	vst.idx.add.f32.msk $0xffff, v8  }
0x1ea: {  	v34 =	vor.u32 v0, v11;
	v12 =	vld [tilespmem:s26+$0xFFFFFF80];
	_ =	sdelay $0x4  }
0x1eb: {  	[tilespmem:v34+s16+$0x0] =	vst.idx.add.f32.msk $0xffff, v12  }
0x1ec: {  	v35 =	vor.u32 v1, v11;
	v12 =	vld [tilespmem:s26+$0xFFFFFF90];
	_ =	sdelay $0x4  }
0x1ed: {  	[tilespmem:v35+s16+$0x0] =	vst.idx.add.f32.msk $0xffff, v12  }
0x1ee: {  	v36 =	vor.u32 v2, v11;
	v12 =	vld [tilespmem:s26+$0xFFFFFFA0];
	_ =	sdelay $0x4  }
0x1ef: {  	[tilespmem:v36+s16+$0x0] =	vst.idx.add.f32.msk $0xffff, v12  }
0x1f0: {  	v37 =	vor.u32 v3, v11;
	v12 =	vld [tilespmem:s26+$0xFFFFFFB0];
	_ =	sdelay $0x4  }
0x1f1: {  	[tilespmem:v37+s16+$0x0] =	vst.idx.add.f32.msk $0xffff, v12  }
0x1f2: {  	v38 =	vor.u32 v4, v11;
	v12 =	vld [tilespmem:s26+$0xFFFFFFC0];
	_ =	sdelay $0x4  }
0x1f3: {  	[tilespmem:v38+s16+$0x0] =	vst.idx.add.f32.msk $0xffff, v12  }
0x1f4: {  	v39 =	vor.u32 v5, v11;
	v12 =	vld [tilespmem:s26+$0xFFFFFFD0];
	_ =	sdelay $0x4  }
0x1f5: {  	[tilespmem:v39+s16+$0x0] =	vst.idx.add.f32.msk $0xffff, v12  }
0x1f6: {  	v40 =	vor.u32 v6, v11;
	v12 =	vld [tilespmem:s26+$0xFFFFFFE0];
	_ =	sdelay $0x4  }
0x1f7: {  	[tilespmem:v40+s16+$0x0] =	vst.idx.add.f32.msk $0xffff, v12  }
0x1f8: {  	v41 =	vshll.u32 v33, $0x4;
	v11 =	vor.u32 v7, v11;
	v12 =	vld [tilespmem:s26+$0xFFFFFFF0]  }
0x1f9: {  	v13 =	vor.u32 v0, v41;
	_ =	sdelay $0x2  }
0x1fa: {  	v42 =	vbroadcast v10, $0x8  }
0x1fb: {  	[tilespmem:v11+s16+$0x0] =	vst.idx.add.f32.msk $0xffff, v12  }
0x1fc: {  	v11 =	vshll.u32 v42, $0x7;
	[tilespmem:v13+s17+$0x0] =	vst.idx.add.f32.msk $0xffff, v8  }
0x1fd: {  	v43 =	vor.u32 v0, v11;
	v12 =	vld [tilespmem:s26+$0x0];
	_ =	sdelay $0x4  }
0x1fe: {  	[tilespmem:v43+s16+$0x0] =	vst.idx.add.f32.msk $0xffff, v12  }
0x1ff: {  	v44 =	vor.u32 v1, v11;
	v12 =	vld [tilespmem:s26+$0x10];
	_ =	sdelay $0x4  }
0x200: {  	[tilespmem:v44+s16+$0x0] =	vst.idx.add.f32.msk $0xffff, v12  }
0x201: {  	v45 =	vor.u32 v2, v11;
	v12 =	vld [tilespmem:s26+$0x20];
	_ =	sdelay $0x4  }
0x202: {  	[tilespmem:v45+s16+$0x0] =	vst.idx.add.f32.msk $0xffff, v12  }
0x203: {  	v46 =	vor.u32 v3, v11;
	v12 =	vld [tilespmem:s26+$0x30];
	_ =	sdelay $0x4  }
0x204: {  	[tilespmem:v46+s16+$0x0] =	vst.idx.add.f32.msk $0xffff, v12  }
0x205: {  	v47 =	vor.u32 v4, v11;
	v12 =	vld [tilespmem:s26+$0x40];
	_ =	sdelay $0x4  }
0x206: {  	[tilespmem:v47+s16+$0x0] =	vst.idx.add.f32.msk $0xffff, v12  }
0x207: {  	v48 =	vor.u32 v5, v11;
	v12 =	vld [tilespmem:s26+$0x50];
	_ =	sdelay $0x4  }
0x208: {  	[tilespmem:v48+s16+$0x0] =	vst.idx.add.f32.msk $0xffff, v12  }
0x209: {  	v49 =	vor.u32 v6, v11;
	v12 =	vld [tilespmem:s26+$0x60];
	_ =	sdelay $0x4  }
0x20a: {  	[tilespmem:v49+s16+$0x0] =	vst.idx.add.f32.msk $0xffff, v12  }
0x20b: {  	v50 =	vshll.u32 v42, $0x4;
	v11 =	vor.u32 v7, v11;
	v12 =	vld [tilespmem:s26+$0x70]  }
0x20c: {  	v13 =	vor.u32 v0, v50;
	_ =	sdelay $0x2  }
0x20d: {  	v51 =	vbroadcast v10, $0x9  }
0x20e: {  	[tilespmem:v11+s16+$0x0] =	vst.idx.add.f32.msk $0xffff, v12  }
0x20f: {  	v11 =	vshll.u32 v51, $0x7;
	[tilespmem:v13+s17+$0x0] =	vst.idx.add.f32.msk $0xffff, v8  }
0x210: {  	v52 =	vor.u32 v0, v11;
	v12 =	vld [tilespmem:s26+$0x80];
	_ =	sdelay $0x4  }
0x211: {  	[tilespmem:v52+s16+$0x0] =	vst.idx.add.f32.msk $0xffff, v12  }
0x212: {  	v53 =	vor.u32 v1, v11;
	v12 =	vld [tilespmem:s26+$0x90];
	_ =	sdelay $0x4  }
0x213: {  	[tilespmem:v53+s16+$0x0] =	vst.idx.add.f32.msk $0xffff, v12  }
0x214: {  	v54 =	vor.u32 v2, v11;
	v12 =	vld [tilespmem:s26+$0xA0];
	_ =	sdelay $0x4  }
0x215: {  	[tilespmem:v54+s16+$0x0] =	vst.idx.add.f32.msk $0xffff, v12  }
0x216: {  	v55 =	vor.u32 v3, v11;
	v12 =	vld [tilespmem:s26+$0xB0];
	_ =	sdelay $0x4  }
0x217: {  	[tilespmem:v55+s16+$0x0] =	vst.idx.add.f32.msk $0xffff, v12  }
0x218: {  	v56 =	vor.u32 v4, v11;
	v12 =	vld [tilespmem:s26+$0xC0];
	_ =	sdelay $0x4  }
0x219: {  	[tilespmem:v56+s16+$0x0] =	vst.idx.add.f32.msk $0xffff, v12  }
0x21a: {  	v57 =	vor.u32 v5, v11;
	v12 =	vld [tilespmem:s26+$0xD0];
	_ =	sdelay $0x4  }
0x21b: {  	[tilespmem:v57+s16+$0x0] =	vst.idx.add.f32.msk $0xffff, v12  }
0x21c: {  	v58 =	vor.u32 v6, v11;
	v12 =	vld [tilespmem:s26+$0xE0];
	_ =	sdelay $0x4  }
0x21d: {  	[tilespmem:v58+s16+$0x0] =	vst.idx.add.f32.msk $0xffff, v12  }
0x21e: {  	v59 =	vshll.u32 v51, $0x4;
	v11 =	vor.u32 v7, v11;
	v12 =	vld [tilespmem:s26+$0xF0]  }
0x21f: {  	v13 =	vor.u32 v0, v59;
	_ =	sdelay $0x2  }
0x220: {  	v60 =	vbroadcast v10, $0xA  }
0x221: {  	[tilespmem:v11+s16+$0x0] =	vst.idx.add.f32.msk $0xffff, v12  }
0x222: {  	v11 =	vshll.u32 v60, $0x7;
	[tilespmem:v13+s17+$0x0] =	vst.idx.add.f32.msk $0xffff, v8  }
0x223: {  	v61 =	vor.u32 v0, v11;
	v12 =	vld [tilespmem:s26+$0x100];
	_ =	sdelay $0x4  }
0x224: {  	[tilespmem:v61+s16+$0x0] =	vst.idx.add.f32.msk $0xffff, v12  }
0x225: {  	v62 =	vor.u32 v1, v11;
	v12 =	vld [tilespmem:s26+$0x110];
	_ =	sdelay $0x4  }
0x226: {  	[tilespmem:v62+s16+$0x0] =	vst.idx.add.f32.msk $0xffff, v12  }
0x227: {  	v63 =	vor.u32 v2, v11;
	v12 =	vld [tilespmem:s26+$0x120];
	_ =	sdelay $0x4  }
0x228: {  	[tilespmem:v63+s16+$0x0] =	vst.idx.add.f32.msk $0xffff, v12  }
0x229: {  	v16 =	vor.u32 v3, v11;
	v12 =	vld [tilespmem:s26+$0x130];
	_ =	sdelay $0x4  }
0x22a: {  	[tilespmem:v16+s16+$0x0] =	vst.idx.add.f32.msk $0xffff, v12  }
0x22b: {  	v17 =	vor.u32 v4, v11;
	v12 =	vld [tilespmem:s26+$0x140];
	_ =	sdelay $0x4  }
0x22c: {  	[tilespmem:v17+s16+$0x0] =	vst.idx.add.f32.msk $0xffff, v12  }
0x22d: {  	v18 =	vor.u32 v5, v11;
	v12 =	vld [tilespmem:s26+$0x150];
	_ =	sdelay $0x4  }
0x22e: {  	[tilespmem:v18+s16+$0x0] =	vst.idx.add.f32.msk $0xffff, v12  }
0x22f: {  	v19 =	vor.u32 v6, v11;
	v12 =	vld [tilespmem:s26+$0x160];
	_ =	sdelay $0x4  }
0x230: {  	[tilespmem:v19+s16+$0x0] =	vst.idx.add.f32.msk $0xffff, v12  }
0x231: {  	v20 =	vshll.u32 v60, $0x4;
	v11 =	vor.u32 v7, v11;
	v12 =	vld [tilespmem:s26+$0x170]  }
0x232: {  	v13 =	vor.u32 v0, v20;
	_ =	sdelay $0x2  }
0x233: {  	v21 =	vbroadcast v10, $0xB  }
0x234: {  	[tilespmem:v11+s16+$0x0] =	vst.idx.add.f32.msk $0xffff, v12  }
0x235: {  	v11 =	vshll.u32 v21, $0x7;
	[tilespmem:v13+s17+$0x0] =	vst.idx.add.f32.msk $0xffff, v8  }
0x236: {  	v22 =	vor.u32 v0, v11;
	v12 =	vld [tilespmem:s26+$0x180];
	_ =	sdelay $0x4  }
0x237: {  	[tilespmem:v22+s16+$0x0] =	vst.idx.add.f32.msk $0xffff, v12  }
0x238: {  	v23 =	vor.u32 v1, v11;
	v12 =	vld [tilespmem:s26+$0x190];
	_ =	sdelay $0x4  }
0x239: {  	[tilespmem:v23+s16+$0x0] =	vst.idx.add.f32.msk $0xffff, v12  }
0x23a: {  	v24 =	vor.u32 v2, v11;
	v12 =	vld [tilespmem:s26+$0x1A0];
	_ =	sdelay $0x4  }
0x23b: {  	[tilespmem:v24+s16+$0x0] =	vst.idx.add.f32.msk $0xffff, v12  }
0x23c: {  	v25 =	vor.u32 v3, v11;
	v12 =	vld [tilespmem:s26+$0x1B0];
	_ =	sdelay $0x4  }
0x23d: {  	[tilespmem:v25+s16+$0x0] =	vst.idx.add.f32.msk $0xffff, v12  }
0x23e: {  	v26 =	vor.u32 v4, v11;
	v12 =	vld [tilespmem:s26+$0x1C0];
	_ =	sdelay $0x4  }
0x23f: {  	[tilespmem:v26+s16+$0x0] =	vst.idx.add.f32.msk $0xffff, v12  }
0x240: {  	v27 =	vor.u32 v5, v11;
	v12 =	vld [tilespmem:s26+$0x1D0];
	_ =	sdelay $0x4  }
0x241: {  	[tilespmem:v27+s16+$0x0] =	vst.idx.add.f32.msk $0xffff, v12  }
0x242: {  	v28 =	vor.u32 v6, v11;
	v12 =	vld [tilespmem:s26+$0x1E0];
	_ =	sdelay $0x4  }
0x243: {  	[tilespmem:v28+s16+$0x0] =	vst.idx.add.f32.msk $0xffff, v12  }
0x244: {  	v29 =	vshll.u32 v21, $0x4;
	v11 =	vor.u32 v7, v11;
	v12 =	vld [tilespmem:s26+$0x1F0]  }
0x245: {  	v13 =	vor.u32 v0, v29;
	_ =	sdelay $0x2  }
0x246: {  	v30 =	vbroadcast v10, $0xC  }
0x247: {  	[tilespmem:v11+s16+$0x0] =	vst.idx.add.f32.msk $0xffff, v12  }
0x248: {  	v11 =	vshll.u32 v30, $0x7;
	[tilespmem:v13+s17+$0x0] =	vst.idx.add.f32.msk $0xffff, v8  }
0x249: {  	v31 =	vor.u32 v0, v11;
	v12 =	vld [tilespmem:s26+$0x200];
	_ =	sdelay $0x4  }
0x24a: {  	[tilespmem:v31+s16+$0x0] =	vst.idx.add.f32.msk $0xffff, v12  }
0x24b: {  	v32 =	vor.u32 v1, v11;
	v12 =	vld [tilespmem:s26+$0x210];
	_ =	sdelay $0x4  }
0x24c: {  	[tilespmem:v32+s16+$0x0] =	vst.idx.add.f32.msk $0xffff, v12  }
0x24d: {  	v33 =	vor.u32 v2, v11;
	v12 =	vld [tilespmem:s26+$0x220];
	_ =	sdelay $0x4  }
0x24e: {  	[tilespmem:v33+s16+$0x0] =	vst.idx.add.f32.msk $0xffff, v12  }
0x24f: {  	v34 =	vor.u32 v3, v11;
	v12 =	vld [tilespmem:s26+$0x230];
	_ =	sdelay $0x4  }
0x250: {  	[tilespmem:v34+s16+$0x0] =	vst.idx.add.f32.msk $0xffff, v12  }
0x251: {  	v35 =	vor.u32 v4, v11;
	v12 =	vld [tilespmem:s26+$0x240];
	_ =	sdelay $0x4  }
0x252: {  	[tilespmem:v35+s16+$0x0] =	vst.idx.add.f32.msk $0xffff, v12  }
0x253: {  	v36 =	vor.u32 v5, v11;
	v12 =	vld [tilespmem:s26+$0x250];
	_ =	sdelay $0x4  }
0x254: {  	[tilespmem:v36+s16+$0x0] =	vst.idx.add.f32.msk $0xffff, v12  }
0x255: {  	v37 =	vor.u32 v6, v11;
	v12 =	vld [tilespmem:s26+$0x260];
	_ =	sdelay $0x4  }
0x256: {  	[tilespmem:v37+s16+$0x0] =	vst.idx.add.f32.msk $0xffff, v12  }
0x257: {  	v38 =	vshll.u32 v30, $0x4;
	v11 =	vor.u32 v7, v11;
	v12 =	vld [tilespmem:s26+$0x270]  }
0x258: {  	v13 =	vor.u32 v0, v38;
	_ =	sdelay $0x2  }
0x259: {  	v39 =	vbroadcast v10, $0xD  }
0x25a: {  	[tilespmem:v11+s16+$0x0] =	vst.idx.add.f32.msk $0xffff, v12  }
0x25b: {  	v11 =	vshll.u32 v39, $0x7;
	[tilespmem:v13+s17+$0x0] =	vst.idx.add.f32.msk $0xffff, v8  }
0x25c: {  	v40 =	vor.u32 v0, v11;
	v12 =	vld [tilespmem:s26+$0x280];
	_ =	sdelay $0x4  }
0x25d: {  	[tilespmem:v40+s16+$0x0] =	vst.idx.add.f32.msk $0xffff, v12  }
0x25e: {  	v41 =	vor.u32 v1, v11;
	v12 =	vld [tilespmem:s26+$0x290];
	_ =	sdelay $0x4  }
0x25f: {  	[tilespmem:v41+s16+$0x0] =	vst.idx.add.f32.msk $0xffff, v12  }
0x260: {  	v42 =	vor.u32 v2, v11;
	v12 =	vld [tilespmem:s26+$0x2A0];
	_ =	sdelay $0x4  }
0x261: {  	[tilespmem:v42+s16+$0x0] =	vst.idx.add.f32.msk $0xffff, v12  }
0x262: {  	v43 =	vor.u32 v3, v11;
	v12 =	vld [tilespmem:s26+$0x2B0];
	_ =	sdelay $0x4  }
0x263: {  	[tilespmem:v43+s16+$0x0] =	vst.idx.add.f32.msk $0xffff, v12  }
0x264: {  	v44 =	vor.u32 v4, v11;
	v12 =	vld [tilespmem:s26+$0x2C0];
	_ =	sdelay $0x4  }
0x265: {  	[tilespmem:v44+s16+$0x0] =	vst.idx.add.f32.msk $0xffff, v12  }
0x266: {  	v45 =	vor.u32 v5, v11;
	v12 =	vld [tilespmem:s26+$0x2D0];
	_ =	sdelay $0x4  }
0x267: {  	[tilespmem:v45+s16+$0x0] =	vst.idx.add.f32.msk $0xffff, v12  }
0x268: {  	v46 =	vor.u32 v6, v11;
	v12 =	vld [tilespmem:s26+$0x2E0];
	_ =	sdelay $0x4  }
0x269: {  	[tilespmem:v46+s16+$0x0] =	vst.idx.add.f32.msk $0xffff, v12  }
0x26a: {  	v47 =	vshll.u32 v39, $0x4;
	v11 =	vor.u32 v7, v11;
	v12 =	vld [tilespmem:s26+$0x2F0]  }
0x26b: {  	v13 =	vor.u32 v0, v47;
	_ =	sdelay $0x2  }
0x26c: {  	v48 =	vbroadcast v10, $0xE  }
0x26d: {  	[tilespmem:v11+s16+$0x0] =	vst.idx.add.f32.msk $0xffff, v12  }
0x26e: {  	v11 =	vshll.u32 v48, $0x7;
	[tilespmem:v13+s17+$0x0] =	vst.idx.add.f32.msk $0xffff, v8  }
0x26f: {  	v49 =	vor.u32 v0, v11;
	v12 =	vld [tilespmem:s26+$0x300];
	_ =	sdelay $0x4  }
0x270: {  	[tilespmem:v49+s16+$0x0] =	vst.idx.add.f32.msk $0xffff, v12  }
0x271: {  	v50 =	vor.u32 v1, v11;
	v12 =	vld [tilespmem:s26+$0x310];
	_ =	sdelay $0x4  }
0x272: {  	[tilespmem:v50+s16+$0x0] =	vst.idx.add.f32.msk $0xffff, v12  }
0x273: {  	v51 =	vor.u32 v2, v11;
	v12 =	vld [tilespmem:s26+$0x320];
	_ =	sdelay $0x4  }
0x274: {  	[tilespmem:v51+s16+$0x0] =	vst.idx.add.f32.msk $0xffff, v12  }
0x275: {  	v52 =	vor.u32 v3, v11;
	v12 =	vld [tilespmem:s26+$0x330];
	_ =	sdelay $0x4  }
0x276: {  	[tilespmem:v52+s16+$0x0] =	vst.idx.add.f32.msk $0xffff, v12  }
0x277: {  	v53 =	vor.u32 v4, v11;
	v12 =	vld [tilespmem:s26+$0x340];
	_ =	sdelay $0x4  }
0x278: {  	[tilespmem:v53+s16+$0x0] =	vst.idx.add.f32.msk $0xffff, v12  }
0x279: {  	v54 =	vor.u32 v5, v11;
	v12 =	vld [tilespmem:s26+$0x350];
	_ =	sdelay $0x4  }
0x27a: {  	[tilespmem:v54+s16+$0x0] =	vst.idx.add.f32.msk $0xffff, v12  }
0x27b: {  	v55 =	vor.u32 v6, v11;
	v12 =	vld [tilespmem:s26+$0x360];
	_ =	sdelay $0x4  }
0x27c: {  	[tilespmem:v55+s16+$0x0] =	vst.idx.add.f32.msk $0xffff, v12  }
0x27d: {  	v56 =	vshll.u32 v48, $0x4;
	v11 =	vor.u32 v7, v11;
	v12 =	vld [tilespmem:s26+$0x370]  }
0x27e: {  	v13 =	vor.u32 v0, v56;
	_ =	sdelay $0x2  }
0x27f: {  	v10 =	vbroadcast v10, $0xF  }
0x280: {  	[tilespmem:v11+s16+$0x0] =	vst.idx.add.f32.msk $0xffff, v12  }
0x281: {  	v11 =	vshll.u32 v10, $0x7;
	[tilespmem:v13+s17+$0x0] =	vst.idx.add.f32.msk $0xffff, v8  }
0x282: {  	v57 =	vor.u32 v0, v11;
	v12 =	vld [tilespmem:s26+$0x380];
	_ =	sdelay $0x4  }
0x283: {  	[tilespmem:v57+s16+$0x0] =	vst.idx.add.f32.msk $0xffff, v12  }
0x284: {  	v58 =	vor.u32 v1, v11;
	v12 =	vld [tilespmem:s26+$0x390];
	_ =	sdelay $0x4  }
0x285: {  	[tilespmem:v58+s16+$0x0] =	vst.idx.add.f32.msk $0xffff, v12  }
0x286: {  	v59 =	vor.u32 v2, v11;
	v12 =	vld [tilespmem:s26+$0x3A0];
	_ =	sdelay $0x4  }
0x287: {  	[tilespmem:v59+s16+$0x0] =	vst.idx.add.f32.msk $0xffff, v12  }
0x288: {  	v60 =	vor.u32 v3, v11;
	v12 =	vld [tilespmem:s26+$0x3B0];
	_ =	sdelay $0x4  }
0x289: {  	[tilespmem:v60+s16+$0x0] =	vst.idx.add.f32.msk $0xffff, v12  }
0x28a: {  	v61 =	vor.u32 v4, v11;
	v12 =	vld [tilespmem:s26+$0x3C0];
	_ =	sdelay $0x4  }
0x28b: {  	[tilespmem:v61+s16+$0x0] =	vst.idx.add.f32.msk $0xffff, v12  }
0x28c: {  	v62 =	vor.u32 v5, v11;
	v12 =	vld [tilespmem:s26+$0x3D0];
	_ =	sdelay $0x4  }
0x28d: {  	[tilespmem:v62+s16+$0x0] =	vst.idx.add.f32.msk $0xffff, v12  }
0x28e: {  	v63 =	vor.u32 v6, v11;
	v12 =	vld [tilespmem:s26+$0x3E0];
	_ =	sdelay $0x4  }
0x28f: {  	[tilespmem:v63+s16+$0x0] =	vst.idx.add.f32.msk $0xffff, v12  }
0x290: {  	v10 =	vshll.u32 v10, $0x4;
	v11 =	vor.u32 v7, v11;
	v12 =	vld [tilespmem:s26+$0x3F0]  }
0x291: {  	p0 =	sne.s32 s25, $0x1C0;
	v10 =	vor.u32 v0, v10  }
.Ltmp1:
0x292: {  	_ = 	snop;
	(pc) =	sbr.rel @p0 .LBB2_5-.Ltmp1, $3  }
0x293: {  	_ =	sdelay $0x1  }
0x294: {  	[tilespmem:v11+s16+$0x0] =	vst.idx.add.f32.msk $0xffff, v12  }
0x295: {  	s25 =	sadd.s32 $0x40, s25;
	s26 =	sadd.s32 $0x800, s26;
	[tilespmem:v10+s17+$0x0] =	vst.idx.add.f32.msk $0xffff, v8  }
0x296: {  	p0 =	seq.s32 s23, $0xB  }
.Ltmp2:
0x297: {  	_ = 	snop;
	(pc) =	sbr.rel @p0 .LBB2_8-.Ltmp2, $1  }
0x298: {  	_ =	sdelay $0x3  }
.Ltmp3:
0x299: {  	s24 =	sadd.s32 s24, s10;
	(pc) =	sbr.rel .LBB2_2-.Ltmp3, $4  }
0x29a: {  	s24 =	smin.u32 s24, $0x18620  }
0x29b: {  	s23 =	sadd.s32 $0x1, s23;
	s24 =	sshll.u32 s24, $0x4  }
0x29c: {  	s21 =	sadd.s32 $0x100, s21;
	s22 =	sadd.s32 $0x100, s22;
	s24 =	sadd.s32 s2, s24  }
0x29d: {  	[tilespmem:s14], [sflag:$0x2] =	stream.linear.gather [hbm4b:s24+s3], $0x4000, $0x38;
	[tilespmem:$0x12100] =	vst v63  }
.LBB2_8:
0x29e: {  	_ =	swait.ge [sflag:s18], $0x4000  }
0x29f: {  	[sflag:s18] =	ssyncset.done $0x0  }
0x2a0: {  	s21 =	simm.s32 $0x0;
	s22 =	simm.s32 $0x400;
	[sflag:s18] =	ssyncadd.s32 $0xFFFFC000  }
.LBB2_9:
0x2a1: {  	s23 =	sshra.s32 s21, $0x2  }
0x2a2: {  	v9 =	vld [tilespmem:s23+$0x8C00];
	_ =	sdelay $0x4  }
0x2a3: {  	v10 =	vbroadcast v9, $0x0;
	_ =	sdelay $0x1  }
0x2a4: {  	v11 =	vshll.u32 v10, $0x7  }
0x2a5: {  	v12 =	vld [tilespmem:s22+$0xFFFFFC00];
	v13 =	vor.u32 v0, v11;
	_ =	sdelay $0x4  }
0x2a6: {  	[tilespmem:v13+s16+$0x0] =	vst.idx.add.f32.msk $0xffff, v12  }
0x2a7: {  	v21 =	vor.u32 v1, v11;
	v12 =	vld [tilespmem:s22+$0xFFFFFC10];
	_ =	sdelay $0x4  }
0x2a8: {  	[tilespmem:v21+s16+$0x0] =	vst.idx.add.f32.msk $0xffff, v12  }
0x2a9: {  	v22 =	vor.u32 v2, v11;
	v12 =	vld [tilespmem:s22+$0xFFFFFC20];
	_ =	sdelay $0x4  }
0x2aa: {  	[tilespmem:v22+s16+$0x0] =	vst.idx.add.f32.msk $0xffff, v12  }
0x2ab: {  	v23 =	vor.u32 v3, v11;
	v12 =	vld [tilespmem:s22+$0xFFFFFC30];
	_ =	sdelay $0x4  }
0x2ac: {  	[tilespmem:v23+s16+$0x0] =	vst.idx.add.f32.msk $0xffff, v12  }
0x2ad: {  	v24 =	vor.u32 v4, v11;
	v12 =	vld [tilespmem:s22+$0xFFFFFC40];
	_ =	sdelay $0x4  }
0x2ae: {  	[tilespmem:v24+s16+$0x0] =	vst.idx.add.f32.msk $0xffff, v12  }
0x2af: {  	v25 =	vor.u32 v5, v11;
	v12 =	vld [tilespmem:s22+$0xFFFFFC50];
	_ =	sdelay $0x4  }
0x2b0: {  	[tilespmem:v25+s16+$0x0] =	vst.idx.add.f32.msk $0xffff, v12  }
0x2b1: {  	v26 =	vor.u32 v6, v11;
	v12 =	vld [tilespmem:s22+$0xFFFFFC60];
	_ =	sdelay $0x4  }
0x2b2: {  	[tilespmem:v26+s16+$0x0] =	vst.idx.add.f32.msk $0xffff, v12  }
0x2b3: {  	v10 =	vshll.u32 v10, $0x4;
	v11 =	vor.u32 v7, v11;
	v12 =	vld [tilespmem:s22+$0xFFFFFC70]  }
0x2b4: {  	v10 =	vor.u32 v0, v10;
	_ =	sdelay $0x2  }
0x2b5: {  	v27 =	vbroadcast v9, $0x1  }
0x2b6: {  	[tilespmem:v11+s16+$0x0] =	vst.idx.add.f32.msk $0xffff, v12  }
0x2b7: {  	[tilespmem:v10+s17+$0x0] =	vst.idx.add.f32.msk $0xffff, v8;
	v10 =	vshll.u32 v27, $0x7  }
0x2b8: {  	v11 =	vld [tilespmem:s22+$0xFFFFFC80];
	v28 =	vor.u32 v0, v10;
	_ =	sdelay $0x4  }
0x2b9: {  	[tilespmem:v28+s16+$0x0] =	vst.idx.add.f32.msk $0xffff, v11  }
0x2ba: {  	v29 =	vor.u32 v1, v10;
	v11 =	vld [tilespmem:s22+$0xFFFFFC90];
	_ =	sdelay $0x4  }
0x2bb: {  	[tilespmem:v29+s16+$0x0] =	vst.idx.add.f32.msk $0xffff, v11  }
0x2bc: {  	v30 =	vor.u32 v2, v10;
	v11 =	vld [tilespmem:s22+$0xFFFFFCA0];
	_ =	sdelay $0x4  }
0x2bd: {  	[tilespmem:v30+s16+$0x0] =	vst.idx.add.f32.msk $0xffff, v11  }
0x2be: {  	v31 =	vor.u32 v3, v10;
	v11 =	vld [tilespmem:s22+$0xFFFFFCB0];
	_ =	sdelay $0x4  }
0x2bf: {  	[tilespmem:v31+s16+$0x0] =	vst.idx.add.f32.msk $0xffff, v11  }
0x2c0: {  	v32 =	vor.u32 v4, v10;
	v11 =	vld [tilespmem:s22+$0xFFFFFCC0];
	_ =	sdelay $0x4  }
0x2c1: {  	[tilespmem:v32+s16+$0x0] =	vst.idx.add.f32.msk $0xffff, v11  }
0x2c2: {  	v33 =	vor.u32 v5, v10;
	v11 =	vld [tilespmem:s22+$0xFFFFFCD0];
	_ =	sdelay $0x4  }
0x2c3: {  	[tilespmem:v33+s16+$0x0] =	vst.idx.add.f32.msk $0xffff, v11  }
0x2c4: {  	v34 =	vor.u32 v6, v10;
	v11 =	vld [tilespmem:s22+$0xFFFFFCE0];
	_ =	sdelay $0x4  }
0x2c5: {  	[tilespmem:v34+s16+$0x0] =	vst.idx.add.f32.msk $0xffff, v11  }
0x2c6: {  	v35 =	vshll.u32 v27, $0x4;
	v10 =	vor.u32 v7, v10;
	v11 =	vld [tilespmem:s22+$0xFFFFFCF0]  }
0x2c7: {  	v12 =	vor.u32 v0, v35;
	_ =	sdelay $0x2  }
0x2c8: {  	v36 =	vbroadcast v9, $0x2  }
0x2c9: {  	[tilespmem:v10+s16+$0x0] =	vst.idx.add.f32.msk $0xffff, v11  }
0x2ca: {  	v10 =	vshll.u32 v36, $0x7;
	[tilespmem:v12+s17+$0x0] =	vst.idx.add.f32.msk $0xffff, v8  }
0x2cb: {  	v37 =	vor.u32 v0, v10;
	v11 =	vld [tilespmem:s22+$0xFFFFFD00];
	_ =	sdelay $0x4  }
0x2cc: {  	[tilespmem:v37+s16+$0x0] =	vst.idx.add.f32.msk $0xffff, v11  }
0x2cd: {  	v38 =	vor.u32 v1, v10;
	v11 =	vld [tilespmem:s22+$0xFFFFFD10];
	_ =	sdelay $0x4  }
0x2ce: {  	[tilespmem:v38+s16+$0x0] =	vst.idx.add.f32.msk $0xffff, v11  }
0x2cf: {  	v39 =	vor.u32 v2, v10;
	v11 =	vld [tilespmem:s22+$0xFFFFFD20];
	_ =	sdelay $0x4  }
0x2d0: {  	[tilespmem:v39+s16+$0x0] =	vst.idx.add.f32.msk $0xffff, v11  }
0x2d1: {  	v40 =	vor.u32 v3, v10;
	v11 =	vld [tilespmem:s22+$0xFFFFFD30];
	_ =	sdelay $0x4  }
0x2d2: {  	[tilespmem:v40+s16+$0x0] =	vst.idx.add.f32.msk $0xffff, v11  }
0x2d3: {  	v41 =	vor.u32 v4, v10;
	v11 =	vld [tilespmem:s22+$0xFFFFFD40];
	_ =	sdelay $0x4  }
0x2d4: {  	[tilespmem:v41+s16+$0x0] =	vst.idx.add.f32.msk $0xffff, v11  }
0x2d5: {  	v42 =	vor.u32 v5, v10;
	v11 =	vld [tilespmem:s22+$0xFFFFFD50];
	_ =	sdelay $0x4  }
0x2d6: {  	[tilespmem:v42+s16+$0x0] =	vst.idx.add.f32.msk $0xffff, v11  }
0x2d7: {  	v43 =	vor.u32 v6, v10;
	v11 =	vld [tilespmem:s22+$0xFFFFFD60];
	_ =	sdelay $0x4  }
0x2d8: {  	[tilespmem:v43+s16+$0x0] =	vst.idx.add.f32.msk $0xffff, v11  }
0x2d9: {  	v44 =	vshll.u32 v36, $0x4;
	v10 =	vor.u32 v7, v10;
	v11 =	vld [tilespmem:s22+$0xFFFFFD70]  }
0x2da: {  	v12 =	vor.u32 v0, v44;
	_ =	sdelay $0x2  }
0x2db: {  	v45 =	vbroadcast v9, $0x3  }
0x2dc: {  	[tilespmem:v10+s16+$0x0] =	vst.idx.add.f32.msk $0xffff, v11  }
0x2dd: {  	v10 =	vshll.u32 v45, $0x7;
	[tilespmem:v12+s17+$0x0] =	vst.idx.add.f32.msk $0xffff, v8  }
0x2de: {  	v46 =	vor.u32 v0, v10;
	v11 =	vld [tilespmem:s22+$0xFFFFFD80];
	_ =	sdelay $0x4  }
0x2df: {  	[tilespmem:v46+s16+$0x0] =	vst.idx.add.f32.msk $0xffff, v11  }
0x2e0: {  	v47 =	vor.u32 v1, v10;
	v11 =	vld [tilespmem:s22+$0xFFFFFD90];
	_ =	sdelay $0x4  }
0x2e1: {  	[tilespmem:v47+s16+$0x0] =	vst.idx.add.f32.msk $0xffff, v11  }
0x2e2: {  	v48 =	vor.u32 v2, v10;
	v11 =	vld [tilespmem:s22+$0xFFFFFDA0];
	_ =	sdelay $0x4  }
0x2e3: {  	[tilespmem:v48+s16+$0x0] =	vst.idx.add.f32.msk $0xffff, v11  }
0x2e4: {  	v49 =	vor.u32 v3, v10;
	v11 =	vld [tilespmem:s22+$0xFFFFFDB0];
	_ =	sdelay $0x4  }
0x2e5: {  	[tilespmem:v49+s16+$0x0] =	vst.idx.add.f32.msk $0xffff, v11  }
0x2e6: {  	v50 =	vor.u32 v4, v10;
	v11 =	vld [tilespmem:s22+$0xFFFFFDC0];
	_ =	sdelay $0x4  }
0x2e7: {  	[tilespmem:v50+s16+$0x0] =	vst.idx.add.f32.msk $0xffff, v11  }
0x2e8: {  	v51 =	vor.u32 v5, v10;
	v11 =	vld [tilespmem:s22+$0xFFFFFDD0];
	_ =	sdelay $0x4  }
0x2e9: {  	[tilespmem:v51+s16+$0x0] =	vst.idx.add.f32.msk $0xffff, v11  }
0x2ea: {  	v52 =	vor.u32 v6, v10;
	v11 =	vld [tilespmem:s22+$0xFFFFFDE0];
	_ =	sdelay $0x4  }
0x2eb: {  	[tilespmem:v52+s16+$0x0] =	vst.idx.add.f32.msk $0xffff, v11  }
0x2ec: {  	v53 =	vshll.u32 v45, $0x4;
	v10 =	vor.u32 v7, v10;
	v11 =	vld [tilespmem:s22+$0xFFFFFDF0]  }
0x2ed: {  	v12 =	vor.u32 v0, v53;
	_ =	sdelay $0x2  }
0x2ee: {  	v54 =	vbroadcast v9, $0x4  }
0x2ef: {  	[tilespmem:v10+s16+$0x0] =	vst.idx.add.f32.msk $0xffff, v11  }
0x2f0: {  	v10 =	vshll.u32 v54, $0x7;
	[tilespmem:v12+s17+$0x0] =	vst.idx.add.f32.msk $0xffff, v8  }
0x2f1: {  	v55 =	vor.u32 v0, v10;
	v11 =	vld [tilespmem:s22+$0xFFFFFE00];
	_ =	sdelay $0x4  }
0x2f2: {  	[tilespmem:v55+s16+$0x0] =	vst.idx.add.f32.msk $0xffff, v11  }
0x2f3: {  	v56 =	vor.u32 v1, v10;
	v11 =	vld [tilespmem:s22+$0xFFFFFE10];
	_ =	sdelay $0x4  }
0x2f4: {  	[tilespmem:v56+s16+$0x0] =	vst.idx.add.f32.msk $0xffff, v11  }
0x2f5: {  	v57 =	vor.u32 v2, v10;
	v11 =	vld [tilespmem:s22+$0xFFFFFE20];
	_ =	sdelay $0x4  }
0x2f6: {  	[tilespmem:v57+s16+$0x0] =	vst.idx.add.f32.msk $0xffff, v11  }
0x2f7: {  	v58 =	vor.u32 v3, v10;
	v11 =	vld [tilespmem:s22+$0xFFFFFE30];
	_ =	sdelay $0x4  }
0x2f8: {  	[tilespmem:v58+s16+$0x0] =	vst.idx.add.f32.msk $0xffff, v11  }
0x2f9: {  	v59 =	vor.u32 v4, v10;
	v11 =	vld [tilespmem:s22+$0xFFFFFE40];
	_ =	sdelay $0x4  }
0x2fa: {  	[tilespmem:v59+s16+$0x0] =	vst.idx.add.f32.msk $0xffff, v11  }
0x2fb: {  	v60 =	vor.u32 v5, v10;
	v11 =	vld [tilespmem:s22+$0xFFFFFE50];
	_ =	sdelay $0x4  }
0x2fc: {  	[tilespmem:v60+s16+$0x0] =	vst.idx.add.f32.msk $0xffff, v11  }
0x2fd: {  	v61 =	vor.u32 v6, v10;
	v11 =	vld [tilespmem:s22+$0xFFFFFE60];
	_ =	sdelay $0x4  }
0x2fe: {  	[tilespmem:v61+s16+$0x0] =	vst.idx.add.f32.msk $0xffff, v11  }
0x2ff: {  	v62 =	vshll.u32 v54, $0x4;
	v10 =	vor.u32 v7, v10;
	v11 =	vld [tilespmem:s22+$0xFFFFFE70]  }
0x300: {  	v12 =	vor.u32 v0, v62;
	_ =	sdelay $0x2  }
0x301: {  	v63 =	vbroadcast v9, $0x5  }
0x302: {  	[tilespmem:v10+s16+$0x0] =	vst.idx.add.f32.msk $0xffff, v11  }
0x303: {  	v10 =	vshll.u32 v63, $0x7;
	[tilespmem:v12+s17+$0x0] =	vst.idx.add.f32.msk $0xffff, v8  }
0x304: {  	v16 =	vor.u32 v0, v10;
	v11 =	vld [tilespmem:s22+$0xFFFFFE80];
	_ =	sdelay $0x4  }
0x305: {  	[tilespmem:v16+s16+$0x0] =	vst.idx.add.f32.msk $0xffff, v11  }
0x306: {  	v17 =	vor.u32 v1, v10;
	v11 =	vld [tilespmem:s22+$0xFFFFFE90];
	_ =	sdelay $0x4  }
0x307: {  	[tilespmem:v17+s16+$0x0] =	vst.idx.add.f32.msk $0xffff, v11  }
0x308: {  	v18 =	vor.u32 v2, v10;
	v11 =	vld [tilespmem:s22+$0xFFFFFEA0];
	_ =	sdelay $0x4  }
0x309: {  	[tilespmem:v18+s16+$0x0] =	vst.idx.add.f32.msk $0xffff, v11  }
0x30a: {  	v19 =	vor.u32 v3, v10;
	v11 =	vld [tilespmem:s22+$0xFFFFFEB0];
	_ =	sdelay $0x4  }
0x30b: {  	[tilespmem:v19+s16+$0x0] =	vst.idx.add.f32.msk $0xffff, v11  }
0x30c: {  	v20 =	vor.u32 v4, v10;
	v11 =	vld [tilespmem:s22+$0xFFFFFEC0];
	_ =	sdelay $0x4  }
0x30d: {  	[tilespmem:v20+s16+$0x0] =	vst.idx.add.f32.msk $0xffff, v11  }
0x30e: {  	v21 =	vor.u32 v5, v10;
	v11 =	vld [tilespmem:s22+$0xFFFFFED0];
	_ =	sdelay $0x4  }
0x30f: {  	[tilespmem:v21+s16+$0x0] =	vst.idx.add.f32.msk $0xffff, v11  }
0x310: {  	v22 =	vor.u32 v6, v10;
	v11 =	vld [tilespmem:s22+$0xFFFFFEE0];
	_ =	sdelay $0x4  }
0x311: {  	[tilespmem:v22+s16+$0x0] =	vst.idx.add.f32.msk $0xffff, v11  }
0x312: {  	v23 =	vshll.u32 v63, $0x4;
	v10 =	vor.u32 v7, v10;
	v11 =	vld [tilespmem:s22+$0xFFFFFEF0]  }
0x313: {  	v12 =	vor.u32 v0, v23;
	_ =	sdelay $0x2  }
0x314: {  	v24 =	vbroadcast v9, $0x6  }
0x315: {  	[tilespmem:v10+s16+$0x0] =	vst.idx.add.f32.msk $0xffff, v11  }
0x316: {  	v10 =	vshll.u32 v24, $0x7;
	[tilespmem:v12+s17+$0x0] =	vst.idx.add.f32.msk $0xffff, v8  }
0x317: {  	v25 =	vor.u32 v0, v10;
	v11 =	vld [tilespmem:s22+$0xFFFFFF00];
	_ =	sdelay $0x4  }
0x318: {  	[tilespmem:v25+s16+$0x0] =	vst.idx.add.f32.msk $0xffff, v11  }
0x319: {  	v26 =	vor.u32 v1, v10;
	v11 =	vld [tilespmem:s22+$0xFFFFFF10];
	_ =	sdelay $0x4  }
0x31a: {  	[tilespmem:v26+s16+$0x0] =	vst.idx.add.f32.msk $0xffff, v11  }
0x31b: {  	v27 =	vor.u32 v2, v10;
	v11 =	vld [tilespmem:s22+$0xFFFFFF20];
	_ =	sdelay $0x4  }
0x31c: {  	[tilespmem:v27+s16+$0x0] =	vst.idx.add.f32.msk $0xffff, v11  }
0x31d: {  	v28 =	vor.u32 v3, v10;
	v11 =	vld [tilespmem:s22+$0xFFFFFF30];
	_ =	sdelay $0x4  }
0x31e: {  	[tilespmem:v28+s16+$0x0] =	vst.idx.add.f32.msk $0xffff, v11  }
0x31f: {  	v29 =	vor.u32 v4, v10;
	v11 =	vld [tilespmem:s22+$0xFFFFFF40];
	_ =	sdelay $0x4  }
0x320: {  	[tilespmem:v29+s16+$0x0] =	vst.idx.add.f32.msk $0xffff, v11  }
0x321: {  	v30 =	vor.u32 v5, v10;
	v11 =	vld [tilespmem:s22+$0xFFFFFF50];
	_ =	sdelay $0x4  }
0x322: {  	[tilespmem:v30+s16+$0x0] =	vst.idx.add.f32.msk $0xffff, v11  }
0x323: {  	v31 =	vor.u32 v6, v10;
	v11 =	vld [tilespmem:s22+$0xFFFFFF60];
	_ =	sdelay $0x4  }
0x324: {  	[tilespmem:v31+s16+$0x0] =	vst.idx.add.f32.msk $0xffff, v11  }
0x325: {  	v32 =	vshll.u32 v24, $0x4;
	v10 =	vor.u32 v7, v10;
	v11 =	vld [tilespmem:s22+$0xFFFFFF70]  }
0x326: {  	v12 =	vor.u32 v0, v32;
	_ =	sdelay $0x2  }
0x327: {  	v33 =	vbroadcast v9, $0x7  }
0x328: {  	[tilespmem:v10+s16+$0x0] =	vst.idx.add.f32.msk $0xffff, v11  }
0x329: {  	v10 =	vshll.u32 v33, $0x7;
	[tilespmem:v12+s17+$0x0] =	vst.idx.add.f32.msk $0xffff, v8  }
0x32a: {  	v34 =	vor.u32 v0, v10;
	v11 =	vld [tilespmem:s22+$0xFFFFFF80];
	_ =	sdelay $0x4  }
0x32b: {  	[tilespmem:v34+s16+$0x0] =	vst.idx.add.f32.msk $0xffff, v11  }
0x32c: {  	v35 =	vor.u32 v1, v10;
	v11 =	vld [tilespmem:s22+$0xFFFFFF90];
	_ =	sdelay $0x4  }
0x32d: {  	[tilespmem:v35+s16+$0x0] =	vst.idx.add.f32.msk $0xffff, v11  }
0x32e: {  	v36 =	vor.u32 v2, v10;
	v11 =	vld [tilespmem:s22+$0xFFFFFFA0];
	_ =	sdelay $0x4  }
0x32f: {  	[tilespmem:v36+s16+$0x0] =	vst.idx.add.f32.msk $0xffff, v11  }
0x330: {  	v37 =	vor.u32 v3, v10;
	v11 =	vld [tilespmem:s22+$0xFFFFFFB0];
	_ =	sdelay $0x4  }
0x331: {  	[tilespmem:v37+s16+$0x0] =	vst.idx.add.f32.msk $0xffff, v11  }
0x332: {  	v38 =	vor.u32 v4, v10;
	v11 =	vld [tilespmem:s22+$0xFFFFFFC0];
	_ =	sdelay $0x4  }
0x333: {  	[tilespmem:v38+s16+$0x0] =	vst.idx.add.f32.msk $0xffff, v11  }
0x334: {  	v39 =	vor.u32 v5, v10;
	v11 =	vld [tilespmem:s22+$0xFFFFFFD0];
	_ =	sdelay $0x4  }
0x335: {  	[tilespmem:v39+s16+$0x0] =	vst.idx.add.f32.msk $0xffff, v11  }
0x336: {  	v40 =	vor.u32 v6, v10;
	v11 =	vld [tilespmem:s22+$0xFFFFFFE0];
	_ =	sdelay $0x4  }
0x337: {  	[tilespmem:v40+s16+$0x0] =	vst.idx.add.f32.msk $0xffff, v11  }
0x338: {  	v41 =	vshll.u32 v33, $0x4;
	v10 =	vor.u32 v7, v10;
	v11 =	vld [tilespmem:s22+$0xFFFFFFF0]  }
0x339: {  	v12 =	vor.u32 v0, v41;
	_ =	sdelay $0x2  }
0x33a: {  	v42 =	vbroadcast v9, $0x8  }
0x33b: {  	[tilespmem:v10+s16+$0x0] =	vst.idx.add.f32.msk $0xffff, v11  }
0x33c: {  	v10 =	vshll.u32 v42, $0x7;
	[tilespmem:v12+s17+$0x0] =	vst.idx.add.f32.msk $0xffff, v8  }
0x33d: {  	v43 =	vor.u32 v0, v10;
	v11 =	vld [tilespmem:s22+$0x0];
	_ =	sdelay $0x4  }
0x33e: {  	[tilespmem:v43+s16+$0x0] =	vst.idx.add.f32.msk $0xffff, v11  }
0x33f: {  	v44 =	vor.u32 v1, v10;
	v11 =	vld [tilespmem:s22+$0x10];
	_ =	sdelay $0x4  }
0x340: {  	[tilespmem:v44+s16+$0x0] =	vst.idx.add.f32.msk $0xffff, v11  }
0x341: {  	v45 =	vor.u32 v2, v10;
	v11 =	vld [tilespmem:s22+$0x20];
	_ =	sdelay $0x4  }
0x342: {  	[tilespmem:v45+s16+$0x0] =	vst.idx.add.f32.msk $0xffff, v11  }
0x343: {  	v46 =	vor.u32 v3, v10;
	v11 =	vld [tilespmem:s22+$0x30];
	_ =	sdelay $0x4  }
0x344: {  	[tilespmem:v46+s16+$0x0] =	vst.idx.add.f32.msk $0xffff, v11  }
0x345: {  	v47 =	vor.u32 v4, v10;
	v11 =	vld [tilespmem:s22+$0x40];
	_ =	sdelay $0x4  }
0x346: {  	[tilespmem:v47+s16+$0x0] =	vst.idx.add.f32.msk $0xffff, v11  }
0x347: {  	v48 =	vor.u32 v5, v10;
	v11 =	vld [tilespmem:s22+$0x50];
	_ =	sdelay $0x4  }
0x348: {  	[tilespmem:v48+s16+$0x0] =	vst.idx.add.f32.msk $0xffff, v11  }
0x349: {  	v49 =	vor.u32 v6, v10;
	v11 =	vld [tilespmem:s22+$0x60];
	_ =	sdelay $0x4  }
0x34a: {  	[tilespmem:v49+s16+$0x0] =	vst.idx.add.f32.msk $0xffff, v11  }
0x34b: {  	v50 =	vshll.u32 v42, $0x4;
	v10 =	vor.u32 v7, v10;
	v11 =	vld [tilespmem:s22+$0x70]  }
0x34c: {  	v12 =	vor.u32 v0, v50;
	_ =	sdelay $0x2  }
0x34d: {  	v51 =	vbroadcast v9, $0x9  }
0x34e: {  	[tilespmem:v10+s16+$0x0] =	vst.idx.add.f32.msk $0xffff, v11  }
0x34f: {  	v10 =	vshll.u32 v51, $0x7;
	[tilespmem:v12+s17+$0x0] =	vst.idx.add.f32.msk $0xffff, v8  }
0x350: {  	v52 =	vor.u32 v0, v10;
	v11 =	vld [tilespmem:s22+$0x80];
	_ =	sdelay $0x4  }
0x351: {  	[tilespmem:v52+s16+$0x0] =	vst.idx.add.f32.msk $0xffff, v11  }
0x352: {  	v53 =	vor.u32 v1, v10;
	v11 =	vld [tilespmem:s22+$0x90];
	_ =	sdelay $0x4  }
0x353: {  	[tilespmem:v53+s16+$0x0] =	vst.idx.add.f32.msk $0xffff, v11  }
0x354: {  	v54 =	vor.u32 v2, v10;
	v11 =	vld [tilespmem:s22+$0xA0];
	_ =	sdelay $0x4  }
0x355: {  	[tilespmem:v54+s16+$0x0] =	vst.idx.add.f32.msk $0xffff, v11  }
0x356: {  	v55 =	vor.u32 v3, v10;
	v11 =	vld [tilespmem:s22+$0xB0];
	_ =	sdelay $0x4  }
0x357: {  	[tilespmem:v55+s16+$0x0] =	vst.idx.add.f32.msk $0xffff, v11  }
0x358: {  	v56 =	vor.u32 v4, v10;
	v11 =	vld [tilespmem:s22+$0xC0];
	_ =	sdelay $0x4  }
0x359: {  	[tilespmem:v56+s16+$0x0] =	vst.idx.add.f32.msk $0xffff, v11  }
0x35a: {  	v57 =	vor.u32 v5, v10;
	v11 =	vld [tilespmem:s22+$0xD0];
	_ =	sdelay $0x4  }
0x35b: {  	[tilespmem:v57+s16+$0x0] =	vst.idx.add.f32.msk $0xffff, v11  }
0x35c: {  	v58 =	vor.u32 v6, v10;
	v11 =	vld [tilespmem:s22+$0xE0];
	_ =	sdelay $0x4  }
0x35d: {  	[tilespmem:v58+s16+$0x0] =	vst.idx.add.f32.msk $0xffff, v11  }
0x35e: {  	v59 =	vshll.u32 v51, $0x4;
	v10 =	vor.u32 v7, v10;
	v11 =	vld [tilespmem:s22+$0xF0]  }
0x35f: {  	v12 =	vor.u32 v0, v59;
	_ =	sdelay $0x2  }
0x360: {  	v60 =	vbroadcast v9, $0xA  }
0x361: {  	[tilespmem:v10+s16+$0x0] =	vst.idx.add.f32.msk $0xffff, v11  }
0x362: {  	v10 =	vshll.u32 v60, $0x7;
	[tilespmem:v12+s17+$0x0] =	vst.idx.add.f32.msk $0xffff, v8  }
0x363: {  	v61 =	vor.u32 v0, v10;
	v11 =	vld [tilespmem:s22+$0x100];
	_ =	sdelay $0x4  }
0x364: {  	[tilespmem:v61+s16+$0x0] =	vst.idx.add.f32.msk $0xffff, v11  }
0x365: {  	v62 =	vor.u32 v1, v10;
	v11 =	vld [tilespmem:s22+$0x110];
	_ =	sdelay $0x4  }
0x366: {  	[tilespmem:v62+s16+$0x0] =	vst.idx.add.f32.msk $0xffff, v11  }
0x367: {  	v63 =	vor.u32 v2, v10;
	v11 =	vld [tilespmem:s22+$0x120];
	_ =	sdelay $0x4  }
0x368: {  	[tilespmem:v63+s16+$0x0] =	vst.idx.add.f32.msk $0xffff, v11  }
0x369: {  	v16 =	vor.u32 v3, v10;
	v11 =	vld [tilespmem:s22+$0x130];
	_ =	sdelay $0x4  }
0x36a: {  	[tilespmem:v16+s16+$0x0] =	vst.idx.add.f32.msk $0xffff, v11  }
0x36b: {  	v17 =	vor.u32 v4, v10;
	v11 =	vld [tilespmem:s22+$0x140];
	_ =	sdelay $0x4  }
0x36c: {  	[tilespmem:v17+s16+$0x0] =	vst.idx.add.f32.msk $0xffff, v11  }
0x36d: {  	v18 =	vor.u32 v5, v10;
	v11 =	vld [tilespmem:s22+$0x150];
	_ =	sdelay $0x4  }
0x36e: {  	[tilespmem:v18+s16+$0x0] =	vst.idx.add.f32.msk $0xffff, v11  }
0x36f: {  	v19 =	vor.u32 v6, v10;
	v11 =	vld [tilespmem:s22+$0x160];
	_ =	sdelay $0x4  }
0x370: {  	[tilespmem:v19+s16+$0x0] =	vst.idx.add.f32.msk $0xffff, v11  }
0x371: {  	v20 =	vshll.u32 v60, $0x4;
	v10 =	vor.u32 v7, v10;
	v11 =	vld [tilespmem:s22+$0x170]  }
0x372: {  	v12 =	vor.u32 v0, v20;
	_ =	sdelay $0x2  }
0x373: {  	v21 =	vbroadcast v9, $0xB  }
0x374: {  	[tilespmem:v10+s16+$0x0] =	vst.idx.add.f32.msk $0xffff, v11  }
0x375: {  	v10 =	vshll.u32 v21, $0x7;
	[tilespmem:v12+s17+$0x0] =	vst.idx.add.f32.msk $0xffff, v8  }
0x376: {  	v22 =	vor.u32 v0, v10;
	v11 =	vld [tilespmem:s22+$0x180];
	_ =	sdelay $0x4  }
0x377: {  	[tilespmem:v22+s16+$0x0] =	vst.idx.add.f32.msk $0xffff, v11  }
0x378: {  	v23 =	vor.u32 v1, v10;
	v11 =	vld [tilespmem:s22+$0x190];
	_ =	sdelay $0x4  }
0x379: {  	[tilespmem:v23+s16+$0x0] =	vst.idx.add.f32.msk $0xffff, v11  }
0x37a: {  	v24 =	vor.u32 v2, v10;
	v11 =	vld [tilespmem:s22+$0x1A0];
	_ =	sdelay $0x4  }
0x37b: {  	[tilespmem:v24+s16+$0x0] =	vst.idx.add.f32.msk $0xffff, v11  }
0x37c: {  	v25 =	vor.u32 v3, v10;
	v11 =	vld [tilespmem:s22+$0x1B0];
	_ =	sdelay $0x4  }
0x37d: {  	[tilespmem:v25+s16+$0x0] =	vst.idx.add.f32.msk $0xffff, v11  }
0x37e: {  	v26 =	vor.u32 v4, v10;
	v11 =	vld [tilespmem:s22+$0x1C0];
	_ =	sdelay $0x4  }
0x37f: {  	[tilespmem:v26+s16+$0x0] =	vst.idx.add.f32.msk $0xffff, v11  }
0x380: {  	v27 =	vor.u32 v5, v10;
	v11 =	vld [tilespmem:s22+$0x1D0];
	_ =	sdelay $0x4  }
0x381: {  	[tilespmem:v27+s16+$0x0] =	vst.idx.add.f32.msk $0xffff, v11  }
0x382: {  	v28 =	vor.u32 v6, v10;
	v11 =	vld [tilespmem:s22+$0x1E0];
	_ =	sdelay $0x4  }
0x383: {  	[tilespmem:v28+s16+$0x0] =	vst.idx.add.f32.msk $0xffff, v11  }
0x384: {  	v29 =	vshll.u32 v21, $0x4;
	v10 =	vor.u32 v7, v10;
	v11 =	vld [tilespmem:s22+$0x1F0]  }
0x385: {  	v12 =	vor.u32 v0, v29;
	_ =	sdelay $0x2  }
0x386: {  	v30 =	vbroadcast v9, $0xC  }
0x387: {  	[tilespmem:v10+s16+$0x0] =	vst.idx.add.f32.msk $0xffff, v11  }
0x388: {  	v10 =	vshll.u32 v30, $0x7;
	[tilespmem:v12+s17+$0x0] =	vst.idx.add.f32.msk $0xffff, v8  }
0x389: {  	v31 =	vor.u32 v0, v10;
	v11 =	vld [tilespmem:s22+$0x200];
	_ =	sdelay $0x4  }
0x38a: {  	[tilespmem:v31+s16+$0x0] =	vst.idx.add.f32.msk $0xffff, v11  }
0x38b: {  	v32 =	vor.u32 v1, v10;
	v11 =	vld [tilespmem:s22+$0x210];
	_ =	sdelay $0x4  }
0x38c: {  	[tilespmem:v32+s16+$0x0] =	vst.idx.add.f32.msk $0xffff, v11  }
0x38d: {  	v33 =	vor.u32 v2, v10;
	v11 =	vld [tilespmem:s22+$0x220];
	_ =	sdelay $0x4  }
0x38e: {  	[tilespmem:v33+s16+$0x0] =	vst.idx.add.f32.msk $0xffff, v11  }
0x38f: {  	v34 =	vor.u32 v3, v10;
	v11 =	vld [tilespmem:s22+$0x230];
	_ =	sdelay $0x4  }
0x390: {  	[tilespmem:v34+s16+$0x0] =	vst.idx.add.f32.msk $0xffff, v11  }
0x391: {  	v35 =	vor.u32 v4, v10;
	v11 =	vld [tilespmem:s22+$0x240];
	_ =	sdelay $0x4  }
0x392: {  	[tilespmem:v35+s16+$0x0] =	vst.idx.add.f32.msk $0xffff, v11  }
0x393: {  	v36 =	vor.u32 v5, v10;
	v11 =	vld [tilespmem:s22+$0x250];
	_ =	sdelay $0x4  }
0x394: {  	[tilespmem:v36+s16+$0x0] =	vst.idx.add.f32.msk $0xffff, v11  }
0x395: {  	v37 =	vor.u32 v6, v10;
	v11 =	vld [tilespmem:s22+$0x260];
	_ =	sdelay $0x4  }
0x396: {  	[tilespmem:v37+s16+$0x0] =	vst.idx.add.f32.msk $0xffff, v11  }
0x397: {  	v38 =	vshll.u32 v30, $0x4;
	v10 =	vor.u32 v7, v10;
	v11 =	vld [tilespmem:s22+$0x270]  }
0x398: {  	v12 =	vor.u32 v0, v38;
	_ =	sdelay $0x2  }
0x399: {  	v39 =	vbroadcast v9, $0xD  }
0x39a: {  	[tilespmem:v10+s16+$0x0] =	vst.idx.add.f32.msk $0xffff, v11  }
0x39b: {  	v10 =	vshll.u32 v39, $0x7;
	[tilespmem:v12+s17+$0x0] =	vst.idx.add.f32.msk $0xffff, v8  }
0x39c: {  	v40 =	vor.u32 v0, v10;
	v11 =	vld [tilespmem:s22+$0x280];
	_ =	sdelay $0x4  }
0x39d: {  	[tilespmem:v40+s16+$0x0] =	vst.idx.add.f32.msk $0xffff, v11  }
0x39e: {  	v41 =	vor.u32 v1, v10;
	v11 =	vld [tilespmem:s22+$0x290];
	_ =	sdelay $0x4  }
0x39f: {  	[tilespmem:v41+s16+$0x0] =	vst.idx.add.f32.msk $0xffff, v11  }
0x3a0: {  	v42 =	vor.u32 v2, v10;
	v11 =	vld [tilespmem:s22+$0x2A0];
	_ =	sdelay $0x4  }
0x3a1: {  	[tilespmem:v42+s16+$0x0] =	vst.idx.add.f32.msk $0xffff, v11  }
0x3a2: {  	v43 =	vor.u32 v3, v10;
	v11 =	vld [tilespmem:s22+$0x2B0];
	_ =	sdelay $0x4  }
0x3a3: {  	[tilespmem:v43+s16+$0x0] =	vst.idx.add.f32.msk $0xffff, v11  }
0x3a4: {  	v44 =	vor.u32 v4, v10;
	v11 =	vld [tilespmem:s22+$0x2C0];
	_ =	sdelay $0x4  }
0x3a5: {  	[tilespmem:v44+s16+$0x0] =	vst.idx.add.f32.msk $0xffff, v11  }
0x3a6: {  	v45 =	vor.u32 v5, v10;
	v11 =	vld [tilespmem:s22+$0x2D0];
	_ =	sdelay $0x4  }
0x3a7: {  	[tilespmem:v45+s16+$0x0] =	vst.idx.add.f32.msk $0xffff, v11  }
0x3a8: {  	v46 =	vor.u32 v6, v10;
	v11 =	vld [tilespmem:s22+$0x2E0];
	_ =	sdelay $0x4  }
0x3a9: {  	[tilespmem:v46+s16+$0x0] =	vst.idx.add.f32.msk $0xffff, v11  }
0x3aa: {  	v47 =	vshll.u32 v39, $0x4;
	v10 =	vor.u32 v7, v10;
	v11 =	vld [tilespmem:s22+$0x2F0]  }
0x3ab: {  	v12 =	vor.u32 v0, v47;
	_ =	sdelay $0x2  }
0x3ac: {  	v48 =	vbroadcast v9, $0xE  }
0x3ad: {  	[tilespmem:v10+s16+$0x0] =	vst.idx.add.f32.msk $0xffff, v11  }
0x3ae: {  	v10 =	vshll.u32 v48, $0x7;
	[tilespmem:v12+s17+$0x0] =	vst.idx.add.f32.msk $0xffff, v8  }
0x3af: {  	v49 =	vor.u32 v0, v10;
	v11 =	vld [tilespmem:s22+$0x300];
	_ =	sdelay $0x4  }
0x3b0: {  	[tilespmem:v49+s16+$0x0] =	vst.idx.add.f32.msk $0xffff, v11  }
0x3b1: {  	v50 =	vor.u32 v1, v10;
	v11 =	vld [tilespmem:s22+$0x310];
	_ =	sdelay $0x4  }
0x3b2: {  	[tilespmem:v50+s16+$0x0] =	vst.idx.add.f32.msk $0xffff, v11  }
0x3b3: {  	v51 =	vor.u32 v2, v10;
	v11 =	vld [tilespmem:s22+$0x320];
	_ =	sdelay $0x4  }
0x3b4: {  	[tilespmem:v51+s16+$0x0] =	vst.idx.add.f32.msk $0xffff, v11  }
0x3b5: {  	v52 =	vor.u32 v3, v10;
	v11 =	vld [tilespmem:s22+$0x330];
	_ =	sdelay $0x4  }
0x3b6: {  	[tilespmem:v52+s16+$0x0] =	vst.idx.add.f32.msk $0xffff, v11  }
0x3b7: {  	v53 =	vor.u32 v4, v10;
	v11 =	vld [tilespmem:s22+$0x340];
	_ =	sdelay $0x4  }
0x3b8: {  	[tilespmem:v53+s16+$0x0] =	vst.idx.add.f32.msk $0xffff, v11  }
0x3b9: {  	v54 =	vor.u32 v5, v10;
	v11 =	vld [tilespmem:s22+$0x350];
	_ =	sdelay $0x4  }
0x3ba: {  	[tilespmem:v54+s16+$0x0] =	vst.idx.add.f32.msk $0xffff, v11  }
0x3bb: {  	v55 =	vor.u32 v6, v10;
	v11 =	vld [tilespmem:s22+$0x360];
	_ =	sdelay $0x4  }
0x3bc: {  	[tilespmem:v55+s16+$0x0] =	vst.idx.add.f32.msk $0xffff, v11  }
0x3bd: {  	v56 =	vshll.u32 v48, $0x4;
	v10 =	vor.u32 v7, v10;
	v11 =	vld [tilespmem:s22+$0x370]  }
0x3be: {  	v12 =	vor.u32 v0, v56;
	_ =	sdelay $0x2  }
0x3bf: {  	v9 =	vbroadcast v9, $0xF  }
0x3c0: {  	[tilespmem:v10+s16+$0x0] =	vst.idx.add.f32.msk $0xffff, v11  }
0x3c1: {  	v10 =	vshll.u32 v9, $0x7;
	[tilespmem:v12+s17+$0x0] =	vst.idx.add.f32.msk $0xffff, v8  }
0x3c2: {  	v57 =	vor.u32 v0, v10;
	v11 =	vld [tilespmem:s22+$0x380];
	_ =	sdelay $0x4  }
0x3c3: {  	[tilespmem:v57+s16+$0x0] =	vst.idx.add.f32.msk $0xffff, v11  }
0x3c4: {  	v58 =	vor.u32 v1, v10;
	v11 =	vld [tilespmem:s22+$0x390];
	_ =	sdelay $0x4  }
0x3c5: {  	[tilespmem:v58+s16+$0x0] =	vst.idx.add.f32.msk $0xffff, v11  }
0x3c6: {  	v59 =	vor.u32 v2, v10;
	v11 =	vld [tilespmem:s22+$0x3A0];
	_ =	sdelay $0x4  }
0x3c7: {  	[tilespmem:v59+s16+$0x0] =	vst.idx.add.f32.msk $0xffff, v11  }
0x3c8: {  	v60 =	vor.u32 v3, v10;
	v11 =	vld [tilespmem:s22+$0x3B0];
	_ =	sdelay $0x4  }
0x3c9: {  	[tilespmem:v60+s16+$0x0] =	vst.idx.add.f32.msk $0xffff, v11  }
0x3ca: {  	v61 =	vor.u32 v4, v10;
	v11 =	vld [tilespmem:s22+$0x3C0];
	_ =	sdelay $0x4  }
0x3cb: {  	[tilespmem:v61+s16+$0x0] =	vst.idx.add.f32.msk $0xffff, v11  }
0x3cc: {  	v62 =	vor.u32 v5, v10;
	v11 =	vld [tilespmem:s22+$0x3D0];
	_ =	sdelay $0x4  }
0x3cd: {  	[tilespmem:v62+s16+$0x0] =	vst.idx.add.f32.msk $0xffff, v11  }
0x3ce: {  	v63 =	vor.u32 v6, v10;
	v11 =	vld [tilespmem:s22+$0x3E0];
	_ =	sdelay $0x4  }
0x3cf: {  	[tilespmem:v63+s16+$0x0] =	vst.idx.add.f32.msk $0xffff, v11  }
0x3d0: {  	v9 =	vshll.u32 v9, $0x4;
	v10 =	vor.u32 v7, v10;
	v11 =	vld [tilespmem:s22+$0x3F0]  }
0x3d1: {  	p0 =	sne.s32 s21, $0x1C0;
	v9 =	vor.u32 v0, v9  }
.Ltmp4:
0x3d2: {  	_ = 	snop;
	(pc) =	sbr.rel @p0 .LBB2_9-.Ltmp4, $3  }
0x3d3: {  	_ =	sdelay $0x1  }
0x3d4: {  	[tilespmem:v10+s16+$0x0] =	vst.idx.add.f32.msk $0xffff, v11  }
0x3d5: {  	s21 =	sadd.s32 $0x40, s21;
	s22 =	sadd.s32 $0x800, s22;
	[tilespmem:v9+s17+$0x0] =	vst.idx.add.f32.msk $0xffff, v8  }
0x3d6: {  	[hbm4b:s11+s3] =	stream.linear.scatter [tilespmem:s16], [sflag:$0x3], $0x8400, $0x38;
	[tilespmem:$0x12100] =	vst v63  }
0x3d7: {  	s20 =	sadd.s32 $0x1, s20;
	_ =	swait.ge [sflag:s15], $0x8400  }
0x3d8: {  	p0 =	sne.s32 s20, s13;
	[sflag:s15] =	ssyncset.done $0x0  }
.Ltmp5:
0x3d9: {  	[sflag:s15] =	ssyncadd.s32 $0xFFFF7C00;
	(pc) =	sbr.rel @p0 .LBB2_1-.Ltmp5, $4  }
0x3da: {  	[hbm4b:s12+s3] =	stream.linear.scatter [tilespmem:s17], [sflag:$0x3], $0x1080, $0x38;
	[tilespmem:$0x12100] =	vst v63  }
0x3db: {  	_ =	swait.ge [sflag:s15], $0x1080  }
0x3dc: {  	[sflag:s15] =	ssyncset.done $0x0  }
0x3dd: {  	[sflag:s15] =	ssyncadd.s32 $0xFFFFEF80  }
0x3de: {  	_ =	sfence.sel $0x180000  }
0x3df: {  	[bflag:$0x0] =	sbarrier.arrive $0xFFFF  }
0x3e0: {  	p0 =	sne.s32 s0, $0x0;
	_ =	strace $0x90000047  }
0x3e1: {  	s0 =	sadd.s32 @!p0 $0x100000, s1;
	[bflag:$0x2] =	sbarrier.arrive $0xFFFF  }
0x3e2: {  	[sflag:s0] =	ssyncadd.tile.s32 @!p0 $0x1;
	_ =	shalt  }
.Lfunc_end2:
_tile_overlayer_lowered:
.L_overlay_start_2:
0x3e3: {  	(tag) =	ssettag $0x2  }
0x3e4: {  	s0 =	rddreg [dreg:$0x0];
	s2 =	stileid.u32  }
0x3e5: {  	s1 =	rddreg [dreg:$0x1];
	p0 =	sne.s32 s2, $0x0  }
0x3e6: {  	s3 =	rddreg [dreg:$0x2];
	[bflag:$0x3] =	sbarrier.arrive $0xFFFF;
	s2 =	simm.s32 @!p0 $0x1C03  }
0x3e7: {  	[timem:s3], [sflag:s2] =	dma.local @!p0 [hbm:s0], s1  }
0x3e8: {  	s0 =	simm.s32 @!p0 $0x3  }
0x3e9: {  	_ =	swait.ge @!p0 [sflag:s0], s1  }
0x3ea: {  	s1 =	ssub.s32 @!p0 $0x0, s1;
	[sflag:s0] =	ssyncset.done @!p0 $0x0  }
0x3eb: {  	[sflag:s0] =	ssyncadd.s32 @!p0 s1  }
0x3ec: {  	[bflag:$0x3] =	sbarrier.arrive $0xFFFF  }
0x3ed: {  	_ =	shalt  }

</sc_bundles>
